<compile_context>
chip_gen: v7x
topology: tpu7x:2x2x1
jax: 0.10.2.dev20260603
libtpu: 0.0.44.dev20260713+nightly
codegen_flags: <defaults>
</compile_context>

<pallas_src>
import functools

import jax
import jax.numpy as jnp
from jax import lax
from jax.experimental import pallas as pl
from jax.experimental.pallas import tpu as pltpu
from jax.experimental.pallas import tpu_sc as plsc

NUM_USERS = 1000000
NUM_ITEMS = 1000000
EMB = 32
HID = 64
B = 16384

NC = 2
NS = 16
NW = NC * NS
BPW = B // NW
LANES = 128
RING = 8


GRP = 16


def _gather_body(uid_hbm, iid_hbm, utabT_hbm, itabT_hbm, uoutT_hbm, ioutT_hbm,
                 uidx_v, iidx_v, ubufs, ibufs, uout_v, iout_v, usems, isems):
    wid = lax.axis_index("s") * NC + lax.axis_index("c")
    base = wid * BPW
    pltpu.sync_copy(uid_hbm.at[pl.ds(base, BPW)], uidx_v)
    pltpu.sync_copy(iid_hbm.at[pl.ds(base, BPW)], iidx_v)

    rows0 = lax.iota(jnp.int32, 16)
    rows1 = rows0 + 16

    def fetch(ur, ir, slot):
        urt = pl.multiple_of((ur // LANES) * LANES, LANES)
        irt = pl.multiple_of((ir // LANES) * LANES, LANES)
        pltpu.async_copy(utabT_hbm.at[:, pl.ds(urt, LANES)], ubufs[slot],
                         usems[slot])
        pltpu.async_copy(itabT_hbm.at[:, pl.ds(irt, LANES)], ibufs[slot],
                         isems[slot])

    def wait(slot):
        pltpu.make_async_copy(utabT_hbm.at[:, pl.ds(0, LANES)], ubufs[slot],
                              usems[slot]).wait()
        pltpu.make_async_copy(itabT_hbm.at[:, pl.ds(0, LANES)], ibufs[slot],
                              isems[slot]).wait()

    def extract(i, ur, ir, slot):
        cols = jnp.full((16,), i, jnp.int32)
        url = jnp.full((16,), ur % LANES, jnp.int32)
        irl = jnp.full((16,), ir % LANES, jnp.int32)
        plsc.store_scatter(uout_v, [rows0, cols],
                           plsc.load_gather(ubufs[slot], [rows0, url]))
        plsc.store_scatter(uout_v, [rows1, cols],
                           plsc.load_gather(ubufs[slot], [rows1, url]))
        plsc.store_scatter(iout_v, [rows0, cols],
                           plsc.load_gather(ibufs[slot], [rows0, irl]))
        plsc.store_scatter(iout_v, [rows1, cols],
                           plsc.load_gather(ibufs[slot], [rows1, irl]))

    uv0 = uidx_v[pl.ds(0, GRP)]
    iv0 = iidx_v[pl.ds(0, GRP)]
    for p in range(RING):
        fetch(uv0[p], iv0[p], p)

    def body(g, carry):
        i0 = g * GRP
        uv = uidx_v[pl.ds(i0, GRP)]
        iv = iidx_v[pl.ds(i0, GRP)]
        nxt0 = jnp.minimum(i0 + GRP, BPW - GRP)
        uvn = uidx_v[pl.ds(nxt0, GRP)]
        ivn = iidx_v[pl.ds(nxt0, GRP)]
        for s in range(GRP):
            slot = s % RING
            wait(slot)
            extract(i0 + s, uv[s], iv[s], slot)
            if s < GRP - RING:
                fetch(uv[s + RING], iv[s + RING], slot)
            else:
                @pl.when(g < BPW // GRP - 1)
                def _():
                    fetch(uvn[s - (GRP - RING)], ivn[s - (GRP - RING)], slot)
        return carry

    lax.fori_loop(0, BPW // GRP, body, 0)
    pltpu.sync_copy(uout_v, uoutT_hbm.at[:, pl.ds(base, BPW)])
    pltpu.sync_copy(iout_v, ioutT_hbm.at[:, pl.ds(base, BPW)])


def _gather_entry(uid_hbm, iid_hbm, utabT_hbm, itabT_hbm, uoutT_hbm,
                  ioutT_hbm, *scr):
    uidx_v, iidx_v = scr[0], scr[1]
    ubufs = list(scr[2:2 + RING])
    ibufs = list(scr[2 + RING:2 + 2 * RING])
    uout_v, iout_v = scr[2 + 2 * RING], scr[3 + 2 * RING]
    usems = list(scr[4 + 2 * RING:4 + 3 * RING])
    isems = list(scr[4 + 3 * RING:4 + 4 * RING])
    _gather_body(uid_hbm, iid_hbm, utabT_hbm, itabT_hbm, uoutT_hbm, ioutT_hbm,
                 uidx_v, iidx_v, ubufs, ibufs, uout_v, iout_v, usems, isems)


@functools.cache
def _sc_gather_fn():
    buf = pltpu.VMEM((EMB, LANES), jnp.float32)
    return pl.kernel(
        _gather_entry,
        out_type=[
            jax.ShapeDtypeStruct((EMB, B), jnp.float32),
            jax.ShapeDtypeStruct((EMB, B), jnp.float32),
        ],
        mesh=plsc.VectorSubcoreMesh(core_axis_name="c", subcore_axis_name="s"),
        scratch_types=(
            [pltpu.VMEM((BPW,), jnp.int32)] * 2
            + [buf] * (2 * RING)
            + [pltpu.VMEM((EMB, BPW), jnp.float32)] * 2
            + [pltpu.SemaphoreType.DMA] * (2 * RING)
        ),
        compiler_params=pltpu.CompilerParams(use_tc_tiling_on_sc=True,
                                             needs_layout_passes=False),
    )


MLP_BLOCK = 8192


def _mlp_body(ue_ref, ie_ref, w1u_ref, w1i_ref, b1_ref, w2_ref, b2_ref,
              w3_ref, b3_ref, out_ref):
    h = (jnp.dot(w1u_ref[...], ue_ref[...], preferred_element_type=jnp.float32)
         + jnp.dot(w1i_ref[...], ie_ref[...], preferred_element_type=jnp.float32)
         + b1_ref[...])
    h = jnp.maximum(h, 0.0)
    h = jnp.dot(w2_ref[...], h, preferred_element_type=jnp.float32) + b2_ref[...]
    h = jnp.maximum(h, 0.0)
    out_ref[...] = jnp.sum(h * w3_ref[...], axis=0) + b3_ref[0]


def _mlp(ueT, ieT, w1u, w1i, b1c, w2, b2c, w3c, b3):
    grid = B // MLP_BLOCK
    rep2 = lambda shape: pl.BlockSpec(shape, lambda i: (0, 0))
    return pl.pallas_call(
        _mlp_body,
        grid=(grid,),
        in_specs=[
            pl.BlockSpec((EMB, MLP_BLOCK), lambda i: (0, i)),
            pl.BlockSpec((EMB, MLP_BLOCK), lambda i: (0, i)),
            rep2((HID, EMB)),
            rep2((HID, EMB)),
            rep2((HID, 1)),
            rep2((HID // 2, HID)),
            rep2((HID // 2, 1)),
            rep2((HID // 2, 1)),
            pl.BlockSpec(memory_space=pltpu.SMEM),
        ],
        out_specs=pl.BlockSpec((MLP_BLOCK,), lambda i: (i,)),
        out_shape=jax.ShapeDtypeStruct((B,), jnp.float32),
    )(ueT, ieT, w1u, w1i, b1c, w2, b2c, w3c, b3)


def kernel(user_id, item_id, user_table, item_table, W1, b1, W2, b2, W3, b3):
    ueT, ieT = _sc_gather_fn()(user_id, item_id, user_table.T, item_table.T)
    w1u = W1[:, :EMB]
    w1i = W1[:, EMB:]
    return _mlp(ueT, ieT, w1u, w1i, b1[:, None], W2, b2[:, None],
                W3[0][:, None], b3)

# --- scband reference (transcript-rebuilt; emitter-appended) ---
"""Pipeline reference for scband-collaborative-filtering-model-3693671874930 (READ-ONLY COPY).

The authoritative reference and input builder live on the scoring server;
editing this copy changes nothing except your own understanding.
"""

import jax, jax.numpy as jnp
import numpy as np

NUM_USERS = 1000000
NUM_ITEMS = 1000000
EMB = 32
HID = 64
B = 16384


def setup_inputs(seed: int = 0) -> dict:
    key = jax.random.key(seed)
    ks = jax.random.split(key, 10)
    user_id = jax.random.randint(ks[0], (B,), 0, NUM_USERS, dtype=jnp.int32)
    item_id = jax.random.randint(ks[1], (B,), 0, NUM_ITEMS, dtype=jnp.int32)
    user_table = jax.random.normal(ks[2], (NUM_USERS, EMB), dtype=jnp.float32) * 0.05
    item_table = jax.random.normal(ks[3], (NUM_ITEMS, EMB), dtype=jnp.float32) * 0.05
    W1 = jax.random.normal(ks[4], (HID, 2 * EMB), dtype=jnp.float32) * (1.0 / np.sqrt(2 * EMB))
    b1 = jnp.zeros((HID,), dtype=jnp.float32)
    W2 = jax.random.normal(ks[5], (HID // 2, HID), dtype=jnp.float32) * (1.0 / np.sqrt(HID))
    b2 = jnp.zeros((HID // 2,), dtype=jnp.float32)
    W3 = jax.random.normal(ks[6], (1, HID // 2), dtype=jnp.float32) * (1.0 / np.sqrt(HID // 2))
    b3 = jnp.zeros((1,), dtype=jnp.float32)
    return {
        "user_id": user_id,
        "item_id": item_id,
        "user_table": user_table,
        "item_table": item_table,
        "W1": W1,
        "b1": b1,
        "W2": W2,
        "b2": b2,
        "W3": W3,
        "b3": b3,
    }


def reference(user_id, item_id, user_table, item_table, W1, b1, W2, b2, W3, b3):
    user_emb = jnp.take(user_table, user_id, axis=0)
    item_emb = jnp.take(item_table, item_id, axis=0)
    x = jnp.concatenate([user_emb, item_emb], axis=1)
    x = jax.nn.relu(x @ W1.T + b1)
    x = jax.nn.relu(x @ W2.T + b2)
    x = x @ W3.T + b3
    return jnp.squeeze(x, axis=-1)

if __name__ == "__main__":
    import jax
    _d = setup_inputs()
    print(jax.jit(kernel)(*tuple(_d.values())))

</pallas_src>

<mosaic_0001>
#map = affine_map<(d0, d1) -> (0)>
#map1 = affine_map<(d0, d1) -> (0, 0)>
module attributes {stable_mosaic.version = 14 : i64} {
  func.func @_gather_entry(%arg0: i32, %arg1: i32, %arg2: memref<16384xi32, #tpu.memory_space<hbm>>, %arg3: memref<16384xi32, #tpu.memory_space<hbm>>, %arg4: memref<32x1000000xf32, #tpu.memory_space<hbm>>, %arg5: memref<32x1000000xf32, #tpu.memory_space<hbm>>, %arg6: memref<32x16384xf32, #tpu.memory_space<hbm>>, %arg7: memref<32x16384xf32, #tpu.memory_space<hbm>>, %arg8: memref<512xi32, #tpu.memory_space<vmem>>, %arg9: memref<512xi32, #tpu.memory_space<vmem>>, %arg10: memref<32x128xf32, #tpu.memory_space<vmem>>, %arg11: memref<32x128xf32, #tpu.memory_space<vmem>>, %arg12: memref<32x128xf32, #tpu.memory_space<vmem>>, %arg13: memref<32x128xf32, #tpu.memory_space<vmem>>, %arg14: memref<32x128xf32, #tpu.memory_space<vmem>>, %arg15: memref<32x128xf32, #tpu.memory_space<vmem>>, %arg16: memref<32x128xf32, #tpu.memory_space<vmem>>, %arg17: memref<32x128xf32, #tpu.memory_space<vmem>>, %arg18: memref<32x128xf32, #tpu.memory_space<vmem>>, %arg19: memref<32x128xf32, #tpu.memory_space<vmem>>, %arg20: memref<32x128xf32, #tpu.memory_space<vmem>>, %arg21: memref<32x128xf32, #tpu.memory_space<vmem>>, %arg22: memref<32x128xf32, #tpu.memory_space<vmem>>, %arg23: memref<32x128xf32, #tpu.memory_space<vmem>>, %arg24: memref<32x128xf32, #tpu.memory_space<vmem>>, %arg25: memref<32x128xf32, #tpu.memory_space<vmem>>, %arg26: memref<32x512xf32, #tpu.memory_space<vmem>>, %arg27: memref<32x512xf32, #tpu.memory_space<vmem>>, %arg28: memref<!tpu.dma_semaphore, #tpu.memory_space<semaphore_mem>>, %arg29: memref<!tpu.dma_semaphore, #tpu.memory_space<semaphore_mem>>, %arg30: memref<!tpu.dma_semaphore, #tpu.memory_space<semaphore_mem>>, %arg31: memref<!tpu.dma_semaphore, #tpu.memory_space<semaphore_mem>>, %arg32: memref<!tpu.dma_semaphore, #tpu.memory_space<semaphore_mem>>, %arg33: memref<!tpu.dma_semaphore, #tpu.memory_space<semaphore_mem>>, %arg34: memref<!tpu.dma_semaphore, #tpu.memory_space<semaphore_mem>>, %arg35: memref<!tpu.dma_semaphore, #tpu.memory_space<semaphore_mem>>, %arg36: memref<!tpu.dma_semaphore, #tpu.memory_space<semaphore_mem>>, %arg37: memref<!tpu.dma_semaphore, #tpu.memory_space<semaphore_mem>>, %arg38: memref<!tpu.dma_semaphore, #tpu.memory_space<semaphore_mem>>, %arg39: memref<!tpu.dma_semaphore, #tpu.memory_space<semaphore_mem>>, %arg40: memref<!tpu.dma_semaphore, #tpu.memory_space<semaphore_mem>>, %arg41: memref<!tpu.dma_semaphore, #tpu.memory_space<semaphore_mem>>, %arg42: memref<!tpu.dma_semaphore, #tpu.memory_space<semaphore_mem>>, %arg43: memref<!tpu.dma_semaphore, #tpu.memory_space<semaphore_mem>>) attributes {dimension_semantics = [#tpu.dimension_semantics<core_parallel>, #tpu.dimension_semantics<subcore_parallel>], iteration_bounds = array<i64: 2, 16>, scalar_prefetch = 0 : i64, scratch_operands = 36 : i64, tpu.core_type = #tpu.core_type<sc_vector_subcore>, window_params = [{transform_indices = #map}, {transform_indices = #map}, {transform_indices = #map1}, {transform_indices = #map1}, {transform_indices = #map1}, {transform_indices = #map1}]} {
    %mul3A = arith.constant 2 : i32
    %mul3A_0 = arith.muli %arg1, %mul3A : i32
    %add3A = arith.addi %mul3A_0, %arg0 : i32
    %mul3A_1 = arith.constant 512 : i32
    %mul3A_2 = arith.muli %add3A, %mul3A_1 : i32
    "tpu.region"() ({
      %run_scoped3A = tpu.sem_alloc : memref<!tpu.dma_semaphore, #tpu.memory_space<semaphore_mem>>
      %dma_start3A_530 = tpu.memref_slice %arg2[%mul3A_2] : memref<16384xi32, #tpu.memory_space<hbm>> -> memref<512xi32, #tpu.memory_space<hbm>>
      %dma_start3A_531 = tpu.memref_slice %arg2[%mul3A_2] : memref<16384xi32, #tpu.memory_space<hbm>> -> memref<512xi32, #tpu.memory_space<hbm>>
      tpu.enqueue_dma source(%dma_start3A_531 : memref<512xi32, #tpu.memory_space<hbm>>) target(%arg8 : memref<512xi32, #tpu.memory_space<vmem>>) target_semaphore(%run_scoped3A : memref<!tpu.dma_semaphore, #tpu.memory_space<semaphore_mem>>)
      %dma_wait3A = tpu.memref_slice %arg2[%mul3A_2] : memref<16384xi32, #tpu.memory_space<hbm>> -> memref<512xi32, #tpu.memory_space<hbm>>
      %dma_wait3A_532 = tpu.memref_slice %arg2[%mul3A_2] : memref<16384xi32, #tpu.memory_space<hbm>> -> memref<512xi32, #tpu.memory_space<hbm>>
      tpu.wait_dma2 semaphore(%run_scoped3A : memref<!tpu.dma_semaphore, #tpu.memory_space<semaphore_mem>>) src(%dma_wait3A_532 : memref<512xi32, #tpu.memory_space<hbm>>) dst(%arg8 : memref<512xi32, #tpu.memory_space<vmem>>)
      tpu.yield
    }) : () -> ()
    "tpu.region"() ({
      %run_scoped3A = tpu.sem_alloc : memref<!tpu.dma_semaphore, #tpu.memory_space<semaphore_mem>>
      %dma_start3A_530 = tpu.memref_slice %arg3[%mul3A_2] : memref<16384xi32, #tpu.memory_space<hbm>> -> memref<512xi32, #tpu.memory_space<hbm>>
      %dma_start3A_531 = tpu.memref_slice %arg3[%mul3A_2] : memref<16384xi32, #tpu.memory_space<hbm>> -> memref<512xi32, #tpu.memory_space<hbm>>
      tpu.enqueue_dma source(%dma_start3A_531 : memref<512xi32, #tpu.memory_space<hbm>>) target(%arg9 : memref<512xi32, #tpu.memory_space<vmem>>) target_semaphore(%run_scoped3A : memref<!tpu.dma_semaphore, #tpu.memory_space<semaphore_mem>>)
      %dma_wait3A = tpu.memref_slice %arg3[%mul3A_2] : memref<16384xi32, #tpu.memory_space<hbm>> -> memref<512xi32, #tpu.memory_space<hbm>>
      %dma_wait3A_532 = tpu.memref_slice %arg3[%mul3A_2] : memref<16384xi32, #tpu.memory_space<hbm>> -> memref<512xi32, #tpu.memory_space<hbm>>
      tpu.wait_dma2 semaphore(%run_scoped3A : memref<!tpu.dma_semaphore, #tpu.memory_space<semaphore_mem>>) src(%dma_wait3A_532 : memref<512xi32, #tpu.memory_space<hbm>>) dst(%arg9 : memref<512xi32, #tpu.memory_space<vmem>>)
      tpu.yield
    }) : () -> ()
    %iota3A = tpu.iota {dimensions = array<i32: 0>} : vector<16xi32>
    %add3A_3 = arith.constant 16 : i32
    %add3A_4 = vector.broadcast %add3A_3 : i32 to vector<16xi32>
    %add3A_5 = arith.addi %iota3A, %add3A_4 : vector<16xi32>
    %get3A = arith.constant 0 : index
    %get3A_6 = tpu.vector_load %arg8[%get3A] {strides = array<i32>} : memref<512xi32, #tpu.memory_space<vmem>>, vector<16xi32>,
    %get3A_7 = arith.constant 0 : index
    %get3A_8 = tpu.vector_load %arg9[%get3A_7] {strides = array<i32>} : memref<512xi32, #tpu.memory_space<vmem>>, vector<16xi32>,
    %slice3A = vector.extract_strided_slice %get3A_6 {offsets = [0], sizes = [1], strides = [1]} : vector<16xi32> to vector<1xi32>
    %squeeze3A = vector.extract %slice3A[0] : i32 from vector<1xi32>
    %slice3A_9 = vector.extract_strided_slice %get3A_8 {offsets = [0], sizes = [1], strides = [1]} : vector<16xi32> to vector<1xi32>
    %squeeze3A_10 = vector.extract %slice3A_9[0] : i32 from vector<1xi32>
    %jit3A = arith.constant 128 : i32
    %div3A = arith.divsi %squeeze3A, %jit3A : i32
    %sign3A = arith.constant 0 : i32
    %sign3A_11 = arith.cmpi sgt, %squeeze3A, %sign3A : i32
    %sign3A_12 = arith.extui %sign3A_11 : i1 to i32
    %sign3A_13 = arith.constant 0 : i32
    %sign3A_14 = arith.cmpi slt, %squeeze3A, %sign3A_13 : i32
    %sign3A_15 = arith.extui %sign3A_14 : i1 to i32
    %sign3A_16 = arith.subi %sign3A_12, %sign3A_15 : i32
    %sign3A_17 = arith.constant 0 : i32
    %sign3A_18 = arith.cmpi sgt, %jit3A, %sign3A_17 : i32
    %sign3A_19 = arith.extui %sign3A_18 : i1 to i32
    %sign3A_20 = arith.constant 0 : i32
    %sign3A_21 = arith.cmpi slt, %jit3A, %sign3A_20 : i32
    %sign3A_22 = arith.extui %sign3A_21 : i1 to i32
    %sign3A_23 = arith.subi %sign3A_19, %sign3A_22 : i32
    %ne3A = arith.cmpi ne, %sign3A_16, %sign3A_23 : i32
    %rem3A = arith.remsi %squeeze3A, %jit3A : i32
    %ne3A_24 = arith.constant 0 : i32
    %ne3A_25 = arith.cmpi ne, %rem3A, %ne3A_24 : i32
    %and3A = arith.andi %ne3A, %ne3A_25 : i1
    %sub3A = arith.constant 1 : i32
    %sub3A_26 = arith.subi %div3A, %sub3A : i32
    %select_n3A = arith.select %and3A, %sub3A_26, %div3A : i32
    %mul3A_27 = arith.constant 128 : i32
    %mul3A_28 = arith.muli %select_n3A, %mul3A_27 : i32
    %multiple_of3A = tpu.assume_multiple %mul3A_28, 128 : i32
    %jit3A_29 = arith.constant 128 : i32
    %div3A_30 = arith.divsi %squeeze3A_10, %jit3A_29 : i32
    %sign3A_31 = arith.constant 0 : i32
    %sign3A_32 = arith.cmpi sgt, %squeeze3A_10, %sign3A_31 : i32
    %sign3A_33 = arith.extui %sign3A_32 : i1 to i32
    %sign3A_34 = arith.constant 0 : i32
    %sign3A_35 = arith.cmpi slt, %squeeze3A_10, %sign3A_34 : i32
    %sign3A_36 = arith.extui %sign3A_35 : i1 to i32
    %sign3A_37 = arith.subi %sign3A_33, %sign3A_36 : i32
    %sign3A_38 = arith.constant 0 : i32
    %sign3A_39 = arith.cmpi sgt, %jit3A_29, %sign3A_38 : i32
    %sign3A_40 = arith.extui %sign3A_39 : i1 to i32
    %sign3A_41 = arith.constant 0 : i32
    %sign3A_42 = arith.cmpi slt, %jit3A_29, %sign3A_41 : i32
    %sign3A_43 = arith.extui %sign3A_42 : i1 to i32
    %sign3A_44 = arith.subi %sign3A_40, %sign3A_43 : i32
    %ne3A_45 = arith.cmpi ne, %sign3A_37, %sign3A_44 : i32
    %rem3A_46 = arith.remsi %squeeze3A_10, %jit3A_29 : i32
    %ne3A_47 = arith.constant 0 : i32
    %ne3A_48 = arith.cmpi ne, %rem3A_46, %ne3A_47 : i32
    %and3A_49 = arith.andi %ne3A_45, %ne3A_48 : i1
    %sub3A_50 = arith.constant 1 : i32
    %sub3A_51 = arith.subi %div3A_30, %sub3A_50 : i32
    %select_n3A_52 = arith.select %and3A_49, %sub3A_51, %div3A_30 : i32
    %mul3A_53 = arith.constant 128 : i32
    %mul3A_54 = arith.muli %select_n3A_52, %mul3A_53 : i32
    %multiple_of3A_55 = tpu.assume_multiple %mul3A_54, 128 : i32
    %dma_start3A = arith.constant 0 : i32
    %dma_start3A_56 = tpu.memref_slice %arg4[%dma_start3A, %multiple_of3A] : memref<32x1000000xf32, #tpu.memory_space<hbm>> -> memref<32x128xf32, #tpu.memory_space<hbm>>
    %dma_start3A_57 = arith.constant 0 : i32
    %dma_start3A_58 = tpu.memref_slice %arg4[%dma_start3A_57, %multiple_of3A] : memref<32x1000000xf32, #tpu.memory_space<hbm>> -> memref<32x128xf32, #tpu.memory_space<hbm>>
    tpu.enqueue_dma source(%dma_start3A_58 : memref<32x128xf32, #tpu.memory_space<hbm>>) target(%arg10 : memref<32x128xf32, #tpu.memory_space<vmem>>) target_semaphore(%arg28 : memref<!tpu.dma_semaphore, #tpu.memory_space<semaphore_mem>>)
    %dma_start3A_59 = arith.constant 0 : i32
    %dma_start3A_60 = tpu.memref_slice %arg5[%dma_start3A_59, %multiple_of3A_55] : memref<32x1000000xf32, #tpu.memory_space<hbm>> -> memref<32x128xf32, #tpu.memory_space<hbm>>
    %dma_start3A_61 = arith.constant 0 : i32
    %dma_start3A_62 = tpu.memref_slice %arg5[%dma_start3A_61, %multiple_of3A_55] : memref<32x1000000xf32, #tpu.memory_space<hbm>> -> memref<32x128xf32, #tpu.memory_space<hbm>>
    tpu.enqueue_dma source(%dma_start3A_62 : memref<32x128xf32, #tpu.memory_space<hbm>>) target(%arg18 : memref<32x128xf32, #tpu.memory_space<vmem>>) target_semaphore(%arg36 : memref<!tpu.dma_semaphore, #tpu.memory_space<semaphore_mem>>)
    %slice3A_63 = vector.extract_strided_slice %get3A_6 {offsets = [1], sizes = [1], strides = [1]} : vector<16xi32> to vector<1xi32>
    %squeeze3A_64 = vector.extract %slice3A_63[0] : i32 from vector<1xi32>
    %slice3A_65 = vector.extract_strided_slice %get3A_8 {offsets = [1], sizes = [1], strides = [1]} : vector<16xi32> to vector<1xi32>
    %squeeze3A_66 = vector.extract %slice3A_65[0] : i32 from vector<1xi32>
    %jit3A_67 = arith.constant 128 : i32
    %div3A_68 = arith.divsi %squeeze3A_64, %jit3A_67 : i32
    %sign3A_69 = arith.constant 0 : i32
    %sign3A_70 = arith.cmpi sgt, %squeeze3A_64, %sign3A_69 : i32
    %sign3A_71 = arith.extui %sign3A_70 : i1 to i32
    %sign3A_72 = arith.constant 0 : i32
    %sign3A_73 = arith.cmpi slt, %squeeze3A_64, %sign3A_72 : i32
    %sign3A_74 = arith.extui %sign3A_73 : i1 to i32
    %sign3A_75 = arith.subi %sign3A_71, %sign3A_74 : i32
    %sign3A_76 = arith.constant 0 : i32
    %sign3A_77 = arith.cmpi sgt, %jit3A_67, %sign3A_76 : i32
    %sign3A_78 = arith.extui %sign3A_77 : i1 to i32
    %sign3A_79 = arith.constant 0 : i32
    %sign3A_80 = arith.cmpi slt, %jit3A_67, %sign3A_79 : i32
    %sign3A_81 = arith.extui %sign3A_80 : i1 to i32
    %sign3A_82 = arith.subi %sign3A_78, %sign3A_81 : i32
    %ne3A_83 = arith.cmpi ne, %sign3A_75, %sign3A_82 : i32
    %rem3A_84 = arith.remsi %squeeze3A_64, %jit3A_67 : i32
    %ne3A_85 = arith.constant 0 : i32
    %ne3A_86 = arith.cmpi ne, %rem3A_84, %ne3A_85 : i32
    %and3A_87 = arith.andi %ne3A_83, %ne3A_86 : i1
    %sub3A_88 = arith.constant 1 : i32
    %sub3A_89 = arith.subi %div3A_68, %sub3A_88 : i32
    %select_n3A_90 = arith.select %and3A_87, %sub3A_89, %div3A_68 : i32
    %mul3A_91 = arith.constant 128 : i32
    %mul3A_92 = arith.muli %select_n3A_90, %mul3A_91 : i32
    %multiple_of3A_93 = tpu.assume_multiple %mul3A_92, 128 : i32
    %jit3A_94 = arith.constant 128 : i32
    %div3A_95 = arith.divsi %squeeze3A_66, %jit3A_94 : i32
    %sign3A_96 = arith.constant 0 : i32
    %sign3A_97 = arith.cmpi sgt, %squeeze3A_66, %sign3A_96 : i32
    %sign3A_98 = arith.extui %sign3A_97 : i1 to i32
    %sign3A_99 = arith.constant 0 : i32
    %sign3A_100 = arith.cmpi slt, %squeeze3A_66, %sign3A_99 : i32
    %sign3A_101 = arith.extui %sign3A_100 : i1 to i32
    %sign3A_102 = arith.subi %sign3A_98, %sign3A_101 : i32
    %sign3A_103 = arith.constant 0 : i32
    %sign3A_104 = arith.cmpi sgt, %jit3A_94, %sign3A_103 : i32
    %sign3A_105 = arith.extui %sign3A_104 : i1 to i32
    %sign3A_106 = arith.constant 0 : i32
    %sign3A_107 = arith.cmpi slt, %jit3A_94, %sign3A_106 : i32
    %sign3A_108 = arith.extui %sign3A_107 : i1 to i32
    %sign3A_109 = arith.subi %sign3A_105, %sign3A_108 : i32
    %ne3A_110 = arith.cmpi ne, %sign3A_102, %sign3A_109 : i32
    %rem3A_111 = arith.remsi %squeeze3A_66, %jit3A_94 : i32
    %ne3A_112 = arith.constant 0 : i32
    %ne3A_113 = arith.cmpi ne, %rem3A_111, %ne3A_112 : i32
    %and3A_114 = arith.andi %ne3A_110, %ne3A_113 : i1
    %sub3A_115 = arith.constant 1 : i32
    %sub3A_116 = arith.subi %div3A_95, %sub3A_115 : i32
    %select_n3A_117 = arith.select %and3A_114, %sub3A_116, %div3A_95 : i32
    %mul3A_118 = arith.constant 128 : i32
    %mul3A_119 = arith.muli %select_n3A_117, %mul3A_118 : i32
    %multiple_of3A_120 = tpu.assume_multiple %mul3A_119, 128 : i32
    %dma_start3A_121 = arith.constant 0 : i32
    %dma_start3A_122 = tpu.memref_slice %arg4[%dma_start3A_121, %multiple_of3A_93] : memref<32x1000000xf32, #tpu.memory_space<hbm>> -> memref<32x128xf32, #tpu.memory_space<hbm>>
    %dma_start3A_123 = arith.constant 0 : i32
    %dma_start3A_124 = tpu.memref_slice %arg4[%dma_start3A_123, %multiple_of3A_93] : memref<32x1000000xf32, #tpu.memory_space<hbm>> -> memref<32x128xf32, #tpu.memory_space<hbm>>
    tpu.enqueue_dma source(%dma_start3A_124 : memref<32x128xf32, #tpu.memory_space<hbm>>) target(%arg11 : memref<32x128xf32, #tpu.memory_space<vmem>>) target_semaphore(%arg29 : memref<!tpu.dma_semaphore, #tpu.memory_space<semaphore_mem>>)
    %dma_start3A_125 = arith.constant 0 : i32
    %dma_start3A_126 = tpu.memref_slice %arg5[%dma_start3A_125, %multiple_of3A_120] : memref<32x1000000xf32, #tpu.memory_space<hbm>> -> memref<32x128xf32, #tpu.memory_space<hbm>>
    %dma_start3A_127 = arith.constant 0 : i32
    %dma_start3A_128 = tpu.memref_slice %arg5[%dma_start3A_127, %multiple_of3A_120] : memref<32x1000000xf32, #tpu.memory_space<hbm>> -> memref<32x128xf32, #tpu.memory_space<hbm>>
    tpu.enqueue_dma source(%dma_start3A_128 : memref<32x128xf32, #tpu.memory_space<hbm>>) target(%arg19 : memref<32x128xf32, #tpu.memory_space<vmem>>) target_semaphore(%arg37 : memref<!tpu.dma_semaphore, #tpu.memory_space<semaphore_mem>>)
    %slice3A_129 = vector.extract_strided_slice %get3A_6 {offsets = [2], sizes = [1], strides = [1]} : vector<16xi32> to vector<1xi32>
    %squeeze3A_130 = vector.extract %slice3A_129[0] : i32 from vector<1xi32>
    %slice3A_131 = vector.extract_strided_slice %get3A_8 {offsets = [2], sizes = [1], strides = [1]} : vector<16xi32> to vector<1xi32>
    %squeeze3A_132 = vector.extract %slice3A_131[0] : i32 from vector<1xi32>
    %jit3A_133 = arith.constant 128 : i32
    %div3A_134 = arith.divsi %squeeze3A_130, %jit3A_133 : i32
    %sign3A_135 = arith.constant 0 : i32
    %sign3A_136 = arith.cmpi sgt, %squeeze3A_130, %sign3A_135 : i32
    %sign3A_137 = arith.extui %sign3A_136 : i1 to i32
    %sign3A_138 = arith.constant 0 : i32
    %sign3A_139 = arith.cmpi slt, %squeeze3A_130, %sign3A_138 : i32
    %sign3A_140 = arith.extui %sign3A_139 : i1 to i32
    %sign3A_141 = arith.subi %sign3A_137, %sign3A_140 : i32
    %sign3A_142 = arith.constant 0 : i32
    %sign3A_143 = arith.cmpi sgt, %jit3A_133, %sign3A_142 : i32
    %sign3A_144 = arith.extui %sign3A_143 : i1 to i32
    %sign3A_145 = arith.constant 0 : i32
    %sign3A_146 = arith.cmpi slt, %jit3A_133, %sign3A_145 : i32
    %sign3A_147 = arith.extui %sign3A_146 : i1 to i32
    %sign3A_148 = arith.subi %sign3A_144, %sign3A_147 : i32
    %ne3A_149 = arith.cmpi ne, %sign3A_141, %sign3A_148 : i32
    %rem3A_150 = arith.remsi %squeeze3A_130, %jit3A_133 : i32
    %ne3A_151 = arith.constant 0 : i32
    %ne3A_152 = arith.cmpi ne, %rem3A_150, %ne3A_151 : i32
    %and3A_153 = arith.andi %ne3A_149, %ne3A_152 : i1
    %sub3A_154 = arith.constant 1 : i32
    %sub3A_155 = arith.subi %div3A_134, %sub3A_154 : i32
    %select_n3A_156 = arith.select %and3A_153, %sub3A_155, %div3A_134 : i32
    %mul3A_157 = arith.constant 128 : i32
    %mul3A_158 = arith.muli %select_n3A_156, %mul3A_157 : i32
    %multiple_of3A_159 = tpu.assume_multiple %mul3A_158, 128 : i32
    %jit3A_160 = arith.constant 128 : i32
    %div3A_161 = arith.divsi %squeeze3A_132, %jit3A_160 : i32
    %sign3A_162 = arith.constant 0 : i32
    %sign3A_163 = arith.cmpi sgt, %squeeze3A_132, %sign3A_162 : i32
    %sign3A_164 = arith.extui %sign3A_163 : i1 to i32
    %sign3A_165 = arith.constant 0 : i32
    %sign3A_166 = arith.cmpi slt, %squeeze3A_132, %sign3A_165 : i32
    %sign3A_167 = arith.extui %sign3A_166 : i1 to i32
    %sign3A_168 = arith.subi %sign3A_164, %sign3A_167 : i32
    %sign3A_169 = arith.constant 0 : i32
    %sign3A_170 = arith.cmpi sgt, %jit3A_160, %sign3A_169 : i32
    %sign3A_171 = arith.extui %sign3A_170 : i1 to i32
    %sign3A_172 = arith.constant 0 : i32
    %sign3A_173 = arith.cmpi slt, %jit3A_160, %sign3A_172 : i32
    %sign3A_174 = arith.extui %sign3A_173 : i1 to i32
    %sign3A_175 = arith.subi %sign3A_171, %sign3A_174 : i32
    %ne3A_176 = arith.cmpi ne, %sign3A_168, %sign3A_175 : i32
    %rem3A_177 = arith.remsi %squeeze3A_132, %jit3A_160 : i32
    %ne3A_178 = arith.constant 0 : i32
    %ne3A_179 = arith.cmpi ne, %rem3A_177, %ne3A_178 : i32
    %and3A_180 = arith.andi %ne3A_176, %ne3A_179 : i1
    %sub3A_181 = arith.constant 1 : i32
    %sub3A_182 = arith.subi %div3A_161, %sub3A_181 : i32
    %select_n3A_183 = arith.select %and3A_180, %sub3A_182, %div3A_161 : i32
    %mul3A_184 = arith.constant 128 : i32
    %mul3A_185 = arith.muli %select_n3A_183, %mul3A_184 : i32
    %multiple_of3A_186 = tpu.assume_multiple %mul3A_185, 128 : i32
    %dma_start3A_187 = arith.constant 0 : i32
    %dma_start3A_188 = tpu.memref_slice %arg4[%dma_start3A_187, %multiple_of3A_159] : memref<32x1000000xf32, #tpu.memory_space<hbm>> -> memref<32x128xf32, #tpu.memory_space<hbm>>
    %dma_start3A_189 = arith.constant 0 : i32
    %dma_start3A_190 = tpu.memref_slice %arg4[%dma_start3A_189, %multiple_of3A_159] : memref<32x1000000xf32, #tpu.memory_space<hbm>> -> memref<32x128xf32, #tpu.memory_space<hbm>>
    tpu.enqueue_dma source(%dma_start3A_190 : memref<32x128xf32, #tpu.memory_space<hbm>>) target(%arg12 : memref<32x128xf32, #tpu.memory_space<vmem>>) target_semaphore(%arg30 : memref<!tpu.dma_semaphore, #tpu.memory_space<semaphore_mem>>)
    %dma_start3A_191 = arith.constant 0 : i32
    %dma_start3A_192 = tpu.memref_slice %arg5[%dma_start3A_191, %multiple_of3A_186] : memref<32x1000000xf32, #tpu.memory_space<hbm>> -> memref<32x128xf32, #tpu.memory_space<hbm>>
    %dma_start3A_193 = arith.constant 0 : i32
    %dma_start3A_194 = tpu.memref_slice %arg5[%dma_start3A_193, %multiple_of3A_186] : memref<32x1000000xf32, #tpu.memory_space<hbm>> -> memref<32x128xf32, #tpu.memory_space<hbm>>
    tpu.enqueue_dma source(%dma_start3A_194 : memref<32x128xf32, #tpu.memory_space<hbm>>) target(%arg20 : memref<32x128xf32, #tpu.memory_space<vmem>>) target_semaphore(%arg38 : memref<!tpu.dma_semaphore, #tpu.memory_space<semaphore_mem>>)
    %slice3A_195 = vector.extract_strided_slice %get3A_6 {offsets = [3], sizes = [1], strides = [1]} : vector<16xi32> to vector<1xi32>
    %squeeze3A_196 = vector.extract %slice3A_195[0] : i32 from vector<1xi32>
    %slice3A_197 = vector.extract_strided_slice %get3A_8 {offsets = [3], sizes = [1], strides = [1]} : vector<16xi32> to vector<1xi32>
    %squeeze3A_198 = vector.extract %slice3A_197[0] : i32 from vector<1xi32>
    %jit3A_199 = arith.constant 128 : i32
    %div3A_200 = arith.divsi %squeeze3A_196, %jit3A_199 : i32
    %sign3A_201 = arith.constant 0 : i32
    %sign3A_202 = arith.cmpi sgt, %squeeze3A_196, %sign3A_201 : i32
    %sign3A_203 = arith.extui %sign3A_202 : i1 to i32
    %sign3A_204 = arith.constant 0 : i32
    %sign3A_205 = arith.cmpi slt, %squeeze3A_196, %sign3A_204 : i32
    %sign3A_206 = arith.extui %sign3A_205 : i1 to i32
    %sign3A_207 = arith.subi %sign3A_203, %sign3A_206 : i32
    %sign3A_208 = arith.constant 0 : i32
    %sign3A_209 = arith.cmpi sgt, %jit3A_199, %sign3A_208 : i32
    %sign3A_210 = arith.extui %sign3A_209 : i1 to i32
    %sign3A_211 = arith.constant 0 : i32
    %sign3A_212 = arith.cmpi slt, %jit3A_199, %sign3A_211 : i32
    %sign3A_213 = arith.extui %sign3A_212 : i1 to i32
    %sign3A_214 = arith.subi %sign3A_210, %sign3A_213 : i32
    %ne3A_215 = arith.cmpi ne, %sign3A_207, %sign3A_214 : i32
    %rem3A_216 = arith.remsi %squeeze3A_196, %jit3A_199 : i32
    %ne3A_217 = arith.constant 0 : i32
    %ne3A_218 = arith.cmpi ne, %rem3A_216, %ne3A_217 : i32
    %and3A_219 = arith.andi %ne3A_215, %ne3A_218 : i1
    %sub3A_220 = arith.constant 1 : i32
    %sub3A_221 = arith.subi %div3A_200, %sub3A_220 : i32
    %select_n3A_222 = arith.select %and3A_219, %sub3A_221, %div3A_200 : i32
    %mul3A_223 = arith.constant 128 : i32
    %mul3A_224 = arith.muli %select_n3A_222, %mul3A_223 : i32
    %multiple_of3A_225 = tpu.assume_multiple %mul3A_224, 128 : i32
    %jit3A_226 = arith.constant 128 : i32
    %div3A_227 = arith.divsi %squeeze3A_198, %jit3A_226 : i32
    %sign3A_228 = arith.constant 0 : i32
    %sign3A_229 = arith.cmpi sgt, %squeeze3A_198, %sign3A_228 : i32
    %sign3A_230 = arith.extui %sign3A_229 : i1 to i32
    %sign3A_231 = arith.constant 0 : i32
    %sign3A_232 = arith.cmpi slt, %squeeze3A_198, %sign3A_231 : i32
    %sign3A_233 = arith.extui %sign3A_232 : i1 to i32
    %sign3A_234 = arith.subi %sign3A_230, %sign3A_233 : i32
    %sign3A_235 = arith.constant 0 : i32
    %sign3A_236 = arith.cmpi sgt, %jit3A_226, %sign3A_235 : i32
    %sign3A_237 = arith.extui %sign3A_236 : i1 to i32
    %sign3A_238 = arith.constant 0 : i32
    %sign3A_239 = arith.cmpi slt, %jit3A_226, %sign3A_238 : i32
    %sign3A_240 = arith.extui %sign3A_239 : i1 to i32
    %sign3A_241 = arith.subi %sign3A_237, %sign3A_240 : i32
    %ne3A_242 = arith.cmpi ne, %sign3A_234, %sign3A_241 : i32
    %rem3A_243 = arith.remsi %squeeze3A_198, %jit3A_226 : i32
    %ne3A_244 = arith.constant 0 : i32
    %ne3A_245 = arith.cmpi ne, %rem3A_243, %ne3A_244 : i32
    %and3A_246 = arith.andi %ne3A_242, %ne3A_245 : i1
    %sub3A_247 = arith.constant 1 : i32
    %sub3A_248 = arith.subi %div3A_227, %sub3A_247 : i32
    %select_n3A_249 = arith.select %and3A_246, %sub3A_248, %div3A_227 : i32
    %mul3A_250 = arith.constant 128 : i32
    %mul3A_251 = arith.muli %select_n3A_249, %mul3A_250 : i32
    %multiple_of3A_252 = tpu.assume_multiple %mul3A_251, 128 : i32
    %dma_start3A_253 = arith.constant 0 : i32
    %dma_start3A_254 = tpu.memref_slice %arg4[%dma_start3A_253, %multiple_of3A_225] : memref<32x1000000xf32, #tpu.memory_space<hbm>> -> memref<32x128xf32, #tpu.memory_space<hbm>>
    %dma_start3A_255 = arith.constant 0 : i32
    %dma_start3A_256 = tpu.memref_slice %arg4[%dma_start3A_255, %multiple_of3A_225] : memref<32x1000000xf32, #tpu.memory_space<hbm>> -> memref<32x128xf32, #tpu.memory_space<hbm>>
    tpu.enqueue_dma source(%dma_start3A_256 : memref<32x128xf32, #tpu.memory_space<hbm>>) target(%arg13 : memref<32x128xf32, #tpu.memory_space<vmem>>) target_semaphore(%arg31 : memref<!tpu.dma_semaphore, #tpu.memory_space<semaphore_mem>>)
    %dma_start3A_257 = arith.constant 0 : i32
    %dma_start3A_258 = tpu.memref_slice %arg5[%dma_start3A_257, %multiple_of3A_252] : memref<32x1000000xf32, #tpu.memory_space<hbm>> -> memref<32x128xf32, #tpu.memory_space<hbm>>
    %dma_start3A_259 = arith.constant 0 : i32
    %dma_start3A_260 = tpu.memref_slice %arg5[%dma_start3A_259, %multiple_of3A_252] : memref<32x1000000xf32, #tpu.memory_space<hbm>> -> memref<32x128xf32, #tpu.memory_space<hbm>>
    tpu.enqueue_dma source(%dma_start3A_260 : memref<32x128xf32, #tpu.memory_space<hbm>>) target(%arg21 : memref<32x128xf32, #tpu.memory_space<vmem>>) target_semaphore(%arg39 : memref<!tpu.dma_semaphore, #tpu.memory_space<semaphore_mem>>)
    %slice3A_261 = vector.extract_strided_slice %get3A_6 {offsets = [4], sizes = [1], strides = [1]} : vector<16xi32> to vector<1xi32>
    %squeeze3A_262 = vector.extract %slice3A_261[0] : i32 from vector<1xi32>
    %slice3A_263 = vector.extract_strided_slice %get3A_8 {offsets = [4], sizes = [1], strides = [1]} : vector<16xi32> to vector<1xi32>
    %squeeze3A_264 = vector.extract %slice3A_263[0] : i32 from vector<1xi32>
    %jit3A_265 = arith.constant 128 : i32
    %div3A_266 = arith.divsi %squeeze3A_262, %jit3A_265 : i32
    %sign3A_267 = arith.constant 0 : i32
    %sign3A_268 = arith.cmpi sgt, %squeeze3A_262, %sign3A_267 : i32
    %sign3A_269 = arith.extui %sign3A_268 : i1 to i32
    %sign3A_270 = arith.constant 0 : i32
    %sign3A_271 = arith.cmpi slt, %squeeze3A_262, %sign3A_270 : i32
    %sign3A_272 = arith.extui %sign3A_271 : i1 to i32
    %sign3A_273 = arith.subi %sign3A_269, %sign3A_272 : i32
    %sign3A_274 = arith.constant 0 : i32
    %sign3A_275 = arith.cmpi sgt, %jit3A_265, %sign3A_274 : i32
    %sign3A_276 = arith.extui %sign3A_275 : i1 to i32
    %sign3A_277 = arith.constant 0 : i32
    %sign3A_278 = arith.cmpi slt, %jit3A_265, %sign3A_277 : i32
    %sign3A_279 = arith.extui %sign3A_278 : i1 to i32
    %sign3A_280 = arith.subi %sign3A_276, %sign3A_279 : i32
    %ne3A_281 = arith.cmpi ne, %sign3A_273, %sign3A_280 : i32
    %rem3A_282 = arith.remsi %squeeze3A_262, %jit3A_265 : i32
    %ne3A_283 = arith.constant 0 : i32
    %ne3A_284 = arith.cmpi ne, %rem3A_282, %ne3A_283 : i32
    %and3A_285 = arith.andi %ne3A_281, %ne3A_284 : i1
    %sub3A_286 = arith.constant 1 : i32
    %sub3A_287 = arith.subi %div3A_266, %sub3A_286 : i32
    %select_n3A_288 = arith.select %and3A_285, %sub3A_287, %div3A_266 : i32
    %mul3A_289 = arith.constant 128 : i32
    %mul3A_290 = arith.muli %select_n3A_288, %mul3A_289 : i32
    %multiple_of3A_291 = tpu.assume_multiple %mul3A_290, 128 : i32
    %jit3A_292 = arith.constant 128 : i32
    %div3A_293 = arith.divsi %squeeze3A_264, %jit3A_292 : i32
    %sign3A_294 = arith.constant 0 : i32
    %sign3A_295 = arith.cmpi sgt, %squeeze3A_264, %sign3A_294 : i32
    %sign3A_296 = arith.extui %sign3A_295 : i1 to i32
    %sign3A_297 = arith.constant 0 : i32
    %sign3A_298 = arith.cmpi slt, %squeeze3A_264, %sign3A_297 : i32
    %sign3A_299 = arith.extui %sign3A_298 : i1 to i32
    %sign3A_300 = arith.subi %sign3A_296, %sign3A_299 : i32
    %sign3A_301 = arith.constant 0 : i32
    %sign3A_302 = arith.cmpi sgt, %jit3A_292, %sign3A_301 : i32
    %sign3A_303 = arith.extui %sign3A_302 : i1 to i32
    %sign3A_304 = arith.constant 0 : i32
    %sign3A_305 = arith.cmpi slt, %jit3A_292, %sign3A_304 : i32
    %sign3A_306 = arith.extui %sign3A_305 : i1 to i32
    %sign3A_307 = arith.subi %sign3A_303, %sign3A_306 : i32
    %ne3A_308 = arith.cmpi ne, %sign3A_300, %sign3A_307 : i32
    %rem3A_309 = arith.remsi %squeeze3A_264, %jit3A_292 : i32
    %ne3A_310 = arith.constant 0 : i32
    %ne3A_311 = arith.cmpi ne, %rem3A_309, %ne3A_310 : i32
    %and3A_312 = arith.andi %ne3A_308, %ne3A_311 : i1
    %sub3A_313 = arith.constant 1 : i32
    %sub3A_314 = arith.subi %div3A_293, %sub3A_313 : i32
    %select_n3A_315 = arith.select %and3A_312, %sub3A_314, %div3A_293 : i32
    %mul3A_316 = arith.constant 128 : i32
    %mul3A_317 = arith.muli %select_n3A_315, %mul3A_316 : i32
    %multiple_of3A_318 = tpu.assume_multiple %mul3A_317, 128 : i32
    %dma_start3A_319 = arith.constant 0 : i32
    %dma_start3A_320 = tpu.memref_slice %arg4[%dma_start3A_319, %multiple_of3A_291] : memref<32x1000000xf32, #tpu.memory_space<hbm>> -> memref<32x128xf32, #tpu.memory_space<hbm>>
    %dma_start3A_321 = arith.constant 0 : i32
    %dma_start3A_322 = tpu.memref_slice %arg4[%dma_start3A_321, %multiple_of3A_291] : memref<32x1000000xf32, #tpu.memory_space<hbm>> -> memref<32x128xf32, #tpu.memory_space<hbm>>
    tpu.enqueue_dma source(%dma_start3A_322 : memref<32x128xf32, #tpu.memory_space<hbm>>) target(%arg14 : memref<32x128xf32, #tpu.memory_space<vmem>>) target_semaphore(%arg32 : memref<!tpu.dma_semaphore, #tpu.memory_space<semaphore_mem>>)
    %dma_start3A_323 = arith.constant 0 : i32
    %dma_start3A_324 = tpu.memref_slice %arg5[%dma_start3A_323, %multiple_of3A_318] : memref<32x1000000xf32, #tpu.memory_space<hbm>> -> memref<32x128xf32, #tpu.memory_space<hbm>>
    %dma_start3A_325 = arith.constant 0 : i32
    %dma_start3A_326 = tpu.memref_slice %arg5[%dma_start3A_325, %multiple_of3A_318] : memref<32x1000000xf32, #tpu.memory_space<hbm>> -> memref<32x128xf32, #tpu.memory_space<hbm>>
    tpu.enqueue_dma source(%dma_start3A_326 : memref<32x128xf32, #tpu.memory_space<hbm>>) target(%arg22 : memref<32x128xf32, #tpu.memory_space<vmem>>) target_semaphore(%arg40 : memref<!tpu.dma_semaphore, #tpu.memory_space<semaphore_mem>>)
    %slice3A_327 = vector.extract_strided_slice %get3A_6 {offsets = [5], sizes = [1], strides = [1]} : vector<16xi32> to vector<1xi32>
    %squeeze3A_328 = vector.extract %slice3A_327[0] : i32 from vector<1xi32>
    %slice3A_329 = vector.extract_strided_slice %get3A_8 {offsets = [5], sizes = [1], strides = [1]} : vector<16xi32> to vector<1xi32>
    %squeeze3A_330 = vector.extract %slice3A_329[0] : i32 from vector<1xi32>
    %jit3A_331 = arith.constant 128 : i32
    %div3A_332 = arith.divsi %squeeze3A_328, %jit3A_331 : i32
    %sign3A_333 = arith.constant 0 : i32
    %sign3A_334 = arith.cmpi sgt, %squeeze3A_328, %sign3A_333 : i32
    %sign3A_335 = arith.extui %sign3A_334 : i1 to i32
    %sign3A_336 = arith.constant 0 : i32
    %sign3A_337 = arith.cmpi slt, %squeeze3A_328, %sign3A_336 : i32
    %sign3A_338 = arith.extui %sign3A_337 : i1 to i32
    %sign3A_339 = arith.subi %sign3A_335, %sign3A_338 : i32
    %sign3A_340 = arith.constant 0 : i32
    %sign3A_341 = arith.cmpi sgt, %jit3A_331, %sign3A_340 : i32
    %sign3A_342 = arith.extui %sign3A_341 : i1 to i32
    %sign3A_343 = arith.constant 0 : i32
    %sign3A_344 = arith.cmpi slt, %jit3A_331, %sign3A_343 : i32
    %sign3A_345 = arith.extui %sign3A_344 : i1 to i32
    %sign3A_346 = arith.subi %sign3A_342, %sign3A_345 : i32
    %ne3A_347 = arith.cmpi ne, %sign3A_339, %sign3A_346 : i32
    %rem3A_348 = arith.remsi %squeeze3A_328, %jit3A_331 : i32
    %ne3A_349 = arith.constant 0 : i32
    %ne3A_350 = arith.cmpi ne, %rem3A_348, %ne3A_349 : i32
    %and3A_351 = arith.andi %ne3A_347, %ne3A_350 : i1
    %sub3A_352 = arith.constant 1 : i32
    %sub3A_353 = arith.subi %div3A_332, %sub3A_352 : i32
    %select_n3A_354 = arith.select %and3A_351, %sub3A_353, %div3A_332 : i32
    %mul3A_355 = arith.constant 128 : i32
    %mul3A_356 = arith.muli %select_n3A_354, %mul3A_355 : i32
    %multiple_of3A_357 = tpu.assume_multiple %mul3A_356, 128 : i32
    %jit3A_358 = arith.constant 128 : i32
    %div3A_359 = arith.divsi %squeeze3A_330, %jit3A_358 : i32
    %sign3A_360 = arith.constant 0 : i32
    %sign3A_361 = arith.cmpi sgt, %squeeze3A_330, %sign3A_360 : i32
    %sign3A_362 = arith.extui %sign3A_361 : i1 to i32
    %sign3A_363 = arith.constant 0 : i32
    %sign3A_364 = arith.cmpi slt, %squeeze3A_330, %sign3A_363 : i32
    %sign3A_365 = arith.extui %sign3A_364 : i1 to i32
    %sign3A_366 = arith.subi %sign3A_362, %sign3A_365 : i32
    %sign3A_367 = arith.constant 0 : i32
    %sign3A_368 = arith.cmpi sgt, %jit3A_358, %sign3A_367 : i32
    %sign3A_369 = arith.extui %sign3A_368 : i1 to i32
    %sign3A_370 = arith.constant 0 : i32
    %sign3A_371 = arith.cmpi slt, %jit3A_358, %sign3A_370 : i32
    %sign3A_372 = arith.extui %sign3A_371 : i1 to i32
    %sign3A_373 = arith.subi %sign3A_369, %sign3A_372 : i32
    %ne3A_374 = arith.cmpi ne, %sign3A_366, %sign3A_373 : i32
    %rem3A_375 = arith.remsi %squeeze3A_330, %jit3A_358 : i32
    %ne3A_376 = arith.constant 0 : i32
    %ne3A_377 = arith.cmpi ne, %rem3A_375, %ne3A_376 : i32
    %and3A_378 = arith.andi %ne3A_374, %ne3A_377 : i1
    %sub3A_379 = arith.constant 1 : i32
    %sub3A_380 = arith.subi %div3A_359, %sub3A_379 : i32
    %select_n3A_381 = arith.select %and3A_378, %sub3A_380, %div3A_359 : i32
    %mul3A_382 = arith.constant 128 : i32
    %mul3A_383 = arith.muli %select_n3A_381, %mul3A_382 : i32
    %multiple_of3A_384 = tpu.assume_multiple %mul3A_383, 128 : i32
    %dma_start3A_385 = arith.constant 0 : i32
    %dma_start3A_386 = tpu.memref_slice %arg4[%dma_start3A_385, %multiple_of3A_357] : memref<32x1000000xf32, #tpu.memory_space<hbm>> -> memref<32x128xf32, #tpu.memory_space<hbm>>
    %dma_start3A_387 = arith.constant 0 : i32
    %dma_start3A_388 = tpu.memref_slice %arg4[%dma_start3A_387, %multiple_of3A_357] : memref<32x1000000xf32, #tpu.memory_space<hbm>> -> memref<32x128xf32, #tpu.memory_space<hbm>>
    tpu.enqueue_dma source(%dma_start3A_388 : memref<32x128xf32, #tpu.memory_space<hbm>>) target(%arg15 : memref<32x128xf32, #tpu.memory_space<vmem>>) target_semaphore(%arg33 : memref<!tpu.dma_semaphore, #tpu.memory_space<semaphore_mem>>)
    %dma_start3A_389 = arith.constant 0 : i32
    %dma_start3A_390 = tpu.memref_slice %arg5[%dma_start3A_389, %multiple_of3A_384] : memref<32x1000000xf32, #tpu.memory_space<hbm>> -> memref<32x128xf32, #tpu.memory_space<hbm>>
    %dma_start3A_391 = arith.constant 0 : i32
    %dma_start3A_392 = tpu.memref_slice %arg5[%dma_start3A_391, %multiple_of3A_384] : memref<32x1000000xf32, #tpu.memory_space<hbm>> -> memref<32x128xf32, #tpu.memory_space<hbm>>
    tpu.enqueue_dma source(%dma_start3A_392 : memref<32x128xf32, #tpu.memory_space<hbm>>) target(%arg23 : memref<32x128xf32, #tpu.memory_space<vmem>>) target_semaphore(%arg41 : memref<!tpu.dma_semaphore, #tpu.memory_space<semaphore_mem>>)
    %slice3A_393 = vector.extract_strided_slice %get3A_6 {offsets = [6], sizes = [1], strides = [1]} : vector<16xi32> to vector<1xi32>
    %squeeze3A_394 = vector.extract %slice3A_393[0] : i32 from vector<1xi32>
    %slice3A_395 = vector.extract_strided_slice %get3A_8 {offsets = [6], sizes = [1], strides = [1]} : vector<16xi32> to vector<1xi32>
    %squeeze3A_396 = vector.extract %slice3A_395[0] : i32 from vector<1xi32>
    %jit3A_397 = arith.constant 128 : i32
    %div3A_398 = arith.divsi %squeeze3A_394, %jit3A_397 : i32
    %sign3A_399 = arith.constant 0 : i32
    %sign3A_400 = arith.cmpi sgt, %squeeze3A_394, %sign3A_399 : i32
    %sign3A_401 = arith.extui %sign3A_400 : i1 to i32
    %sign3A_402 = arith.constant 0 : i32
    %sign3A_403 = arith.cmpi slt, %squeeze3A_394, %sign3A_402 : i32
    %sign3A_404 = arith.extui %sign3A_403 : i1 to i32
    %sign3A_405 = arith.subi %sign3A_401, %sign3A_404 : i32
    %sign3A_406 = arith.constant 0 : i32
    %sign3A_407 = arith.cmpi sgt, %jit3A_397, %sign3A_406 : i32
    %sign3A_408 = arith.extui %sign3A_407 : i1 to i32
    %sign3A_409 = arith.constant 0 : i32
    %sign3A_410 = arith.cmpi slt, %jit3A_397, %sign3A_409 : i32
    %sign3A_411 = arith.extui %sign3A_410 : i1 to i32
    %sign3A_412 = arith.subi %sign3A_408, %sign3A_411 : i32
    %ne3A_413 = arith.cmpi ne, %sign3A_405, %sign3A_412 : i32
    %rem3A_414 = arith.remsi %squeeze3A_394, %jit3A_397 : i32
    %ne3A_415 = arith.constant 0 : i32
    %ne3A_416 = arith.cmpi ne, %rem3A_414, %ne3A_415 : i32
    %and3A_417 = arith.andi %ne3A_413, %ne3A_416 : i1
    %sub3A_418 = arith.constant 1 : i32
    %sub3A_419 = arith.subi %div3A_398, %sub3A_418 : i32
    %select_n3A_420 = arith.select %and3A_417, %sub3A_419, %div3A_398 : i32
    %mul3A_421 = arith.constant 128 : i32
    %mul3A_422 = arith.muli %select_n3A_420, %mul3A_421 : i32
    %multiple_of3A_423 = tpu.assume_multiple %mul3A_422, 128 : i32
    %jit3A_424 = arith.constant 128 : i32
    %div3A_425 = arith.divsi %squeeze3A_396, %jit3A_424 : i32
    %sign3A_426 = arith.constant 0 : i32
    %sign3A_427 = arith.cmpi sgt, %squeeze3A_396, %sign3A_426 : i32
    %sign3A_428 = arith.extui %sign3A_427 : i1 to i32
    %sign3A_429 = arith.constant 0 : i32
    %sign3A_430 = arith.cmpi slt, %squeeze3A_396, %sign3A_429 : i32
    %sign3A_431 = arith.extui %sign3A_430 : i1 to i32
    %sign3A_432 = arith.subi %sign3A_428, %sign3A_431 : i32
    %sign3A_433 = arith.constant 0 : i32
    %sign3A_434 = arith.cmpi sgt, %jit3A_424, %sign3A_433 : i32
    %sign3A_435 = arith.extui %sign3A_434 : i1 to i32
    %sign3A_436 = arith.constant 0 : i32
    %sign3A_437 = arith.cmpi slt, %jit3A_424, %sign3A_436 : i32
    %sign3A_438 = arith.extui %sign3A_437 : i1 to i32
    %sign3A_439 = arith.subi %sign3A_435, %sign3A_438 : i32
    %ne3A_440 = arith.cmpi ne, %sign3A_432, %sign3A_439 : i32
    %rem3A_441 = arith.remsi %squeeze3A_396, %jit3A_424 : i32
    %ne3A_442 = arith.constant 0 : i32
    %ne3A_443 = arith.cmpi ne, %rem3A_441, %ne3A_442 : i32
    %and3A_444 = arith.andi %ne3A_440, %ne3A_443 : i1
    %sub3A_445 = arith.constant 1 : i32
    %sub3A_446 = arith.subi %div3A_425, %sub3A_445 : i32
    %select_n3A_447 = arith.select %and3A_444, %sub3A_446, %div3A_425 : i32
    %mul3A_448 = arith.constant 128 : i32
    %mul3A_449 = arith.muli %select_n3A_447, %mul3A_448 : i32
    %multiple_of3A_450 = tpu.assume_multiple %mul3A_449, 128 : i32
    %dma_start3A_451 = arith.constant 0 : i32
    %dma_start3A_452 = tpu.memref_slice %arg4[%dma_start3A_451, %multiple_of3A_423] : memref<32x1000000xf32, #tpu.memory_space<hbm>> -> memref<32x128xf32, #tpu.memory_space<hbm>>
    %dma_start3A_453 = arith.constant 0 : i32
    %dma_start3A_454 = tpu.memref_slice %arg4[%dma_start3A_453, %multiple_of3A_423] : memref<32x1000000xf32, #tpu.memory_space<hbm>> -> memref<32x128xf32, #tpu.memory_space<hbm>>
    tpu.enqueue_dma source(%dma_start3A_454 : memref<32x128xf32, #tpu.memory_space<hbm>>) target(%arg16 : memref<32x128xf32, #tpu.memory_space<vmem>>) target_semaphore(%arg34 : memref<!tpu.dma_semaphore, #tpu.memory_space<semaphore_mem>>)
    %dma_start3A_455 = arith.constant 0 : i32
    %dma_start3A_456 = tpu.memref_slice %arg5[%dma_start3A_455, %multiple_of3A_450] : memref<32x1000000xf32, #tpu.memory_space<hbm>> -> memref<32x128xf32, #tpu.memory_space<hbm>>
    %dma_start3A_457 = arith.constant 0 : i32
    %dma_start3A_458 = tpu.memref_slice %arg5[%dma_start3A_457, %multiple_of3A_450] : memref<32x1000000xf32, #tpu.memory_space<hbm>> -> memref<32x128xf32, #tpu.memory_space<hbm>>
    tpu.enqueue_dma source(%dma_start3A_458 : memref<32x128xf32, #tpu.memory_space<hbm>>) target(%arg24 : memref<32x128xf32, #tpu.memory_space<vmem>>) target_semaphore(%arg42 : memref<!tpu.dma_semaphore, #tpu.memory_space<semaphore_mem>>)
    %slice3A_459 = vector.extract_strided_slice %get3A_6 {offsets = [7], sizes = [1], strides = [1]} : vector<16xi32> to vector<1xi32>
    %squeeze3A_460 = vector.extract %slice3A_459[0] : i32 from vector<1xi32>
    %slice3A_461 = vector.extract_strided_slice %get3A_8 {offsets = [7], sizes = [1], strides = [1]} : vector<16xi32> to vector<1xi32>
    %squeeze3A_462 = vector.extract %slice3A_461[0] : i32 from vector<1xi32>
    %jit3A_463 = arith.constant 128 : i32
    %div3A_464 = arith.divsi %squeeze3A_460, %jit3A_463 : i32
    %sign3A_465 = arith.constant 0 : i32
    %sign3A_466 = arith.cmpi sgt, %squeeze3A_460, %sign3A_465 : i32
    %sign3A_467 = arith.extui %sign3A_466 : i1 to i32
    %sign3A_468 = arith.constant 0 : i32
    %sign3A_469 = arith.cmpi slt, %squeeze3A_460, %sign3A_468 : i32
    %sign3A_470 = arith.extui %sign3A_469 : i1 to i32
    %sign3A_471 = arith.subi %sign3A_467, %sign3A_470 : i32
    %sign3A_472 = arith.constant 0 : i32
    %sign3A_473 = arith.cmpi sgt, %jit3A_463, %sign3A_472 : i32
    %sign3A_474 = arith.extui %sign3A_473 : i1 to i32
    %sign3A_475 = arith.constant 0 : i32
    %sign3A_476 = arith.cmpi slt, %jit3A_463, %sign3A_475 : i32
    %sign3A_477 = arith.extui %sign3A_476 : i1 to i32
    %sign3A_478 = arith.subi %sign3A_474, %sign3A_477 : i32
    %ne3A_479 = arith.cmpi ne, %sign3A_471, %sign3A_478 : i32
    %rem3A_480 = arith.remsi %squeeze3A_460, %jit3A_463 : i32
    %ne3A_481 = arith.constant 0 : i32
    %ne3A_482 = arith.cmpi ne, %rem3A_480, %ne3A_481 : i32
    %and3A_483 = arith.andi %ne3A_479, %ne3A_482 : i1
    %sub3A_484 = arith.constant 1 : i32
    %sub3A_485 = arith.subi %div3A_464, %sub3A_484 : i32
    %select_n3A_486 = arith.select %and3A_483, %sub3A_485, %div3A_464 : i32
    %mul3A_487 = arith.constant 128 : i32
    %mul3A_488 = arith.muli %select_n3A_486, %mul3A_487 : i32
    %multiple_of3A_489 = tpu.assume_multiple %mul3A_488, 128 : i32
    %jit3A_490 = arith.constant 128 : i32
    %div3A_491 = arith.divsi %squeeze3A_462, %jit3A_490 : i32
    %sign3A_492 = arith.constant 0 : i32
    %sign3A_493 = arith.cmpi sgt, %squeeze3A_462, %sign3A_492 : i32
    %sign3A_494 = arith.extui %sign3A_493 : i1 to i32
    %sign3A_495 = arith.constant 0 : i32
    %sign3A_496 = arith.cmpi slt, %squeeze3A_462, %sign3A_495 : i32
    %sign3A_497 = arith.extui %sign3A_496 : i1 to i32
    %sign3A_498 = arith.subi %sign3A_494, %sign3A_497 : i32
    %sign3A_499 = arith.constant 0 : i32
    %sign3A_500 = arith.cmpi sgt, %jit3A_490, %sign3A_499 : i32
    %sign3A_501 = arith.extui %sign3A_500 : i1 to i32
    %sign3A_502 = arith.constant 0 : i32
    %sign3A_503 = arith.cmpi slt, %jit3A_490, %sign3A_502 : i32
    %sign3A_504 = arith.extui %sign3A_503 : i1 to i32
    %sign3A_505 = arith.subi %sign3A_501, %sign3A_504 : i32
    %ne3A_506 = arith.cmpi ne, %sign3A_498, %sign3A_505 : i32
    %rem3A_507 = arith.remsi %squeeze3A_462, %jit3A_490 : i32
    %ne3A_508 = arith.constant 0 : i32
    %ne3A_509 = arith.cmpi ne, %rem3A_507, %ne3A_508 : i32
    %and3A_510 = arith.andi %ne3A_506, %ne3A_509 : i1
    %sub3A_511 = arith.constant 1 : i32
    %sub3A_512 = arith.subi %div3A_491, %sub3A_511 : i32
    %select_n3A_513 = arith.select %and3A_510, %sub3A_512, %div3A_491 : i32
    %mul3A_514 = arith.constant 128 : i32
    %mul3A_515 = arith.muli %select_n3A_513, %mul3A_514 : i32
    %multiple_of3A_516 = tpu.assume_multiple %mul3A_515, 128 : i32
    %dma_start3A_517 = arith.constant 0 : i32
    %dma_start3A_518 = tpu.memref_slice %arg4[%dma_start3A_517, %multiple_of3A_489] : memref<32x1000000xf32, #tpu.memory_space<hbm>> -> memref<32x128xf32, #tpu.memory_space<hbm>>
    %dma_start3A_519 = arith.constant 0 : i32
    %dma_start3A_520 = tpu.memref_slice %arg4[%dma_start3A_519, %multiple_of3A_489] : memref<32x1000000xf32, #tpu.memory_space<hbm>> -> memref<32x128xf32, #tpu.memory_space<hbm>>
    tpu.enqueue_dma source(%dma_start3A_520 : memref<32x128xf32, #tpu.memory_space<hbm>>) target(%arg17 : memref<32x128xf32, #tpu.memory_space<vmem>>) target_semaphore(%arg35 : memref<!tpu.dma_semaphore, #tpu.memory_space<semaphore_mem>>)
    %dma_start3A_521 = arith.constant 0 : i32
    %dma_start3A_522 = tpu.memref_slice %arg5[%dma_start3A_521, %multiple_of3A_516] : memref<32x1000000xf32, #tpu.memory_space<hbm>> -> memref<32x128xf32, #tpu.memory_space<hbm>>
    %dma_start3A_523 = arith.constant 0 : i32
    %dma_start3A_524 = tpu.memref_slice %arg5[%dma_start3A_523, %multiple_of3A_516] : memref<32x1000000xf32, #tpu.memory_space<hbm>> -> memref<32x128xf32, #tpu.memory_space<hbm>>
    tpu.enqueue_dma source(%dma_start3A_524 : memref<32x128xf32, #tpu.memory_space<hbm>>) target(%arg25 : memref<32x128xf32, #tpu.memory_space<vmem>>) target_semaphore(%arg43 : memref<!tpu.dma_semaphore, #tpu.memory_space<semaphore_mem>>)
    %scan3A = arith.constant 0 : i32
    %scan3A_525 = arith.constant 0 : i32
    %scan3A_526 = arith.constant 32 : i32
    %scan3A_527 = arith.addi %scan3A_525, %scan3A_526 : i32
    %scan3A_528 = arith.constant 1 : i32
    scf.for %scan3A_530 = %scan3A_525 to %scan3A_527 step %scan3A_528  : i32 {
      %mul3A_531 = arith.constant 16 : i32
      %mul3A_532 = arith.muli %scan3A_530, %mul3A_531 : i32
      %get3A_533 = arith.index_cast %mul3A_532 : i32 to index
      %get3A_534 = tpu.vector_load %arg8[%get3A_533] {strides = array<i32>} : memref<512xi32, #tpu.memory_space<vmem>>, vector<16xi32>,
      %get3A_535 = arith.index_cast %mul3A_532 : i32 to index
      %get3A_536 = tpu.vector_load %arg9[%get3A_535] {strides = array<i32>} : memref<512xi32, #tpu.memory_space<vmem>>, vector<16xi32>,
      %add3A_537 = arith.constant 16 : i32
      %add3A_538 = arith.addi %mul3A_532, %add3A_537 : i32
      %min3A = arith.constant 496 : i32
      %min3A_539 = arith.minsi %add3A_538, %min3A : i32
      %get3A_540 = arith.index_cast %min3A_539 : i32 to index
      %get3A_541 = tpu.vector_load %arg8[%get3A_540] {strides = array<i32>} : memref<512xi32, #tpu.memory_space<vmem>>, vector<16xi32>,
      %get3A_542 = arith.index_cast %min3A_539 : i32 to index
      %get3A_543 = tpu.vector_load %arg9[%get3A_542] {strides = array<i32>} : memref<512xi32, #tpu.memory_space<vmem>>, vector<16xi32>,
      %dma_wait3A = arith.constant 0 : i32
      %dma_wait3A_544 = arith.constant 0 : i32
      %dma_wait3A_545 = tpu.memref_slice %arg4[%dma_wait3A, %dma_wait3A_544] : memref<32x1000000xf32, #tpu.memory_space<hbm>> -> memref<32x128xf32, #tpu.memory_space<hbm>>
      %dma_wait3A_546 = arith.constant 0 : i32
      %dma_wait3A_547 = arith.constant 0 : i32
      %dma_wait3A_548 = tpu.memref_slice %arg4[%dma_wait3A_546, %dma_wait3A_547] : memref<32x1000000xf32, #tpu.memory_space<hbm>> -> memref<32x128xf32, #tpu.memory_space<hbm>>
      tpu.wait_dma2 semaphore(%arg28 : memref<!tpu.dma_semaphore, #tpu.memory_space<semaphore_mem>>) src(%dma_wait3A_548 : memref<32x128xf32, #tpu.memory_space<hbm>>) dst(%arg10 : memref<32x128xf32, #tpu.memory_space<vmem>>)
      %dma_wait3A_549 = arith.constant 0 : i32
      %dma_wait3A_550 = arith.constant 0 : i32
      %dma_wait3A_551 = tpu.memref_slice %arg5[%dma_wait3A_549, %dma_wait3A_550] : memref<32x1000000xf32, #tpu.memory_space<hbm>> -> memref<32x128xf32, #tpu.memory_space<hbm>>
      %dma_wait3A_552 = arith.constant 0 : i32
      %dma_wait3A_553 = arith.constant 0 : i32
      %dma_wait3A_554 = tpu.memref_slice %arg5[%dma_wait3A_552, %dma_wait3A_553] : memref<32x1000000xf32, #tpu.memory_space<hbm>> -> memref<32x128xf32, #tpu.memory_space<hbm>>
      tpu.wait_dma2 semaphore(%arg36 : memref<!tpu.dma_semaphore, #tpu.memory_space<semaphore_mem>>) src(%dma_wait3A_554 : memref<32x128xf32, #tpu.memory_space<hbm>>) dst(%arg18 : memref<32x128xf32, #tpu.memory_space<vmem>>)
      %add3A_555 = arith.constant 0 : i32
      %add3A_556 = arith.addi %mul3A_532, %add3A_555 : i32
      %slice3A_557 = vector.extract_strided_slice %get3A_534 {offsets = [0], sizes = [1], strides = [1]} : vector<16xi32> to vector<1xi32>
      %squeeze3A_558 = vector.extract %slice3A_557[0] : i32 from vector<1xi32>
      %slice3A_559 = vector.extract_strided_slice %get3A_536 {offsets = [0], sizes = [1], strides = [1]} : vector<16xi32> to vector<1xi32>
      %squeeze3A_560 = vector.extract %slice3A_559[0] : i32 from vector<1xi32>
      %broadcast_in_dim3A = vector.broadcast %add3A_556 : i32 to vector<16xi32>
      %jit3A_561 = arith.constant 128 : i32
      %eq3A = arith.constant 0 : i32
      %eq3A_562 = arith.cmpi eq, %jit3A_561, %eq3A : i32
      %jit3A_563 = arith.constant 1 : i32
      %select_n3A_564 = arith.select %eq3A_562, %jit3A_563, %jit3A_561 : i32
      %rem3A_565 = arith.remsi %squeeze3A_558, %select_n3A_564 : i32
      %ne3A_566 = arith.constant 0 : i32
      %ne3A_567 = arith.cmpi ne, %rem3A_565, %ne3A_566 : i32
      %lt3A = arith.constant 0 : i32
      %lt3A_568 = arith.cmpi slt, %rem3A_565, %lt3A : i32
      %lt3A_569 = arith.constant 0 : i32
      %lt3A_570 = arith.cmpi slt, %select_n3A_564, %lt3A_569 : i32
      %ne3A_571 = arith.xori %lt3A_568, %lt3A_570 : i1
      %and3A_572 = arith.andi %ne3A_571, %ne3A_567 : i1
      %add3A_573 = arith.addi %rem3A_565, %select_n3A_564 : i32
      %select_n3A_574 = arith.select %and3A_572, %add3A_573, %rem3A_565 : i32
      %broadcast_in_dim3A_575 = vector.broadcast %select_n3A_574 : i32 to vector<16xi32>
      %jit3A_576 = arith.constant 128 : i32
      %eq3A_577 = arith.constant 0 : i32
      %eq3A_578 = arith.cmpi eq, %jit3A_576, %eq3A_577 : i32
      %jit3A_579 = arith.constant 1 : i32
      %select_n3A_580 = arith.select %eq3A_578, %jit3A_579, %jit3A_576 : i32
      %rem3A_581 = arith.remsi %squeeze3A_560, %select_n3A_580 : i32
      %ne3A_582 = arith.constant 0 : i32
      %ne3A_583 = arith.cmpi ne, %rem3A_581, %ne3A_582 : i32
      %lt3A_584 = arith.constant 0 : i32
      %lt3A_585 = arith.cmpi slt, %rem3A_581, %lt3A_584 : i32
      %lt3A_586 = arith.constant 0 : i32
      %lt3A_587 = arith.cmpi slt, %select_n3A_580, %lt3A_586 : i32
      %ne3A_588 = arith.xori %lt3A_585, %lt3A_587 : i1
      %and3A_589 = arith.andi %ne3A_588, %ne3A_583 : i1
      %add3A_590 = arith.addi %rem3A_581, %select_n3A_580 : i32
      %select_n3A_591 = arith.select %and3A_589, %add3A_590, %rem3A_581 : i32
      %broadcast_in_dim3A_592 = vector.broadcast %select_n3A_591 : i32 to vector<16xi32>
      %gather3A = tpu.vector_load_idx %arg10[%iota3A, %broadcast_in_dim3A_575] : memref<32x128xf32, #tpu.memory_space<vmem>>[vector<16xi32>, vector<16xi32>], vector<16xf32>,
      tpu.vector_store_idx %arg26[%iota3A, %broadcast_in_dim3A], %gather3A : memref<32x512xf32, #tpu.memory_space<vmem>>[vector<16xi32>, vector<16xi32>], vector<16xf32>,
      %gather3A_593 = tpu.vector_load_idx %arg10[%add3A_5, %broadcast_in_dim3A_575] : memref<32x128xf32, #tpu.memory_space<vmem>>[vector<16xi32>, vector<16xi32>], vector<16xf32>,
      tpu.vector_store_idx %arg26[%add3A_5, %broadcast_in_dim3A], %gather3A_593 : memref<32x512xf32, #tpu.memory_space<vmem>>[vector<16xi32>, vector<16xi32>], vector<16xf32>,
      %gather3A_594 = tpu.vector_load_idx %arg18[%iota3A, %broadcast_in_dim3A_592] : memref<32x128xf32, #tpu.memory_space<vmem>>[vector<16xi32>, vector<16xi32>], vector<16xf32>,
      tpu.vector_store_idx %arg27[%iota3A, %broadcast_in_dim3A], %gather3A_594 : memref<32x512xf32, #tpu.memory_space<vmem>>[vector<16xi32>, vector<16xi32>], vector<16xf32>,
      %gather3A_595 = tpu.vector_load_idx %arg18[%add3A_5, %broadcast_in_dim3A_592] : memref<32x128xf32, #tpu.memory_space<vmem>>[vector<16xi32>, vector<16xi32>], vector<16xf32>,
      tpu.vector_store_idx %arg27[%add3A_5, %broadcast_in_dim3A], %gather3A_595 : memref<32x512xf32, #tpu.memory_space<vmem>>[vector<16xi32>, vector<16xi32>], vector<16xf32>,
      %slice3A_596 = vector.extract_strided_slice %get3A_534 {offsets = [8], sizes = [1], strides = [1]} : vector<16xi32> to vector<1xi32>
      %squeeze3A_597 = vector.extract %slice3A_596[0] : i32 from vector<1xi32>
      %slice3A_598 = vector.extract_strided_slice %get3A_536 {offsets = [8], sizes = [1], strides = [1]} : vector<16xi32> to vector<1xi32>
      %squeeze3A_599 = vector.extract %slice3A_598[0] : i32 from vector<1xi32>
      %jit3A_600 = arith.constant 128 : i32
      %div3A_601 = arith.divsi %squeeze3A_597, %jit3A_600 : i32
      %sign3A_602 = arith.constant 0 : i32
      %sign3A_603 = arith.cmpi sgt, %squeeze3A_597, %sign3A_602 : i32
      %sign3A_604 = arith.extui %sign3A_603 : i1 to i32
      %sign3A_605 = arith.constant 0 : i32
      %sign3A_606 = arith.cmpi slt, %squeeze3A_597, %sign3A_605 : i32
      %sign3A_607 = arith.extui %sign3A_606 : i1 to i32
      %sign3A_608 = arith.subi %sign3A_604, %sign3A_607 : i32
      %sign3A_609 = arith.constant 0 : i32
      %sign3A_610 = arith.cmpi sgt, %jit3A_600, %sign3A_609 : i32
      %sign3A_611 = arith.extui %sign3A_610 : i1 to i32
      %sign3A_612 = arith.constant 0 : i32
      %sign3A_613 = arith.cmpi slt, %jit3A_600, %sign3A_612 : i32
      %sign3A_614 = arith.extui %sign3A_613 : i1 to i32
      %sign3A_615 = arith.subi %sign3A_611, %sign3A_614 : i32
      %ne3A_616 = arith.cmpi ne, %sign3A_608, %sign3A_615 : i32
      %rem3A_617 = arith.remsi %squeeze3A_597, %jit3A_600 : i32
      %ne3A_618 = arith.constant 0 : i32
      %ne3A_619 = arith.cmpi ne, %rem3A_617, %ne3A_618 : i32
      %and3A_620 = arith.andi %ne3A_616, %ne3A_619 : i1
      %sub3A_621 = arith.constant 1 : i32
      %sub3A_622 = arith.subi %div3A_601, %sub3A_621 : i32
      %select_n3A_623 = arith.select %and3A_620, %sub3A_622, %div3A_601 : i32
      %mul3A_624 = arith.constant 128 : i32
      %mul3A_625 = arith.muli %select_n3A_623, %mul3A_624 : i32
      %multiple_of3A_626 = tpu.assume_multiple %mul3A_625, 128 : i32
      %jit3A_627 = arith.constant 128 : i32
      %div3A_628 = arith.divsi %squeeze3A_599, %jit3A_627 : i32
      %sign3A_629 = arith.constant 0 : i32
      %sign3A_630 = arith.cmpi sgt, %squeeze3A_599, %sign3A_629 : i32
      %sign3A_631 = arith.extui %sign3A_630 : i1 to i32
      %sign3A_632 = arith.constant 0 : i32
      %sign3A_633 = arith.cmpi slt, %squeeze3A_599, %sign3A_632 : i32
      %sign3A_634 = arith.extui %sign3A_633 : i1 to i32
      %sign3A_635 = arith.subi %sign3A_631, %sign3A_634 : i32
      %sign3A_636 = arith.constant 0 : i32
      %sign3A_637 = arith.cmpi sgt, %jit3A_627, %sign3A_636 : i32
      %sign3A_638 = arith.extui %sign3A_637 : i1 to i32
      %sign3A_639 = arith.constant 0 : i32
      %sign3A_640 = arith.cmpi slt, %jit3A_627, %sign3A_639 : i32
      %sign3A_641 = arith.extui %sign3A_640 : i1 to i32
      %sign3A_642 = arith.subi %sign3A_638, %sign3A_641 : i32
      %ne3A_643 = arith.cmpi ne, %sign3A_635, %sign3A_642 : i32
      %rem3A_644 = arith.remsi %squeeze3A_599, %jit3A_627 : i32
      %ne3A_645 = arith.constant 0 : i32
      %ne3A_646 = arith.cmpi ne, %rem3A_644, %ne3A_645 : i32
      %and3A_647 = arith.andi %ne3A_643, %ne3A_646 : i1
      %sub3A_648 = arith.constant 1 : i32
      %sub3A_649 = arith.subi %div3A_628, %sub3A_648 : i32
      %select_n3A_650 = arith.select %and3A_647, %sub3A_649, %div3A_628 : i32
      %mul3A_651 = arith.constant 128 : i32
      %mul3A_652 = arith.muli %select_n3A_650, %mul3A_651 : i32
      %multiple_of3A_653 = tpu.assume_multiple %mul3A_652, 128 : i32
      %dma_start3A_654 = arith.constant 0 : i32
      %dma_start3A_655 = tpu.memref_slice %arg4[%dma_start3A_654, %multiple_of3A_626] : memref<32x1000000xf32, #tpu.memory_space<hbm>> -> memref<32x128xf32, #tpu.memory_space<hbm>>
      %dma_start3A_656 = arith.constant 0 : i32
      %dma_start3A_657 = tpu.memref_slice %arg4[%dma_start3A_656, %multiple_of3A_626] : memref<32x1000000xf32, #tpu.memory_space<hbm>> -> memref<32x128xf32, #tpu.memory_space<hbm>>
      tpu.enqueue_dma source(%dma_start3A_657 : memref<32x128xf32, #tpu.memory_space<hbm>>) target(%arg10 : memref<32x128xf32, #tpu.memory_space<vmem>>) target_semaphore(%arg28 : memref<!tpu.dma_semaphore, #tpu.memory_space<semaphore_mem>>)
      %dma_start3A_658 = arith.constant 0 : i32
      %dma_start3A_659 = tpu.memref_slice %arg5[%dma_start3A_658, %multiple_of3A_653] : memref<32x1000000xf32, #tpu.memory_space<hbm>> -> memref<32x128xf32, #tpu.memory_space<hbm>>
      %dma_start3A_660 = arith.constant 0 : i32
      %dma_start3A_661 = tpu.memref_slice %arg5[%dma_start3A_660, %multiple_of3A_653] : memref<32x1000000xf32, #tpu.memory_space<hbm>> -> memref<32x128xf32, #tpu.memory_space<hbm>>
      tpu.enqueue_dma source(%dma_start3A_661 : memref<32x128xf32, #tpu.memory_space<hbm>>) target(%arg18 : memref<32x128xf32, #tpu.memory_space<vmem>>) target_semaphore(%arg36 : memref<!tpu.dma_semaphore, #tpu.memory_space<semaphore_mem>>)
      %dma_wait3A_662 = arith.constant 0 : i32
      %dma_wait3A_663 = arith.constant 0 : i32
      %dma_wait3A_664 = tpu.memref_slice %arg4[%dma_wait3A_662, %dma_wait3A_663] : memref<32x1000000xf32, #tpu.memory_space<hbm>> -> memref<32x128xf32, #tpu.memory_space<hbm>>
      %dma_wait3A_665 = arith.constant 0 : i32
      %dma_wait3A_666 = arith.constant 0 : i32
      %dma_wait3A_667 = tpu.memref_slice %arg4[%dma_wait3A_665, %dma_wait3A_666] : memref<32x1000000xf32, #tpu.memory_space<hbm>> -> memref<32x128xf32, #tpu.memory_space<hbm>>
      tpu.wait_dma2 semaphore(%arg29 : memref<!tpu.dma_semaphore, #tpu.memory_space<semaphore_mem>>) src(%dma_wait3A_667 : memref<32x128xf32, #tpu.memory_space<hbm>>) dst(%arg11 : memref<32x128xf32, #tpu.memory_space<vmem>>)
      %dma_wait3A_668 = arith.constant 0 : i32
      %dma_wait3A_669 = arith.constant 0 : i32
      %dma_wait3A_670 = tpu.memref_slice %arg5[%dma_wait3A_668, %dma_wait3A_669] : memref<32x1000000xf32, #tpu.memory_space<hbm>> -> memref<32x128xf32, #tpu.memory_space<hbm>>
      %dma_wait3A_671 = arith.constant 0 : i32
      %dma_wait3A_672 = arith.constant 0 : i32
      %dma_wait3A_673 = tpu.memref_slice %arg5[%dma_wait3A_671, %dma_wait3A_672] : memref<32x1000000xf32, #tpu.memory_space<hbm>> -> memref<32x128xf32, #tpu.memory_space<hbm>>
      tpu.wait_dma2 semaphore(%arg37 : memref<!tpu.dma_semaphore, #tpu.memory_space<semaphore_mem>>) src(%dma_wait3A_673 : memref<32x128xf32, #tpu.memory_space<hbm>>) dst(%arg19 : memref<32x128xf32, #tpu.memory_space<vmem>>)
      %add3A_674 = arith.constant 1 : i32
      %add3A_675 = arith.addi %mul3A_532, %add3A_674 : i32
      %slice3A_676 = vector.extract_strided_slice %get3A_534 {offsets = [1], sizes = [1], strides = [1]} : vector<16xi32> to vector<1xi32>
      %squeeze3A_677 = vector.extract %slice3A_676[0] : i32 from vector<1xi32>
      %slice3A_678 = vector.extract_strided_slice %get3A_536 {offsets = [1], sizes = [1], strides = [1]} : vector<16xi32> to vector<1xi32>
      %squeeze3A_679 = vector.extract %slice3A_678[0] : i32 from vector<1xi32>
      %broadcast_in_dim3A_680 = vector.broadcast %add3A_675 : i32 to vector<16xi32>
      %jit3A_681 = arith.constant 128 : i32
      %eq3A_682 = arith.constant 0 : i32
      %eq3A_683 = arith.cmpi eq, %jit3A_681, %eq3A_682 : i32
      %jit3A_684 = arith.constant 1 : i32
      %select_n3A_685 = arith.select %eq3A_683, %jit3A_684, %jit3A_681 : i32
      %rem3A_686 = arith.remsi %squeeze3A_677, %select_n3A_685 : i32
      %ne3A_687 = arith.constant 0 : i32
      %ne3A_688 = arith.cmpi ne, %rem3A_686, %ne3A_687 : i32
      %lt3A_689 = arith.constant 0 : i32
      %lt3A_690 = arith.cmpi slt, %rem3A_686, %lt3A_689 : i32
      %lt3A_691 = arith.constant 0 : i32
      %lt3A_692 = arith.cmpi slt, %select_n3A_685, %lt3A_691 : i32
      %ne3A_693 = arith.xori %lt3A_690, %lt3A_692 : i1
      %and3A_694 = arith.andi %ne3A_693, %ne3A_688 : i1
      %add3A_695 = arith.addi %rem3A_686, %select_n3A_685 : i32
      %select_n3A_696 = arith.select %and3A_694, %add3A_695, %rem3A_686 : i32
      %broadcast_in_dim3A_697 = vector.broadcast %select_n3A_696 : i32 to vector<16xi32>
      %jit3A_698 = arith.constant 128 : i32
      %eq3A_699 = arith.constant 0 : i32
      %eq3A_700 = arith.cmpi eq, %jit3A_698, %eq3A_699 : i32
      %jit3A_701 = arith.constant 1 : i32
      %select_n3A_702 = arith.select %eq3A_700, %jit3A_701, %jit3A_698 : i32
      %rem3A_703 = arith.remsi %squeeze3A_679, %select_n3A_702 : i32
      %ne3A_704 = arith.constant 0 : i32
      %ne3A_705 = arith.cmpi ne, %rem3A_703, %ne3A_704 : i32
      %lt3A_706 = arith.constant 0 : i32
      %lt3A_707 = arith.cmpi slt, %rem3A_703, %lt3A_706 : i32
      %lt3A_708 = arith.constant 0 : i32
      %lt3A_709 = arith.cmpi slt, %select_n3A_702, %lt3A_708 : i32
      %ne3A_710 = arith.xori %lt3A_707, %lt3A_709 : i1
      %and3A_711 = arith.andi %ne3A_710, %ne3A_705 : i1
      %add3A_712 = arith.addi %rem3A_703, %select_n3A_702 : i32
      %select_n3A_713 = arith.select %and3A_711, %add3A_712, %rem3A_703 : i32
      %broadcast_in_dim3A_714 = vector.broadcast %select_n3A_713 : i32 to vector<16xi32>
      %gather3A_715 = tpu.vector_load_idx %arg11[%iota3A, %broadcast_in_dim3A_697] : memref<32x128xf32, #tpu.memory_space<vmem>>[vector<16xi32>, vector<16xi32>], vector<16xf32>,
      tpu.vector_store_idx %arg26[%iota3A, %broadcast_in_dim3A_680], %gather3A_715 : memref<32x512xf32, #tpu.memory_space<vmem>>[vector<16xi32>, vector<16xi32>], vector<16xf32>,
      %gather3A_716 = tpu.vector_load_idx %arg11[%add3A_5, %broadcast_in_dim3A_697] : memref<32x128xf32, #tpu.memory_space<vmem>>[vector<16xi32>, vector<16xi32>], vector<16xf32>,
      tpu.vector_store_idx %arg26[%add3A_5, %broadcast_in_dim3A_680], %gather3A_716 : memref<32x512xf32, #tpu.memory_space<vmem>>[vector<16xi32>, vector<16xi32>], vector<16xf32>,
      %gather3A_717 = tpu.vector_load_idx %arg19[%iota3A, %broadcast_in_dim3A_714] : memref<32x128xf32, #tpu.memory_space<vmem>>[vector<16xi32>, vector<16xi32>], vector<16xf32>,
      tpu.vector_store_idx %arg27[%iota3A, %broadcast_in_dim3A_680], %gather3A_717 : memref<32x512xf32, #tpu.memory_space<vmem>>[vector<16xi32>, vector<16xi32>], vector<16xf32>,
      %gather3A_718 = tpu.vector_load_idx %arg19[%add3A_5, %broadcast_in_dim3A_714] : memref<32x128xf32, #tpu.memory_space<vmem>>[vector<16xi32>, vector<16xi32>], vector<16xf32>,
      tpu.vector_store_idx %arg27[%add3A_5, %broadcast_in_dim3A_680], %gather3A_718 : memref<32x512xf32, #tpu.memory_space<vmem>>[vector<16xi32>, vector<16xi32>], vector<16xf32>,
      %slice3A_719 = vector.extract_strided_slice %get3A_534 {offsets = [9], sizes = [1], strides = [1]} : vector<16xi32> to vector<1xi32>
      %squeeze3A_720 = vector.extract %slice3A_719[0] : i32 from vector<1xi32>
      %slice3A_721 = vector.extract_strided_slice %get3A_536 {offsets = [9], sizes = [1], strides = [1]} : vector<16xi32> to vector<1xi32>
      %squeeze3A_722 = vector.extract %slice3A_721[0] : i32 from vector<1xi32>
      %jit3A_723 = arith.constant 128 : i32
      %div3A_724 = arith.divsi %squeeze3A_720, %jit3A_723 : i32
      %sign3A_725 = arith.constant 0 : i32
      %sign3A_726 = arith.cmpi sgt, %squeeze3A_720, %sign3A_725 : i32
      %sign3A_727 = arith.extui %sign3A_726 : i1 to i32
      %sign3A_728 = arith.constant 0 : i32
      %sign3A_729 = arith.cmpi slt, %squeeze3A_720, %sign3A_728 : i32
      %sign3A_730 = arith.extui %sign3A_729 : i1 to i32
      %sign3A_731 = arith.subi %sign3A_727, %sign3A_730 : i32
      %sign3A_732 = arith.constant 0 : i32
      %sign3A_733 = arith.cmpi sgt, %jit3A_723, %sign3A_732 : i32
      %sign3A_734 = arith.extui %sign3A_733 : i1 to i32
      %sign3A_735 = arith.constant 0 : i32
      %sign3A_736 = arith.cmpi slt, %jit3A_723, %sign3A_735 : i32
      %sign3A_737 = arith.extui %sign3A_736 : i1 to i32
      %sign3A_738 = arith.subi %sign3A_734, %sign3A_737 : i32
      %ne3A_739 = arith.cmpi ne, %sign3A_731, %sign3A_738 : i32
      %rem3A_740 = arith.remsi %squeeze3A_720, %jit3A_723 : i32
      %ne3A_741 = arith.constant 0 : i32
      %ne3A_742 = arith.cmpi ne, %rem3A_740, %ne3A_741 : i32
      %and3A_743 = arith.andi %ne3A_739, %ne3A_742 : i1
      %sub3A_744 = arith.constant 1 : i32
      %sub3A_745 = arith.subi %div3A_724, %sub3A_744 : i32
      %select_n3A_746 = arith.select %and3A_743, %sub3A_745, %div3A_724 : i32
      %mul3A_747 = arith.constant 128 : i32
      %mul3A_748 = arith.muli %select_n3A_746, %mul3A_747 : i32
      %multiple_of3A_749 = tpu.assume_multiple %mul3A_748, 128 : i32
      %jit3A_750 = arith.constant 128 : i32
      %div3A_751 = arith.divsi %squeeze3A_722, %jit3A_750 : i32
      %sign3A_752 = arith.constant 0 : i32
      %sign3A_753 = arith.cmpi sgt, %squeeze3A_722, %sign3A_752 : i32
      %sign3A_754 = arith.extui %sign3A_753 : i1 to i32
      %sign3A_755 = arith.constant 0 : i32
      %sign3A_756 = arith.cmpi slt, %squeeze3A_722, %sign3A_755 : i32
      %sign3A_757 = arith.extui %sign3A_756 : i1 to i32
      %sign3A_758 = arith.subi %sign3A_754, %sign3A_757 : i32
      %sign3A_759 = arith.constant 0 : i32
      %sign3A_760 = arith.cmpi sgt, %jit3A_750, %sign3A_759 : i32
      %sign3A_761 = arith.extui %sign3A_760 : i1 to i32
      %sign3A_762 = arith.constant 0 : i32
      %sign3A_763 = arith.cmpi slt, %jit3A_750, %sign3A_762 : i32
      %sign3A_764 = arith.extui %sign3A_763 : i1 to i32
      %sign3A_765 = arith.subi %sign3A_761, %sign3A_764 : i32
      %ne3A_766 = arith.cmpi ne, %sign3A_758, %sign3A_765 : i32
      %rem3A_767 = arith.remsi %squeeze3A_722, %jit3A_750 : i32
      %ne3A_768 = arith.constant 0 : i32
      %ne3A_769 = arith.cmpi ne, %rem3A_767, %ne3A_768 : i32
      %and3A_770 = arith.andi %ne3A_766, %ne3A_769 : i1
      %sub3A_771 = arith.constant 1 : i32
      %sub3A_772 = arith.subi %div3A_751, %sub3A_771 : i32
      %select_n3A_773 = arith.select %and3A_770, %sub3A_772, %div3A_751 : i32
      %mul3A_774 = arith.constant 128 : i32
      %mul3A_775 = arith.muli %select_n3A_773, %mul3A_774 : i32
      %multiple_of3A_776 = tpu.assume_multiple %mul3A_775, 128 : i32
      %dma_start3A_777 = arith.constant 0 : i32
      %dma_start3A_778 = tpu.memref_slice %arg4[%dma_start3A_777, %multiple_of3A_749] : memref<32x1000000xf32, #tpu.memory_space<hbm>> -> memref<32x128xf32, #tpu.memory_space<hbm>>
      %dma_start3A_779 = arith.constant 0 : i32
      %dma_start3A_780 = tpu.memref_slice %arg4[%dma_start3A_779, %multiple_of3A_749] : memref<32x1000000xf32, #tpu.memory_space<hbm>> -> memref<32x128xf32, #tpu.memory_space<hbm>>
      tpu.enqueue_dma source(%dma_start3A_780 : memref<32x128xf32, #tpu.memory_space<hbm>>) target(%arg11 : memref<32x128xf32, #tpu.memory_space<vmem>>) target_semaphore(%arg29 : memref<!tpu.dma_semaphore, #tpu.memory_space<semaphore_mem>>)
      %dma_start3A_781 = arith.constant 0 : i32
      %dma_start3A_782 = tpu.memref_slice %arg5[%dma_start3A_781, %multiple_of3A_776] : memref<32x1000000xf32, #tpu.memory_space<hbm>> -> memref<32x128xf32, #tpu.memory_space<hbm>>
      %dma_start3A_783 = arith.constant 0 : i32
      %dma_start3A_784 = tpu.memref_slice %arg5[%dma_start3A_783, %multiple_of3A_776] : memref<32x1000000xf32, #tpu.memory_space<hbm>> -> memref<32x128xf32, #tpu.memory_space<hbm>>
      tpu.enqueue_dma source(%dma_start3A_784 : memref<32x128xf32, #tpu.memory_space<hbm>>) target(%arg19 : memref<32x128xf32, #tpu.memory_space<vmem>>) target_semaphore(%arg37 : memref<!tpu.dma_semaphore, #tpu.memory_space<semaphore_mem>>)
      %dma_wait3A_785 = arith.constant 0 : i32
      %dma_wait3A_786 = arith.constant 0 : i32
      %dma_wait3A_787 = tpu.memref_slice %arg4[%dma_wait3A_785, %dma_wait3A_786] : memref<32x1000000xf32, #tpu.memory_space<hbm>> -> memref<32x128xf32, #tpu.memory_space<hbm>>
      %dma_wait3A_788 = arith.constant 0 : i32
      %dma_wait3A_789 = arith.constant 0 : i32
      %dma_wait3A_790 = tpu.memref_slice %arg4[%dma_wait3A_788, %dma_wait3A_789] : memref<32x1000000xf32, #tpu.memory_space<hbm>> -> memref<32x128xf32, #tpu.memory_space<hbm>>
      tpu.wait_dma2 semaphore(%arg30 : memref<!tpu.dma_semaphore, #tpu.memory_space<semaphore_mem>>) src(%dma_wait3A_790 : memref<32x128xf32, #tpu.memory_space<hbm>>) dst(%arg12 : memref<32x128xf32, #tpu.memory_space<vmem>>)
      %dma_wait3A_791 = arith.constant 0 : i32
      %dma_wait3A_792 = arith.constant 0 : i32
      %dma_wait3A_793 = tpu.memref_slice %arg5[%dma_wait3A_791, %dma_wait3A_792] : memref<32x1000000xf32, #tpu.memory_space<hbm>> -> memref<32x128xf32, #tpu.memory_space<hbm>>
      %dma_wait3A_794 = arith.constant 0 : i32
      %dma_wait3A_795 = arith.constant 0 : i32
      %dma_wait3A_796 = tpu.memref_slice %arg5[%dma_wait3A_794, %dma_wait3A_795] : memref<32x1000000xf32, #tpu.memory_space<hbm>> -> memref<32x128xf32, #tpu.memory_space<hbm>>
      tpu.wait_dma2 semaphore(%arg38 : memref<!tpu.dma_semaphore, #tpu.memory_space<semaphore_mem>>) src(%dma_wait3A_796 : memref<32x128xf32, #tpu.memory_space<hbm>>) dst(%arg20 : memref<32x128xf32, #tpu.memory_space<vmem>>)
      %add3A_797 = arith.constant 2 : i32
      %add3A_798 = arith.addi %mul3A_532, %add3A_797 : i32
      %slice3A_799 = vector.extract_strided_slice %get3A_534 {offsets = [2], sizes = [1], strides = [1]} : vector<16xi32> to vector<1xi32>
      %squeeze3A_800 = vector.extract %slice3A_799[0] : i32 from vector<1xi32>
      %slice3A_801 = vector.extract_strided_slice %get3A_536 {offsets = [2], sizes = [1], strides = [1]} : vector<16xi32> to vector<1xi32>
      %squeeze3A_802 = vector.extract %slice3A_801[0] : i32 from vector<1xi32>
      %broadcast_in_dim3A_803 = vector.broadcast %add3A_798 : i32 to vector<16xi32>
      %jit3A_804 = arith.constant 128 : i32
      %eq3A_805 = arith.constant 0 : i32
      %eq3A_806 = arith.cmpi eq, %jit3A_804, %eq3A_805 : i32
      %jit3A_807 = arith.constant 1 : i32
      %select_n3A_808 = arith.select %eq3A_806, %jit3A_807, %jit3A_804 : i32
      %rem3A_809 = arith.remsi %squeeze3A_800, %select_n3A_808 : i32
      %ne3A_810 = arith.constant 0 : i32
      %ne3A_811 = arith.cmpi ne, %rem3A_809, %ne3A_810 : i32
      %lt3A_812 = arith.constant 0 : i32
      %lt3A_813 = arith.cmpi slt, %rem3A_809, %lt3A_812 : i32
      %lt3A_814 = arith.constant 0 : i32
      %lt3A_815 = arith.cmpi slt, %select_n3A_808, %lt3A_814 : i32
      %ne3A_816 = arith.xori %lt3A_813, %lt3A_815 : i1
      %and3A_817 = arith.andi %ne3A_816, %ne3A_811 : i1
      %add3A_818 = arith.addi %rem3A_809, %select_n3A_808 : i32
      %select_n3A_819 = arith.select %and3A_817, %add3A_818, %rem3A_809 : i32
      %broadcast_in_dim3A_820 = vector.broadcast %select_n3A_819 : i32 to vector<16xi32>
      %jit3A_821 = arith.constant 128 : i32
      %eq3A_822 = arith.constant 0 : i32
      %eq3A_823 = arith.cmpi eq, %jit3A_821, %eq3A_822 : i32
      %jit3A_824 = arith.constant 1 : i32
      %select_n3A_825 = arith.select %eq3A_823, %jit3A_824, %jit3A_821 : i32
      %rem3A_826 = arith.remsi %squeeze3A_802, %select_n3A_825 : i32
      %ne3A_827 = arith.constant 0 : i32
      %ne3A_828 = arith.cmpi ne, %rem3A_826, %ne3A_827 : i32
      %lt3A_829 = arith.constant 0 : i32
      %lt3A_830 = arith.cmpi slt, %rem3A_826, %lt3A_829 : i32
      %lt3A_831 = arith.constant 0 : i32
      %lt3A_832 = arith.cmpi slt, %select_n3A_825, %lt3A_831 : i32
      %ne3A_833 = arith.xori %lt3A_830, %lt3A_832 : i1
      %and3A_834 = arith.andi %ne3A_833, %ne3A_828 : i1
      %add3A_835 = arith.addi %rem3A_826, %select_n3A_825 : i32
      %select_n3A_836 = arith.select %and3A_834, %add3A_835, %rem3A_826 : i32
      %broadcast_in_dim3A_837 = vector.broadcast %select_n3A_836 : i32 to vector<16xi32>
      %gather3A_838 = tpu.vector_load_idx %arg12[%iota3A, %broadcast_in_dim3A_820] : memref<32x128xf32, #tpu.memory_space<vmem>>[vector<16xi32>, vector<16xi32>], vector<16xf32>,
      tpu.vector_store_idx %arg26[%iota3A, %broadcast_in_dim3A_803], %gather3A_838 : memref<32x512xf32, #tpu.memory_space<vmem>>[vector<16xi32>, vector<16xi32>], vector<16xf32>,
      %gather3A_839 = tpu.vector_load_idx %arg12[%add3A_5, %broadcast_in_dim3A_820] : memref<32x128xf32, #tpu.memory_space<vmem>>[vector<16xi32>, vector<16xi32>], vector<16xf32>,
      tpu.vector_store_idx %arg26[%add3A_5, %broadcast_in_dim3A_803], %gather3A_839 : memref<32x512xf32, #tpu.memory_space<vmem>>[vector<16xi32>, vector<16xi32>], vector<16xf32>,
      %gather3A_840 = tpu.vector_load_idx %arg20[%iota3A, %broadcast_in_dim3A_837] : memref<32x128xf32, #tpu.memory_space<vmem>>[vector<16xi32>, vector<16xi32>], vector<16xf32>,
      tpu.vector_store_idx %arg27[%iota3A, %broadcast_in_dim3A_803], %gather3A_840 : memref<32x512xf32, #tpu.memory_space<vmem>>[vector<16xi32>, vector<16xi32>], vector<16xf32>,
      %gather3A_841 = tpu.vector_load_idx %arg20[%add3A_5, %broadcast_in_dim3A_837] : memref<32x128xf32, #tpu.memory_space<vmem>>[vector<16xi32>, vector<16xi32>], vector<16xf32>,
      tpu.vector_store_idx %arg27[%add3A_5, %broadcast_in_dim3A_803], %gather3A_841 : memref<32x512xf32, #tpu.memory_space<vmem>>[vector<16xi32>, vector<16xi32>], vector<16xf32>,
      %slice3A_842 = vector.extract_strided_slice %get3A_534 {offsets = [10], sizes = [1], strides = [1]} : vector<16xi32> to vector<1xi32>
      %squeeze3A_843 = vector.extract %slice3A_842[0] : i32 from vector<1xi32>
      %slice3A_844 = vector.extract_strided_slice %get3A_536 {offsets = [10], sizes = [1], strides = [1]} : vector<16xi32> to vector<1xi32>
      %squeeze3A_845 = vector.extract %slice3A_844[0] : i32 from vector<1xi32>
      %jit3A_846 = arith.constant 128 : i32
      %div3A_847 = arith.divsi %squeeze3A_843, %jit3A_846 : i32
      %sign3A_848 = arith.constant 0 : i32
      %sign3A_849 = arith.cmpi sgt, %squeeze3A_843, %sign3A_848 : i32
      %sign3A_850 = arith.extui %sign3A_849 : i1 to i32
      %sign3A_851 = arith.constant 0 : i32
      %sign3A_852 = arith.cmpi slt, %squeeze3A_843, %sign3A_851 : i32
      %sign3A_853 = arith.extui %sign3A_852 : i1 to i32
      %sign3A_854 = arith.subi %sign3A_850, %sign3A_853 : i32
      %sign3A_855 = arith.constant 0 : i32
      %sign3A_856 = arith.cmpi sgt, %jit3A_846, %sign3A_855 : i32
      %sign3A_857 = arith.extui %sign3A_856 : i1 to i32
      %sign3A_858 = arith.constant 0 : i32
      %sign3A_859 = arith.cmpi slt, %jit3A_846, %sign3A_858 : i32
      %sign3A_860 = arith.extui %sign3A_859 : i1 to i32
      %sign3A_861 = arith.subi %sign3A_857, %sign3A_860 : i32
      %ne3A_862 = arith.cmpi ne, %sign3A_854, %sign3A_861 : i32
      %rem3A_863 = arith.remsi %squeeze3A_843, %jit3A_846 : i32
      %ne3A_864 = arith.constant 0 : i32
      %ne3A_865 = arith.cmpi ne, %rem3A_863, %ne3A_864 : i32
      %and3A_866 = arith.andi %ne3A_862, %ne3A_865 : i1
      %sub3A_867 = arith.constant 1 : i32
      %sub3A_868 = arith.subi %div3A_847, %sub3A_867 : i32
      %select_n3A_869 = arith.select %and3A_866, %sub3A_868, %div3A_847 : i32
      %mul3A_870 = arith.constant 128 : i32
      %mul3A_871 = arith.muli %select_n3A_869, %mul3A_870 : i32
      %multiple_of3A_872 = tpu.assume_multiple %mul3A_871, 128 : i32
      %jit3A_873 = arith.constant 128 : i32
      %div3A_874 = arith.divsi %squeeze3A_845, %jit3A_873 : i32
      %sign3A_875 = arith.constant 0 : i32
      %sign3A_876 = arith.cmpi sgt, %squeeze3A_845, %sign3A_875 : i32
      %sign3A_877 = arith.extui %sign3A_876 : i1 to i32
      %sign3A_878 = arith.constant 0 : i32
      %sign3A_879 = arith.cmpi slt, %squeeze3A_845, %sign3A_878 : i32
      %sign3A_880 = arith.extui %sign3A_879 : i1 to i32
      %sign3A_881 = arith.subi %sign3A_877, %sign3A_880 : i32
      %sign3A_882 = arith.constant 0 : i32
      %sign3A_883 = arith.cmpi sgt, %jit3A_873, %sign3A_882 : i32
      %sign3A_884 = arith.extui %sign3A_883 : i1 to i32
      %sign3A_885 = arith.constant 0 : i32
      %sign3A_886 = arith.cmpi slt, %jit3A_873, %sign3A_885 : i32
      %sign3A_887 = arith.extui %sign3A_886 : i1 to i32
      %sign3A_888 = arith.subi %sign3A_884, %sign3A_887 : i32
      %ne3A_889 = arith.cmpi ne, %sign3A_881, %sign3A_888 : i32
      %rem3A_890 = arith.remsi %squeeze3A_845, %jit3A_873 : i32
      %ne3A_891 = arith.constant 0 : i32
      %ne3A_892 = arith.cmpi ne, %rem3A_890, %ne3A_891 : i32
      %and3A_893 = arith.andi %ne3A_889, %ne3A_892 : i1
      %sub3A_894 = arith.constant 1 : i32
      %sub3A_895 = arith.subi %div3A_874, %sub3A_894 : i32
      %select_n3A_896 = arith.select %and3A_893, %sub3A_895, %div3A_874 : i32
      %mul3A_897 = arith.constant 128 : i32
      %mul3A_898 = arith.muli %select_n3A_896, %mul3A_897 : i32
      %multiple_of3A_899 = tpu.assume_multiple %mul3A_898, 128 : i32
      %dma_start3A_900 = arith.constant 0 : i32
      %dma_start3A_901 = tpu.memref_slice %arg4[%dma_start3A_900, %multiple_of3A_872] : memref<32x1000000xf32, #tpu.memory_space<hbm>> -> memref<32x128xf32, #tpu.memory_space<hbm>>
      %dma_start3A_902 = arith.constant 0 : i32
      %dma_start3A_903 = tpu.memref_slice %arg4[%dma_start3A_902, %multiple_of3A_872] : memref<32x1000000xf32, #tpu.memory_space<hbm>> -> memref<32x128xf32, #tpu.memory_space<hbm>>
      tpu.enqueue_dma source(%dma_start3A_903 : memref<32x128xf32, #tpu.memory_space<hbm>>) target(%arg12 : memref<32x128xf32, #tpu.memory_space<vmem>>) target_semaphore(%arg30 : memref<!tpu.dma_semaphore, #tpu.memory_space<semaphore_mem>>)
      %dma_start3A_904 = arith.constant 0 : i32
      %dma_start3A_905 = tpu.memref_slice %arg5[%dma_start3A_904, %multiple_of3A_899] : memref<32x1000000xf32, #tpu.memory_space<hbm>> -> memref<32x128xf32, #tpu.memory_space<hbm>>
      %dma_start3A_906 = arith.constant 0 : i32
      %dma_start3A_907 = tpu.memref_slice %arg5[%dma_start3A_906, %multiple_of3A_899] : memref<32x1000000xf32, #tpu.memory_space<hbm>> -> memref<32x128xf32, #tpu.memory_space<hbm>>
      tpu.enqueue_dma source(%dma_start3A_907 : memref<32x128xf32, #tpu.memory_space<hbm>>) target(%arg20 : memref<32x128xf32, #tpu.memory_space<vmem>>) target_semaphore(%arg38 : memref<!tpu.dma_semaphore, #tpu.memory_space<semaphore_mem>>)
      %dma_wait3A_908 = arith.constant 0 : i32
      %dma_wait3A_909 = arith.constant 0 : i32
      %dma_wait3A_910 = tpu.memref_slice %arg4[%dma_wait3A_908, %dma_wait3A_909] : memref<32x1000000xf32, #tpu.memory_space<hbm>> -> memref<32x128xf32, #tpu.memory_space<hbm>>
      %dma_wait3A_911 = arith.constant 0 : i32
      %dma_wait3A_912 = arith.constant 0 : i32
      %dma_wait3A_913 = tpu.memref_slice %arg4[%dma_wait3A_911, %dma_wait3A_912] : memref<32x1000000xf32, #tpu.memory_space<hbm>> -> memref<32x128xf32, #tpu.memory_space<hbm>>
      tpu.wait_dma2 semaphore(%arg31 : memref<!tpu.dma_semaphore, #tpu.memory_space<semaphore_mem>>) src(%dma_wait3A_913 : memref<32x128xf32, #tpu.memory_space<hbm>>) dst(%arg13 : memref<32x128xf32, #tpu.memory_space<vmem>>)
      %dma_wait3A_914 = arith.constant 0 : i32
      %dma_wait3A_915 = arith.constant 0 : i32
      %dma_wait3A_916 = tpu.memref_slice %arg5[%dma_wait3A_914, %dma_wait3A_915] : memref<32x1000000xf32, #tpu.memory_space<hbm>> -> memref<32x128xf32, #tpu.memory_space<hbm>>
      %dma_wait3A_917 = arith.constant 0 : i32
      %dma_wait3A_918 = arith.constant 0 : i32
      %dma_wait3A_919 = tpu.memref_slice %arg5[%dma_wait3A_917, %dma_wait3A_918] : memref<32x1000000xf32, #tpu.memory_space<hbm>> -> memref<32x128xf32, #tpu.memory_space<hbm>>
      tpu.wait_dma2 semaphore(%arg39 : memref<!tpu.dma_semaphore, #tpu.memory_space<semaphore_mem>>) src(%dma_wait3A_919 : memref<32x128xf32, #tpu.memory_space<hbm>>) dst(%arg21 : memref<32x128xf32, #tpu.memory_space<vmem>>)
      %add3A_920 = arith.constant 3 : i32
      %add3A_921 = arith.addi %mul3A_532, %add3A_920 : i32
      %slice3A_922 = vector.extract_strided_slice %get3A_534 {offsets = [3], sizes = [1], strides = [1]} : vector<16xi32> to vector<1xi32>
      %squeeze3A_923 = vector.extract %slice3A_922[0] : i32 from vector<1xi32>
      %slice3A_924 = vector.extract_strided_slice %get3A_536 {offsets = [3], sizes = [1], strides = [1]} : vector<16xi32> to vector<1xi32>
      %squeeze3A_925 = vector.extract %slice3A_924[0] : i32 from vector<1xi32>
      %broadcast_in_dim3A_926 = vector.broadcast %add3A_921 : i32 to vector<16xi32>
      %jit3A_927 = arith.constant 128 : i32
      %eq3A_928 = arith.constant 0 : i32
      %eq3A_929 = arith.cmpi eq, %jit3A_927, %eq3A_928 : i32
      %jit3A_930 = arith.constant 1 : i32
      %select_n3A_931 = arith.select %eq3A_929, %jit3A_930, %jit3A_927 : i32
      %rem3A_932 = arith.remsi %squeeze3A_923, %select_n3A_931 : i32
      %ne3A_933 = arith.constant 0 : i32
      %ne3A_934 = arith.cmpi ne, %rem3A_932, %ne3A_933 : i32
      %lt3A_935 = arith.constant 0 : i32
      %lt3A_936 = arith.cmpi slt, %rem3A_932, %lt3A_935 : i32
      %lt3A_937 = arith.constant 0 : i32
      %lt3A_938 = arith.cmpi slt, %select_n3A_931, %lt3A_937 : i32
      %ne3A_939 = arith.xori %lt3A_936, %lt3A_938 : i1
      %and3A_940 = arith.andi %ne3A_939, %ne3A_934 : i1
      %add3A_941 = arith.addi %rem3A_932, %select_n3A_931 : i32
      %select_n3A_942 = arith.select %and3A_940, %add3A_941, %rem3A_932 : i32
      %broadcast_in_dim3A_943 = vector.broadcast %select_n3A_942 : i32 to vector<16xi32>
      %jit3A_944 = arith.constant 128 : i32
      %eq3A_945 = arith.constant 0 : i32
      %eq3A_946 = arith.cmpi eq, %jit3A_944, %eq3A_945 : i32
      %jit3A_947 = arith.constant 1 : i32
      %select_n3A_948 = arith.select %eq3A_946, %jit3A_947, %jit3A_944 : i32
      %rem3A_949 = arith.remsi %squeeze3A_925, %select_n3A_948 : i32
      %ne3A_950 = arith.constant 0 : i32
      %ne3A_951 = arith.cmpi ne, %rem3A_949, %ne3A_950 : i32
      %lt3A_952 = arith.constant 0 : i32
      %lt3A_953 = arith.cmpi slt, %rem3A_949, %lt3A_952 : i32
      %lt3A_954 = arith.constant 0 : i32
      %lt3A_955 = arith.cmpi slt, %select_n3A_948, %lt3A_954 : i32
      %ne3A_956 = arith.xori %lt3A_953, %lt3A_955 : i1
      %and3A_957 = arith.andi %ne3A_956, %ne3A_951 : i1
      %add3A_958 = arith.addi %rem3A_949, %select_n3A_948 : i32
      %select_n3A_959 = arith.select %and3A_957, %add3A_958, %rem3A_949 : i32
      %broadcast_in_dim3A_960 = vector.broadcast %select_n3A_959 : i32 to vector<16xi32>
      %gather3A_961 = tpu.vector_load_idx %arg13[%iota3A, %broadcast_in_dim3A_943] : memref<32x128xf32, #tpu.memory_space<vmem>>[vector<16xi32>, vector<16xi32>], vector<16xf32>,
      tpu.vector_store_idx %arg26[%iota3A, %broadcast_in_dim3A_926], %gather3A_961 : memref<32x512xf32, #tpu.memory_space<vmem>>[vector<16xi32>, vector<16xi32>], vector<16xf32>,
      %gather3A_962 = tpu.vector_load_idx %arg13[%add3A_5, %broadcast_in_dim3A_943] : memref<32x128xf32, #tpu.memory_space<vmem>>[vector<16xi32>, vector<16xi32>], vector<16xf32>,
      tpu.vector_store_idx %arg26[%add3A_5, %broadcast_in_dim3A_926], %gather3A_962 : memref<32x512xf32, #tpu.memory_space<vmem>>[vector<16xi32>, vector<16xi32>], vector<16xf32>,
      %gather3A_963 = tpu.vector_load_idx %arg21[%iota3A, %broadcast_in_dim3A_960] : memref<32x128xf32, #tpu.memory_space<vmem>>[vector<16xi32>, vector<16xi32>], vector<16xf32>,
      tpu.vector_store_idx %arg27[%iota3A, %broadcast_in_dim3A_926], %gather3A_963 : memref<32x512xf32, #tpu.memory_space<vmem>>[vector<16xi32>, vector<16xi32>], vector<16xf32>,
      %gather3A_964 = tpu.vector_load_idx %arg21[%add3A_5, %broadcast_in_dim3A_960] : memref<32x128xf32, #tpu.memory_space<vmem>>[vector<16xi32>, vector<16xi32>], vector<16xf32>,
      tpu.vector_store_idx %arg27[%add3A_5, %broadcast_in_dim3A_926], %gather3A_964 : memref<32x512xf32, #tpu.memory_space<vmem>>[vector<16xi32>, vector<16xi32>], vector<16xf32>,
      %slice3A_965 = vector.extract_strided_slice %get3A_534 {offsets = [11], sizes = [1], strides = [1]} : vector<16xi32> to vector<1xi32>
      %squeeze3A_966 = vector.extract %slice3A_965[0] : i32 from vector<1xi32>
      %slice3A_967 = vector.extract_strided_slice %get3A_536 {offsets = [11], sizes = [1], strides = [1]} : vector<16xi32> to vector<1xi32>
      %squeeze3A_968 = vector.extract %slice3A_967[0] : i32 from vector<1xi32>
      %jit3A_969 = arith.constant 128 : i32
      %div3A_970 = arith.divsi %squeeze3A_966, %jit3A_969 : i32
      %sign3A_971 = arith.constant 0 : i32
      %sign3A_972 = arith.cmpi sgt, %squeeze3A_966, %sign3A_971 : i32
      %sign3A_973 = arith.extui %sign3A_972 : i1 to i32
      %sign3A_974 = arith.constant 0 : i32
      %sign3A_975 = arith.cmpi slt, %squeeze3A_966, %sign3A_974 : i32
      %sign3A_976 = arith.extui %sign3A_975 : i1 to i32
      %sign3A_977 = arith.subi %sign3A_973, %sign3A_976 : i32
      %sign3A_978 = arith.constant 0 : i32
      %sign3A_979 = arith.cmpi sgt, %jit3A_969, %sign3A_978 : i32
      %sign3A_980 = arith.extui %sign3A_979 : i1 to i32
      %sign3A_981 = arith.constant 0 : i32
      %sign3A_982 = arith.cmpi slt, %jit3A_969, %sign3A_981 : i32
      %sign3A_983 = arith.extui %sign3A_982 : i1 to i32
      %sign3A_984 = arith.subi %sign3A_980, %sign3A_983 : i32
      %ne3A_985 = arith.cmpi ne, %sign3A_977, %sign3A_984 : i32
      %rem3A_986 = arith.remsi %squeeze3A_966, %jit3A_969 : i32
      %ne3A_987 = arith.constant 0 : i32
      %ne3A_988 = arith.cmpi ne, %rem3A_986, %ne3A_987 : i32
      %and3A_989 = arith.andi %ne3A_985, %ne3A_988 : i1
      %sub3A_990 = arith.constant 1 : i32
      %sub3A_991 = arith.subi %div3A_970, %sub3A_990 : i32
      %select_n3A_992 = arith.select %and3A_989, %sub3A_991, %div3A_970 : i32
      %mul3A_993 = arith.constant 128 : i32
      %mul3A_994 = arith.muli %select_n3A_992, %mul3A_993 : i32
      %multiple_of3A_995 = tpu.assume_multiple %mul3A_994, 128 : i32
      %jit3A_996 = arith.constant 128 : i32
      %div3A_997 = arith.divsi %squeeze3A_968, %jit3A_996 : i32
      %sign3A_998 = arith.constant 0 : i32
      %sign3A_999 = arith.cmpi sgt, %squeeze3A_968, %sign3A_998 : i32
      %sign3A_1000 = arith.extui %sign3A_999 : i1 to i32
      %sign3A_1001 = arith.constant 0 : i32
      %sign3A_1002 = arith.cmpi slt, %squeeze3A_968, %sign3A_1001 : i32
      %sign3A_1003 = arith.extui %sign3A_1002 : i1 to i32
      %sign3A_1004 = arith.subi %sign3A_1000, %sign3A_1003 : i32
      %sign3A_1005 = arith.constant 0 : i32
      %sign3A_1006 = arith.cmpi sgt, %jit3A_996, %sign3A_1005 : i32
      %sign3A_1007 = arith.extui %sign3A_1006 : i1 to i32
      %sign3A_1008 = arith.constant 0 : i32
      %sign3A_1009 = arith.cmpi slt, %jit3A_996, %sign3A_1008 : i32
      %sign3A_1010 = arith.extui %sign3A_1009 : i1 to i32
      %sign3A_1011 = arith.subi %sign3A_1007, %sign3A_1010 : i32
      %ne3A_1012 = arith.cmpi ne, %sign3A_1004, %sign3A_1011 : i32
      %rem3A_1013 = arith.remsi %squeeze3A_968, %jit3A_996 : i32
      %ne3A_1014 = arith.constant 0 : i32
      %ne3A_1015 = arith.cmpi ne, %rem3A_1013, %ne3A_1014 : i32
      %and3A_1016 = arith.andi %ne3A_1012, %ne3A_1015 : i1
      %sub3A_1017 = arith.constant 1 : i32
      %sub3A_1018 = arith.subi %div3A_997, %sub3A_1017 : i32
      %select_n3A_1019 = arith.select %and3A_1016, %sub3A_1018, %div3A_997 : i32
      %mul3A_1020 = arith.constant 128 : i32
      %mul3A_1021 = arith.muli %select_n3A_1019, %mul3A_1020 : i32
      %multiple_of3A_1022 = tpu.assume_multiple %mul3A_1021, 128 : i32
      %dma_start3A_1023 = arith.constant 0 : i32
      %dma_start3A_1024 = tpu.memref_slice %arg4[%dma_start3A_1023, %multiple_of3A_995] : memref<32x1000000xf32, #tpu.memory_space<hbm>> -> memref<32x128xf32, #tpu.memory_space<hbm>>
      %dma_start3A_1025 = arith.constant 0 : i32
      %dma_start3A_1026 = tpu.memref_slice %arg4[%dma_start3A_1025, %multiple_of3A_995] : memref<32x1000000xf32, #tpu.memory_space<hbm>> -> memref<32x128xf32, #tpu.memory_space<hbm>>
      tpu.enqueue_dma source(%dma_start3A_1026 : memref<32x128xf32, #tpu.memory_space<hbm>>) target(%arg13 : memref<32x128xf32, #tpu.memory_space<vmem>>) target_semaphore(%arg31 : memref<!tpu.dma_semaphore, #tpu.memory_space<semaphore_mem>>)
      %dma_start3A_1027 = arith.constant 0 : i32
      %dma_start3A_1028 = tpu.memref_slice %arg5[%dma_start3A_1027, %multiple_of3A_1022] : memref<32x1000000xf32, #tpu.memory_space<hbm>> -> memref<32x128xf32, #tpu.memory_space<hbm>>
      %dma_start3A_1029 = arith.constant 0 : i32
      %dma_start3A_1030 = tpu.memref_slice %arg5[%dma_start3A_1029, %multiple_of3A_1022] : memref<32x1000000xf32, #tpu.memory_space<hbm>> -> memref<32x128xf32, #tpu.memory_space<hbm>>
      tpu.enqueue_dma source(%dma_start3A_1030 : memref<32x128xf32, #tpu.memory_space<hbm>>) target(%arg21 : memref<32x128xf32, #tpu.memory_space<vmem>>) target_semaphore(%arg39 : memref<!tpu.dma_semaphore, #tpu.memory_space<semaphore_mem>>)
      %dma_wait3A_1031 = arith.constant 0 : i32
      %dma_wait3A_1032 = arith.constant 0 : i32
      %dma_wait3A_1033 = tpu.memref_slice %arg4[%dma_wait3A_1031, %dma_wait3A_1032] : memref<32x1000000xf32, #tpu.memory_space<hbm>> -> memref<32x128xf32, #tpu.memory_space<hbm>>
      %dma_wait3A_1034 = arith.constant 0 : i32
      %dma_wait3A_1035 = arith.constant 0 : i32
      %dma_wait3A_1036 = tpu.memref_slice %arg4[%dma_wait3A_1034, %dma_wait3A_1035] : memref<32x1000000xf32, #tpu.memory_space<hbm>> -> memref<32x128xf32, #tpu.memory_space<hbm>>
      tpu.wait_dma2 semaphore(%arg32 : memref<!tpu.dma_semaphore, #tpu.memory_space<semaphore_mem>>) src(%dma_wait3A_1036 : memref<32x128xf32, #tpu.memory_space<hbm>>) dst(%arg14 : memref<32x128xf32, #tpu.memory_space<vmem>>)
      %dma_wait3A_1037 = arith.constant 0 : i32
      %dma_wait3A_1038 = arith.constant 0 : i32
      %dma_wait3A_1039 = tpu.memref_slice %arg5[%dma_wait3A_1037, %dma_wait3A_1038] : memref<32x1000000xf32, #tpu.memory_space<hbm>> -> memref<32x128xf32, #tpu.memory_space<hbm>>
      %dma_wait3A_1040 = arith.constant 0 : i32
      %dma_wait3A_1041 = arith.constant 0 : i32
      %dma_wait3A_1042 = tpu.memref_slice %arg5[%dma_wait3A_1040, %dma_wait3A_1041] : memref<32x1000000xf32, #tpu.memory_space<hbm>> -> memref<32x128xf32, #tpu.memory_space<hbm>>
      tpu.wait_dma2 semaphore(%arg40 : memref<!tpu.dma_semaphore, #tpu.memory_space<semaphore_mem>>) src(%dma_wait3A_1042 : memref<32x128xf32, #tpu.memory_space<hbm>>) dst(%arg22 : memref<32x128xf32, #tpu.memory_space<vmem>>)
      %add3A_1043 = arith.constant 4 : i32
      %add3A_1044 = arith.addi %mul3A_532, %add3A_1043 : i32
      %slice3A_1045 = vector.extract_strided_slice %get3A_534 {offsets = [4], sizes = [1], strides = [1]} : vector<16xi32> to vector<1xi32>
      %squeeze3A_1046 = vector.extract %slice3A_1045[0] : i32 from vector<1xi32>
      %slice3A_1047 = vector.extract_strided_slice %get3A_536 {offsets = [4], sizes = [1], strides = [1]} : vector<16xi32> to vector<1xi32>
      %squeeze3A_1048 = vector.extract %slice3A_1047[0] : i32 from vector<1xi32>
      %broadcast_in_dim3A_1049 = vector.broadcast %add3A_1044 : i32 to vector<16xi32>
      %jit3A_1050 = arith.constant 128 : i32
      %eq3A_1051 = arith.constant 0 : i32
      %eq3A_1052 = arith.cmpi eq, %jit3A_1050, %eq3A_1051 : i32
      %jit3A_1053 = arith.constant 1 : i32
      %select_n3A_1054 = arith.select %eq3A_1052, %jit3A_1053, %jit3A_1050 : i32
      %rem3A_1055 = arith.remsi %squeeze3A_1046, %select_n3A_1054 : i32
      %ne3A_1056 = arith.constant 0 : i32
      %ne3A_1057 = arith.cmpi ne, %rem3A_1055, %ne3A_1056 : i32
      %lt3A_1058 = arith.constant 0 : i32
      %lt3A_1059 = arith.cmpi slt, %rem3A_1055, %lt3A_1058 : i32
      %lt3A_1060 = arith.constant 0 : i32
      %lt3A_1061 = arith.cmpi slt, %select_n3A_1054, %lt3A_1060 : i32
      %ne3A_1062 = arith.xori %lt3A_1059, %lt3A_1061 : i1
      %and3A_1063 = arith.andi %ne3A_1062, %ne3A_1057 : i1
      %add3A_1064 = arith.addi %rem3A_1055, %select_n3A_1054 : i32
      %select_n3A_1065 = arith.select %and3A_1063, %add3A_1064, %rem3A_1055 : i32
      %broadcast_in_dim3A_1066 = vector.broadcast %select_n3A_1065 : i32 to vector<16xi32>
      %jit3A_1067 = arith.constant 128 : i32
      %eq3A_1068 = arith.constant 0 : i32
      %eq3A_1069 = arith.cmpi eq, %jit3A_1067, %eq3A_1068 : i32
      %jit3A_1070 = arith.constant 1 : i32
      %select_n3A_1071 = arith.select %eq3A_1069, %jit3A_1070, %jit3A_1067 : i32
      %rem3A_1072 = arith.remsi %squeeze3A_1048, %select_n3A_1071 : i32
      %ne3A_1073 = arith.constant 0 : i32
      %ne3A_1074 = arith.cmpi ne, %rem3A_1072, %ne3A_1073 : i32
      %lt3A_1075 = arith.constant 0 : i32
      %lt3A_1076 = arith.cmpi slt, %rem3A_1072, %lt3A_1075 : i32
      %lt3A_1077 = arith.constant 0 : i32
      %lt3A_1078 = arith.cmpi slt, %select_n3A_1071, %lt3A_1077 : i32
      %ne3A_1079 = arith.xori %lt3A_1076, %lt3A_1078 : i1
      %and3A_1080 = arith.andi %ne3A_1079, %ne3A_1074 : i1
      %add3A_1081 = arith.addi %rem3A_1072, %select_n3A_1071 : i32
      %select_n3A_1082 = arith.select %and3A_1080, %add3A_1081, %rem3A_1072 : i32
      %broadcast_in_dim3A_1083 = vector.broadcast %select_n3A_1082 : i32 to vector<16xi32>
      %gather3A_1084 = tpu.vector_load_idx %arg14[%iota3A, %broadcast_in_dim3A_1066] : memref<32x128xf32, #tpu.memory_space<vmem>>[vector<16xi32>, vector<16xi32>], vector<16xf32>,
      tpu.vector_store_idx %arg26[%iota3A, %broadcast_in_dim3A_1049], %gather3A_1084 : memref<32x512xf32, #tpu.memory_space<vmem>>[vector<16xi32>, vector<16xi32>], vector<16xf32>,
      %gather3A_1085 = tpu.vector_load_idx %arg14[%add3A_5, %broadcast_in_dim3A_1066] : memref<32x128xf32, #tpu.memory_space<vmem>>[vector<16xi32>, vector<16xi32>], vector<16xf32>,
      tpu.vector_store_idx %arg26[%add3A_5, %broadcast_in_dim3A_1049], %gather3A_1085 : memref<32x512xf32, #tpu.memory_space<vmem>>[vector<16xi32>, vector<16xi32>], vector<16xf32>,
      %gather3A_1086 = tpu.vector_load_idx %arg22[%iota3A, %broadcast_in_dim3A_1083] : memref<32x128xf32, #tpu.memory_space<vmem>>[vector<16xi32>, vector<16xi32>], vector<16xf32>,
      tpu.vector_store_idx %arg27[%iota3A, %broadcast_in_dim3A_1049], %gather3A_1086 : memref<32x512xf32, #tpu.memory_space<vmem>>[vector<16xi32>, vector<16xi32>], vector<16xf32>,
      %gather3A_1087 = tpu.vector_load_idx %arg22[%add3A_5, %broadcast_in_dim3A_1083] : memref<32x128xf32, #tpu.memory_space<vmem>>[vector<16xi32>, vector<16xi32>], vector<16xf32>,
      tpu.vector_store_idx %arg27[%add3A_5, %broadcast_in_dim3A_1049], %gather3A_1087 : memref<32x512xf32, #tpu.memory_space<vmem>>[vector<16xi32>, vector<16xi32>], vector<16xf32>,
      %slice3A_1088 = vector.extract_strided_slice %get3A_534 {offsets = [12], sizes = [1], strides = [1]} : vector<16xi32> to vector<1xi32>
      %squeeze3A_1089 = vector.extract %slice3A_1088[0] : i32 from vector<1xi32>
      %slice3A_1090 = vector.extract_strided_slice %get3A_536 {offsets = [12], sizes = [1], strides = [1]} : vector<16xi32> to vector<1xi32>
      %squeeze3A_1091 = vector.extract %slice3A_1090[0] : i32 from vector<1xi32>
      %jit3A_1092 = arith.constant 128 : i32
      %div3A_1093 = arith.divsi %squeeze3A_1089, %jit3A_1092 : i32
      %sign3A_1094 = arith.constant 0 : i32
      %sign3A_1095 = arith.cmpi sgt, %squeeze3A_1089, %sign3A_1094 : i32
      %sign3A_1096 = arith.extui %sign3A_1095 : i1 to i32
      %sign3A_1097 = arith.constant 0 : i32
      %sign3A_1098 = arith.cmpi slt, %squeeze3A_1089, %sign3A_1097 : i32
      %sign3A_1099 = arith.extui %sign3A_1098 : i1 to i32
      %sign3A_1100 = arith.subi %sign3A_1096, %sign3A_1099 : i32
      %sign3A_1101 = arith.constant 0 : i32
      %sign3A_1102 = arith.cmpi sgt, %jit3A_1092, %sign3A_1101 : i32
      %sign3A_1103 = arith.extui %sign3A_1102 : i1 to i32
      %sign3A_1104 = arith.constant 0 : i32
      %sign3A_1105 = arith.cmpi slt, %jit3A_1092, %sign3A_1104 : i32
      %sign3A_1106 = arith.extui %sign3A_1105 : i1 to i32
      %sign3A_1107 = arith.subi %sign3A_1103, %sign3A_1106 : i32
      %ne3A_1108 = arith.cmpi ne, %sign3A_1100, %sign3A_1107 : i32
      %rem3A_1109 = arith.remsi %squeeze3A_1089, %jit3A_1092 : i32
      %ne3A_1110 = arith.constant 0 : i32
      %ne3A_1111 = arith.cmpi ne, %rem3A_1109, %ne3A_1110 : i32
      %and3A_1112 = arith.andi %ne3A_1108, %ne3A_1111 : i1
      %sub3A_1113 = arith.constant 1 : i32
      %sub3A_1114 = arith.subi %div3A_1093, %sub3A_1113 : i32
      %select_n3A_1115 = arith.select %and3A_1112, %sub3A_1114, %div3A_1093 : i32
      %mul3A_1116 = arith.constant 128 : i32
      %mul3A_1117 = arith.muli %select_n3A_1115, %mul3A_1116 : i32
      %multiple_of3A_1118 = tpu.assume_multiple %mul3A_1117, 128 : i32
      %jit3A_1119 = arith.constant 128 : i32
      %div3A_1120 = arith.divsi %squeeze3A_1091, %jit3A_1119 : i32
      %sign3A_1121 = arith.constant 0 : i32
      %sign3A_1122 = arith.cmpi sgt, %squeeze3A_1091, %sign3A_1121 : i32
      %sign3A_1123 = arith.extui %sign3A_1122 : i1 to i32
      %sign3A_1124 = arith.constant 0 : i32
      %sign3A_1125 = arith.cmpi slt, %squeeze3A_1091, %sign3A_1124 : i32
      %sign3A_1126 = arith.extui %sign3A_1125 : i1 to i32
      %sign3A_1127 = arith.subi %sign3A_1123, %sign3A_1126 : i32
      %sign3A_1128 = arith.constant 0 : i32
      %sign3A_1129 = arith.cmpi sgt, %jit3A_1119, %sign3A_1128 : i32
      %sign3A_1130 = arith.extui %sign3A_1129 : i1 to i32
      %sign3A_1131 = arith.constant 0 : i32
      %sign3A_1132 = arith.cmpi slt, %jit3A_1119, %sign3A_1131 : i32
      %sign3A_1133 = arith.extui %sign3A_1132 : i1 to i32
      %sign3A_1134 = arith.subi %sign3A_1130, %sign3A_1133 : i32
      %ne3A_1135 = arith.cmpi ne, %sign3A_1127, %sign3A_1134 : i32
      %rem3A_1136 = arith.remsi %squeeze3A_1091, %jit3A_1119 : i32
      %ne3A_1137 = arith.constant 0 : i32
      %ne3A_1138 = arith.cmpi ne, %rem3A_1136, %ne3A_1137 : i32
      %and3A_1139 = arith.andi %ne3A_1135, %ne3A_1138 : i1
      %sub3A_1140 = arith.constant 1 : i32
      %sub3A_1141 = arith.subi %div3A_1120, %sub3A_1140 : i32
      %select_n3A_1142 = arith.select %and3A_1139, %sub3A_1141, %div3A_1120 : i32
      %mul3A_1143 = arith.constant 128 : i32
      %mul3A_1144 = arith.muli %select_n3A_1142, %mul3A_1143 : i32
      %multiple_of3A_1145 = tpu.assume_multiple %mul3A_1144, 128 : i32
      %dma_start3A_1146 = arith.constant 0 : i32
      %dma_start3A_1147 = tpu.memref_slice %arg4[%dma_start3A_1146, %multiple_of3A_1118] : memref<32x1000000xf32, #tpu.memory_space<hbm>> -> memref<32x128xf32, #tpu.memory_space<hbm>>
      %dma_start3A_1148 = arith.constant 0 : i32
      %dma_start3A_1149 = tpu.memref_slice %arg4[%dma_start3A_1148, %multiple_of3A_1118] : memref<32x1000000xf32, #tpu.memory_space<hbm>> -> memref<32x128xf32, #tpu.memory_space<hbm>>
      tpu.enqueue_dma source(%dma_start3A_1149 : memref<32x128xf32, #tpu.memory_space<hbm>>) target(%arg14 : memref<32x128xf32, #tpu.memory_space<vmem>>) target_semaphore(%arg32 : memref<!tpu.dma_semaphore, #tpu.memory_space<semaphore_mem>>)
      %dma_start3A_1150 = arith.constant 0 : i32
      %dma_start3A_1151 = tpu.memref_slice %arg5[%dma_start3A_1150, %multiple_of3A_1145] : memref<32x1000000xf32, #tpu.memory_space<hbm>> -> memref<32x128xf32, #tpu.memory_space<hbm>>
      %dma_start3A_1152 = arith.constant 0 : i32
      %dma_start3A_1153 = tpu.memref_slice %arg5[%dma_start3A_1152, %multiple_of3A_1145] : memref<32x1000000xf32, #tpu.memory_space<hbm>> -> memref<32x128xf32, #tpu.memory_space<hbm>>
      tpu.enqueue_dma source(%dma_start3A_1153 : memref<32x128xf32, #tpu.memory_space<hbm>>) target(%arg22 : memref<32x128xf32, #tpu.memory_space<vmem>>) target_semaphore(%arg40 : memref<!tpu.dma_semaphore, #tpu.memory_space<semaphore_mem>>)
      %dma_wait3A_1154 = arith.constant 0 : i32
      %dma_wait3A_1155 = arith.constant 0 : i32
      %dma_wait3A_1156 = tpu.memref_slice %arg4[%dma_wait3A_1154, %dma_wait3A_1155] : memref<32x1000000xf32, #tpu.memory_space<hbm>> -> memref<32x128xf32, #tpu.memory_space<hbm>>
      %dma_wait3A_1157 = arith.constant 0 : i32
      %dma_wait3A_1158 = arith.constant 0 : i32
      %dma_wait3A_1159 = tpu.memref_slice %arg4[%dma_wait3A_1157, %dma_wait3A_1158] : memref<32x1000000xf32, #tpu.memory_space<hbm>> -> memref<32x128xf32, #tpu.memory_space<hbm>>
      tpu.wait_dma2 semaphore(%arg33 : memref<!tpu.dma_semaphore, #tpu.memory_space<semaphore_mem>>) src(%dma_wait3A_1159 : memref<32x128xf32, #tpu.memory_space<hbm>>) dst(%arg15 : memref<32x128xf32, #tpu.memory_space<vmem>>)
      %dma_wait3A_1160 = arith.constant 0 : i32
      %dma_wait3A_1161 = arith.constant 0 : i32
      %dma_wait3A_1162 = tpu.memref_slice %arg5[%dma_wait3A_1160, %dma_wait3A_1161] : memref<32x1000000xf32, #tpu.memory_space<hbm>> -> memref<32x128xf32, #tpu.memory_space<hbm>>
      %dma_wait3A_1163 = arith.constant 0 : i32
      %dma_wait3A_1164 = arith.constant 0 : i32
      %dma_wait3A_1165 = tpu.memref_slice %arg5[%dma_wait3A_1163, %dma_wait3A_1164] : memref<32x1000000xf32, #tpu.memory_space<hbm>> -> memref<32x128xf32, #tpu.memory_space<hbm>>
      tpu.wait_dma2 semaphore(%arg41 : memref<!tpu.dma_semaphore, #tpu.memory_space<semaphore_mem>>) src(%dma_wait3A_1165 : memref<32x128xf32, #tpu.memory_space<hbm>>) dst(%arg23 : memref<32x128xf32, #tpu.memory_space<vmem>>)
      %add3A_1166 = arith.constant 5 : i32
      %add3A_1167 = arith.addi %mul3A_532, %add3A_1166 : i32
      %slice3A_1168 = vector.extract_strided_slice %get3A_534 {offsets = [5], sizes = [1], strides = [1]} : vector<16xi32> to vector<1xi32>
      %squeeze3A_1169 = vector.extract %slice3A_1168[0] : i32 from vector<1xi32>
      %slice3A_1170 = vector.extract_strided_slice %get3A_536 {offsets = [5], sizes = [1], strides = [1]} : vector<16xi32> to vector<1xi32>
      %squeeze3A_1171 = vector.extract %slice3A_1170[0] : i32 from vector<1xi32>
      %broadcast_in_dim3A_1172 = vector.broadcast %add3A_1167 : i32 to vector<16xi32>
      %jit3A_1173 = arith.constant 128 : i32
      %eq3A_1174 = arith.constant 0 : i32
      %eq3A_1175 = arith.cmpi eq, %jit3A_1173, %eq3A_1174 : i32
      %jit3A_1176 = arith.constant 1 : i32
      %select_n3A_1177 = arith.select %eq3A_1175, %jit3A_1176, %jit3A_1173 : i32
      %rem3A_1178 = arith.remsi %squeeze3A_1169, %select_n3A_1177 : i32
      %ne3A_1179 = arith.constant 0 : i32
      %ne3A_1180 = arith.cmpi ne, %rem3A_1178, %ne3A_1179 : i32
      %lt3A_1181 = arith.constant 0 : i32
      %lt3A_1182 = arith.cmpi slt, %rem3A_1178, %lt3A_1181 : i32
      %lt3A_1183 = arith.constant 0 : i32
      %lt3A_1184 = arith.cmpi slt, %select_n3A_1177, %lt3A_1183 : i32
      %ne3A_1185 = arith.xori %lt3A_1182, %lt3A_1184 : i1
      %and3A_1186 = arith.andi %ne3A_1185, %ne3A_1180 : i1
      %add3A_1187 = arith.addi %rem3A_1178, %select_n3A_1177 : i32
      %select_n3A_1188 = arith.select %and3A_1186, %add3A_1187, %rem3A_1178 : i32
      %broadcast_in_dim3A_1189 = vector.broadcast %select_n3A_1188 : i32 to vector<16xi32>
      %jit3A_1190 = arith.constant 128 : i32
      %eq3A_1191 = arith.constant 0 : i32
      %eq3A_1192 = arith.cmpi eq, %jit3A_1190, %eq3A_1191 : i32
      %jit3A_1193 = arith.constant 1 : i32
      %select_n3A_1194 = arith.select %eq3A_1192, %jit3A_1193, %jit3A_1190 : i32
      %rem3A_1195 = arith.remsi %squeeze3A_1171, %select_n3A_1194 : i32
      %ne3A_1196 = arith.constant 0 : i32
      %ne3A_1197 = arith.cmpi ne, %rem3A_1195, %ne3A_1196 : i32
      %lt3A_1198 = arith.constant 0 : i32
      %lt3A_1199 = arith.cmpi slt, %rem3A_1195, %lt3A_1198 : i32
      %lt3A_1200 = arith.constant 0 : i32
      %lt3A_1201 = arith.cmpi slt, %select_n3A_1194, %lt3A_1200 : i32
      %ne3A_1202 = arith.xori %lt3A_1199, %lt3A_1201 : i1
      %and3A_1203 = arith.andi %ne3A_1202, %ne3A_1197 : i1
      %add3A_1204 = arith.addi %rem3A_1195, %select_n3A_1194 : i32
      %select_n3A_1205 = arith.select %and3A_1203, %add3A_1204, %rem3A_1195 : i32
      %broadcast_in_dim3A_1206 = vector.broadcast %select_n3A_1205 : i32 to vector<16xi32>
      %gather3A_1207 = tpu.vector_load_idx %arg15[%iota3A, %broadcast_in_dim3A_1189] : memref<32x128xf32, #tpu.memory_space<vmem>>[vector<16xi32>, vector<16xi32>], vector<16xf32>,
      tpu.vector_store_idx %arg26[%iota3A, %broadcast_in_dim3A_1172], %gather3A_1207 : memref<32x512xf32, #tpu.memory_space<vmem>>[vector<16xi32>, vector<16xi32>], vector<16xf32>,
      %gather3A_1208 = tpu.vector_load_idx %arg15[%add3A_5, %broadcast_in_dim3A_1189] : memref<32x128xf32, #tpu.memory_space<vmem>>[vector<16xi32>, vector<16xi32>], vector<16xf32>,
      tpu.vector_store_idx %arg26[%add3A_5, %broadcast_in_dim3A_1172], %gather3A_1208 : memref<32x512xf32, #tpu.memory_space<vmem>>[vector<16xi32>, vector<16xi32>], vector<16xf32>,
      %gather3A_1209 = tpu.vector_load_idx %arg23[%iota3A, %broadcast_in_dim3A_1206] : memref<32x128xf32, #tpu.memory_space<vmem>>[vector<16xi32>, vector<16xi32>], vector<16xf32>,
      tpu.vector_store_idx %arg27[%iota3A, %broadcast_in_dim3A_1172], %gather3A_1209 : memref<32x512xf32, #tpu.memory_space<vmem>>[vector<16xi32>, vector<16xi32>], vector<16xf32>,
      %gather3A_1210 = tpu.vector_load_idx %arg23[%add3A_5, %broadcast_in_dim3A_1206] : memref<32x128xf32, #tpu.memory_space<vmem>>[vector<16xi32>, vector<16xi32>], vector<16xf32>,
      tpu.vector_store_idx %arg27[%add3A_5, %broadcast_in_dim3A_1172], %gather3A_1210 : memref<32x512xf32, #tpu.memory_space<vmem>>[vector<16xi32>, vector<16xi32>], vector<16xf32>,
      %slice3A_1211 = vector.extract_strided_slice %get3A_534 {offsets = [13], sizes = [1], strides = [1]} : vector<16xi32> to vector<1xi32>
      %squeeze3A_1212 = vector.extract %slice3A_1211[0] : i32 from vector<1xi32>
      %slice3A_1213 = vector.extract_strided_slice %get3A_536 {offsets = [13], sizes = [1], strides = [1]} : vector<16xi32> to vector<1xi32>
      %squeeze3A_1214 = vector.extract %slice3A_1213[0] : i32 from vector<1xi32>
      %jit3A_1215 = arith.constant 128 : i32
      %div3A_1216 = arith.divsi %squeeze3A_1212, %jit3A_1215 : i32
      %sign3A_1217 = arith.constant 0 : i32
      %sign3A_1218 = arith.cmpi sgt, %squeeze3A_1212, %sign3A_1217 : i32
      %sign3A_1219 = arith.extui %sign3A_1218 : i1 to i32
      %sign3A_1220 = arith.constant 0 : i32
      %sign3A_1221 = arith.cmpi slt, %squeeze3A_1212, %sign3A_1220 : i32
      %sign3A_1222 = arith.extui %sign3A_1221 : i1 to i32
      %sign3A_1223 = arith.subi %sign3A_1219, %sign3A_1222 : i32
      %sign3A_1224 = arith.constant 0 : i32
      %sign3A_1225 = arith.cmpi sgt, %jit3A_1215, %sign3A_1224 : i32
      %sign3A_1226 = arith.extui %sign3A_1225 : i1 to i32
      %sign3A_1227 = arith.constant 0 : i32
      %sign3A_1228 = arith.cmpi slt, %jit3A_1215, %sign3A_1227 : i32
      %sign3A_1229 = arith.extui %sign3A_1228 : i1 to i32
      %sign3A_1230 = arith.subi %sign3A_1226, %sign3A_1229 : i32
      %ne3A_1231 = arith.cmpi ne, %sign3A_1223, %sign3A_1230 : i32
      %rem3A_1232 = arith.remsi %squeeze3A_1212, %jit3A_1215 : i32
      %ne3A_1233 = arith.constant 0 : i32
      %ne3A_1234 = arith.cmpi ne, %rem3A_1232, %ne3A_1233 : i32
      %and3A_1235 = arith.andi %ne3A_1231, %ne3A_1234 : i1
      %sub3A_1236 = arith.constant 1 : i32
      %sub3A_1237 = arith.subi %div3A_1216, %sub3A_1236 : i32
      %select_n3A_1238 = arith.select %and3A_1235, %sub3A_1237, %div3A_1216 : i32
      %mul3A_1239 = arith.constant 128 : i32
      %mul3A_1240 = arith.muli %select_n3A_1238, %mul3A_1239 : i32
      %multiple_of3A_1241 = tpu.assume_multiple %mul3A_1240, 128 : i32
      %jit3A_1242 = arith.constant 128 : i32
      %div3A_1243 = arith.divsi %squeeze3A_1214, %jit3A_1242 : i32
      %sign3A_1244 = arith.constant 0 : i32
      %sign3A_1245 = arith.cmpi sgt, %squeeze3A_1214, %sign3A_1244 : i32
      %sign3A_1246 = arith.extui %sign3A_1245 : i1 to i32
      %sign3A_1247 = arith.constant 0 : i32
      %sign3A_1248 = arith.cmpi slt, %squeeze3A_1214, %sign3A_1247 : i32
      %sign3A_1249 = arith.extui %sign3A_1248 : i1 to i32
      %sign3A_1250 = arith.subi %sign3A_1246, %sign3A_1249 : i32
      %sign3A_1251 = arith.constant 0 : i32
      %sign3A_1252 = arith.cmpi sgt, %jit3A_1242, %sign3A_1251 : i32
      %sign3A_1253 = arith.extui %sign3A_1252 : i1 to i32
      %sign3A_1254 = arith.constant 0 : i32
      %sign3A_1255 = arith.cmpi slt, %jit3A_1242, %sign3A_1254 : i32
      %sign3A_1256 = arith.extui %sign3A_1255 : i1 to i32
      %sign3A_1257 = arith.subi %sign3A_1253, %sign3A_1256 : i32
      %ne3A_1258 = arith.cmpi ne, %sign3A_1250, %sign3A_1257 : i32
      %rem3A_1259 = arith.remsi %squeeze3A_1214, %jit3A_1242 : i32
      %ne3A_1260 = arith.constant 0 : i32
      %ne3A_1261 = arith.cmpi ne, %rem3A_1259, %ne3A_1260 : i32
      %and3A_1262 = arith.andi %ne3A_1258, %ne3A_1261 : i1
      %sub3A_1263 = arith.constant 1 : i32
      %sub3A_1264 = arith.subi %div3A_1243, %sub3A_1263 : i32
      %select_n3A_1265 = arith.select %and3A_1262, %sub3A_1264, %div3A_1243 : i32
      %mul3A_1266 = arith.constant 128 : i32
      %mul3A_1267 = arith.muli %select_n3A_1265, %mul3A_1266 : i32
      %multiple_of3A_1268 = tpu.assume_multiple %mul3A_1267, 128 : i32
      %dma_start3A_1269 = arith.constant 0 : i32
      %dma_start3A_1270 = tpu.memref_slice %arg4[%dma_start3A_1269, %multiple_of3A_1241] : memref<32x1000000xf32, #tpu.memory_space<hbm>> -> memref<32x128xf32, #tpu.memory_space<hbm>>
      %dma_start3A_1271 = arith.constant 0 : i32
      %dma_start3A_1272 = tpu.memref_slice %arg4[%dma_start3A_1271, %multiple_of3A_1241] : memref<32x1000000xf32, #tpu.memory_space<hbm>> -> memref<32x128xf32, #tpu.memory_space<hbm>>
      tpu.enqueue_dma source(%dma_start3A_1272 : memref<32x128xf32, #tpu.memory_space<hbm>>) target(%arg15 : memref<32x128xf32, #tpu.memory_space<vmem>>) target_semaphore(%arg33 : memref<!tpu.dma_semaphore, #tpu.memory_space<semaphore_mem>>)
      %dma_start3A_1273 = arith.constant 0 : i32
      %dma_start3A_1274 = tpu.memref_slice %arg5[%dma_start3A_1273, %multiple_of3A_1268] : memref<32x1000000xf32, #tpu.memory_space<hbm>> -> memref<32x128xf32, #tpu.memory_space<hbm>>
      %dma_start3A_1275 = arith.constant 0 : i32
      %dma_start3A_1276 = tpu.memref_slice %arg5[%dma_start3A_1275, %multiple_of3A_1268] : memref<32x1000000xf32, #tpu.memory_space<hbm>> -> memref<32x128xf32, #tpu.memory_space<hbm>>
      tpu.enqueue_dma source(%dma_start3A_1276 : memref<32x128xf32, #tpu.memory_space<hbm>>) target(%arg23 : memref<32x128xf32, #tpu.memory_space<vmem>>) target_semaphore(%arg41 : memref<!tpu.dma_semaphore, #tpu.memory_space<semaphore_mem>>)
      %dma_wait3A_1277 = arith.constant 0 : i32
      %dma_wait3A_1278 = arith.constant 0 : i32
      %dma_wait3A_1279 = tpu.memref_slice %arg4[%dma_wait3A_1277, %dma_wait3A_1278] : memref<32x1000000xf32, #tpu.memory_space<hbm>> -> memref<32x128xf32, #tpu.memory_space<hbm>>
      %dma_wait3A_1280 = arith.constant 0 : i32
      %dma_wait3A_1281 = arith.constant 0 : i32
      %dma_wait3A_1282 = tpu.memref_slice %arg4[%dma_wait3A_1280, %dma_wait3A_1281] : memref<32x1000000xf32, #tpu.memory_space<hbm>> -> memref<32x128xf32, #tpu.memory_space<hbm>>
      tpu.wait_dma2 semaphore(%arg34 : memref<!tpu.dma_semaphore, #tpu.memory_space<semaphore_mem>>) src(%dma_wait3A_1282 : memref<32x128xf32, #tpu.memory_space<hbm>>) dst(%arg16 : memref<32x128xf32, #tpu.memory_space<vmem>>)
      %dma_wait3A_1283 = arith.constant 0 : i32
      %dma_wait3A_1284 = arith.constant 0 : i32
      %dma_wait3A_1285 = tpu.memref_slice %arg5[%dma_wait3A_1283, %dma_wait3A_1284] : memref<32x1000000xf32, #tpu.memory_space<hbm>> -> memref<32x128xf32, #tpu.memory_space<hbm>>
      %dma_wait3A_1286 = arith.constant 0 : i32
      %dma_wait3A_1287 = arith.constant 0 : i32
      %dma_wait3A_1288 = tpu.memref_slice %arg5[%dma_wait3A_1286, %dma_wait3A_1287] : memref<32x1000000xf32, #tpu.memory_space<hbm>> -> memref<32x128xf32, #tpu.memory_space<hbm>>
      tpu.wait_dma2 semaphore(%arg42 : memref<!tpu.dma_semaphore, #tpu.memory_space<semaphore_mem>>) src(%dma_wait3A_1288 : memref<32x128xf32, #tpu.memory_space<hbm>>) dst(%arg24 : memref<32x128xf32, #tpu.memory_space<vmem>>)
      %add3A_1289 = arith.constant 6 : i32
      %add3A_1290 = arith.addi %mul3A_532, %add3A_1289 : i32
      %slice3A_1291 = vector.extract_strided_slice %get3A_534 {offsets = [6], sizes = [1], strides = [1]} : vector<16xi32> to vector<1xi32>
      %squeeze3A_1292 = vector.extract %slice3A_1291[0] : i32 from vector<1xi32>
      %slice3A_1293 = vector.extract_strided_slice %get3A_536 {offsets = [6], sizes = [1], strides = [1]} : vector<16xi32> to vector<1xi32>
      %squeeze3A_1294 = vector.extract %slice3A_1293[0] : i32 from vector<1xi32>
      %broadcast_in_dim3A_1295 = vector.broadcast %add3A_1290 : i32 to vector<16xi32>
      %jit3A_1296 = arith.constant 128 : i32
      %eq3A_1297 = arith.constant 0 : i32
      %eq3A_1298 = arith.cmpi eq, %jit3A_1296, %eq3A_1297 : i32
      %jit3A_1299 = arith.constant 1 : i32
      %select_n3A_1300 = arith.select %eq3A_1298, %jit3A_1299, %jit3A_1296 : i32
      %rem3A_1301 = arith.remsi %squeeze3A_1292, %select_n3A_1300 : i32
      %ne3A_1302 = arith.constant 0 : i32
      %ne3A_1303 = arith.cmpi ne, %rem3A_1301, %ne3A_1302 : i32
      %lt3A_1304 = arith.constant 0 : i32
      %lt3A_1305 = arith.cmpi slt, %rem3A_1301, %lt3A_1304 : i32
      %lt3A_1306 = arith.constant 0 : i32
      %lt3A_1307 = arith.cmpi slt, %select_n3A_1300, %lt3A_1306 : i32
      %ne3A_1308 = arith.xori %lt3A_1305, %lt3A_1307 : i1
      %and3A_1309 = arith.andi %ne3A_1308, %ne3A_1303 : i1
      %add3A_1310 = arith.addi %rem3A_1301, %select_n3A_1300 : i32
      %select_n3A_1311 = arith.select %and3A_1309, %add3A_1310, %rem3A_1301 : i32
      %broadcast_in_dim3A_1312 = vector.broadcast %select_n3A_1311 : i32 to vector<16xi32>
      %jit3A_1313 = arith.constant 128 : i32
      %eq3A_1314 = arith.constant 0 : i32
      %eq3A_1315 = arith.cmpi eq, %jit3A_1313, %eq3A_1314 : i32
      %jit3A_1316 = arith.constant 1 : i32
      %select_n3A_1317 = arith.select %eq3A_1315, %jit3A_1316, %jit3A_1313 : i32
      %rem3A_1318 = arith.remsi %squeeze3A_1294, %select_n3A_1317 : i32
      %ne3A_1319 = arith.constant 0 : i32
      %ne3A_1320 = arith.cmpi ne, %rem3A_1318, %ne3A_1319 : i32
      %lt3A_1321 = arith.constant 0 : i32
      %lt3A_1322 = arith.cmpi slt, %rem3A_1318, %lt3A_1321 : i32
      %lt3A_1323 = arith.constant 0 : i32
      %lt3A_1324 = arith.cmpi slt, %select_n3A_1317, %lt3A_1323 : i32
      %ne3A_1325 = arith.xori %lt3A_1322, %lt3A_1324 : i1
      %and3A_1326 = arith.andi %ne3A_1325, %ne3A_1320 : i1
      %add3A_1327 = arith.addi %rem3A_1318, %select_n3A_1317 : i32
      %select_n3A_1328 = arith.select %and3A_1326, %add3A_1327, %rem3A_1318 : i32
      %broadcast_in_dim3A_1329 = vector.broadcast %select_n3A_1328 : i32 to vector<16xi32>
      %gather3A_1330 = tpu.vector_load_idx %arg16[%iota3A, %broadcast_in_dim3A_1312] : memref<32x128xf32, #tpu.memory_space<vmem>>[vector<16xi32>, vector<16xi32>], vector<16xf32>,
      tpu.vector_store_idx %arg26[%iota3A, %broadcast_in_dim3A_1295], %gather3A_1330 : memref<32x512xf32, #tpu.memory_space<vmem>>[vector<16xi32>, vector<16xi32>], vector<16xf32>,
      %gather3A_1331 = tpu.vector_load_idx %arg16[%add3A_5, %broadcast_in_dim3A_1312] : memref<32x128xf32, #tpu.memory_space<vmem>>[vector<16xi32>, vector<16xi32>], vector<16xf32>,
      tpu.vector_store_idx %arg26[%add3A_5, %broadcast_in_dim3A_1295], %gather3A_1331 : memref<32x512xf32, #tpu.memory_space<vmem>>[vector<16xi32>, vector<16xi32>], vector<16xf32>,
      %gather3A_1332 = tpu.vector_load_idx %arg24[%iota3A, %broadcast_in_dim3A_1329] : memref<32x128xf32, #tpu.memory_space<vmem>>[vector<16xi32>, vector<16xi32>], vector<16xf32>,
      tpu.vector_store_idx %arg27[%iota3A, %broadcast_in_dim3A_1295], %gather3A_1332 : memref<32x512xf32, #tpu.memory_space<vmem>>[vector<16xi32>, vector<16xi32>], vector<16xf32>,
      %gather3A_1333 = tpu.vector_load_idx %arg24[%add3A_5, %broadcast_in_dim3A_1329] : memref<32x128xf32, #tpu.memory_space<vmem>>[vector<16xi32>, vector<16xi32>], vector<16xf32>,
      tpu.vector_store_idx %arg27[%add3A_5, %broadcast_in_dim3A_1295], %gather3A_1333 : memref<32x512xf32, #tpu.memory_space<vmem>>[vector<16xi32>, vector<16xi32>], vector<16xf32>,
      %slice3A_1334 = vector.extract_strided_slice %get3A_534 {offsets = [14], sizes = [1], strides = [1]} : vector<16xi32> to vector<1xi32>
      %squeeze3A_1335 = vector.extract %slice3A_1334[0] : i32 from vector<1xi32>
      %slice3A_1336 = vector.extract_strided_slice %get3A_536 {offsets = [14], sizes = [1], strides = [1]} : vector<16xi32> to vector<1xi32>
      %squeeze3A_1337 = vector.extract %slice3A_1336[0] : i32 from vector<1xi32>
      %jit3A_1338 = arith.constant 128 : i32
      %div3A_1339 = arith.divsi %squeeze3A_1335, %jit3A_1338 : i32
      %sign3A_1340 = arith.constant 0 : i32
      %sign3A_1341 = arith.cmpi sgt, %squeeze3A_1335, %sign3A_1340 : i32
      %sign3A_1342 = arith.extui %sign3A_1341 : i1 to i32
      %sign3A_1343 = arith.constant 0 : i32
      %sign3A_1344 = arith.cmpi slt, %squeeze3A_1335, %sign3A_1343 : i32
      %sign3A_1345 = arith.extui %sign3A_1344 : i1 to i32
      %sign3A_1346 = arith.subi %sign3A_1342, %sign3A_1345 : i32
      %sign3A_1347 = arith.constant 0 : i32
      %sign3A_1348 = arith.cmpi sgt, %jit3A_1338, %sign3A_1347 : i32
      %sign3A_1349 = arith.extui %sign3A_1348 : i1 to i32
      %sign3A_1350 = arith.constant 0 : i32
      %sign3A_1351 = arith.cmpi slt, %jit3A_1338, %sign3A_1350 : i32
      %sign3A_1352 = arith.extui %sign3A_1351 : i1 to i32
      %sign3A_1353 = arith.subi %sign3A_1349, %sign3A_1352 : i32
      %ne3A_1354 = arith.cmpi ne, %sign3A_1346, %sign3A_1353 : i32
      %rem3A_1355 = arith.remsi %squeeze3A_1335, %jit3A_1338 : i32
      %ne3A_1356 = arith.constant 0 : i32
      %ne3A_1357 = arith.cmpi ne, %rem3A_1355, %ne3A_1356 : i32
      %and3A_1358 = arith.andi %ne3A_1354, %ne3A_1357 : i1
      %sub3A_1359 = arith.constant 1 : i32
      %sub3A_1360 = arith.subi %div3A_1339, %sub3A_1359 : i32
      %select_n3A_1361 = arith.select %and3A_1358, %sub3A_1360, %div3A_1339 : i32
      %mul3A_1362 = arith.constant 128 : i32
      %mul3A_1363 = arith.muli %select_n3A_1361, %mul3A_1362 : i32
      %multiple_of3A_1364 = tpu.assume_multiple %mul3A_1363, 128 : i32
      %jit3A_1365 = arith.constant 128 : i32
      %div3A_1366 = arith.divsi %squeeze3A_1337, %jit3A_1365 : i32
      %sign3A_1367 = arith.constant 0 : i32
      %sign3A_1368 = arith.cmpi sgt, %squeeze3A_1337, %sign3A_1367 : i32
      %sign3A_1369 = arith.extui %sign3A_1368 : i1 to i32
      %sign3A_1370 = arith.constant 0 : i32
      %sign3A_1371 = arith.cmpi slt, %squeeze3A_1337, %sign3A_1370 : i32
      %sign3A_1372 = arith.extui %sign3A_1371 : i1 to i32
      %sign3A_1373 = arith.subi %sign3A_1369, %sign3A_1372 : i32
      %sign3A_1374 = arith.constant 0 : i32
      %sign3A_1375 = arith.cmpi sgt, %jit3A_1365, %sign3A_1374 : i32
      %sign3A_1376 = arith.extui %sign3A_1375 : i1 to i32
      %sign3A_1377 = arith.constant 0 : i32
      %sign3A_1378 = arith.cmpi slt, %jit3A_1365, %sign3A_1377 : i32
      %sign3A_1379 = arith.extui %sign3A_1378 : i1 to i32
      %sign3A_1380 = arith.subi %sign3A_1376, %sign3A_1379 : i32
      %ne3A_1381 = arith.cmpi ne, %sign3A_1373, %sign3A_1380 : i32
      %rem3A_1382 = arith.remsi %squeeze3A_1337, %jit3A_1365 : i32
      %ne3A_1383 = arith.constant 0 : i32
      %ne3A_1384 = arith.cmpi ne, %rem3A_1382, %ne3A_1383 : i32
      %and3A_1385 = arith.andi %ne3A_1381, %ne3A_1384 : i1
      %sub3A_1386 = arith.constant 1 : i32
      %sub3A_1387 = arith.subi %div3A_1366, %sub3A_1386 : i32
      %select_n3A_1388 = arith.select %and3A_1385, %sub3A_1387, %div3A_1366 : i32
      %mul3A_1389 = arith.constant 128 : i32
      %mul3A_1390 = arith.muli %select_n3A_1388, %mul3A_1389 : i32
      %multiple_of3A_1391 = tpu.assume_multiple %mul3A_1390, 128 : i32
      %dma_start3A_1392 = arith.constant 0 : i32
      %dma_start3A_1393 = tpu.memref_slice %arg4[%dma_start3A_1392, %multiple_of3A_1364] : memref<32x1000000xf32, #tpu.memory_space<hbm>> -> memref<32x128xf32, #tpu.memory_space<hbm>>
      %dma_start3A_1394 = arith.constant 0 : i32
      %dma_start3A_1395 = tpu.memref_slice %arg4[%dma_start3A_1394, %multiple_of3A_1364] : memref<32x1000000xf32, #tpu.memory_space<hbm>> -> memref<32x128xf32, #tpu.memory_space<hbm>>
      tpu.enqueue_dma source(%dma_start3A_1395 : memref<32x128xf32, #tpu.memory_space<hbm>>) target(%arg16 : memref<32x128xf32, #tpu.memory_space<vmem>>) target_semaphore(%arg34 : memref<!tpu.dma_semaphore, #tpu.memory_space<semaphore_mem>>)
      %dma_start3A_1396 = arith.constant 0 : i32
      %dma_start3A_1397 = tpu.memref_slice %arg5[%dma_start3A_1396, %multiple_of3A_1391] : memref<32x1000000xf32, #tpu.memory_space<hbm>> -> memref<32x128xf32, #tpu.memory_space<hbm>>
      %dma_start3A_1398 = arith.constant 0 : i32
      %dma_start3A_1399 = tpu.memref_slice %arg5[%dma_start3A_1398, %multiple_of3A_1391] : memref<32x1000000xf32, #tpu.memory_space<hbm>> -> memref<32x128xf32, #tpu.memory_space<hbm>>
      tpu.enqueue_dma source(%dma_start3A_1399 : memref<32x128xf32, #tpu.memory_space<hbm>>) target(%arg24 : memref<32x128xf32, #tpu.memory_space<vmem>>) target_semaphore(%arg42 : memref<!tpu.dma_semaphore, #tpu.memory_space<semaphore_mem>>)
      %dma_wait3A_1400 = arith.constant 0 : i32
      %dma_wait3A_1401 = arith.constant 0 : i32
      %dma_wait3A_1402 = tpu.memref_slice %arg4[%dma_wait3A_1400, %dma_wait3A_1401] : memref<32x1000000xf32, #tpu.memory_space<hbm>> -> memref<32x128xf32, #tpu.memory_space<hbm>>
      %dma_wait3A_1403 = arith.constant 0 : i32
      %dma_wait3A_1404 = arith.constant 0 : i32
      %dma_wait3A_1405 = tpu.memref_slice %arg4[%dma_wait3A_1403, %dma_wait3A_1404] : memref<32x1000000xf32, #tpu.memory_space<hbm>> -> memref<32x128xf32, #tpu.memory_space<hbm>>
      tpu.wait_dma2 semaphore(%arg35 : memref<!tpu.dma_semaphore, #tpu.memory_space<semaphore_mem>>) src(%dma_wait3A_1405 : memref<32x128xf32, #tpu.memory_space<hbm>>) dst(%arg17 : memref<32x128xf32, #tpu.memory_space<vmem>>)
      %dma_wait3A_1406 = arith.constant 0 : i32
      %dma_wait3A_1407 = arith.constant 0 : i32
      %dma_wait3A_1408 = tpu.memref_slice %arg5[%dma_wait3A_1406, %dma_wait3A_1407] : memref<32x1000000xf32, #tpu.memory_space<hbm>> -> memref<32x128xf32, #tpu.memory_space<hbm>>
      %dma_wait3A_1409 = arith.constant 0 : i32
      %dma_wait3A_1410 = arith.constant 0 : i32
      %dma_wait3A_1411 = tpu.memref_slice %arg5[%dma_wait3A_1409, %dma_wait3A_1410] : memref<32x1000000xf32, #tpu.memory_space<hbm>> -> memref<32x128xf32, #tpu.memory_space<hbm>>
      tpu.wait_dma2 semaphore(%arg43 : memref<!tpu.dma_semaphore, #tpu.memory_space<semaphore_mem>>) src(%dma_wait3A_1411 : memref<32x128xf32, #tpu.memory_space<hbm>>) dst(%arg25 : memref<32x128xf32, #tpu.memory_space<vmem>>)
      %add3A_1412 = arith.constant 7 : i32
      %add3A_1413 = arith.addi %mul3A_532, %add3A_1412 : i32
      %slice3A_1414 = vector.extract_strided_slice %get3A_534 {offsets = [7], sizes = [1], strides = [1]} : vector<16xi32> to vector<1xi32>
      %squeeze3A_1415 = vector.extract %slice3A_1414[0] : i32 from vector<1xi32>
      %slice3A_1416 = vector.extract_strided_slice %get3A_536 {offsets = [7], sizes = [1], strides = [1]} : vector<16xi32> to vector<1xi32>
      %squeeze3A_1417 = vector.extract %slice3A_1416[0] : i32 from vector<1xi32>
      %broadcast_in_dim3A_1418 = vector.broadcast %add3A_1413 : i32 to vector<16xi32>
      %jit3A_1419 = arith.constant 128 : i32
      %eq3A_1420 = arith.constant 0 : i32
      %eq3A_1421 = arith.cmpi eq, %jit3A_1419, %eq3A_1420 : i32
      %jit3A_1422 = arith.constant 1 : i32
      %select_n3A_1423 = arith.select %eq3A_1421, %jit3A_1422, %jit3A_1419 : i32
      %rem3A_1424 = arith.remsi %squeeze3A_1415, %select_n3A_1423 : i32
      %ne3A_1425 = arith.constant 0 : i32
      %ne3A_1426 = arith.cmpi ne, %rem3A_1424, %ne3A_1425 : i32
      %lt3A_1427 = arith.constant 0 : i32
      %lt3A_1428 = arith.cmpi slt, %rem3A_1424, %lt3A_1427 : i32
      %lt3A_1429 = arith.constant 0 : i32
      %lt3A_1430 = arith.cmpi slt, %select_n3A_1423, %lt3A_1429 : i32
      %ne3A_1431 = arith.xori %lt3A_1428, %lt3A_1430 : i1
      %and3A_1432 = arith.andi %ne3A_1431, %ne3A_1426 : i1
      %add3A_1433 = arith.addi %rem3A_1424, %select_n3A_1423 : i32
      %select_n3A_1434 = arith.select %and3A_1432, %add3A_1433, %rem3A_1424 : i32
      %broadcast_in_dim3A_1435 = vector.broadcast %select_n3A_1434 : i32 to vector<16xi32>
      %jit3A_1436 = arith.constant 128 : i32
      %eq3A_1437 = arith.constant 0 : i32
      %eq3A_1438 = arith.cmpi eq, %jit3A_1436, %eq3A_1437 : i32
      %jit3A_1439 = arith.constant 1 : i32
      %select_n3A_1440 = arith.select %eq3A_1438, %jit3A_1439, %jit3A_1436 : i32
      %rem3A_1441 = arith.remsi %squeeze3A_1417, %select_n3A_1440 : i32
      %ne3A_1442 = arith.constant 0 : i32
      %ne3A_1443 = arith.cmpi ne, %rem3A_1441, %ne3A_1442 : i32
      %lt3A_1444 = arith.constant 0 : i32
      %lt3A_1445 = arith.cmpi slt, %rem3A_1441, %lt3A_1444 : i32
      %lt3A_1446 = arith.constant 0 : i32
      %lt3A_1447 = arith.cmpi slt, %select_n3A_1440, %lt3A_1446 : i32
      %ne3A_1448 = arith.xori %lt3A_1445, %lt3A_1447 : i1
      %and3A_1449 = arith.andi %ne3A_1448, %ne3A_1443 : i1
      %add3A_1450 = arith.addi %rem3A_1441, %select_n3A_1440 : i32
      %select_n3A_1451 = arith.select %and3A_1449, %add3A_1450, %rem3A_1441 : i32
      %broadcast_in_dim3A_1452 = vector.broadcast %select_n3A_1451 : i32 to vector<16xi32>
      %gather3A_1453 = tpu.vector_load_idx %arg17[%iota3A, %broadcast_in_dim3A_1435] : memref<32x128xf32, #tpu.memory_space<vmem>>[vector<16xi32>, vector<16xi32>], vector<16xf32>,
      tpu.vector_store_idx %arg26[%iota3A, %broadcast_in_dim3A_1418], %gather3A_1453 : memref<32x512xf32, #tpu.memory_space<vmem>>[vector<16xi32>, vector<16xi32>], vector<16xf32>,
      %gather3A_1454 = tpu.vector_load_idx %arg17[%add3A_5, %broadcast_in_dim3A_1435] : memref<32x128xf32, #tpu.memory_space<vmem>>[vector<16xi32>, vector<16xi32>], vector<16xf32>,
      tpu.vector_store_idx %arg26[%add3A_5, %broadcast_in_dim3A_1418], %gather3A_1454 : memref<32x512xf32, #tpu.memory_space<vmem>>[vector<16xi32>, vector<16xi32>], vector<16xf32>,
      %gather3A_1455 = tpu.vector_load_idx %arg25[%iota3A, %broadcast_in_dim3A_1452] : memref<32x128xf32, #tpu.memory_space<vmem>>[vector<16xi32>, vector<16xi32>], vector<16xf32>,
      tpu.vector_store_idx %arg27[%iota3A, %broadcast_in_dim3A_1418], %gather3A_1455 : memref<32x512xf32, #tpu.memory_space<vmem>>[vector<16xi32>, vector<16xi32>], vector<16xf32>,
      %gather3A_1456 = tpu.vector_load_idx %arg25[%add3A_5, %broadcast_in_dim3A_1452] : memref<32x128xf32, #tpu.memory_space<vmem>>[vector<16xi32>, vector<16xi32>], vector<16xf32>,
      tpu.vector_store_idx %arg27[%add3A_5, %broadcast_in_dim3A_1418], %gather3A_1456 : memref<32x512xf32, #tpu.memory_space<vmem>>[vector<16xi32>, vector<16xi32>], vector<16xf32>,
      %slice3A_1457 = vector.extract_strided_slice %get3A_534 {offsets = [15], sizes = [1], strides = [1]} : vector<16xi32> to vector<1xi32>
      %squeeze3A_1458 = vector.extract %slice3A_1457[0] : i32 from vector<1xi32>
      %slice3A_1459 = vector.extract_strided_slice %get3A_536 {offsets = [15], sizes = [1], strides = [1]} : vector<16xi32> to vector<1xi32>
      %squeeze3A_1460 = vector.extract %slice3A_1459[0] : i32 from vector<1xi32>
      %jit3A_1461 = arith.constant 128 : i32
      %div3A_1462 = arith.divsi %squeeze3A_1458, %jit3A_1461 : i32
      %sign3A_1463 = arith.constant 0 : i32
      %sign3A_1464 = arith.cmpi sgt, %squeeze3A_1458, %sign3A_1463 : i32
      %sign3A_1465 = arith.extui %sign3A_1464 : i1 to i32
      %sign3A_1466 = arith.constant 0 : i32
      %sign3A_1467 = arith.cmpi slt, %squeeze3A_1458, %sign3A_1466 : i32
      %sign3A_1468 = arith.extui %sign3A_1467 : i1 to i32
      %sign3A_1469 = arith.subi %sign3A_1465, %sign3A_1468 : i32
      %sign3A_1470 = arith.constant 0 : i32
      %sign3A_1471 = arith.cmpi sgt, %jit3A_1461, %sign3A_1470 : i32
      %sign3A_1472 = arith.extui %sign3A_1471 : i1 to i32
      %sign3A_1473 = arith.constant 0 : i32
      %sign3A_1474 = arith.cmpi slt, %jit3A_1461, %sign3A_1473 : i32
      %sign3A_1475 = arith.extui %sign3A_1474 : i1 to i32
      %sign3A_1476 = arith.subi %sign3A_1472, %sign3A_1475 : i32
      %ne3A_1477 = arith.cmpi ne, %sign3A_1469, %sign3A_1476 : i32
      %rem3A_1478 = arith.remsi %squeeze3A_1458, %jit3A_1461 : i32
      %ne3A_1479 = arith.constant 0 : i32
      %ne3A_1480 = arith.cmpi ne, %rem3A_1478, %ne3A_1479 : i32
      %and3A_1481 = arith.andi %ne3A_1477, %ne3A_1480 : i1
      %sub3A_1482 = arith.constant 1 : i32
      %sub3A_1483 = arith.subi %div3A_1462, %sub3A_1482 : i32
      %select_n3A_1484 = arith.select %and3A_1481, %sub3A_1483, %div3A_1462 : i32
      %mul3A_1485 = arith.constant 128 : i32
      %mul3A_1486 = arith.muli %select_n3A_1484, %mul3A_1485 : i32
      %multiple_of3A_1487 = tpu.assume_multiple %mul3A_1486, 128 : i32
      %jit3A_1488 = arith.constant 128 : i32
      %div3A_1489 = arith.divsi %squeeze3A_1460, %jit3A_1488 : i32
      %sign3A_1490 = arith.constant 0 : i32
      %sign3A_1491 = arith.cmpi sgt, %squeeze3A_1460, %sign3A_1490 : i32
      %sign3A_1492 = arith.extui %sign3A_1491 : i1 to i32
      %sign3A_1493 = arith.constant 0 : i32
      %sign3A_1494 = arith.cmpi slt, %squeeze3A_1460, %sign3A_1493 : i32
      %sign3A_1495 = arith.extui %sign3A_1494 : i1 to i32
      %sign3A_1496 = arith.subi %sign3A_1492, %sign3A_1495 : i32
      %sign3A_1497 = arith.constant 0 : i32
      %sign3A_1498 = arith.cmpi sgt, %jit3A_1488, %sign3A_1497 : i32
      %sign3A_1499 = arith.extui %sign3A_1498 : i1 to i32
      %sign3A_1500 = arith.constant 0 : i32
      %sign3A_1501 = arith.cmpi slt, %jit3A_1488, %sign3A_1500 : i32
      %sign3A_1502 = arith.extui %sign3A_1501 : i1 to i32
      %sign3A_1503 = arith.subi %sign3A_1499, %sign3A_1502 : i32
      %ne3A_1504 = arith.cmpi ne, %sign3A_1496, %sign3A_1503 : i32
      %rem3A_1505 = arith.remsi %squeeze3A_1460, %jit3A_1488 : i32
      %ne3A_1506 = arith.constant 0 : i32
      %ne3A_1507 = arith.cmpi ne, %rem3A_1505, %ne3A_1506 : i32
      %and3A_1508 = arith.andi %ne3A_1504, %ne3A_1507 : i1
      %sub3A_1509 = arith.constant 1 : i32
      %sub3A_1510 = arith.subi %div3A_1489, %sub3A_1509 : i32
      %select_n3A_1511 = arith.select %and3A_1508, %sub3A_1510, %div3A_1489 : i32
      %mul3A_1512 = arith.constant 128 : i32
      %mul3A_1513 = arith.muli %select_n3A_1511, %mul3A_1512 : i32
      %multiple_of3A_1514 = tpu.assume_multiple %mul3A_1513, 128 : i32
      %dma_start3A_1515 = arith.constant 0 : i32
      %dma_start3A_1516 = tpu.memref_slice %arg4[%dma_start3A_1515, %multiple_of3A_1487] : memref<32x1000000xf32, #tpu.memory_space<hbm>> -> memref<32x128xf32, #tpu.memory_space<hbm>>
      %dma_start3A_1517 = arith.constant 0 : i32
      %dma_start3A_1518 = tpu.memref_slice %arg4[%dma_start3A_1517, %multiple_of3A_1487] : memref<32x1000000xf32, #tpu.memory_space<hbm>> -> memref<32x128xf32, #tpu.memory_space<hbm>>
      tpu.enqueue_dma source(%dma_start3A_1518 : memref<32x128xf32, #tpu.memory_space<hbm>>) target(%arg17 : memref<32x128xf32, #tpu.memory_space<vmem>>) target_semaphore(%arg35 : memref<!tpu.dma_semaphore, #tpu.memory_space<semaphore_mem>>)
      %dma_start3A_1519 = arith.constant 0 : i32
      %dma_start3A_1520 = tpu.memref_slice %arg5[%dma_start3A_1519, %multiple_of3A_1514] : memref<32x1000000xf32, #tpu.memory_space<hbm>> -> memref<32x128xf32, #tpu.memory_space<hbm>>
      %dma_start3A_1521 = arith.constant 0 : i32
      %dma_start3A_1522 = tpu.memref_slice %arg5[%dma_start3A_1521, %multiple_of3A_1514] : memref<32x1000000xf32, #tpu.memory_space<hbm>> -> memref<32x128xf32, #tpu.memory_space<hbm>>
      tpu.enqueue_dma source(%dma_start3A_1522 : memref<32x128xf32, #tpu.memory_space<hbm>>) target(%arg25 : memref<32x128xf32, #tpu.memory_space<vmem>>) target_semaphore(%arg43 : memref<!tpu.dma_semaphore, #tpu.memory_space<semaphore_mem>>)
      %dma_wait3A_1523 = arith.constant 0 : i32
      %dma_wait3A_1524 = arith.constant 0 : i32
      %dma_wait3A_1525 = tpu.memref_slice %arg4[%dma_wait3A_1523, %dma_wait3A_1524] : memref<32x1000000xf32, #tpu.memory_space<hbm>> -> memref<32x128xf32, #tpu.memory_space<hbm>>
      %dma_wait3A_1526 = arith.constant 0 : i32
      %dma_wait3A_1527 = arith.constant 0 : i32
      %dma_wait3A_1528 = tpu.memref_slice %arg4[%dma_wait3A_1526, %dma_wait3A_1527] : memref<32x1000000xf32, #tpu.memory_space<hbm>> -> memref<32x128xf32, #tpu.memory_space<hbm>>
      tpu.wait_dma2 semaphore(%arg28 : memref<!tpu.dma_semaphore, #tpu.memory_space<semaphore_mem>>) src(%dma_wait3A_1528 : memref<32x128xf32, #tpu.memory_space<hbm>>) dst(%arg10 : memref<32x128xf32, #tpu.memory_space<vmem>>)
      %dma_wait3A_1529 = arith.constant 0 : i32
      %dma_wait3A_1530 = arith.constant 0 : i32
      %dma_wait3A_1531 = tpu.memref_slice %arg5[%dma_wait3A_1529, %dma_wait3A_1530] : memref<32x1000000xf32, #tpu.memory_space<hbm>> -> memref<32x128xf32, #tpu.memory_space<hbm>>
      %dma_wait3A_1532 = arith.constant 0 : i32
      %dma_wait3A_1533 = arith.constant 0 : i32
      %dma_wait3A_1534 = tpu.memref_slice %arg5[%dma_wait3A_1532, %dma_wait3A_1533] : memref<32x1000000xf32, #tpu.memory_space<hbm>> -> memref<32x128xf32, #tpu.memory_space<hbm>>
      tpu.wait_dma2 semaphore(%arg36 : memref<!tpu.dma_semaphore, #tpu.memory_space<semaphore_mem>>) src(%dma_wait3A_1534 : memref<32x128xf32, #tpu.memory_space<hbm>>) dst(%arg18 : memref<32x128xf32, #tpu.memory_space<vmem>>)
      %add3A_1535 = arith.constant 8 : i32
      %add3A_1536 = arith.addi %mul3A_532, %add3A_1535 : i32
      %slice3A_1537 = vector.extract_strided_slice %get3A_534 {offsets = [8], sizes = [1], strides = [1]} : vector<16xi32> to vector<1xi32>
      %squeeze3A_1538 = vector.extract %slice3A_1537[0] : i32 from vector<1xi32>
      %slice3A_1539 = vector.extract_strided_slice %get3A_536 {offsets = [8], sizes = [1], strides = [1]} : vector<16xi32> to vector<1xi32>
      %squeeze3A_1540 = vector.extract %slice3A_1539[0] : i32 from vector<1xi32>
      %broadcast_in_dim3A_1541 = vector.broadcast %add3A_1536 : i32 to vector<16xi32>
      %jit3A_1542 = arith.constant 128 : i32
      %eq3A_1543 = arith.constant 0 : i32
      %eq3A_1544 = arith.cmpi eq, %jit3A_1542, %eq3A_1543 : i32
      %jit3A_1545 = arith.constant 1 : i32
      %select_n3A_1546 = arith.select %eq3A_1544, %jit3A_1545, %jit3A_1542 : i32
      %rem3A_1547 = arith.remsi %squeeze3A_1538, %select_n3A_1546 : i32
      %ne3A_1548 = arith.constant 0 : i32
      %ne3A_1549 = arith.cmpi ne, %rem3A_1547, %ne3A_1548 : i32
      %lt3A_1550 = arith.constant 0 : i32
      %lt3A_1551 = arith.cmpi slt, %rem3A_1547, %lt3A_1550 : i32
      %lt3A_1552 = arith.constant 0 : i32
      %lt3A_1553 = arith.cmpi slt, %select_n3A_1546, %lt3A_1552 : i32
      %ne3A_1554 = arith.xori %lt3A_1551, %lt3A_1553 : i1
      %and3A_1555 = arith.andi %ne3A_1554, %ne3A_1549 : i1
      %add3A_1556 = arith.addi %rem3A_1547, %select_n3A_1546 : i32
      %select_n3A_1557 = arith.select %and3A_1555, %add3A_1556, %rem3A_1547 : i32
      %broadcast_in_dim3A_1558 = vector.broadcast %select_n3A_1557 : i32 to vector<16xi32>
      %jit3A_1559 = arith.constant 128 : i32
      %eq3A_1560 = arith.constant 0 : i32
      %eq3A_1561 = arith.cmpi eq, %jit3A_1559, %eq3A_1560 : i32
      %jit3A_1562 = arith.constant 1 : i32
      %select_n3A_1563 = arith.select %eq3A_1561, %jit3A_1562, %jit3A_1559 : i32
      %rem3A_1564 = arith.remsi %squeeze3A_1540, %select_n3A_1563 : i32
      %ne3A_1565 = arith.constant 0 : i32
      %ne3A_1566 = arith.cmpi ne, %rem3A_1564, %ne3A_1565 : i32
      %lt3A_1567 = arith.constant 0 : i32
      %lt3A_1568 = arith.cmpi slt, %rem3A_1564, %lt3A_1567 : i32
      %lt3A_1569 = arith.constant 0 : i32
      %lt3A_1570 = arith.cmpi slt, %select_n3A_1563, %lt3A_1569 : i32
      %ne3A_1571 = arith.xori %lt3A_1568, %lt3A_1570 : i1
      %and3A_1572 = arith.andi %ne3A_1571, %ne3A_1566 : i1
      %add3A_1573 = arith.addi %rem3A_1564, %select_n3A_1563 : i32
      %select_n3A_1574 = arith.select %and3A_1572, %add3A_1573, %rem3A_1564 : i32
      %broadcast_in_dim3A_1575 = vector.broadcast %select_n3A_1574 : i32 to vector<16xi32>
      %gather3A_1576 = tpu.vector_load_idx %arg10[%iota3A, %broadcast_in_dim3A_1558] : memref<32x128xf32, #tpu.memory_space<vmem>>[vector<16xi32>, vector<16xi32>], vector<16xf32>,
      tpu.vector_store_idx %arg26[%iota3A, %broadcast_in_dim3A_1541], %gather3A_1576 : memref<32x512xf32, #tpu.memory_space<vmem>>[vector<16xi32>, vector<16xi32>], vector<16xf32>,
      %gather3A_1577 = tpu.vector_load_idx %arg10[%add3A_5, %broadcast_in_dim3A_1558] : memref<32x128xf32, #tpu.memory_space<vmem>>[vector<16xi32>, vector<16xi32>], vector<16xf32>,
      tpu.vector_store_idx %arg26[%add3A_5, %broadcast_in_dim3A_1541], %gather3A_1577 : memref<32x512xf32, #tpu.memory_space<vmem>>[vector<16xi32>, vector<16xi32>], vector<16xf32>,
      %gather3A_1578 = tpu.vector_load_idx %arg18[%iota3A, %broadcast_in_dim3A_1575] : memref<32x128xf32, #tpu.memory_space<vmem>>[vector<16xi32>, vector<16xi32>], vector<16xf32>,
      tpu.vector_store_idx %arg27[%iota3A, %broadcast_in_dim3A_1541], %gather3A_1578 : memref<32x512xf32, #tpu.memory_space<vmem>>[vector<16xi32>, vector<16xi32>], vector<16xf32>,
      %gather3A_1579 = tpu.vector_load_idx %arg18[%add3A_5, %broadcast_in_dim3A_1575] : memref<32x128xf32, #tpu.memory_space<vmem>>[vector<16xi32>, vector<16xi32>], vector<16xf32>,
      tpu.vector_store_idx %arg27[%add3A_5, %broadcast_in_dim3A_1541], %gather3A_1579 : memref<32x512xf32, #tpu.memory_space<vmem>>[vector<16xi32>, vector<16xi32>], vector<16xf32>,
      %lt3A_1580 = arith.constant 31 : i32
      %lt3A_1581 = arith.cmpi slt, %scan3A_530, %lt3A_1580 : i32
      %convert_element_type3A = arith.extui %lt3A_1581 : i1 to i32
      %cond3A = arith.constant 0 : i32
      %cond3A_1582 = arith.cmpi ne, %convert_element_type3A, %cond3A : i32
      scf.if %cond3A_1582 {
        %slice3A_2017 = vector.extract_strided_slice %get3A_541 {offsets = [0], sizes = [1], strides = [1]} : vector<16xi32> to vector<1xi32>
        %squeeze3A_2018 = vector.extract %slice3A_2017[0] : i32 from vector<1xi32>
        %slice3A_2019 = vector.extract_strided_slice %get3A_543 {offsets = [0], sizes = [1], strides = [1]} : vector<16xi32> to vector<1xi32>
        %squeeze3A_2020 = vector.extract %slice3A_2019[0] : i32 from vector<1xi32>
        %jit3A_2021 = arith.constant 128 : i32
        %div3A_2022 = arith.divsi %squeeze3A_2018, %jit3A_2021 : i32
        %sign3A_2023 = arith.constant 0 : i32
        %sign3A_2024 = arith.cmpi sgt, %squeeze3A_2018, %sign3A_2023 : i32
        %sign3A_2025 = arith.extui %sign3A_2024 : i1 to i32
        %sign3A_2026 = arith.constant 0 : i32
        %sign3A_2027 = arith.cmpi slt, %squeeze3A_2018, %sign3A_2026 : i32
        %sign3A_2028 = arith.extui %sign3A_2027 : i1 to i32
        %sign3A_2029 = arith.subi %sign3A_2025, %sign3A_2028 : i32
        %sign3A_2030 = arith.constant 0 : i32
        %sign3A_2031 = arith.cmpi sgt, %jit3A_2021, %sign3A_2030 : i32
        %sign3A_2032 = arith.extui %sign3A_2031 : i1 to i32
        %sign3A_2033 = arith.constant 0 : i32
        %sign3A_2034 = arith.cmpi slt, %jit3A_2021, %sign3A_2033 : i32
        %sign3A_2035 = arith.extui %sign3A_2034 : i1 to i32
        %sign3A_2036 = arith.subi %sign3A_2032, %sign3A_2035 : i32
        %ne3A_2037 = arith.cmpi ne, %sign3A_2029, %sign3A_2036 : i32
        %rem3A_2038 = arith.remsi %squeeze3A_2018, %jit3A_2021 : i32
        %ne3A_2039 = arith.constant 0 : i32
        %ne3A_2040 = arith.cmpi ne, %rem3A_2038, %ne3A_2039 : i32
        %and3A_2041 = arith.andi %ne3A_2037, %ne3A_2040 : i1
        %sub3A_2042 = arith.constant 1 : i32
        %sub3A_2043 = arith.subi %div3A_2022, %sub3A_2042 : i32
        %select_n3A_2044 = arith.select %and3A_2041, %sub3A_2043, %div3A_2022 : i32
        %mul3A_2045 = arith.constant 128 : i32
        %mul3A_2046 = arith.muli %select_n3A_2044, %mul3A_2045 : i32
        %multiple_of3A_2047 = tpu.assume_multiple %mul3A_2046, 128 : i32
        %jit3A_2048 = arith.constant 128 : i32
        %div3A_2049 = arith.divsi %squeeze3A_2020, %jit3A_2048 : i32
        %sign3A_2050 = arith.constant 0 : i32
        %sign3A_2051 = arith.cmpi sgt, %squeeze3A_2020, %sign3A_2050 : i32
        %sign3A_2052 = arith.extui %sign3A_2051 : i1 to i32
        %sign3A_2053 = arith.constant 0 : i32
        %sign3A_2054 = arith.cmpi slt, %squeeze3A_2020, %sign3A_2053 : i32
        %sign3A_2055 = arith.extui %sign3A_2054 : i1 to i32
        %sign3A_2056 = arith.subi %sign3A_2052, %sign3A_2055 : i32
        %sign3A_2057 = arith.constant 0 : i32
        %sign3A_2058 = arith.cmpi sgt, %jit3A_2048, %sign3A_2057 : i32
        %sign3A_2059 = arith.extui %sign3A_2058 : i1 to i32
        %sign3A_2060 = arith.constant 0 : i32
        %sign3A_2061 = arith.cmpi slt, %jit3A_2048, %sign3A_2060 : i32
        %sign3A_2062 = arith.extui %sign3A_2061 : i1 to i32
        %sign3A_2063 = arith.subi %sign3A_2059, %sign3A_2062 : i32
        %ne3A_2064 = arith.cmpi ne, %sign3A_2056, %sign3A_2063 : i32
        %rem3A_2065 = arith.remsi %squeeze3A_2020, %jit3A_2048 : i32
        %ne3A_2066 = arith.constant 0 : i32
        %ne3A_2067 = arith.cmpi ne, %rem3A_2065, %ne3A_2066 : i32
        %and3A_2068 = arith.andi %ne3A_2064, %ne3A_2067 : i1
        %sub3A_2069 = arith.constant 1 : i32
        %sub3A_2070 = arith.subi %div3A_2049, %sub3A_2069 : i32
        %select_n3A_2071 = arith.select %and3A_2068, %sub3A_2070, %div3A_2049 : i32
        %mul3A_2072 = arith.constant 128 : i32
        %mul3A_2073 = arith.muli %select_n3A_2071, %mul3A_2072 : i32
        %multiple_of3A_2074 = tpu.assume_multiple %mul3A_2073, 128 : i32
        %dma_start3A_2075 = arith.constant 0 : i32
        %dma_start3A_2076 = tpu.memref_slice %arg4[%dma_start3A_2075, %multiple_of3A_2047] : memref<32x1000000xf32, #tpu.memory_space<hbm>> -> memref<32x128xf32, #tpu.memory_space<hbm>>
        %dma_start3A_2077 = arith.constant 0 : i32
        %dma_start3A_2078 = tpu.memref_slice %arg4[%dma_start3A_2077, %multiple_of3A_2047] : memref<32x1000000xf32, #tpu.memory_space<hbm>> -> memref<32x128xf32, #tpu.memory_space<hbm>>
        tpu.enqueue_dma source(%dma_start3A_2078 : memref<32x128xf32, #tpu.memory_space<hbm>>) target(%arg10 : memref<32x128xf32, #tpu.memory_space<vmem>>) target_semaphore(%arg28 : memref<!tpu.dma_semaphore, #tpu.memory_space<semaphore_mem>>)
        %dma_start3A_2079 = arith.constant 0 : i32
        %dma_start3A_2080 = tpu.memref_slice %arg5[%dma_start3A_2079, %multiple_of3A_2074] : memref<32x1000000xf32, #tpu.memory_space<hbm>> -> memref<32x128xf32, #tpu.memory_space<hbm>>
        %dma_start3A_2081 = arith.constant 0 : i32
        %dma_start3A_2082 = tpu.memref_slice %arg5[%dma_start3A_2081, %multiple_of3A_2074] : memref<32x1000000xf32, #tpu.memory_space<hbm>> -> memref<32x128xf32, #tpu.memory_space<hbm>>
        tpu.enqueue_dma source(%dma_start3A_2082 : memref<32x128xf32, #tpu.memory_space<hbm>>) target(%arg18 : memref<32x128xf32, #tpu.memory_space<vmem>>) target_semaphore(%arg36 : memref<!tpu.dma_semaphore, #tpu.memory_space<semaphore_mem>>)
      } else {
      }
      %dma_wait3A_1583 = arith.constant 0 : i32
      %dma_wait3A_1584 = arith.constant 0 : i32
      %dma_wait3A_1585 = tpu.memref_slice %arg4[%dma_wait3A_1583, %dma_wait3A_1584] : memref<32x1000000xf32, #tpu.memory_space<hbm>> -> memref<32x128xf32, #tpu.memory_space<hbm>>
      %dma_wait3A_1586 = arith.constant 0 : i32
      %dma_wait3A_1587 = arith.constant 0 : i32
      %dma_wait3A_1588 = tpu.memref_slice %arg4[%dma_wait3A_1586, %dma_wait3A_1587] : memref<32x1000000xf32, #tpu.memory_space<hbm>> -> memref<32x128xf32, #tpu.memory_space<hbm>>
      tpu.wait_dma2 semaphore(%arg29 : memref<!tpu.dma_semaphore, #tpu.memory_space<semaphore_mem>>) src(%dma_wait3A_1588 : memref<32x128xf32, #tpu.memory_space<hbm>>) dst(%arg11 : memref<32x128xf32, #tpu.memory_space<vmem>>)
      %dma_wait3A_1589 = arith.constant 0 : i32
      %dma_wait3A_1590 = arith.constant 0 : i32
      %dma_wait3A_1591 = tpu.memref_slice %arg5[%dma_wait3A_1589, %dma_wait3A_1590] : memref<32x1000000xf32, #tpu.memory_space<hbm>> -> memref<32x128xf32, #tpu.memory_space<hbm>>
      %dma_wait3A_1592 = arith.constant 0 : i32
      %dma_wait3A_1593 = arith.constant 0 : i32
      %dma_wait3A_1594 = tpu.memref_slice %arg5[%dma_wait3A_1592, %dma_wait3A_1593] : memref<32x1000000xf32, #tpu.memory_space<hbm>> -> memref<32x128xf32, #tpu.memory_space<hbm>>
      tpu.wait_dma2 semaphore(%arg37 : memref<!tpu.dma_semaphore, #tpu.memory_space<semaphore_mem>>) src(%dma_wait3A_1594 : memref<32x128xf32, #tpu.memory_space<hbm>>) dst(%arg19 : memref<32x128xf32, #tpu.memory_space<vmem>>)
      %add3A_1595 = arith.constant 9 : i32
      %add3A_1596 = arith.addi %mul3A_532, %add3A_1595 : i32
      %slice3A_1597 = vector.extract_strided_slice %get3A_534 {offsets = [9], sizes = [1], strides = [1]} : vector<16xi32> to vector<1xi32>
      %squeeze3A_1598 = vector.extract %slice3A_1597[0] : i32 from vector<1xi32>
      %slice3A_1599 = vector.extract_strided_slice %get3A_536 {offsets = [9], sizes = [1], strides = [1]} : vector<16xi32> to vector<1xi32>
      %squeeze3A_1600 = vector.extract %slice3A_1599[0] : i32 from vector<1xi32>
      %broadcast_in_dim3A_1601 = vector.broadcast %add3A_1596 : i32 to vector<16xi32>
      %jit3A_1602 = arith.constant 128 : i32
      %eq3A_1603 = arith.constant 0 : i32
      %eq3A_1604 = arith.cmpi eq, %jit3A_1602, %eq3A_1603 : i32
      %jit3A_1605 = arith.constant 1 : i32
      %select_n3A_1606 = arith.select %eq3A_1604, %jit3A_1605, %jit3A_1602 : i32
      %rem3A_1607 = arith.remsi %squeeze3A_1598, %select_n3A_1606 : i32
      %ne3A_1608 = arith.constant 0 : i32
      %ne3A_1609 = arith.cmpi ne, %rem3A_1607, %ne3A_1608 : i32
      %lt3A_1610 = arith.constant 0 : i32
      %lt3A_1611 = arith.cmpi slt, %rem3A_1607, %lt3A_1610 : i32
      %lt3A_1612 = arith.constant 0 : i32
      %lt3A_1613 = arith.cmpi slt, %select_n3A_1606, %lt3A_1612 : i32
      %ne3A_1614 = arith.xori %lt3A_1611, %lt3A_1613 : i1
      %and3A_1615 = arith.andi %ne3A_1614, %ne3A_1609 : i1
      %add3A_1616 = arith.addi %rem3A_1607, %select_n3A_1606 : i32
      %select_n3A_1617 = arith.select %and3A_1615, %add3A_1616, %rem3A_1607 : i32
      %broadcast_in_dim3A_1618 = vector.broadcast %select_n3A_1617 : i32 to vector<16xi32>
      %jit3A_1619 = arith.constant 128 : i32
      %eq3A_1620 = arith.constant 0 : i32
      %eq3A_1621 = arith.cmpi eq, %jit3A_1619, %eq3A_1620 : i32
      %jit3A_1622 = arith.constant 1 : i32
      %select_n3A_1623 = arith.select %eq3A_1621, %jit3A_1622, %jit3A_1619 : i32
      %rem3A_1624 = arith.remsi %squeeze3A_1600, %select_n3A_1623 : i32
      %ne3A_1625 = arith.constant 0 : i32
      %ne3A_1626 = arith.cmpi ne, %rem3A_1624, %ne3A_1625 : i32
      %lt3A_1627 = arith.constant 0 : i32
      %lt3A_1628 = arith.cmpi slt, %rem3A_1624, %lt3A_1627 : i32
      %lt3A_1629 = arith.constant 0 : i32
      %lt3A_1630 = arith.cmpi slt, %select_n3A_1623, %lt3A_1629 : i32
      %ne3A_1631 = arith.xori %lt3A_1628, %lt3A_1630 : i1
      %and3A_1632 = arith.andi %ne3A_1631, %ne3A_1626 : i1
      %add3A_1633 = arith.addi %rem3A_1624, %select_n3A_1623 : i32
      %select_n3A_1634 = arith.select %and3A_1632, %add3A_1633, %rem3A_1624 : i32
      %broadcast_in_dim3A_1635 = vector.broadcast %select_n3A_1634 : i32 to vector<16xi32>
      %gather3A_1636 = tpu.vector_load_idx %arg11[%iota3A, %broadcast_in_dim3A_1618] : memref<32x128xf32, #tpu.memory_space<vmem>>[vector<16xi32>, vector<16xi32>], vector<16xf32>,
      tpu.vector_store_idx %arg26[%iota3A, %broadcast_in_dim3A_1601], %gather3A_1636 : memref<32x512xf32, #tpu.memory_space<vmem>>[vector<16xi32>, vector<16xi32>], vector<16xf32>,
      %gather3A_1637 = tpu.vector_load_idx %arg11[%add3A_5, %broadcast_in_dim3A_1618] : memref<32x128xf32, #tpu.memory_space<vmem>>[vector<16xi32>, vector<16xi32>], vector<16xf32>,
      tpu.vector_store_idx %arg26[%add3A_5, %broadcast_in_dim3A_1601], %gather3A_1637 : memref<32x512xf32, #tpu.memory_space<vmem>>[vector<16xi32>, vector<16xi32>], vector<16xf32>,
      %gather3A_1638 = tpu.vector_load_idx %arg19[%iota3A, %broadcast_in_dim3A_1635] : memref<32x128xf32, #tpu.memory_space<vmem>>[vector<16xi32>, vector<16xi32>], vector<16xf32>,
      tpu.vector_store_idx %arg27[%iota3A, %broadcast_in_dim3A_1601], %gather3A_1638 : memref<32x512xf32, #tpu.memory_space<vmem>>[vector<16xi32>, vector<16xi32>], vector<16xf32>,
      %gather3A_1639 = tpu.vector_load_idx %arg19[%add3A_5, %broadcast_in_dim3A_1635] : memref<32x128xf32, #tpu.memory_space<vmem>>[vector<16xi32>, vector<16xi32>], vector<16xf32>,
      tpu.vector_store_idx %arg27[%add3A_5, %broadcast_in_dim3A_1601], %gather3A_1639 : memref<32x512xf32, #tpu.memory_space<vmem>>[vector<16xi32>, vector<16xi32>], vector<16xf32>,
      %lt3A_1640 = arith.constant 31 : i32
      %lt3A_1641 = arith.cmpi slt, %scan3A_530, %lt3A_1640 : i32
      %convert_element_type3A_1642 = arith.extui %lt3A_1641 : i1 to i32
      %cond3A_1643 = arith.constant 0 : i32
      %cond3A_1644 = arith.cmpi ne, %convert_element_type3A_1642, %cond3A_1643 : i32
      scf.if %cond3A_1644 {
        %slice3A_2017 = vector.extract_strided_slice %get3A_541 {offsets = [1], sizes = [1], strides = [1]} : vector<16xi32> to vector<1xi32>
        %squeeze3A_2018 = vector.extract %slice3A_2017[0] : i32 from vector<1xi32>
        %slice3A_2019 = vector.extract_strided_slice %get3A_543 {offsets = [1], sizes = [1], strides = [1]} : vector<16xi32> to vector<1xi32>
        %squeeze3A_2020 = vector.extract %slice3A_2019[0] : i32 from vector<1xi32>
        %jit3A_2021 = arith.constant 128 : i32
        %div3A_2022 = arith.divsi %squeeze3A_2018, %jit3A_2021 : i32
        %sign3A_2023 = arith.constant 0 : i32
        %sign3A_2024 = arith.cmpi sgt, %squeeze3A_2018, %sign3A_2023 : i32
        %sign3A_2025 = arith.extui %sign3A_2024 : i1 to i32
        %sign3A_2026 = arith.constant 0 : i32
        %sign3A_2027 = arith.cmpi slt, %squeeze3A_2018, %sign3A_2026 : i32
        %sign3A_2028 = arith.extui %sign3A_2027 : i1 to i32
        %sign3A_2029 = arith.subi %sign3A_2025, %sign3A_2028 : i32
        %sign3A_2030 = arith.constant 0 : i32
        %sign3A_2031 = arith.cmpi sgt, %jit3A_2021, %sign3A_2030 : i32
        %sign3A_2032 = arith.extui %sign3A_2031 : i1 to i32
        %sign3A_2033 = arith.constant 0 : i32
        %sign3A_2034 = arith.cmpi slt, %jit3A_2021, %sign3A_2033 : i32
        %sign3A_2035 = arith.extui %sign3A_2034 : i1 to i32
        %sign3A_2036 = arith.subi %sign3A_2032, %sign3A_2035 : i32
        %ne3A_2037 = arith.cmpi ne, %sign3A_2029, %sign3A_2036 : i32
        %rem3A_2038 = arith.remsi %squeeze3A_2018, %jit3A_2021 : i32
        %ne3A_2039 = arith.constant 0 : i32
        %ne3A_2040 = arith.cmpi ne, %rem3A_2038, %ne3A_2039 : i32
        %and3A_2041 = arith.andi %ne3A_2037, %ne3A_2040 : i1
        %sub3A_2042 = arith.constant 1 : i32
        %sub3A_2043 = arith.subi %div3A_2022, %sub3A_2042 : i32
        %select_n3A_2044 = arith.select %and3A_2041, %sub3A_2043, %div3A_2022 : i32
        %mul3A_2045 = arith.constant 128 : i32
        %mul3A_2046 = arith.muli %select_n3A_2044, %mul3A_2045 : i32
        %multiple_of3A_2047 = tpu.assume_multiple %mul3A_2046, 128 : i32
        %jit3A_2048 = arith.constant 128 : i32
        %div3A_2049 = arith.divsi %squeeze3A_2020, %jit3A_2048 : i32
        %sign3A_2050 = arith.constant 0 : i32
        %sign3A_2051 = arith.cmpi sgt, %squeeze3A_2020, %sign3A_2050 : i32
        %sign3A_2052 = arith.extui %sign3A_2051 : i1 to i32
        %sign3A_2053 = arith.constant 0 : i32
        %sign3A_2054 = arith.cmpi slt, %squeeze3A_2020, %sign3A_2053 : i32
        %sign3A_2055 = arith.extui %sign3A_2054 : i1 to i32
        %sign3A_2056 = arith.subi %sign3A_2052, %sign3A_2055 : i32
        %sign3A_2057 = arith.constant 0 : i32
        %sign3A_2058 = arith.cmpi sgt, %jit3A_2048, %sign3A_2057 : i32
        %sign3A_2059 = arith.extui %sign3A_2058 : i1 to i32
        %sign3A_2060 = arith.constant 0 : i32
        %sign3A_2061 = arith.cmpi slt, %jit3A_2048, %sign3A_2060 : i32
        %sign3A_2062 = arith.extui %sign3A_2061 : i1 to i32
        %sign3A_2063 = arith.subi %sign3A_2059, %sign3A_2062 : i32
        %ne3A_2064 = arith.cmpi ne, %sign3A_2056, %sign3A_2063 : i32
        %rem3A_2065 = arith.remsi %squeeze3A_2020, %jit3A_2048 : i32
        %ne3A_2066 = arith.constant 0 : i32
        %ne3A_2067 = arith.cmpi ne, %rem3A_2065, %ne3A_2066 : i32
        %and3A_2068 = arith.andi %ne3A_2064, %ne3A_2067 : i1
        %sub3A_2069 = arith.constant 1 : i32
        %sub3A_2070 = arith.subi %div3A_2049, %sub3A_2069 : i32
        %select_n3A_2071 = arith.select %and3A_2068, %sub3A_2070, %div3A_2049 : i32
        %mul3A_2072 = arith.constant 128 : i32
        %mul3A_2073 = arith.muli %select_n3A_2071, %mul3A_2072 : i32
        %multiple_of3A_2074 = tpu.assume_multiple %mul3A_2073, 128 : i32
        %dma_start3A_2075 = arith.constant 0 : i32
        %dma_start3A_2076 = tpu.memref_slice %arg4[%dma_start3A_2075, %multiple_of3A_2047] : memref<32x1000000xf32, #tpu.memory_space<hbm>> -> memref<32x128xf32, #tpu.memory_space<hbm>>
        %dma_start3A_2077 = arith.constant 0 : i32
        %dma_start3A_2078 = tpu.memref_slice %arg4[%dma_start3A_2077, %multiple_of3A_2047] : memref<32x1000000xf32, #tpu.memory_space<hbm>> -> memref<32x128xf32, #tpu.memory_space<hbm>>
        tpu.enqueue_dma source(%dma_start3A_2078 : memref<32x128xf32, #tpu.memory_space<hbm>>) target(%arg11 : memref<32x128xf32, #tpu.memory_space<vmem>>) target_semaphore(%arg29 : memref<!tpu.dma_semaphore, #tpu.memory_space<semaphore_mem>>)
        %dma_start3A_2079 = arith.constant 0 : i32
        %dma_start3A_2080 = tpu.memref_slice %arg5[%dma_start3A_2079, %multiple_of3A_2074] : memref<32x1000000xf32, #tpu.memory_space<hbm>> -> memref<32x128xf32, #tpu.memory_space<hbm>>
        %dma_start3A_2081 = arith.constant 0 : i32
        %dma_start3A_2082 = tpu.memref_slice %arg5[%dma_start3A_2081, %multiple_of3A_2074] : memref<32x1000000xf32, #tpu.memory_space<hbm>> -> memref<32x128xf32, #tpu.memory_space<hbm>>
        tpu.enqueue_dma source(%dma_start3A_2082 : memref<32x128xf32, #tpu.memory_space<hbm>>) target(%arg19 : memref<32x128xf32, #tpu.memory_space<vmem>>) target_semaphore(%arg37 : memref<!tpu.dma_semaphore, #tpu.memory_space<semaphore_mem>>)
      } else {
      }
      %dma_wait3A_1645 = arith.constant 0 : i32
      %dma_wait3A_1646 = arith.constant 0 : i32
      %dma_wait3A_1647 = tpu.memref_slice %arg4[%dma_wait3A_1645, %dma_wait3A_1646] : memref<32x1000000xf32, #tpu.memory_space<hbm>> -> memref<32x128xf32, #tpu.memory_space<hbm>>
      %dma_wait3A_1648 = arith.constant 0 : i32
      %dma_wait3A_1649 = arith.constant 0 : i32
      %dma_wait3A_1650 = tpu.memref_slice %arg4[%dma_wait3A_1648, %dma_wait3A_1649] : memref<32x1000000xf32, #tpu.memory_space<hbm>> -> memref<32x128xf32, #tpu.memory_space<hbm>>
      tpu.wait_dma2 semaphore(%arg30 : memref<!tpu.dma_semaphore, #tpu.memory_space<semaphore_mem>>) src(%dma_wait3A_1650 : memref<32x128xf32, #tpu.memory_space<hbm>>) dst(%arg12 : memref<32x128xf32, #tpu.memory_space<vmem>>)
      %dma_wait3A_1651 = arith.constant 0 : i32
      %dma_wait3A_1652 = arith.constant 0 : i32
      %dma_wait3A_1653 = tpu.memref_slice %arg5[%dma_wait3A_1651, %dma_wait3A_1652] : memref<32x1000000xf32, #tpu.memory_space<hbm>> -> memref<32x128xf32, #tpu.memory_space<hbm>>
      %dma_wait3A_1654 = arith.constant 0 : i32
      %dma_wait3A_1655 = arith.constant 0 : i32
      %dma_wait3A_1656 = tpu.memref_slice %arg5[%dma_wait3A_1654, %dma_wait3A_1655] : memref<32x1000000xf32, #tpu.memory_space<hbm>> -> memref<32x128xf32, #tpu.memory_space<hbm>>
      tpu.wait_dma2 semaphore(%arg38 : memref<!tpu.dma_semaphore, #tpu.memory_space<semaphore_mem>>) src(%dma_wait3A_1656 : memref<32x128xf32, #tpu.memory_space<hbm>>) dst(%arg20 : memref<32x128xf32, #tpu.memory_space<vmem>>)
      %add3A_1657 = arith.constant 10 : i32
      %add3A_1658 = arith.addi %mul3A_532, %add3A_1657 : i32
      %slice3A_1659 = vector.extract_strided_slice %get3A_534 {offsets = [10], sizes = [1], strides = [1]} : vector<16xi32> to vector<1xi32>
      %squeeze3A_1660 = vector.extract %slice3A_1659[0] : i32 from vector<1xi32>
      %slice3A_1661 = vector.extract_strided_slice %get3A_536 {offsets = [10], sizes = [1], strides = [1]} : vector<16xi32> to vector<1xi32>
      %squeeze3A_1662 = vector.extract %slice3A_1661[0] : i32 from vector<1xi32>
      %broadcast_in_dim3A_1663 = vector.broadcast %add3A_1658 : i32 to vector<16xi32>
      %jit3A_1664 = arith.constant 128 : i32
      %eq3A_1665 = arith.constant 0 : i32
      %eq3A_1666 = arith.cmpi eq, %jit3A_1664, %eq3A_1665 : i32
      %jit3A_1667 = arith.constant 1 : i32
      %select_n3A_1668 = arith.select %eq3A_1666, %jit3A_1667, %jit3A_1664 : i32
      %rem3A_1669 = arith.remsi %squeeze3A_1660, %select_n3A_1668 : i32
      %ne3A_1670 = arith.constant 0 : i32
      %ne3A_1671 = arith.cmpi ne, %rem3A_1669, %ne3A_1670 : i32
      %lt3A_1672 = arith.constant 0 : i32
      %lt3A_1673 = arith.cmpi slt, %rem3A_1669, %lt3A_1672 : i32
      %lt3A_1674 = arith.constant 0 : i32
      %lt3A_1675 = arith.cmpi slt, %select_n3A_1668, %lt3A_1674 : i32
      %ne3A_1676 = arith.xori %lt3A_1673, %lt3A_1675 : i1
      %and3A_1677 = arith.andi %ne3A_1676, %ne3A_1671 : i1
      %add3A_1678 = arith.addi %rem3A_1669, %select_n3A_1668 : i32
      %select_n3A_1679 = arith.select %and3A_1677, %add3A_1678, %rem3A_1669 : i32
      %broadcast_in_dim3A_1680 = vector.broadcast %select_n3A_1679 : i32 to vector<16xi32>
      %jit3A_1681 = arith.constant 128 : i32
      %eq3A_1682 = arith.constant 0 : i32
      %eq3A_1683 = arith.cmpi eq, %jit3A_1681, %eq3A_1682 : i32
      %jit3A_1684 = arith.constant 1 : i32
      %select_n3A_1685 = arith.select %eq3A_1683, %jit3A_1684, %jit3A_1681 : i32
      %rem3A_1686 = arith.remsi %squeeze3A_1662, %select_n3A_1685 : i32
      %ne3A_1687 = arith.constant 0 : i32
      %ne3A_1688 = arith.cmpi ne, %rem3A_1686, %ne3A_1687 : i32
      %lt3A_1689 = arith.constant 0 : i32
      %lt3A_1690 = arith.cmpi slt, %rem3A_1686, %lt3A_1689 : i32
      %lt3A_1691 = arith.constant 0 : i32
      %lt3A_1692 = arith.cmpi slt, %select_n3A_1685, %lt3A_1691 : i32
      %ne3A_1693 = arith.xori %lt3A_1690, %lt3A_1692 : i1
      %and3A_1694 = arith.andi %ne3A_1693, %ne3A_1688 : i1
      %add3A_1695 = arith.addi %rem3A_1686, %select_n3A_1685 : i32
      %select_n3A_1696 = arith.select %and3A_1694, %add3A_1695, %rem3A_1686 : i32
      %broadcast_in_dim3A_1697 = vector.broadcast %select_n3A_1696 : i32 to vector<16xi32>
      %gather3A_1698 = tpu.vector_load_idx %arg12[%iota3A, %broadcast_in_dim3A_1680] : memref<32x128xf32, #tpu.memory_space<vmem>>[vector<16xi32>, vector<16xi32>], vector<16xf32>,
      tpu.vector_store_idx %arg26[%iota3A, %broadcast_in_dim3A_1663], %gather3A_1698 : memref<32x512xf32, #tpu.memory_space<vmem>>[vector<16xi32>, vector<16xi32>], vector<16xf32>,
      %gather3A_1699 = tpu.vector_load_idx %arg12[%add3A_5, %broadcast_in_dim3A_1680] : memref<32x128xf32, #tpu.memory_space<vmem>>[vector<16xi32>, vector<16xi32>], vector<16xf32>,
      tpu.vector_store_idx %arg26[%add3A_5, %broadcast_in_dim3A_1663], %gather3A_1699 : memref<32x512xf32, #tpu.memory_space<vmem>>[vector<16xi32>, vector<16xi32>], vector<16xf32>,
      %gather3A_1700 = tpu.vector_load_idx %arg20[%iota3A, %broadcast_in_dim3A_1697] : memref<32x128xf32, #tpu.memory_space<vmem>>[vector<16xi32>, vector<16xi32>], vector<16xf32>,
      tpu.vector_store_idx %arg27[%iota3A, %broadcast_in_dim3A_1663], %gather3A_1700 : memref<32x512xf32, #tpu.memory_space<vmem>>[vector<16xi32>, vector<16xi32>], vector<16xf32>,
      %gather3A_1701 = tpu.vector_load_idx %arg20[%add3A_5, %broadcast_in_dim3A_1697] : memref<32x128xf32, #tpu.memory_space<vmem>>[vector<16xi32>, vector<16xi32>], vector<16xf32>,
      tpu.vector_store_idx %arg27[%add3A_5, %broadcast_in_dim3A_1663], %gather3A_1701 : memref<32x512xf32, #tpu.memory_space<vmem>>[vector<16xi32>, vector<16xi32>], vector<16xf32>,
      %lt3A_1702 = arith.constant 31 : i32
      %lt3A_1703 = arith.cmpi slt, %scan3A_530, %lt3A_1702 : i32
      %convert_element_type3A_1704 = arith.extui %lt3A_1703 : i1 to i32
      %cond3A_1705 = arith.constant 0 : i32
      %cond3A_1706 = arith.cmpi ne, %convert_element_type3A_1704, %cond3A_1705 : i32
      scf.if %cond3A_1706 {
        %slice3A_2017 = vector.extract_strided_slice %get3A_541 {offsets = [2], sizes = [1], strides = [1]} : vector<16xi32> to vector<1xi32>
        %squeeze3A_2018 = vector.extract %slice3A_2017[0] : i32 from vector<1xi32>
        %slice3A_2019 = vector.extract_strided_slice %get3A_543 {offsets = [2], sizes = [1], strides = [1]} : vector<16xi32> to vector<1xi32>
        %squeeze3A_2020 = vector.extract %slice3A_2019[0] : i32 from vector<1xi32>
        %jit3A_2021 = arith.constant 128 : i32
        %div3A_2022 = arith.divsi %squeeze3A_2018, %jit3A_2021 : i32
        %sign3A_2023 = arith.constant 0 : i32
        %sign3A_2024 = arith.cmpi sgt, %squeeze3A_2018, %sign3A_2023 : i32
        %sign3A_2025 = arith.extui %sign3A_2024 : i1 to i32
        %sign3A_2026 = arith.constant 0 : i32
        %sign3A_2027 = arith.cmpi slt, %squeeze3A_2018, %sign3A_2026 : i32
        %sign3A_2028 = arith.extui %sign3A_2027 : i1 to i32
        %sign3A_2029 = arith.subi %sign3A_2025, %sign3A_2028 : i32
        %sign3A_2030 = arith.constant 0 : i32
        %sign3A_2031 = arith.cmpi sgt, %jit3A_2021, %sign3A_2030 : i32
        %sign3A_2032 = arith.extui %sign3A_2031 : i1 to i32
        %sign3A_2033 = arith.constant 0 : i32
        %sign3A_2034 = arith.cmpi slt, %jit3A_2021, %sign3A_2033 : i32
        %sign3A_2035 = arith.extui %sign3A_2034 : i1 to i32
        %sign3A_2036 = arith.subi %sign3A_2032, %sign3A_2035 : i32
        %ne3A_2037 = arith.cmpi ne, %sign3A_2029, %sign3A_2036 : i32
        %rem3A_2038 = arith.remsi %squeeze3A_2018, %jit3A_2021 : i32
        %ne3A_2039 = arith.constant 0 : i32
        %ne3A_2040 = arith.cmpi ne, %rem3A_2038, %ne3A_2039 : i32
        %and3A_2041 = arith.andi %ne3A_2037, %ne3A_2040 : i1
        %sub3A_2042 = arith.constant 1 : i32
        %sub3A_2043 = arith.subi %div3A_2022, %sub3A_2042 : i32
        %select_n3A_2044 = arith.select %and3A_2041, %sub3A_2043, %div3A_2022 : i32
        %mul3A_2045 = arith.constant 128 : i32
        %mul3A_2046 = arith.muli %select_n3A_2044, %mul3A_2045 : i32
        %multiple_of3A_2047 = tpu.assume_multiple %mul3A_2046, 128 : i32
        %jit3A_2048 = arith.constant 128 : i32
        %div3A_2049 = arith.divsi %squeeze3A_2020, %jit3A_2048 : i32
        %sign3A_2050 = arith.constant 0 : i32
        %sign3A_2051 = arith.cmpi sgt, %squeeze3A_2020, %sign3A_2050 : i32
        %sign3A_2052 = arith.extui %sign3A_2051 : i1 to i32
        %sign3A_2053 = arith.constant 0 : i32
        %sign3A_2054 = arith.cmpi slt, %squeeze3A_2020, %sign3A_2053 : i32
        %sign3A_2055 = arith.extui %sign3A_2054 : i1 to i32
        %sign3A_2056 = arith.subi %sign3A_2052, %sign3A_2055 : i32
        %sign3A_2057 = arith.constant 0 : i32
        %sign3A_2058 = arith.cmpi sgt, %jit3A_2048, %sign3A_2057 : i32
        %sign3A_2059 = arith.extui %sign3A_2058 : i1 to i32
        %sign3A_2060 = arith.constant 0 : i32
        %sign3A_2061 = arith.cmpi slt, %jit3A_2048, %sign3A_2060 : i32
        %sign3A_2062 = arith.extui %sign3A_2061 : i1 to i32
        %sign3A_2063 = arith.subi %sign3A_2059, %sign3A_2062 : i32
        %ne3A_2064 = arith.cmpi ne, %sign3A_2056, %sign3A_2063 : i32
        %rem3A_2065 = arith.remsi %squeeze3A_2020, %jit3A_2048 : i32
        %ne3A_2066 = arith.constant 0 : i32
        %ne3A_2067 = arith.cmpi ne, %rem3A_2065, %ne3A_2066 : i32
        %and3A_2068 = arith.andi %ne3A_2064, %ne3A_2067 : i1
        %sub3A_2069 = arith.constant 1 : i32
        %sub3A_2070 = arith.subi %div3A_2049, %sub3A_2069 : i32
        %select_n3A_2071 = arith.select %and3A_2068, %sub3A_2070, %div3A_2049 : i32
        %mul3A_2072 = arith.constant 128 : i32
        %mul3A_2073 = arith.muli %select_n3A_2071, %mul3A_2072 : i32
        %multiple_of3A_2074 = tpu.assume_multiple %mul3A_2073, 128 : i32
        %dma_start3A_2075 = arith.constant 0 : i32
        %dma_start3A_2076 = tpu.memref_slice %arg4[%dma_start3A_2075, %multiple_of3A_2047] : memref<32x1000000xf32, #tpu.memory_space<hbm>> -> memref<32x128xf32, #tpu.memory_space<hbm>>
        %dma_start3A_2077 = arith.constant 0 : i32
        %dma_start3A_2078 = tpu.memref_slice %arg4[%dma_start3A_2077, %multiple_of3A_2047] : memref<32x1000000xf32, #tpu.memory_space<hbm>> -> memref<32x128xf32, #tpu.memory_space<hbm>>
        tpu.enqueue_dma source(%dma_start3A_2078 : memref<32x128xf32, #tpu.memory_space<hbm>>) target(%arg12 : memref<32x128xf32, #tpu.memory_space<vmem>>) target_semaphore(%arg30 : memref<!tpu.dma_semaphore, #tpu.memory_space<semaphore_mem>>)
        %dma_start3A_2079 = arith.constant 0 : i32
        %dma_start3A_2080 = tpu.memref_slice %arg5[%dma_start3A_2079, %multiple_of3A_2074] : memref<32x1000000xf32, #tpu.memory_space<hbm>> -> memref<32x128xf32, #tpu.memory_space<hbm>>
        %dma_start3A_2081 = arith.constant 0 : i32
        %dma_start3A_2082 = tpu.memref_slice %arg5[%dma_start3A_2081, %multiple_of3A_2074] : memref<32x1000000xf32, #tpu.memory_space<hbm>> -> memref<32x128xf32, #tpu.memory_space<hbm>>
        tpu.enqueue_dma source(%dma_start3A_2082 : memref<32x128xf32, #tpu.memory_space<hbm>>) target(%arg20 : memref<32x128xf32, #tpu.memory_space<vmem>>) target_semaphore(%arg38 : memref<!tpu.dma_semaphore, #tpu.memory_space<semaphore_mem>>)
      } else {
      }
      %dma_wait3A_1707 = arith.constant 0 : i32
      %dma_wait3A_1708 = arith.constant 0 : i32
      %dma_wait3A_1709 = tpu.memref_slice %arg4[%dma_wait3A_1707, %dma_wait3A_1708] : memref<32x1000000xf32, #tpu.memory_space<hbm>> -> memref<32x128xf32, #tpu.memory_space<hbm>>
      %dma_wait3A_1710 = arith.constant 0 : i32
      %dma_wait3A_1711 = arith.constant 0 : i32
      %dma_wait3A_1712 = tpu.memref_slice %arg4[%dma_wait3A_1710, %dma_wait3A_1711] : memref<32x1000000xf32, #tpu.memory_space<hbm>> -> memref<32x128xf32, #tpu.memory_space<hbm>>
      tpu.wait_dma2 semaphore(%arg31 : memref<!tpu.dma_semaphore, #tpu.memory_space<semaphore_mem>>) src(%dma_wait3A_1712 : memref<32x128xf32, #tpu.memory_space<hbm>>) dst(%arg13 : memref<32x128xf32, #tpu.memory_space<vmem>>)
      %dma_wait3A_1713 = arith.constant 0 : i32
      %dma_wait3A_1714 = arith.constant 0 : i32
      %dma_wait3A_1715 = tpu.memref_slice %arg5[%dma_wait3A_1713, %dma_wait3A_1714] : memref<32x1000000xf32, #tpu.memory_space<hbm>> -> memref<32x128xf32, #tpu.memory_space<hbm>>
      %dma_wait3A_1716 = arith.constant 0 : i32
      %dma_wait3A_1717 = arith.constant 0 : i32
      %dma_wait3A_1718 = tpu.memref_slice %arg5[%dma_wait3A_1716, %dma_wait3A_1717] : memref<32x1000000xf32, #tpu.memory_space<hbm>> -> memref<32x128xf32, #tpu.memory_space<hbm>>
      tpu.wait_dma2 semaphore(%arg39 : memref<!tpu.dma_semaphore, #tpu.memory_space<semaphore_mem>>) src(%dma_wait3A_1718 : memref<32x128xf32, #tpu.memory_space<hbm>>) dst(%arg21 : memref<32x128xf32, #tpu.memory_space<vmem>>)
      %add3A_1719 = arith.constant 11 : i32
      %add3A_1720 = arith.addi %mul3A_532, %add3A_1719 : i32
      %slice3A_1721 = vector.extract_strided_slice %get3A_534 {offsets = [11], sizes = [1], strides = [1]} : vector<16xi32> to vector<1xi32>
      %squeeze3A_1722 = vector.extract %slice3A_1721[0] : i32 from vector<1xi32>
      %slice3A_1723 = vector.extract_strided_slice %get3A_536 {offsets = [11], sizes = [1], strides = [1]} : vector<16xi32> to vector<1xi32>
      %squeeze3A_1724 = vector.extract %slice3A_1723[0] : i32 from vector<1xi32>
      %broadcast_in_dim3A_1725 = vector.broadcast %add3A_1720 : i32 to vector<16xi32>
      %jit3A_1726 = arith.constant 128 : i32
      %eq3A_1727 = arith.constant 0 : i32
      %eq3A_1728 = arith.cmpi eq, %jit3A_1726, %eq3A_1727 : i32
      %jit3A_1729 = arith.constant 1 : i32
      %select_n3A_1730 = arith.select %eq3A_1728, %jit3A_1729, %jit3A_1726 : i32
      %rem3A_1731 = arith.remsi %squeeze3A_1722, %select_n3A_1730 : i32
      %ne3A_1732 = arith.constant 0 : i32
      %ne3A_1733 = arith.cmpi ne, %rem3A_1731, %ne3A_1732 : i32
      %lt3A_1734 = arith.constant 0 : i32
      %lt3A_1735 = arith.cmpi slt, %rem3A_1731, %lt3A_1734 : i32
      %lt3A_1736 = arith.constant 0 : i32
      %lt3A_1737 = arith.cmpi slt, %select_n3A_1730, %lt3A_1736 : i32
      %ne3A_1738 = arith.xori %lt3A_1735, %lt3A_1737 : i1
      %and3A_1739 = arith.andi %ne3A_1738, %ne3A_1733 : i1
      %add3A_1740 = arith.addi %rem3A_1731, %select_n3A_1730 : i32
      %select_n3A_1741 = arith.select %and3A_1739, %add3A_1740, %rem3A_1731 : i32
      %broadcast_in_dim3A_1742 = vector.broadcast %select_n3A_1741 : i32 to vector<16xi32>
      %jit3A_1743 = arith.constant 128 : i32
      %eq3A_1744 = arith.constant 0 : i32
      %eq3A_1745 = arith.cmpi eq, %jit3A_1743, %eq3A_1744 : i32
      %jit3A_1746 = arith.constant 1 : i32
      %select_n3A_1747 = arith.select %eq3A_1745, %jit3A_1746, %jit3A_1743 : i32
      %rem3A_1748 = arith.remsi %squeeze3A_1724, %select_n3A_1747 : i32
      %ne3A_1749 = arith.constant 0 : i32
      %ne3A_1750 = arith.cmpi ne, %rem3A_1748, %ne3A_1749 : i32
      %lt3A_1751 = arith.constant 0 : i32
      %lt3A_1752 = arith.cmpi slt, %rem3A_1748, %lt3A_1751 : i32
      %lt3A_1753 = arith.constant 0 : i32
      %lt3A_1754 = arith.cmpi slt, %select_n3A_1747, %lt3A_1753 : i32
      %ne3A_1755 = arith.xori %lt3A_1752, %lt3A_1754 : i1
      %and3A_1756 = arith.andi %ne3A_1755, %ne3A_1750 : i1
      %add3A_1757 = arith.addi %rem3A_1748, %select_n3A_1747 : i32
      %select_n3A_1758 = arith.select %and3A_1756, %add3A_1757, %rem3A_1748 : i32
      %broadcast_in_dim3A_1759 = vector.broadcast %select_n3A_1758 : i32 to vector<16xi32>
      %gather3A_1760 = tpu.vector_load_idx %arg13[%iota3A, %broadcast_in_dim3A_1742] : memref<32x128xf32, #tpu.memory_space<vmem>>[vector<16xi32>, vector<16xi32>], vector<16xf32>,
      tpu.vector_store_idx %arg26[%iota3A, %broadcast_in_dim3A_1725], %gather3A_1760 : memref<32x512xf32, #tpu.memory_space<vmem>>[vector<16xi32>, vector<16xi32>], vector<16xf32>,
      %gather3A_1761 = tpu.vector_load_idx %arg13[%add3A_5, %broadcast_in_dim3A_1742] : memref<32x128xf32, #tpu.memory_space<vmem>>[vector<16xi32>, vector<16xi32>], vector<16xf32>,
      tpu.vector_store_idx %arg26[%add3A_5, %broadcast_in_dim3A_1725], %gather3A_1761 : memref<32x512xf32, #tpu.memory_space<vmem>>[vector<16xi32>, vector<16xi32>], vector<16xf32>,
      %gather3A_1762 = tpu.vector_load_idx %arg21[%iota3A, %broadcast_in_dim3A_1759] : memref<32x128xf32, #tpu.memory_space<vmem>>[vector<16xi32>, vector<16xi32>], vector<16xf32>,
      tpu.vector_store_idx %arg27[%iota3A, %broadcast_in_dim3A_1725], %gather3A_1762 : memref<32x512xf32, #tpu.memory_space<vmem>>[vector<16xi32>, vector<16xi32>], vector<16xf32>,
      %gather3A_1763 = tpu.vector_load_idx %arg21[%add3A_5, %broadcast_in_dim3A_1759] : memref<32x128xf32, #tpu.memory_space<vmem>>[vector<16xi32>, vector<16xi32>], vector<16xf32>,
      tpu.vector_store_idx %arg27[%add3A_5, %broadcast_in_dim3A_1725], %gather3A_1763 : memref<32x512xf32, #tpu.memory_space<vmem>>[vector<16xi32>, vector<16xi32>], vector<16xf32>,
      %lt3A_1764 = arith.constant 31 : i32
      %lt3A_1765 = arith.cmpi slt, %scan3A_530, %lt3A_1764 : i32
      %convert_element_type3A_1766 = arith.extui %lt3A_1765 : i1 to i32
      %cond3A_1767 = arith.constant 0 : i32
      %cond3A_1768 = arith.cmpi ne, %convert_element_type3A_1766, %cond3A_1767 : i32
      scf.if %cond3A_1768 {
        %slice3A_2017 = vector.extract_strided_slice %get3A_541 {offsets = [3], sizes = [1], strides = [1]} : vector<16xi32> to vector<1xi32>
        %squeeze3A_2018 = vector.extract %slice3A_2017[0] : i32 from vector<1xi32>
        %slice3A_2019 = vector.extract_strided_slice %get3A_543 {offsets = [3], sizes = [1], strides = [1]} : vector<16xi32> to vector<1xi32>
        %squeeze3A_2020 = vector.extract %slice3A_2019[0] : i32 from vector<1xi32>
        %jit3A_2021 = arith.constant 128 : i32
        %div3A_2022 = arith.divsi %squeeze3A_2018, %jit3A_2021 : i32
        %sign3A_2023 = arith.constant 0 : i32
        %sign3A_2024 = arith.cmpi sgt, %squeeze3A_2018, %sign3A_2023 : i32
        %sign3A_2025 = arith.extui %sign3A_2024 : i1 to i32
        %sign3A_2026 = arith.constant 0 : i32
        %sign3A_2027 = arith.cmpi slt, %squeeze3A_2018, %sign3A_2026 : i32
        %sign3A_2028 = arith.extui %sign3A_2027 : i1 to i32
        %sign3A_2029 = arith.subi %sign3A_2025, %sign3A_2028 : i32
        %sign3A_2030 = arith.constant 0 : i32
        %sign3A_2031 = arith.cmpi sgt, %jit3A_2021, %sign3A_2030 : i32
        %sign3A_2032 = arith.extui %sign3A_2031 : i1 to i32
        %sign3A_2033 = arith.constant 0 : i32
        %sign3A_2034 = arith.cmpi slt, %jit3A_2021, %sign3A_2033 : i32
        %sign3A_2035 = arith.extui %sign3A_2034 : i1 to i32
        %sign3A_2036 = arith.subi %sign3A_2032, %sign3A_2035 : i32
        %ne3A_2037 = arith.cmpi ne, %sign3A_2029, %sign3A_2036 : i32
        %rem3A_2038 = arith.remsi %squeeze3A_2018, %jit3A_2021 : i32
        %ne3A_2039 = arith.constant 0 : i32
        %ne3A_2040 = arith.cmpi ne, %rem3A_2038, %ne3A_2039 : i32
        %and3A_2041 = arith.andi %ne3A_2037, %ne3A_2040 : i1
        %sub3A_2042 = arith.constant 1 : i32
        %sub3A_2043 = arith.subi %div3A_2022, %sub3A_2042 : i32
        %select_n3A_2044 = arith.select %and3A_2041, %sub3A_2043, %div3A_2022 : i32
        %mul3A_2045 = arith.constant 128 : i32
        %mul3A_2046 = arith.muli %select_n3A_2044, %mul3A_2045 : i32
        %multiple_of3A_2047 = tpu.assume_multiple %mul3A_2046, 128 : i32
        %jit3A_2048 = arith.constant 128 : i32
        %div3A_2049 = arith.divsi %squeeze3A_2020, %jit3A_2048 : i32
        %sign3A_2050 = arith.constant 0 : i32
        %sign3A_2051 = arith.cmpi sgt, %squeeze3A_2020, %sign3A_2050 : i32
        %sign3A_2052 = arith.extui %sign3A_2051 : i1 to i32
        %sign3A_2053 = arith.constant 0 : i32
        %sign3A_2054 = arith.cmpi slt, %squeeze3A_2020, %sign3A_2053 : i32
        %sign3A_2055 = arith.extui %sign3A_2054 : i1 to i32
        %sign3A_2056 = arith.subi %sign3A_2052, %sign3A_2055 : i32
        %sign3A_2057 = arith.constant 0 : i32
        %sign3A_2058 = arith.cmpi sgt, %jit3A_2048, %sign3A_2057 : i32
        %sign3A_2059 = arith.extui %sign3A_2058 : i1 to i32
        %sign3A_2060 = arith.constant 0 : i32
        %sign3A_2061 = arith.cmpi slt, %jit3A_2048, %sign3A_2060 : i32
        %sign3A_2062 = arith.extui %sign3A_2061 : i1 to i32
        %sign3A_2063 = arith.subi %sign3A_2059, %sign3A_2062 : i32
        %ne3A_2064 = arith.cmpi ne, %sign3A_2056, %sign3A_2063 : i32
        %rem3A_2065 = arith.remsi %squeeze3A_2020, %jit3A_2048 : i32
        %ne3A_2066 = arith.constant 0 : i32
        %ne3A_2067 = arith.cmpi ne, %rem3A_2065, %ne3A_2066 : i32
        %and3A_2068 = arith.andi %ne3A_2064, %ne3A_2067 : i1
        %sub3A_2069 = arith.constant 1 : i32
        %sub3A_2070 = arith.subi %div3A_2049, %sub3A_2069 : i32
        %select_n3A_2071 = arith.select %and3A_2068, %sub3A_2070, %div3A_2049 : i32
        %mul3A_2072 = arith.constant 128 : i32
        %mul3A_2073 = arith.muli %select_n3A_2071, %mul3A_2072 : i32
        %multiple_of3A_2074 = tpu.assume_multiple %mul3A_2073, 128 : i32
        %dma_start3A_2075 = arith.constant 0 : i32
        %dma_start3A_2076 = tpu.memref_slice %arg4[%dma_start3A_2075, %multiple_of3A_2047] : memref<32x1000000xf32, #tpu.memory_space<hbm>> -> memref<32x128xf32, #tpu.memory_space<hbm>>
        %dma_start3A_2077 = arith.constant 0 : i32
        %dma_start3A_2078 = tpu.memref_slice %arg4[%dma_start3A_2077, %multiple_of3A_2047] : memref<32x1000000xf32, #tpu.memory_space<hbm>> -> memref<32x128xf32, #tpu.memory_space<hbm>>
        tpu.enqueue_dma source(%dma_start3A_2078 : memref<32x128xf32, #tpu.memory_space<hbm>>) target(%arg13 : memref<32x128xf32, #tpu.memory_space<vmem>>) target_semaphore(%arg31 : memref<!tpu.dma_semaphore, #tpu.memory_space<semaphore_mem>>)
        %dma_start3A_2079 = arith.constant 0 : i32
        %dma_start3A_2080 = tpu.memref_slice %arg5[%dma_start3A_2079, %multiple_of3A_2074] : memref<32x1000000xf32, #tpu.memory_space<hbm>> -> memref<32x128xf32, #tpu.memory_space<hbm>>
        %dma_start3A_2081 = arith.constant 0 : i32
        %dma_start3A_2082 = tpu.memref_slice %arg5[%dma_start3A_2081, %multiple_of3A_2074] : memref<32x1000000xf32, #tpu.memory_space<hbm>> -> memref<32x128xf32, #tpu.memory_space<hbm>>
        tpu.enqueue_dma source(%dma_start3A_2082 : memref<32x128xf32, #tpu.memory_space<hbm>>) target(%arg21 : memref<32x128xf32, #tpu.memory_space<vmem>>) target_semaphore(%arg39 : memref<!tpu.dma_semaphore, #tpu.memory_space<semaphore_mem>>)
      } else {
      }
      %dma_wait3A_1769 = arith.constant 0 : i32
      %dma_wait3A_1770 = arith.constant 0 : i32
      %dma_wait3A_1771 = tpu.memref_slice %arg4[%dma_wait3A_1769, %dma_wait3A_1770] : memref<32x1000000xf32, #tpu.memory_space<hbm>> -> memref<32x128xf32, #tpu.memory_space<hbm>>
      %dma_wait3A_1772 = arith.constant 0 : i32
      %dma_wait3A_1773 = arith.constant 0 : i32
      %dma_wait3A_1774 = tpu.memref_slice %arg4[%dma_wait3A_1772, %dma_wait3A_1773] : memref<32x1000000xf32, #tpu.memory_space<hbm>> -> memref<32x128xf32, #tpu.memory_space<hbm>>
      tpu.wait_dma2 semaphore(%arg32 : memref<!tpu.dma_semaphore, #tpu.memory_space<semaphore_mem>>) src(%dma_wait3A_1774 : memref<32x128xf32, #tpu.memory_space<hbm>>) dst(%arg14 : memref<32x128xf32, #tpu.memory_space<vmem>>)
      %dma_wait3A_1775 = arith.constant 0 : i32
      %dma_wait3A_1776 = arith.constant 0 : i32
      %dma_wait3A_1777 = tpu.memref_slice %arg5[%dma_wait3A_1775, %dma_wait3A_1776] : memref<32x1000000xf32, #tpu.memory_space<hbm>> -> memref<32x128xf32, #tpu.memory_space<hbm>>
      %dma_wait3A_1778 = arith.constant 0 : i32
      %dma_wait3A_1779 = arith.constant 0 : i32
      %dma_wait3A_1780 = tpu.memref_slice %arg5[%dma_wait3A_1778, %dma_wait3A_1779] : memref<32x1000000xf32, #tpu.memory_space<hbm>> -> memref<32x128xf32, #tpu.memory_space<hbm>>
      tpu.wait_dma2 semaphore(%arg40 : memref<!tpu.dma_semaphore, #tpu.memory_space<semaphore_mem>>) src(%dma_wait3A_1780 : memref<32x128xf32, #tpu.memory_space<hbm>>) dst(%arg22 : memref<32x128xf32, #tpu.memory_space<vmem>>)
      %add3A_1781 = arith.constant 12 : i32
      %add3A_1782 = arith.addi %mul3A_532, %add3A_1781 : i32
      %slice3A_1783 = vector.extract_strided_slice %get3A_534 {offsets = [12], sizes = [1], strides = [1]} : vector<16xi32> to vector<1xi32>
      %squeeze3A_1784 = vector.extract %slice3A_1783[0] : i32 from vector<1xi32>
      %slice3A_1785 = vector.extract_strided_slice %get3A_536 {offsets = [12], sizes = [1], strides = [1]} : vector<16xi32> to vector<1xi32>
      %squeeze3A_1786 = vector.extract %slice3A_1785[0] : i32 from vector<1xi32>
      %broadcast_in_dim3A_1787 = vector.broadcast %add3A_1782 : i32 to vector<16xi32>
      %jit3A_1788 = arith.constant 128 : i32
      %eq3A_1789 = arith.constant 0 : i32
      %eq3A_1790 = arith.cmpi eq, %jit3A_1788, %eq3A_1789 : i32
      %jit3A_1791 = arith.constant 1 : i32
      %select_n3A_1792 = arith.select %eq3A_1790, %jit3A_1791, %jit3A_1788 : i32
      %rem3A_1793 = arith.remsi %squeeze3A_1784, %select_n3A_1792 : i32
      %ne3A_1794 = arith.constant 0 : i32
      %ne3A_1795 = arith.cmpi ne, %rem3A_1793, %ne3A_1794 : i32
      %lt3A_1796 = arith.constant 0 : i32
      %lt3A_1797 = arith.cmpi slt, %rem3A_1793, %lt3A_1796 : i32
      %lt3A_1798 = arith.constant 0 : i32
      %lt3A_1799 = arith.cmpi slt, %select_n3A_1792, %lt3A_1798 : i32
      %ne3A_1800 = arith.xori %lt3A_1797, %lt3A_1799 : i1
      %and3A_1801 = arith.andi %ne3A_1800, %ne3A_1795 : i1
      %add3A_1802 = arith.addi %rem3A_1793, %select_n3A_1792 : i32
      %select_n3A_1803 = arith.select %and3A_1801, %add3A_1802, %rem3A_1793 : i32
      %broadcast_in_dim3A_1804 = vector.broadcast %select_n3A_1803 : i32 to vector<16xi32>
      %jit3A_1805 = arith.constant 128 : i32
      %eq3A_1806 = arith.constant 0 : i32
      %eq3A_1807 = arith.cmpi eq, %jit3A_1805, %eq3A_1806 : i32
      %jit3A_1808 = arith.constant 1 : i32
      %select_n3A_1809 = arith.select %eq3A_1807, %jit3A_1808, %jit3A_1805 : i32
      %rem3A_1810 = arith.remsi %squeeze3A_1786, %select_n3A_1809 : i32
      %ne3A_1811 = arith.constant 0 : i32
      %ne3A_1812 = arith.cmpi ne, %rem3A_1810, %ne3A_1811 : i32
      %lt3A_1813 = arith.constant 0 : i32
      %lt3A_1814 = arith.cmpi slt, %rem3A_1810, %lt3A_1813 : i32
      %lt3A_1815 = arith.constant 0 : i32
      %lt3A_1816 = arith.cmpi slt, %select_n3A_1809, %lt3A_1815 : i32
      %ne3A_1817 = arith.xori %lt3A_1814, %lt3A_1816 : i1
      %and3A_1818 = arith.andi %ne3A_1817, %ne3A_1812 : i1
      %add3A_1819 = arith.addi %rem3A_1810, %select_n3A_1809 : i32
      %select_n3A_1820 = arith.select %and3A_1818, %add3A_1819, %rem3A_1810 : i32
      %broadcast_in_dim3A_1821 = vector.broadcast %select_n3A_1820 : i32 to vector<16xi32>
      %gather3A_1822 = tpu.vector_load_idx %arg14[%iota3A, %broadcast_in_dim3A_1804] : memref<32x128xf32, #tpu.memory_space<vmem>>[vector<16xi32>, vector<16xi32>], vector<16xf32>,
      tpu.vector_store_idx %arg26[%iota3A, %broadcast_in_dim3A_1787], %gather3A_1822 : memref<32x512xf32, #tpu.memory_space<vmem>>[vector<16xi32>, vector<16xi32>], vector<16xf32>,
      %gather3A_1823 = tpu.vector_load_idx %arg14[%add3A_5, %broadcast_in_dim3A_1804] : memref<32x128xf32, #tpu.memory_space<vmem>>[vector<16xi32>, vector<16xi32>], vector<16xf32>,
      tpu.vector_store_idx %arg26[%add3A_5, %broadcast_in_dim3A_1787], %gather3A_1823 : memref<32x512xf32, #tpu.memory_space<vmem>>[vector<16xi32>, vector<16xi32>], vector<16xf32>,
      %gather3A_1824 = tpu.vector_load_idx %arg22[%iota3A, %broadcast_in_dim3A_1821] : memref<32x128xf32, #tpu.memory_space<vmem>>[vector<16xi32>, vector<16xi32>], vector<16xf32>,
      tpu.vector_store_idx %arg27[%iota3A, %broadcast_in_dim3A_1787], %gather3A_1824 : memref<32x512xf32, #tpu.memory_space<vmem>>[vector<16xi32>, vector<16xi32>], vector<16xf32>,
      %gather3A_1825 = tpu.vector_load_idx %arg22[%add3A_5, %broadcast_in_dim3A_1821] : memref<32x128xf32, #tpu.memory_space<vmem>>[vector<16xi32>, vector<16xi32>], vector<16xf32>,
      tpu.vector_store_idx %arg27[%add3A_5, %broadcast_in_dim3A_1787], %gather3A_1825 : memref<32x512xf32, #tpu.memory_space<vmem>>[vector<16xi32>, vector<16xi32>], vector<16xf32>,
      %lt3A_1826 = arith.constant 31 : i32
      %lt3A_1827 = arith.cmpi slt, %scan3A_530, %lt3A_1826 : i32
      %convert_element_type3A_1828 = arith.extui %lt3A_1827 : i1 to i32
      %cond3A_1829 = arith.constant 0 : i32
      %cond3A_1830 = arith.cmpi ne, %convert_element_type3A_1828, %cond3A_1829 : i32
      scf.if %cond3A_1830 {
        %slice3A_2017 = vector.extract_strided_slice %get3A_541 {offsets = [4], sizes = [1], strides = [1]} : vector<16xi32> to vector<1xi32>
        %squeeze3A_2018 = vector.extract %slice3A_2017[0] : i32 from vector<1xi32>
        %slice3A_2019 = vector.extract_strided_slice %get3A_543 {offsets = [4], sizes = [1], strides = [1]} : vector<16xi32> to vector<1xi32>
        %squeeze3A_2020 = vector.extract %slice3A_2019[0] : i32 from vector<1xi32>
        %jit3A_2021 = arith.constant 128 : i32
        %div3A_2022 = arith.divsi %squeeze3A_2018, %jit3A_2021 : i32
        %sign3A_2023 = arith.constant 0 : i32
        %sign3A_2024 = arith.cmpi sgt, %squeeze3A_2018, %sign3A_2023 : i32
        %sign3A_2025 = arith.extui %sign3A_2024 : i1 to i32
        %sign3A_2026 = arith.constant 0 : i32
        %sign3A_2027 = arith.cmpi slt, %squeeze3A_2018, %sign3A_2026 : i32
        %sign3A_2028 = arith.extui %sign3A_2027 : i1 to i32
        %sign3A_2029 = arith.subi %sign3A_2025, %sign3A_2028 : i32
        %sign3A_2030 = arith.constant 0 : i32
        %sign3A_2031 = arith.cmpi sgt, %jit3A_2021, %sign3A_2030 : i32
        %sign3A_2032 = arith.extui %sign3A_2031 : i1 to i32
        %sign3A_2033 = arith.constant 0 : i32
        %sign3A_2034 = arith.cmpi slt, %jit3A_2021, %sign3A_2033 : i32
        %sign3A_2035 = arith.extui %sign3A_2034 : i1 to i32
        %sign3A_2036 = arith.subi %sign3A_2032, %sign3A_2035 : i32
        %ne3A_2037 = arith.cmpi ne, %sign3A_2029, %sign3A_2036 : i32
        %rem3A_2038 = arith.remsi %squeeze3A_2018, %jit3A_2021 : i32
        %ne3A_2039 = arith.constant 0 : i32
        %ne3A_2040 = arith.cmpi ne, %rem3A_2038, %ne3A_2039 : i32
        %and3A_2041 = arith.andi %ne3A_2037, %ne3A_2040 : i1
        %sub3A_2042 = arith.constant 1 : i32
        %sub3A_2043 = arith.subi %div3A_2022, %sub3A_2042 : i32
        %select_n3A_2044 = arith.select %and3A_2041, %sub3A_2043, %div3A_2022 : i32
        %mul3A_2045 = arith.constant 128 : i32
        %mul3A_2046 = arith.muli %select_n3A_2044, %mul3A_2045 : i32
        %multiple_of3A_2047 = tpu.assume_multiple %mul3A_2046, 128 : i32
        %jit3A_2048 = arith.constant 128 : i32
        %div3A_2049 = arith.divsi %squeeze3A_2020, %jit3A_2048 : i32
        %sign3A_2050 = arith.constant 0 : i32
        %sign3A_2051 = arith.cmpi sgt, %squeeze3A_2020, %sign3A_2050 : i32
        %sign3A_2052 = arith.extui %sign3A_2051 : i1 to i32
        %sign3A_2053 = arith.constant 0 : i32
        %sign3A_2054 = arith.cmpi slt, %squeeze3A_2020, %sign3A_2053 : i32
        %sign3A_2055 = arith.extui %sign3A_2054 : i1 to i32
        %sign3A_2056 = arith.subi %sign3A_2052, %sign3A_2055 : i32
        %sign3A_2057 = arith.constant 0 : i32
        %sign3A_2058 = arith.cmpi sgt, %jit3A_2048, %sign3A_2057 : i32
        %sign3A_2059 = arith.extui %sign3A_2058 : i1 to i32
        %sign3A_2060 = arith.constant 0 : i32
        %sign3A_2061 = arith.cmpi slt, %jit3A_2048, %sign3A_2060 : i32
        %sign3A_2062 = arith.extui %sign3A_2061 : i1 to i32
        %sign3A_2063 = arith.subi %sign3A_2059, %sign3A_2062 : i32
        %ne3A_2064 = arith.cmpi ne, %sign3A_2056, %sign3A_2063 : i32
        %rem3A_2065 = arith.remsi %squeeze3A_2020, %jit3A_2048 : i32
        %ne3A_2066 = arith.constant 0 : i32
        %ne3A_2067 = arith.cmpi ne, %rem3A_2065, %ne3A_2066 : i32
        %and3A_2068 = arith.andi %ne3A_2064, %ne3A_2067 : i1
        %sub3A_2069 = arith.constant 1 : i32
        %sub3A_2070 = arith.subi %div3A_2049, %sub3A_2069 : i32
        %select_n3A_2071 = arith.select %and3A_2068, %sub3A_2070, %div3A_2049 : i32
        %mul3A_2072 = arith.constant 128 : i32
        %mul3A_2073 = arith.muli %select_n3A_2071, %mul3A_2072 : i32
        %multiple_of3A_2074 = tpu.assume_multiple %mul3A_2073, 128 : i32
        %dma_start3A_2075 = arith.constant 0 : i32
        %dma_start3A_2076 = tpu.memref_slice %arg4[%dma_start3A_2075, %multiple_of3A_2047] : memref<32x1000000xf32, #tpu.memory_space<hbm>> -> memref<32x128xf32, #tpu.memory_space<hbm>>
        %dma_start3A_2077 = arith.constant 0 : i32
        %dma_start3A_2078 = tpu.memref_slice %arg4[%dma_start3A_2077, %multiple_of3A_2047] : memref<32x1000000xf32, #tpu.memory_space<hbm>> -> memref<32x128xf32, #tpu.memory_space<hbm>>
        tpu.enqueue_dma source(%dma_start3A_2078 : memref<32x128xf32, #tpu.memory_space<hbm>>) target(%arg14 : memref<32x128xf32, #tpu.memory_space<vmem>>) target_semaphore(%arg32 : memref<!tpu.dma_semaphore, #tpu.memory_space<semaphore_mem>>)
        %dma_start3A_2079 = arith.constant 0 : i32
        %dma_start3A_2080 = tpu.memref_slice %arg5[%dma_start3A_2079, %multiple_of3A_2074] : memref<32x1000000xf32, #tpu.memory_space<hbm>> -> memref<32x128xf32, #tpu.memory_space<hbm>>
        %dma_start3A_2081 = arith.constant 0 : i32
        %dma_start3A_2082 = tpu.memref_slice %arg5[%dma_start3A_2081, %multiple_of3A_2074] : memref<32x1000000xf32, #tpu.memory_space<hbm>> -> memref<32x128xf32, #tpu.memory_space<hbm>>
        tpu.enqueue_dma source(%dma_start3A_2082 : memref<32x128xf32, #tpu.memory_space<hbm>>) target(%arg22 : memref<32x128xf32, #tpu.memory_space<vmem>>) target_semaphore(%arg40 : memref<!tpu.dma_semaphore, #tpu.memory_space<semaphore_mem>>)
      } else {
      }
      %dma_wait3A_1831 = arith.constant 0 : i32
      %dma_wait3A_1832 = arith.constant 0 : i32
      %dma_wait3A_1833 = tpu.memref_slice %arg4[%dma_wait3A_1831, %dma_wait3A_1832] : memref<32x1000000xf32, #tpu.memory_space<hbm>> -> memref<32x128xf32, #tpu.memory_space<hbm>>
      %dma_wait3A_1834 = arith.constant 0 : i32
      %dma_wait3A_1835 = arith.constant 0 : i32
      %dma_wait3A_1836 = tpu.memref_slice %arg4[%dma_wait3A_1834, %dma_wait3A_1835] : memref<32x1000000xf32, #tpu.memory_space<hbm>> -> memref<32x128xf32, #tpu.memory_space<hbm>>
      tpu.wait_dma2 semaphore(%arg33 : memref<!tpu.dma_semaphore, #tpu.memory_space<semaphore_mem>>) src(%dma_wait3A_1836 : memref<32x128xf32, #tpu.memory_space<hbm>>) dst(%arg15 : memref<32x128xf32, #tpu.memory_space<vmem>>)
      %dma_wait3A_1837 = arith.constant 0 : i32
      %dma_wait3A_1838 = arith.constant 0 : i32
      %dma_wait3A_1839 = tpu.memref_slice %arg5[%dma_wait3A_1837, %dma_wait3A_1838] : memref<32x1000000xf32, #tpu.memory_space<hbm>> -> memref<32x128xf32, #tpu.memory_space<hbm>>
      %dma_wait3A_1840 = arith.constant 0 : i32
      %dma_wait3A_1841 = arith.constant 0 : i32
      %dma_wait3A_1842 = tpu.memref_slice %arg5[%dma_wait3A_1840, %dma_wait3A_1841] : memref<32x1000000xf32, #tpu.memory_space<hbm>> -> memref<32x128xf32, #tpu.memory_space<hbm>>
      tpu.wait_dma2 semaphore(%arg41 : memref<!tpu.dma_semaphore, #tpu.memory_space<semaphore_mem>>) src(%dma_wait3A_1842 : memref<32x128xf32, #tpu.memory_space<hbm>>) dst(%arg23 : memref<32x128xf32, #tpu.memory_space<vmem>>)
      %add3A_1843 = arith.constant 13 : i32
      %add3A_1844 = arith.addi %mul3A_532, %add3A_1843 : i32
      %slice3A_1845 = vector.extract_strided_slice %get3A_534 {offsets = [13], sizes = [1], strides = [1]} : vector<16xi32> to vector<1xi32>
      %squeeze3A_1846 = vector.extract %slice3A_1845[0] : i32 from vector<1xi32>
      %slice3A_1847 = vector.extract_strided_slice %get3A_536 {offsets = [13], sizes = [1], strides = [1]} : vector<16xi32> to vector<1xi32>
      %squeeze3A_1848 = vector.extract %slice3A_1847[0] : i32 from vector<1xi32>
      %broadcast_in_dim3A_1849 = vector.broadcast %add3A_1844 : i32 to vector<16xi32>
      %jit3A_1850 = arith.constant 128 : i32
      %eq3A_1851 = arith.constant 0 : i32
      %eq3A_1852 = arith.cmpi eq, %jit3A_1850, %eq3A_1851 : i32
      %jit3A_1853 = arith.constant 1 : i32
      %select_n3A_1854 = arith.select %eq3A_1852, %jit3A_1853, %jit3A_1850 : i32
      %rem3A_1855 = arith.remsi %squeeze3A_1846, %select_n3A_1854 : i32
      %ne3A_1856 = arith.constant 0 : i32
      %ne3A_1857 = arith.cmpi ne, %rem3A_1855, %ne3A_1856 : i32
      %lt3A_1858 = arith.constant 0 : i32
      %lt3A_1859 = arith.cmpi slt, %rem3A_1855, %lt3A_1858 : i32
      %lt3A_1860 = arith.constant 0 : i32
      %lt3A_1861 = arith.cmpi slt, %select_n3A_1854, %lt3A_1860 : i32
      %ne3A_1862 = arith.xori %lt3A_1859, %lt3A_1861 : i1
      %and3A_1863 = arith.andi %ne3A_1862, %ne3A_1857 : i1
      %add3A_1864 = arith.addi %rem3A_1855, %select_n3A_1854 : i32
      %select_n3A_1865 = arith.select %and3A_1863, %add3A_1864, %rem3A_1855 : i32
      %broadcast_in_dim3A_1866 = vector.broadcast %select_n3A_1865 : i32 to vector<16xi32>
      %jit3A_1867 = arith.constant 128 : i32
      %eq3A_1868 = arith.constant 0 : i32
      %eq3A_1869 = arith.cmpi eq, %jit3A_1867, %eq3A_1868 : i32
      %jit3A_1870 = arith.constant 1 : i32
      %select_n3A_1871 = arith.select %eq3A_1869, %jit3A_1870, %jit3A_1867 : i32
      %rem3A_1872 = arith.remsi %squeeze3A_1848, %select_n3A_1871 : i32
      %ne3A_1873 = arith.constant 0 : i32
      %ne3A_1874 = arith.cmpi ne, %rem3A_1872, %ne3A_1873 : i32
      %lt3A_1875 = arith.constant 0 : i32
      %lt3A_1876 = arith.cmpi slt, %rem3A_1872, %lt3A_1875 : i32
      %lt3A_1877 = arith.constant 0 : i32
      %lt3A_1878 = arith.cmpi slt, %select_n3A_1871, %lt3A_1877 : i32
      %ne3A_1879 = arith.xori %lt3A_1876, %lt3A_1878 : i1
      %and3A_1880 = arith.andi %ne3A_1879, %ne3A_1874 : i1
      %add3A_1881 = arith.addi %rem3A_1872, %select_n3A_1871 : i32
      %select_n3A_1882 = arith.select %and3A_1880, %add3A_1881, %rem3A_1872 : i32
      %broadcast_in_dim3A_1883 = vector.broadcast %select_n3A_1882 : i32 to vector<16xi32>
      %gather3A_1884 = tpu.vector_load_idx %arg15[%iota3A, %broadcast_in_dim3A_1866] : memref<32x128xf32, #tpu.memory_space<vmem>>[vector<16xi32>, vector<16xi32>], vector<16xf32>,
      tpu.vector_store_idx %arg26[%iota3A, %broadcast_in_dim3A_1849], %gather3A_1884 : memref<32x512xf32, #tpu.memory_space<vmem>>[vector<16xi32>, vector<16xi32>], vector<16xf32>,
      %gather3A_1885 = tpu.vector_load_idx %arg15[%add3A_5, %broadcast_in_dim3A_1866] : memref<32x128xf32, #tpu.memory_space<vmem>>[vector<16xi32>, vector<16xi32>], vector<16xf32>,
      tpu.vector_store_idx %arg26[%add3A_5, %broadcast_in_dim3A_1849], %gather3A_1885 : memref<32x512xf32, #tpu.memory_space<vmem>>[vector<16xi32>, vector<16xi32>], vector<16xf32>,
      %gather3A_1886 = tpu.vector_load_idx %arg23[%iota3A, %broadcast_in_dim3A_1883] : memref<32x128xf32, #tpu.memory_space<vmem>>[vector<16xi32>, vector<16xi32>], vector<16xf32>,
      tpu.vector_store_idx %arg27[%iota3A, %broadcast_in_dim3A_1849], %gather3A_1886 : memref<32x512xf32, #tpu.memory_space<vmem>>[vector<16xi32>, vector<16xi32>], vector<16xf32>,
      %gather3A_1887 = tpu.vector_load_idx %arg23[%add3A_5, %broadcast_in_dim3A_1883] : memref<32x128xf32, #tpu.memory_space<vmem>>[vector<16xi32>, vector<16xi32>], vector<16xf32>,
      tpu.vector_store_idx %arg27[%add3A_5, %broadcast_in_dim3A_1849], %gather3A_1887 : memref<32x512xf32, #tpu.memory_space<vmem>>[vector<16xi32>, vector<16xi32>], vector<16xf32>,
      %lt3A_1888 = arith.constant 31 : i32
      %lt3A_1889 = arith.cmpi slt, %scan3A_530, %lt3A_1888 : i32
      %convert_element_type3A_1890 = arith.extui %lt3A_1889 : i1 to i32
      %cond3A_1891 = arith.constant 0 : i32
      %cond3A_1892 = arith.cmpi ne, %convert_element_type3A_1890, %cond3A_1891 : i32
      scf.if %cond3A_1892 {
        %slice3A_2017 = vector.extract_strided_slice %get3A_541 {offsets = [5], sizes = [1], strides = [1]} : vector<16xi32> to vector<1xi32>
        %squeeze3A_2018 = vector.extract %slice3A_2017[0] : i32 from vector<1xi32>
        %slice3A_2019 = vector.extract_strided_slice %get3A_543 {offsets = [5], sizes = [1], strides = [1]} : vector<16xi32> to vector<1xi32>
        %squeeze3A_2020 = vector.extract %slice3A_2019[0] : i32 from vector<1xi32>
        %jit3A_2021 = arith.constant 128 : i32
        %div3A_2022 = arith.divsi %squeeze3A_2018, %jit3A_2021 : i32
        %sign3A_2023 = arith.constant 0 : i32
        %sign3A_2024 = arith.cmpi sgt, %squeeze3A_2018, %sign3A_2023 : i32
        %sign3A_2025 = arith.extui %sign3A_2024 : i1 to i32
        %sign3A_2026 = arith.constant 0 : i32
        %sign3A_2027 = arith.cmpi slt, %squeeze3A_2018, %sign3A_2026 : i32
        %sign3A_2028 = arith.extui %sign3A_2027 : i1 to i32
        %sign3A_2029 = arith.subi %sign3A_2025, %sign3A_2028 : i32
        %sign3A_2030 = arith.constant 0 : i32
        %sign3A_2031 = arith.cmpi sgt, %jit3A_2021, %sign3A_2030 : i32
        %sign3A_2032 = arith.extui %sign3A_2031 : i1 to i32
        %sign3A_2033 = arith.constant 0 : i32
        %sign3A_2034 = arith.cmpi slt, %jit3A_2021, %sign3A_2033 : i32
        %sign3A_2035 = arith.extui %sign3A_2034 : i1 to i32
        %sign3A_2036 = arith.subi %sign3A_2032, %sign3A_2035 : i32
        %ne3A_2037 = arith.cmpi ne, %sign3A_2029, %sign3A_2036 : i32
        %rem3A_2038 = arith.remsi %squeeze3A_2018, %jit3A_2021 : i32
        %ne3A_2039 = arith.constant 0 : i32
        %ne3A_2040 = arith.cmpi ne, %rem3A_2038, %ne3A_2039 : i32
        %and3A_2041 = arith.andi %ne3A_2037, %ne3A_2040 : i1
        %sub3A_2042 = arith.constant 1 : i32
        %sub3A_2043 = arith.subi %div3A_2022, %sub3A_2042 : i32
        %select_n3A_2044 = arith.select %and3A_2041, %sub3A_2043, %div3A_2022 : i32
        %mul3A_2045 = arith.constant 128 : i32
        %mul3A_2046 = arith.muli %select_n3A_2044, %mul3A_2045 : i32
        %multiple_of3A_2047 = tpu.assume_multiple %mul3A_2046, 128 : i32
        %jit3A_2048 = arith.constant 128 : i32
        %div3A_2049 = arith.divsi %squeeze3A_2020, %jit3A_2048 : i32
        %sign3A_2050 = arith.constant 0 : i32
        %sign3A_2051 = arith.cmpi sgt, %squeeze3A_2020, %sign3A_2050 : i32
        %sign3A_2052 = arith.extui %sign3A_2051 : i1 to i32
        %sign3A_2053 = arith.constant 0 : i32
        %sign3A_2054 = arith.cmpi slt, %squeeze3A_2020, %sign3A_2053 : i32
        %sign3A_2055 = arith.extui %sign3A_2054 : i1 to i32
        %sign3A_2056 = arith.subi %sign3A_2052, %sign3A_2055 : i32
        %sign3A_2057 = arith.constant 0 : i32
        %sign3A_2058 = arith.cmpi sgt, %jit3A_2048, %sign3A_2057 : i32
        %sign3A_2059 = arith.extui %sign3A_2058 : i1 to i32
        %sign3A_2060 = arith.constant 0 : i32
        %sign3A_2061 = arith.cmpi slt, %jit3A_2048, %sign3A_2060 : i32
        %sign3A_2062 = arith.extui %sign3A_2061 : i1 to i32
        %sign3A_2063 = arith.subi %sign3A_2059, %sign3A_2062 : i32
        %ne3A_2064 = arith.cmpi ne, %sign3A_2056, %sign3A_2063 : i32
        %rem3A_2065 = arith.remsi %squeeze3A_2020, %jit3A_2048 : i32
        %ne3A_2066 = arith.constant 0 : i32
        %ne3A_2067 = arith.cmpi ne, %rem3A_2065, %ne3A_2066 : i32
        %and3A_2068 = arith.andi %ne3A_2064, %ne3A_2067 : i1
        %sub3A_2069 = arith.constant 1 : i32
        %sub3A_2070 = arith.subi %div3A_2049, %sub3A_2069 : i32
        %select_n3A_2071 = arith.select %and3A_2068, %sub3A_2070, %div3A_2049 : i32
        %mul3A_2072 = arith.constant 128 : i32
        %mul3A_2073 = arith.muli %select_n3A_2071, %mul3A_2072 : i32
        %multiple_of3A_2074 = tpu.assume_multiple %mul3A_2073, 128 : i32
        %dma_start3A_2075 = arith.constant 0 : i32
        %dma_start3A_2076 = tpu.memref_slice %arg4[%dma_start3A_2075, %multiple_of3A_2047] : memref<32x1000000xf32, #tpu.memory_space<hbm>> -> memref<32x128xf32, #tpu.memory_space<hbm>>
        %dma_start3A_2077 = arith.constant 0 : i32
        %dma_start3A_2078 = tpu.memref_slice %arg4[%dma_start3A_2077, %multiple_of3A_2047] : memref<32x1000000xf32, #tpu.memory_space<hbm>> -> memref<32x128xf32, #tpu.memory_space<hbm>>
        tpu.enqueue_dma source(%dma_start3A_2078 : memref<32x128xf32, #tpu.memory_space<hbm>>) target(%arg15 : memref<32x128xf32, #tpu.memory_space<vmem>>) target_semaphore(%arg33 : memref<!tpu.dma_semaphore, #tpu.memory_space<semaphore_mem>>)
        %dma_start3A_2079 = arith.constant 0 : i32
        %dma_start3A_2080 = tpu.memref_slice %arg5[%dma_start3A_2079, %multiple_of3A_2074] : memref<32x1000000xf32, #tpu.memory_space<hbm>> -> memref<32x128xf32, #tpu.memory_space<hbm>>
        %dma_start3A_2081 = arith.constant 0 : i32
        %dma_start3A_2082 = tpu.memref_slice %arg5[%dma_start3A_2081, %multiple_of3A_2074] : memref<32x1000000xf32, #tpu.memory_space<hbm>> -> memref<32x128xf32, #tpu.memory_space<hbm>>
        tpu.enqueue_dma source(%dma_start3A_2082 : memref<32x128xf32, #tpu.memory_space<hbm>>) target(%arg23 : memref<32x128xf32, #tpu.memory_space<vmem>>) target_semaphore(%arg41 : memref<!tpu.dma_semaphore, #tpu.memory_space<semaphore_mem>>)
      } else {
      }
      %dma_wait3A_1893 = arith.constant 0 : i32
      %dma_wait3A_1894 = arith.constant 0 : i32
      %dma_wait3A_1895 = tpu.memref_slice %arg4[%dma_wait3A_1893, %dma_wait3A_1894] : memref<32x1000000xf32, #tpu.memory_space<hbm>> -> memref<32x128xf32, #tpu.memory_space<hbm>>
      %dma_wait3A_1896 = arith.constant 0 : i32
      %dma_wait3A_1897 = arith.constant 0 : i32
      %dma_wait3A_1898 = tpu.memref_slice %arg4[%dma_wait3A_1896, %dma_wait3A_1897] : memref<32x1000000xf32, #tpu.memory_space<hbm>> -> memref<32x128xf32, #tpu.memory_space<hbm>>
      tpu.wait_dma2 semaphore(%arg34 : memref<!tpu.dma_semaphore, #tpu.memory_space<semaphore_mem>>) src(%dma_wait3A_1898 : memref<32x128xf32, #tpu.memory_space<hbm>>) dst(%arg16 : memref<32x128xf32, #tpu.memory_space<vmem>>)
      %dma_wait3A_1899 = arith.constant 0 : i32
      %dma_wait3A_1900 = arith.constant 0 : i32
      %dma_wait3A_1901 = tpu.memref_slice %arg5[%dma_wait3A_1899, %dma_wait3A_1900] : memref<32x1000000xf32, #tpu.memory_space<hbm>> -> memref<32x128xf32, #tpu.memory_space<hbm>>
      %dma_wait3A_1902 = arith.constant 0 : i32
      %dma_wait3A_1903 = arith.constant 0 : i32
      %dma_wait3A_1904 = tpu.memref_slice %arg5[%dma_wait3A_1902, %dma_wait3A_1903] : memref<32x1000000xf32, #tpu.memory_space<hbm>> -> memref<32x128xf32, #tpu.memory_space<hbm>>
      tpu.wait_dma2 semaphore(%arg42 : memref<!tpu.dma_semaphore, #tpu.memory_space<semaphore_mem>>) src(%dma_wait3A_1904 : memref<32x128xf32, #tpu.memory_space<hbm>>) dst(%arg24 : memref<32x128xf32, #tpu.memory_space<vmem>>)
      %add3A_1905 = arith.constant 14 : i32
      %add3A_1906 = arith.addi %mul3A_532, %add3A_1905 : i32
      %slice3A_1907 = vector.extract_strided_slice %get3A_534 {offsets = [14], sizes = [1], strides = [1]} : vector<16xi32> to vector<1xi32>
      %squeeze3A_1908 = vector.extract %slice3A_1907[0] : i32 from vector<1xi32>
      %slice3A_1909 = vector.extract_strided_slice %get3A_536 {offsets = [14], sizes = [1], strides = [1]} : vector<16xi32> to vector<1xi32>
      %squeeze3A_1910 = vector.extract %slice3A_1909[0] : i32 from vector<1xi32>
      %broadcast_in_dim3A_1911 = vector.broadcast %add3A_1906 : i32 to vector<16xi32>
      %jit3A_1912 = arith.constant 128 : i32
      %eq3A_1913 = arith.constant 0 : i32
      %eq3A_1914 = arith.cmpi eq, %jit3A_1912, %eq3A_1913 : i32
      %jit3A_1915 = arith.constant 1 : i32
      %select_n3A_1916 = arith.select %eq3A_1914, %jit3A_1915, %jit3A_1912 : i32
      %rem3A_1917 = arith.remsi %squeeze3A_1908, %select_n3A_1916 : i32
      %ne3A_1918 = arith.constant 0 : i32
      %ne3A_1919 = arith.cmpi ne, %rem3A_1917, %ne3A_1918 : i32
      %lt3A_1920 = arith.constant 0 : i32
      %lt3A_1921 = arith.cmpi slt, %rem3A_1917, %lt3A_1920 : i32
      %lt3A_1922 = arith.constant 0 : i32
      %lt3A_1923 = arith.cmpi slt, %select_n3A_1916, %lt3A_1922 : i32
      %ne3A_1924 = arith.xori %lt3A_1921, %lt3A_1923 : i1
      %and3A_1925 = arith.andi %ne3A_1924, %ne3A_1919 : i1
      %add3A_1926 = arith.addi %rem3A_1917, %select_n3A_1916 : i32
      %select_n3A_1927 = arith.select %and3A_1925, %add3A_1926, %rem3A_1917 : i32
      %broadcast_in_dim3A_1928 = vector.broadcast %select_n3A_1927 : i32 to vector<16xi32>
      %jit3A_1929 = arith.constant 128 : i32
      %eq3A_1930 = arith.constant 0 : i32
      %eq3A_1931 = arith.cmpi eq, %jit3A_1929, %eq3A_1930 : i32
      %jit3A_1932 = arith.constant 1 : i32
      %select_n3A_1933 = arith.select %eq3A_1931, %jit3A_1932, %jit3A_1929 : i32
      %rem3A_1934 = arith.remsi %squeeze3A_1910, %select_n3A_1933 : i32
      %ne3A_1935 = arith.constant 0 : i32
      %ne3A_1936 = arith.cmpi ne, %rem3A_1934, %ne3A_1935 : i32
      %lt3A_1937 = arith.constant 0 : i32
      %lt3A_1938 = arith.cmpi slt, %rem3A_1934, %lt3A_1937 : i32
      %lt3A_1939 = arith.constant 0 : i32
      %lt3A_1940 = arith.cmpi slt, %select_n3A_1933, %lt3A_1939 : i32
      %ne3A_1941 = arith.xori %lt3A_1938, %lt3A_1940 : i1
      %and3A_1942 = arith.andi %ne3A_1941, %ne3A_1936 : i1
      %add3A_1943 = arith.addi %rem3A_1934, %select_n3A_1933 : i32
      %select_n3A_1944 = arith.select %and3A_1942, %add3A_1943, %rem3A_1934 : i32
      %broadcast_in_dim3A_1945 = vector.broadcast %select_n3A_1944 : i32 to vector<16xi32>
      %gather3A_1946 = tpu.vector_load_idx %arg16[%iota3A, %broadcast_in_dim3A_1928] : memref<32x128xf32, #tpu.memory_space<vmem>>[vector<16xi32>, vector<16xi32>], vector<16xf32>,
      tpu.vector_store_idx %arg26[%iota3A, %broadcast_in_dim3A_1911], %gather3A_1946 : memref<32x512xf32, #tpu.memory_space<vmem>>[vector<16xi32>, vector<16xi32>], vector<16xf32>,
      %gather3A_1947 = tpu.vector_load_idx %arg16[%add3A_5, %broadcast_in_dim3A_1928] : memref<32x128xf32, #tpu.memory_space<vmem>>[vector<16xi32>, vector<16xi32>], vector<16xf32>,
      tpu.vector_store_idx %arg26[%add3A_5, %broadcast_in_dim3A_1911], %gather3A_1947 : memref<32x512xf32, #tpu.memory_space<vmem>>[vector<16xi32>, vector<16xi32>], vector<16xf32>,
      %gather3A_1948 = tpu.vector_load_idx %arg24[%iota3A, %broadcast_in_dim3A_1945] : memref<32x128xf32, #tpu.memory_space<vmem>>[vector<16xi32>, vector<16xi32>], vector<16xf32>,
      tpu.vector_store_idx %arg27[%iota3A, %broadcast_in_dim3A_1911], %gather3A_1948 : memref<32x512xf32, #tpu.memory_space<vmem>>[vector<16xi32>, vector<16xi32>], vector<16xf32>,
      %gather3A_1949 = tpu.vector_load_idx %arg24[%add3A_5, %broadcast_in_dim3A_1945] : memref<32x128xf32, #tpu.memory_space<vmem>>[vector<16xi32>, vector<16xi32>], vector<16xf32>,
      tpu.vector_store_idx %arg27[%add3A_5, %broadcast_in_dim3A_1911], %gather3A_1949 : memref<32x512xf32, #tpu.memory_space<vmem>>[vector<16xi32>, vector<16xi32>], vector<16xf32>,
      %lt3A_1950 = arith.constant 31 : i32
      %lt3A_1951 = arith.cmpi slt, %scan3A_530, %lt3A_1950 : i32
      %convert_element_type3A_1952 = arith.extui %lt3A_1951 : i1 to i32
      %cond3A_1953 = arith.constant 0 : i32
      %cond3A_1954 = arith.cmpi ne, %convert_element_type3A_1952, %cond3A_1953 : i32
      scf.if %cond3A_1954 {
        %slice3A_2017 = vector.extract_strided_slice %get3A_541 {offsets = [6], sizes = [1], strides = [1]} : vector<16xi32> to vector<1xi32>
        %squeeze3A_2018 = vector.extract %slice3A_2017[0] : i32 from vector<1xi32>
        %slice3A_2019 = vector.extract_strided_slice %get3A_543 {offsets = [6], sizes = [1], strides = [1]} : vector<16xi32> to vector<1xi32>
        %squeeze3A_2020 = vector.extract %slice3A_2019[0] : i32 from vector<1xi32>
        %jit3A_2021 = arith.constant 128 : i32
        %div3A_2022 = arith.divsi %squeeze3A_2018, %jit3A_2021 : i32
        %sign3A_2023 = arith.constant 0 : i32
        %sign3A_2024 = arith.cmpi sgt, %squeeze3A_2018, %sign3A_2023 : i32
        %sign3A_2025 = arith.extui %sign3A_2024 : i1 to i32
        %sign3A_2026 = arith.constant 0 : i32
        %sign3A_2027 = arith.cmpi slt, %squeeze3A_2018, %sign3A_2026 : i32
        %sign3A_2028 = arith.extui %sign3A_2027 : i1 to i32
        %sign3A_2029 = arith.subi %sign3A_2025, %sign3A_2028 : i32
        %sign3A_2030 = arith.constant 0 : i32
        %sign3A_2031 = arith.cmpi sgt, %jit3A_2021, %sign3A_2030 : i32
        %sign3A_2032 = arith.extui %sign3A_2031 : i1 to i32
        %sign3A_2033 = arith.constant 0 : i32
        %sign3A_2034 = arith.cmpi slt, %jit3A_2021, %sign3A_2033 : i32
        %sign3A_2035 = arith.extui %sign3A_2034 : i1 to i32
        %sign3A_2036 = arith.subi %sign3A_2032, %sign3A_2035 : i32
        %ne3A_2037 = arith.cmpi ne, %sign3A_2029, %sign3A_2036 : i32
        %rem3A_2038 = arith.remsi %squeeze3A_2018, %jit3A_2021 : i32
        %ne3A_2039 = arith.constant 0 : i32
        %ne3A_2040 = arith.cmpi ne, %rem3A_2038, %ne3A_2039 : i32
        %and3A_2041 = arith.andi %ne3A_2037, %ne3A_2040 : i1
        %sub3A_2042 = arith.constant 1 : i32
        %sub3A_2043 = arith.subi %div3A_2022, %sub3A_2042 : i32
        %select_n3A_2044 = arith.select %and3A_2041, %sub3A_2043, %div3A_2022 : i32
        %mul3A_2045 = arith.constant 128 : i32
        %mul3A_2046 = arith.muli %select_n3A_2044, %mul3A_2045 : i32
        %multiple_of3A_2047 = tpu.assume_multiple %mul3A_2046, 128 : i32
        %jit3A_2048 = arith.constant 128 : i32
        %div3A_2049 = arith.divsi %squeeze3A_2020, %jit3A_2048 : i32
        %sign3A_2050 = arith.constant 0 : i32
        %sign3A_2051 = arith.cmpi sgt, %squeeze3A_2020, %sign3A_2050 : i32
        %sign3A_2052 = arith.extui %sign3A_2051 : i1 to i32
        %sign3A_2053 = arith.constant 0 : i32
        %sign3A_2054 = arith.cmpi slt, %squeeze3A_2020, %sign3A_2053 : i32
        %sign3A_2055 = arith.extui %sign3A_2054 : i1 to i32
        %sign3A_2056 = arith.subi %sign3A_2052, %sign3A_2055 : i32
        %sign3A_2057 = arith.constant 0 : i32
        %sign3A_2058 = arith.cmpi sgt, %jit3A_2048, %sign3A_2057 : i32
        %sign3A_2059 = arith.extui %sign3A_2058 : i1 to i32
        %sign3A_2060 = arith.constant 0 : i32
        %sign3A_2061 = arith.cmpi slt, %jit3A_2048, %sign3A_2060 : i32
        %sign3A_2062 = arith.extui %sign3A_2061 : i1 to i32
        %sign3A_2063 = arith.subi %sign3A_2059, %sign3A_2062 : i32
        %ne3A_2064 = arith.cmpi ne, %sign3A_2056, %sign3A_2063 : i32
        %rem3A_2065 = arith.remsi %squeeze3A_2020, %jit3A_2048 : i32
        %ne3A_2066 = arith.constant 0 : i32
        %ne3A_2067 = arith.cmpi ne, %rem3A_2065, %ne3A_2066 : i32
        %and3A_2068 = arith.andi %ne3A_2064, %ne3A_2067 : i1
        %sub3A_2069 = arith.constant 1 : i32
        %sub3A_2070 = arith.subi %div3A_2049, %sub3A_2069 : i32
        %select_n3A_2071 = arith.select %and3A_2068, %sub3A_2070, %div3A_2049 : i32
        %mul3A_2072 = arith.constant 128 : i32
        %mul3A_2073 = arith.muli %select_n3A_2071, %mul3A_2072 : i32
        %multiple_of3A_2074 = tpu.assume_multiple %mul3A_2073, 128 : i32
        %dma_start3A_2075 = arith.constant 0 : i32
        %dma_start3A_2076 = tpu.memref_slice %arg4[%dma_start3A_2075, %multiple_of3A_2047] : memref<32x1000000xf32, #tpu.memory_space<hbm>> -> memref<32x128xf32, #tpu.memory_space<hbm>>
        %dma_start3A_2077 = arith.constant 0 : i32
        %dma_start3A_2078 = tpu.memref_slice %arg4[%dma_start3A_2077, %multiple_of3A_2047] : memref<32x1000000xf32, #tpu.memory_space<hbm>> -> memref<32x128xf32, #tpu.memory_space<hbm>>
        tpu.enqueue_dma source(%dma_start3A_2078 : memref<32x128xf32, #tpu.memory_space<hbm>>) target(%arg16 : memref<32x128xf32, #tpu.memory_space<vmem>>) target_semaphore(%arg34 : memref<!tpu.dma_semaphore, #tpu.memory_space<semaphore_mem>>)
        %dma_start3A_2079 = arith.constant 0 : i32
        %dma_start3A_2080 = tpu.memref_slice %arg5[%dma_start3A_2079, %multiple_of3A_2074] : memref<32x1000000xf32, #tpu.memory_space<hbm>> -> memref<32x128xf32, #tpu.memory_space<hbm>>
        %dma_start3A_2081 = arith.constant 0 : i32
        %dma_start3A_2082 = tpu.memref_slice %arg5[%dma_start3A_2081, %multiple_of3A_2074] : memref<32x1000000xf32, #tpu.memory_space<hbm>> -> memref<32x128xf32, #tpu.memory_space<hbm>>
        tpu.enqueue_dma source(%dma_start3A_2082 : memref<32x128xf32, #tpu.memory_space<hbm>>) target(%arg24 : memref<32x128xf32, #tpu.memory_space<vmem>>) target_semaphore(%arg42 : memref<!tpu.dma_semaphore, #tpu.memory_space<semaphore_mem>>)
      } else {
      }
      %dma_wait3A_1955 = arith.constant 0 : i32
      %dma_wait3A_1956 = arith.constant 0 : i32
      %dma_wait3A_1957 = tpu.memref_slice %arg4[%dma_wait3A_1955, %dma_wait3A_1956] : memref<32x1000000xf32, #tpu.memory_space<hbm>> -> memref<32x128xf32, #tpu.memory_space<hbm>>
      %dma_wait3A_1958 = arith.constant 0 : i32
      %dma_wait3A_1959 = arith.constant 0 : i32
      %dma_wait3A_1960 = tpu.memref_slice %arg4[%dma_wait3A_1958, %dma_wait3A_1959] : memref<32x1000000xf32, #tpu.memory_space<hbm>> -> memref<32x128xf32, #tpu.memory_space<hbm>>
      tpu.wait_dma2 semaphore(%arg35 : memref<!tpu.dma_semaphore, #tpu.memory_space<semaphore_mem>>) src(%dma_wait3A_1960 : memref<32x128xf32, #tpu.memory_space<hbm>>) dst(%arg17 : memref<32x128xf32, #tpu.memory_space<vmem>>)
      %dma_wait3A_1961 = arith.constant 0 : i32
      %dma_wait3A_1962 = arith.constant 0 : i32
      %dma_wait3A_1963 = tpu.memref_slice %arg5[%dma_wait3A_1961, %dma_wait3A_1962] : memref<32x1000000xf32, #tpu.memory_space<hbm>> -> memref<32x128xf32, #tpu.memory_space<hbm>>
      %dma_wait3A_1964 = arith.constant 0 : i32
      %dma_wait3A_1965 = arith.constant 0 : i32
      %dma_wait3A_1966 = tpu.memref_slice %arg5[%dma_wait3A_1964, %dma_wait3A_1965] : memref<32x1000000xf32, #tpu.memory_space<hbm>> -> memref<32x128xf32, #tpu.memory_space<hbm>>
      tpu.wait_dma2 semaphore(%arg43 : memref<!tpu.dma_semaphore, #tpu.memory_space<semaphore_mem>>) src(%dma_wait3A_1966 : memref<32x128xf32, #tpu.memory_space<hbm>>) dst(%arg25 : memref<32x128xf32, #tpu.memory_space<vmem>>)
      %add3A_1967 = arith.constant 15 : i32
      %add3A_1968 = arith.addi %mul3A_532, %add3A_1967 : i32
      %slice3A_1969 = vector.extract_strided_slice %get3A_534 {offsets = [15], sizes = [1], strides = [1]} : vector<16xi32> to vector<1xi32>
      %squeeze3A_1970 = vector.extract %slice3A_1969[0] : i32 from vector<1xi32>
      %slice3A_1971 = vector.extract_strided_slice %get3A_536 {offsets = [15], sizes = [1], strides = [1]} : vector<16xi32> to vector<1xi32>
      %squeeze3A_1972 = vector.extract %slice3A_1971[0] : i32 from vector<1xi32>
      %broadcast_in_dim3A_1973 = vector.broadcast %add3A_1968 : i32 to vector<16xi32>
      %jit3A_1974 = arith.constant 128 : i32
      %eq3A_1975 = arith.constant 0 : i32
      %eq3A_1976 = arith.cmpi eq, %jit3A_1974, %eq3A_1975 : i32
      %jit3A_1977 = arith.constant 1 : i32
      %select_n3A_1978 = arith.select %eq3A_1976, %jit3A_1977, %jit3A_1974 : i32
      %rem3A_1979 = arith.remsi %squeeze3A_1970, %select_n3A_1978 : i32
      %ne3A_1980 = arith.constant 0 : i32
      %ne3A_1981 = arith.cmpi ne, %rem3A_1979, %ne3A_1980 : i32
      %lt3A_1982 = arith.constant 0 : i32
      %lt3A_1983 = arith.cmpi slt, %rem3A_1979, %lt3A_1982 : i32
      %lt3A_1984 = arith.constant 0 : i32
      %lt3A_1985 = arith.cmpi slt, %select_n3A_1978, %lt3A_1984 : i32
      %ne3A_1986 = arith.xori %lt3A_1983, %lt3A_1985 : i1
      %and3A_1987 = arith.andi %ne3A_1986, %ne3A_1981 : i1
      %add3A_1988 = arith.addi %rem3A_1979, %select_n3A_1978 : i32
      %select_n3A_1989 = arith.select %and3A_1987, %add3A_1988, %rem3A_1979 : i32
      %broadcast_in_dim3A_1990 = vector.broadcast %select_n3A_1989 : i32 to vector<16xi32>
      %jit3A_1991 = arith.constant 128 : i32
      %eq3A_1992 = arith.constant 0 : i32
      %eq3A_1993 = arith.cmpi eq, %jit3A_1991, %eq3A_1992 : i32
      %jit3A_1994 = arith.constant 1 : i32
      %select_n3A_1995 = arith.select %eq3A_1993, %jit3A_1994, %jit3A_1991 : i32
      %rem3A_1996 = arith.remsi %squeeze3A_1972, %select_n3A_1995 : i32
      %ne3A_1997 = arith.constant 0 : i32
      %ne3A_1998 = arith.cmpi ne, %rem3A_1996, %ne3A_1997 : i32
      %lt3A_1999 = arith.constant 0 : i32
      %lt3A_2000 = arith.cmpi slt, %rem3A_1996, %lt3A_1999 : i32
      %lt3A_2001 = arith.constant 0 : i32
      %lt3A_2002 = arith.cmpi slt, %select_n3A_1995, %lt3A_2001 : i32
      %ne3A_2003 = arith.xori %lt3A_2000, %lt3A_2002 : i1
      %and3A_2004 = arith.andi %ne3A_2003, %ne3A_1998 : i1
      %add3A_2005 = arith.addi %rem3A_1996, %select_n3A_1995 : i32
      %select_n3A_2006 = arith.select %and3A_2004, %add3A_2005, %rem3A_1996 : i32
      %broadcast_in_dim3A_2007 = vector.broadcast %select_n3A_2006 : i32 to vector<16xi32>
      %gather3A_2008 = tpu.vector_load_idx %arg17[%iota3A, %broadcast_in_dim3A_1990] : memref<32x128xf32, #tpu.memory_space<vmem>>[vector<16xi32>, vector<16xi32>], vector<16xf32>,
      tpu.vector_store_idx %arg26[%iota3A, %broadcast_in_dim3A_1973], %gather3A_2008 : memref<32x512xf32, #tpu.memory_space<vmem>>[vector<16xi32>, vector<16xi32>], vector<16xf32>,
      %gather3A_2009 = tpu.vector_load_idx %arg17[%add3A_5, %broadcast_in_dim3A_1990] : memref<32x128xf32, #tpu.memory_space<vmem>>[vector<16xi32>, vector<16xi32>], vector<16xf32>,
      tpu.vector_store_idx %arg26[%add3A_5, %broadcast_in_dim3A_1973], %gather3A_2009 : memref<32x512xf32, #tpu.memory_space<vmem>>[vector<16xi32>, vector<16xi32>], vector<16xf32>,
      %gather3A_2010 = tpu.vector_load_idx %arg25[%iota3A, %broadcast_in_dim3A_2007] : memref<32x128xf32, #tpu.memory_space<vmem>>[vector<16xi32>, vector<16xi32>], vector<16xf32>,
      tpu.vector_store_idx %arg27[%iota3A, %broadcast_in_dim3A_1973], %gather3A_2010 : memref<32x512xf32, #tpu.memory_space<vmem>>[vector<16xi32>, vector<16xi32>], vector<16xf32>,
      %gather3A_2011 = tpu.vector_load_idx %arg25[%add3A_5, %broadcast_in_dim3A_2007] : memref<32x128xf32, #tpu.memory_space<vmem>>[vector<16xi32>, vector<16xi32>], vector<16xf32>,
      tpu.vector_store_idx %arg27[%add3A_5, %broadcast_in_dim3A_1973], %gather3A_2011 : memref<32x512xf32, #tpu.memory_space<vmem>>[vector<16xi32>, vector<16xi32>], vector<16xf32>,
      %lt3A_2012 = arith.constant 31 : i32
      %lt3A_2013 = arith.cmpi slt, %scan3A_530, %lt3A_2012 : i32
      %convert_element_type3A_2014 = arith.extui %lt3A_2013 : i1 to i32
      %cond3A_2015 = arith.constant 0 : i32
      %cond3A_2016 = arith.cmpi ne, %convert_element_type3A_2014, %cond3A_2015 : i32
      scf.if %cond3A_2016 {
        %slice3A_2017 = vector.extract_strided_slice %get3A_541 {offsets = [7], sizes = [1], strides = [1]} : vector<16xi32> to vector<1xi32>
        %squeeze3A_2018 = vector.extract %slice3A_2017[0] : i32 from vector<1xi32>
        %slice3A_2019 = vector.extract_strided_slice %get3A_543 {offsets = [7], sizes = [1], strides = [1]} : vector<16xi32> to vector<1xi32>
        %squeeze3A_2020 = vector.extract %slice3A_2019[0] : i32 from vector<1xi32>
        %jit3A_2021 = arith.constant 128 : i32
        %div3A_2022 = arith.divsi %squeeze3A_2018, %jit3A_2021 : i32
        %sign3A_2023 = arith.constant 0 : i32
        %sign3A_2024 = arith.cmpi sgt, %squeeze3A_2018, %sign3A_2023 : i32
        %sign3A_2025 = arith.extui %sign3A_2024 : i1 to i32
        %sign3A_2026 = arith.constant 0 : i32
        %sign3A_2027 = arith.cmpi slt, %squeeze3A_2018, %sign3A_2026 : i32
        %sign3A_2028 = arith.extui %sign3A_2027 : i1 to i32
        %sign3A_2029 = arith.subi %sign3A_2025, %sign3A_2028 : i32
        %sign3A_2030 = arith.constant 0 : i32
        %sign3A_2031 = arith.cmpi sgt, %jit3A_2021, %sign3A_2030 : i32
        %sign3A_2032 = arith.extui %sign3A_2031 : i1 to i32
        %sign3A_2033 = arith.constant 0 : i32
        %sign3A_2034 = arith.cmpi slt, %jit3A_2021, %sign3A_2033 : i32
        %sign3A_2035 = arith.extui %sign3A_2034 : i1 to i32
        %sign3A_2036 = arith.subi %sign3A_2032, %sign3A_2035 : i32
        %ne3A_2037 = arith.cmpi ne, %sign3A_2029, %sign3A_2036 : i32
        %rem3A_2038 = arith.remsi %squeeze3A_2018, %jit3A_2021 : i32
        %ne3A_2039 = arith.constant 0 : i32
        %ne3A_2040 = arith.cmpi ne, %rem3A_2038, %ne3A_2039 : i32
        %and3A_2041 = arith.andi %ne3A_2037, %ne3A_2040 : i1
        %sub3A_2042 = arith.constant 1 : i32
        %sub3A_2043 = arith.subi %div3A_2022, %sub3A_2042 : i32
        %select_n3A_2044 = arith.select %and3A_2041, %sub3A_2043, %div3A_2022 : i32
        %mul3A_2045 = arith.constant 128 : i32
        %mul3A_2046 = arith.muli %select_n3A_2044, %mul3A_2045 : i32
        %multiple_of3A_2047 = tpu.assume_multiple %mul3A_2046, 128 : i32
        %jit3A_2048 = arith.constant 128 : i32
        %div3A_2049 = arith.divsi %squeeze3A_2020, %jit3A_2048 : i32
        %sign3A_2050 = arith.constant 0 : i32
        %sign3A_2051 = arith.cmpi sgt, %squeeze3A_2020, %sign3A_2050 : i32
        %sign3A_2052 = arith.extui %sign3A_2051 : i1 to i32
        %sign3A_2053 = arith.constant 0 : i32
        %sign3A_2054 = arith.cmpi slt, %squeeze3A_2020, %sign3A_2053 : i32
        %sign3A_2055 = arith.extui %sign3A_2054 : i1 to i32
        %sign3A_2056 = arith.subi %sign3A_2052, %sign3A_2055 : i32
        %sign3A_2057 = arith.constant 0 : i32
        %sign3A_2058 = arith.cmpi sgt, %jit3A_2048, %sign3A_2057 : i32
        %sign3A_2059 = arith.extui %sign3A_2058 : i1 to i32
        %sign3A_2060 = arith.constant 0 : i32
        %sign3A_2061 = arith.cmpi slt, %jit3A_2048, %sign3A_2060 : i32
        %sign3A_2062 = arith.extui %sign3A_2061 : i1 to i32
        %sign3A_2063 = arith.subi %sign3A_2059, %sign3A_2062 : i32
        %ne3A_2064 = arith.cmpi ne, %sign3A_2056, %sign3A_2063 : i32
        %rem3A_2065 = arith.remsi %squeeze3A_2020, %jit3A_2048 : i32
        %ne3A_2066 = arith.constant 0 : i32
        %ne3A_2067 = arith.cmpi ne, %rem3A_2065, %ne3A_2066 : i32
        %and3A_2068 = arith.andi %ne3A_2064, %ne3A_2067 : i1
        %sub3A_2069 = arith.constant 1 : i32
        %sub3A_2070 = arith.subi %div3A_2049, %sub3A_2069 : i32
        %select_n3A_2071 = arith.select %and3A_2068, %sub3A_2070, %div3A_2049 : i32
        %mul3A_2072 = arith.constant 128 : i32
        %mul3A_2073 = arith.muli %select_n3A_2071, %mul3A_2072 : i32
        %multiple_of3A_2074 = tpu.assume_multiple %mul3A_2073, 128 : i32
        %dma_start3A_2075 = arith.constant 0 : i32
        %dma_start3A_2076 = tpu.memref_slice %arg4[%dma_start3A_2075, %multiple_of3A_2047] : memref<32x1000000xf32, #tpu.memory_space<hbm>> -> memref<32x128xf32, #tpu.memory_space<hbm>>
        %dma_start3A_2077 = arith.constant 0 : i32
        %dma_start3A_2078 = tpu.memref_slice %arg4[%dma_start3A_2077, %multiple_of3A_2047] : memref<32x1000000xf32, #tpu.memory_space<hbm>> -> memref<32x128xf32, #tpu.memory_space<hbm>>
        tpu.enqueue_dma source(%dma_start3A_2078 : memref<32x128xf32, #tpu.memory_space<hbm>>) target(%arg17 : memref<32x128xf32, #tpu.memory_space<vmem>>) target_semaphore(%arg35 : memref<!tpu.dma_semaphore, #tpu.memory_space<semaphore_mem>>)
        %dma_start3A_2079 = arith.constant 0 : i32
        %dma_start3A_2080 = tpu.memref_slice %arg5[%dma_start3A_2079, %multiple_of3A_2074] : memref<32x1000000xf32, #tpu.memory_space<hbm>> -> memref<32x128xf32, #tpu.memory_space<hbm>>
        %dma_start3A_2081 = arith.constant 0 : i32
        %dma_start3A_2082 = tpu.memref_slice %arg5[%dma_start3A_2081, %multiple_of3A_2074] : memref<32x1000000xf32, #tpu.memory_space<hbm>> -> memref<32x128xf32, #tpu.memory_space<hbm>>
        tpu.enqueue_dma source(%dma_start3A_2082 : memref<32x128xf32, #tpu.memory_space<hbm>>) target(%arg25 : memref<32x128xf32, #tpu.memory_space<vmem>>) target_semaphore(%arg43 : memref<!tpu.dma_semaphore, #tpu.memory_space<semaphore_mem>>)
      } else {
      }
    }
    %scan3A_529 = arith.constant 32 : i32
    "tpu.region"() ({
      %run_scoped3A = tpu.sem_alloc : memref<!tpu.dma_semaphore, #tpu.memory_space<semaphore_mem>>
      %dma_start3A_530 = arith.constant 0 : i32
      %dma_start3A_531 = tpu.memref_slice %arg6[%dma_start3A_530, %mul3A_2] : memref<32x16384xf32, #tpu.memory_space<hbm>> -> memref<32x512xf32, #tpu.memory_space<hbm>>
      %dma_start3A_532 = arith.constant 0 : i32
      %dma_start3A_533 = tpu.memref_slice %arg6[%dma_start3A_532, %mul3A_2] : memref<32x16384xf32, #tpu.memory_space<hbm>> -> memref<32x512xf32, #tpu.memory_space<hbm>>
      tpu.enqueue_dma source(%arg26 : memref<32x512xf32, #tpu.memory_space<vmem>>) target(%dma_start3A_533 : memref<32x512xf32, #tpu.memory_space<hbm>>) target_semaphore(%run_scoped3A : memref<!tpu.dma_semaphore, #tpu.memory_space<semaphore_mem>>)
      %dma_wait3A = arith.constant 0 : i32
      %dma_wait3A_534 = tpu.memref_slice %arg6[%dma_wait3A, %mul3A_2] : memref<32x16384xf32, #tpu.memory_space<hbm>> -> memref<32x512xf32, #tpu.memory_space<hbm>>
      %dma_wait3A_535 = arith.constant 0 : i32
      %dma_wait3A_536 = tpu.memref_slice %arg6[%dma_wait3A_535, %mul3A_2] : memref<32x16384xf32, #tpu.memory_space<hbm>> -> memref<32x512xf32, #tpu.memory_space<hbm>>
      tpu.wait_dma2 semaphore(%run_scoped3A : memref<!tpu.dma_semaphore, #tpu.memory_space<semaphore_mem>>) src(%arg26 : memref<32x512xf32, #tpu.memory_space<vmem>>) dst(%dma_wait3A_536 : memref<32x512xf32, #tpu.memory_space<hbm>>)
      tpu.yield
    }) : () -> ()
    "tpu.region"() ({
      %run_scoped3A = tpu.sem_alloc : memref<!tpu.dma_semaphore, #tpu.memory_space<semaphore_mem>>
      %dma_start3A_530 = arith.constant 0 : i32
      %dma_start3A_531 = tpu.memref_slice %arg7[%dma_start3A_530, %mul3A_2] : memref<32x16384xf32, #tpu.memory_space<hbm>> -> memref<32x512xf32, #tpu.memory_space<hbm>>
      %dma_start3A_532 = arith.constant 0 : i32
      %dma_start3A_533 = tpu.memref_slice %arg7[%dma_start3A_532, %mul3A_2] : memref<32x16384xf32, #tpu.memory_space<hbm>> -> memref<32x512xf32, #tpu.memory_space<hbm>>
      tpu.enqueue_dma source(%arg27 : memref<32x512xf32, #tpu.memory_space<vmem>>) target(%dma_start3A_533 : memref<32x512xf32, #tpu.memory_space<hbm>>) target_semaphore(%run_scoped3A : memref<!tpu.dma_semaphore, #tpu.memory_space<semaphore_mem>>)
      %dma_wait3A = arith.constant 0 : i32
      %dma_wait3A_534 = tpu.memref_slice %arg7[%dma_wait3A, %mul3A_2] : memref<32x16384xf32, #tpu.memory_space<hbm>> -> memref<32x512xf32, #tpu.memory_space<hbm>>
      %dma_wait3A_535 = arith.constant 0 : i32
      %dma_wait3A_536 = tpu.memref_slice %arg7[%dma_wait3A_535, %mul3A_2] : memref<32x16384xf32, #tpu.memory_space<hbm>> -> memref<32x512xf32, #tpu.memory_space<hbm>>
      tpu.wait_dma2 semaphore(%run_scoped3A : memref<!tpu.dma_semaphore, #tpu.memory_space<semaphore_mem>>) src(%arg27 : memref<32x512xf32, #tpu.memory_space<vmem>>) dst(%dma_wait3A_536 : memref<32x512xf32, #tpu.memory_space<hbm>>)
      tpu.yield
    }) : () -> ()
    return
  }
}

module attributes {stable_mosaic.version = 14 : i64} {
  func.func @_mlp_body(%arg0: i32, %arg1: memref<32x8192xf32, #tpu.memory_space<vmem>>, %arg2: memref<32x8192xf32, #tpu.memory_space<vmem>>, %arg3: memref<64x32xf32, #tpu.memory_space<vmem>>, %arg4: memref<64x32xf32, #tpu.memory_space<vmem>>, %arg5: memref<64x1xf32, #tpu.memory_space<vmem>>, %arg6: memref<32x64xf32, #tpu.memory_space<vmem>>, %arg7: memref<32x1xf32, #tpu.memory_space<vmem>>, %arg8: memref<32x1xf32, #tpu.memory_space<vmem>>, %arg9: memref<1xf32, #tpu.memory_space<smem>>, %arg10: memref<8192xf32, #tpu.memory_space<vmem>>) attributes {dimension_semantics = [#tpu.dimension_semantics<arbitrary>], iteration_bounds = array<i64: 2>, scalar_prefetch = 0 : i64, scratch_operands = 0 : i64, tpu.core_type = #tpu.core_type<tc>, window_params = [{transform_indices = @transform_0, window_bounds = array<i64: 32, 8192>}, {transform_indices = @transform_1, window_bounds = array<i64: 32, 8192>}, {pipeline_mode = #tpu.pipeline_mode<synchronous>, transform_indices = @transform_2, window_bounds = array<i64: 64, 32>}, {pipeline_mode = #tpu.pipeline_mode<synchronous>, transform_indices = @transform_3, window_bounds = array<i64: 64, 32>}, {pipeline_mode = #tpu.pipeline_mode<synchronous>, transform_indices = @transform_4, window_bounds = array<i64: 64, 1>}, {pipeline_mode = #tpu.pipeline_mode<synchronous>, transform_indices = @transform_5, window_bounds = array<i64: 32, 64>}, {pipeline_mode = #tpu.pipeline_mode<synchronous>, transform_indices = @transform_6, window_bounds = array<i64: 32, 1>}, {pipeline_mode = #tpu.pipeline_mode<synchronous>, transform_indices = @transform_7, window_bounds = array<i64: 32, 1>}, {transform_indices = @transform_8, window_bounds = array<i64: 1>}, {transform_indices = @transform_9, window_bounds = array<i64: 8192>}]} {
    %get3A = arith.constant 0 : index
    %get3A_0 = arith.constant 0 : index
    %get3A_1 = vector.load %arg3[%get3A, %get3A_0] : memref<64x32xf32, #tpu.memory_space<vmem>>, vector<64x32xf32>
    %get3A_2 = arith.constant 0 : index
    %get3A_3 = arith.constant 0 : index
    %get3A_4 = vector.load %arg1[%get3A_2, %get3A_3] : memref<32x8192xf32, #tpu.memory_space<vmem>>, vector<32x8192xf32>
    %dot_general3A = arith.constant dense<0.000000e+00> : vector<64x8192xf32>
    %dot_general3A_5 = tpu.matmul %get3A_1, %get3A_4, %dot_general3A {dimension_numbers = #tpu.dot_dimension_numbers<[1], [0], [0], [1], [0, 0, 1, 1], [], []>, transpose_lhs_hint = false} : vector<64x32xf32>, vector<32x8192xf32>, vector<64x8192xf32> -> vector<64x8192xf32>
    %get3A_6 = arith.constant 0 : index
    %get3A_7 = arith.constant 0 : index
    %get3A_8 = vector.load %arg4[%get3A_6, %get3A_7] : memref<64x32xf32, #tpu.memory_space<vmem>>, vector<64x32xf32>
    %get3A_9 = arith.constant 0 : index
    %get3A_10 = arith.constant 0 : index
    %get3A_11 = vector.load %arg2[%get3A_9, %get3A_10] : memref<32x8192xf32, #tpu.memory_space<vmem>>, vector<32x8192xf32>
    %dot_general3A_12 = arith.constant dense<0.000000e+00> : vector<64x8192xf32>
    %dot_general3A_13 = tpu.matmul %get3A_8, %get3A_11, %dot_general3A_12 {dimension_numbers = #tpu.dot_dimension_numbers<[1], [0], [0], [1], [0, 0, 1, 1], [], []>, transpose_lhs_hint = false} : vector<64x32xf32>, vector<32x8192xf32>, vector<64x8192xf32> -> vector<64x8192xf32>
    %add3A = arith.addf %dot_general3A_5, %dot_general3A_13 : vector<64x8192xf32>
    %get3A_14 = arith.constant 0 : index
    %get3A_15 = arith.constant 0 : index
    %get3A_16 = vector.load %arg5[%get3A_14, %get3A_15] : memref<64x1xf32, #tpu.memory_space<vmem>>, vector<64x1xf32>
    %add3A_17 = vector.broadcast %get3A_16 : vector<64x1xf32> to vector<64x8192xf32>
    %add3A_18 = arith.addf %add3A, %add3A_17 : vector<64x8192xf32>
    %max3A = arith.constant 0.000000e+00 : f32
    %max3A_19 = vector.broadcast %max3A : f32 to vector<64x8192xf32>
    %max3A_20 = arith.maximumf %add3A_18, %max3A_19 : vector<64x8192xf32>
    %get3A_21 = arith.constant 0 : index
    %get3A_22 = arith.constant 0 : index
    %get3A_23 = vector.load %arg6[%get3A_21, %get3A_22] : memref<32x64xf32, #tpu.memory_space<vmem>>, vector<32x64xf32>
    %dot_general3A_24 = arith.constant dense<0.000000e+00> : vector<32x8192xf32>
    %dot_general3A_25 = tpu.matmul %get3A_23, %max3A_20, %dot_general3A_24 {dimension_numbers = #tpu.dot_dimension_numbers<[1], [0], [0], [1], [0, 0, 1, 1], [], []>, transpose_lhs_hint = false} : vector<32x64xf32>, vector<64x8192xf32>, vector<32x8192xf32> -> vector<32x8192xf32>
    %get3A_26 = arith.constant 0 : index
    %get3A_27 = arith.constant 0 : index
    %get3A_28 = vector.load %arg7[%get3A_26, %get3A_27] : memref<32x1xf32, #tpu.memory_space<vmem>>, vector<32x1xf32>
    %add3A_29 = vector.broadcast %get3A_28 : vector<32x1xf32> to vector<32x8192xf32>
    %add3A_30 = arith.addf %dot_general3A_25, %add3A_29 : vector<32x8192xf32>
    %max3A_31 = arith.constant 0.000000e+00 : f32
    %max3A_32 = vector.broadcast %max3A_31 : f32 to vector<32x8192xf32>
    %max3A_33 = arith.maximumf %add3A_30, %max3A_32 : vector<32x8192xf32>
    %get3A_34 = arith.constant 0 : index
    %get3A_35 = arith.constant 0 : index
    %get3A_36 = vector.load %arg8[%get3A_34, %get3A_35] : memref<32x1xf32, #tpu.memory_space<vmem>>, vector<32x1xf32>
    %mul3A = vector.broadcast %get3A_36 : vector<32x1xf32> to vector<32x8192xf32>
    %mul3A_37 = arith.mulf %max3A_33, %mul3A : vector<32x8192xf32>
    %reduce_sum3A = arith.constant dense<0.000000e+00> : vector<8192xf32>
    %reduce_sum3A_38 = vector.multi_reduction <add>, %mul3A_37, %reduce_sum3A [0] : vector<32x8192xf32> to vector<8192xf32>
    %get3A_39 = arith.constant 0 : index
    %get3A_40 = memref.load %arg9[%get3A_39] : memref<1xf32, #tpu.memory_space<smem>>
    %add3A_41 = vector.broadcast %get3A_40 : f32 to vector<8192xf32>
    %add3A_42 = arith.addf %reduce_sum3A_38, %add3A_41 : vector<8192xf32>
    %swap3A = arith.constant 0 : index
    %swap3A_43 = vector.load %arg10[%swap3A] : memref<8192xf32, #tpu.memory_space<vmem>>, vector<8192xf32>
    tpu.vector_store %arg10[%swap3A], %add3A_42 {strides = array<i32>} : memref<8192xf32, #tpu.memory_space<vmem>>, vector<8192xf32>,
    return
  }
  func.func @transform_0(%arg0: i32) -> (i32, i32) {
    %c0_i32 = arith.constant 0 : i32
    %c0_i32_0 = arith.constant 0 : i32
    return %c0_i32, %arg0 : i32, i32
  }
  func.func @transform_1(%arg0: i32) -> (i32, i32) {
    %c0_i32 = arith.constant 0 : i32
    %c0_i32_0 = arith.constant 0 : i32
    return %c0_i32, %arg0 : i32, i32
  }
  func.func @transform_2(%arg0: i32) -> (i32, i32) {
    %c0_i32 = arith.constant 0 : i32
    %c0_i32_0 = arith.constant 0 : i32
    %c0_i32_1 = arith.constant 0 : i32
    return %c0_i32, %c0_i32_0 : i32, i32
  }
  func.func @transform_3(%arg0: i32) -> (i32, i32) {
    %c0_i32 = arith.constant 0 : i32
    %c0_i32_0 = arith.constant 0 : i32
    %c0_i32_1 = arith.constant 0 : i32
    return %c0_i32, %c0_i32_0 : i32, i32
  }
  func.func @transform_4(%arg0: i32) -> (i32, i32) {
    %c0_i32 = arith.constant 0 : i32
    %c0_i32_0 = arith.constant 0 : i32
    %c0_i32_1 = arith.constant 0 : i32
    return %c0_i32, %c0_i32_0 : i32, i32
  }
  func.func @transform_5(%arg0: i32) -> (i32, i32) {
    %c0_i32 = arith.constant 0 : i32
    %c0_i32_0 = arith.constant 0 : i32
    %c0_i32_1 = arith.constant 0 : i32
    return %c0_i32, %c0_i32_0 : i32, i32
  }
  func.func @transform_6(%arg0: i32) -> (i32, i32) {
    %c0_i32 = arith.constant 0 : i32
    %c0_i32_0 = arith.constant 0 : i32
    %c0_i32_1 = arith.constant 0 : i32
    return %c0_i32, %c0_i32_0 : i32, i32
  }
  func.func @transform_7(%arg0: i32) -> (i32, i32) {
    %c0_i32 = arith.constant 0 : i32
    %c0_i32_0 = arith.constant 0 : i32
    %c0_i32_1 = arith.constant 0 : i32
    return %c0_i32, %c0_i32_0 : i32, i32
  }
  func.func @transform_8(%arg0: i32) -> i32 {
    %c0_i32 = arith.constant 0 : i32
    %c0_i32_0 = arith.constant 0 : i32
    return %c0_i32 : i32
  }
  func.func @transform_9(%arg0: i32) -> i32 {
    %c0_i32 = arith.constant 0 : i32
    return %arg0 : i32
  }
}

</mosaic_0001>

<sc_bundles>
// kernel: kernel.4.cloned.1.call-start
scs
__scs_entry_jumppad:
0x0: {  	(pc) =	sbr.rel $0x88, $3  }
0x1: {  	(tag) =	ssettag $0x0;
	lr =	simm.s32 $0x1  }
0x2: {  	[smem:$0x3F97] =	sst lr;
	_ =	strace $0xD0000000  }
0x3: {  	_ = 	snop  }
0x4: {  	_ = 	snop  }
0x5: {  	_ = 	snop  }
0x6: {  	_ = 	snop  }
0x7: {  	_ = 	snop  }
__scs_overlays_trampoline_lowered:
0x8: {  	[smem:$0x3FA6] =	sst s0  }
0x9: {  	[smem:$0x3FA7] =	sst s1  }
0xa: {  	[smem:$0x3FA8] =	sst s2  }
0xb: {  	[smem:$0x3FA9] =	sst s3  }
0xc: {  	[smem:$0x3FAA] =	sst s4  }
0xd: {  	[smem:$0x3FAB] =	sst s5  }
0xe: {  	[smem:$0x3FAC] =	sst s6  }
0xf: {  	[smem:$0x3FAD] =	sst s7  }
0x10: {  	[smem:$0x3FAE] =	sst s8  }
0x11: {  	[smem:$0x3FAF] =	sst s9;
	s0 =	simm.s32 @!p0 $0x0  }
0x12: {  	s1 =	sld [smem:$0x3F95];
	s0 =	simm.s32 @p0 $0x1  }
0x13: {  	[smem:$0x3FB0] =	sst s0;
	s0 =	simm.s32 @!p1 $0x0  }
0x14: {  	s2 =	sld [smem:$0x3F94];
	s0 =	simm.s32 @p1 $0x1  }
0x15: {  	[smem:$0x3FB1] =	sst s0;
	s0 =	simm.s32 @!p2 $0x0  }
0x16: {  	s3 =	sld [smem:$0x3FDB];
	s0 =	simm.s32 @p2 $0x1  }
0x17: {  	s4 =	simm.s32 $0x1BF5;
	[smem:$0x3FB3] =	sst s0  }
0x18: {  	s0 =	sld [smem:$0x3F96];
	_ =	swait.ge [sflag:s4], $0x0  }
0x19: {  	s7 =	sld [smem:$0x3F97]  }
0x1a: {  	s8 =	sadd.s32 $0xFFFFE003, lr  }
0x1b: {  	s9 =	sadd.s32 $0xFFFFFEF7, lr;
	s5 =	simm.s32 $0xFFFFFFFF;
	p2 =	slt.u32 s8, $0xFFFFF086  }
0x1c: {  	p1 =	slt.u32 s9, $0xF7A;
	s5 =	simm.s32 @!p2 $0x0  }
0x1d: {  	s5 =	simm.s32 @p1 $0x1;
	p0 =	seq.s32 s7, s2  }
0x1e: {  	s7 =	smul.u32 @!p0 $0xF7A, s2;
	p2 =	seq.s32 @!p0 s5, $0x0  }
0x1f: {  	s9 =	smul.u32 $0xF7A, s1;
	s8 =	simm.s32 @!p0 $0x1BF5;
	p2 =	por !p2, p0  }
0x20: {  	[sflag:s8] =	ssyncset.s32 @!p0 $0xFFFFF086;
	s6 =	sadd.s32 @!p0 s3, s7;
	s7 =	simm.s32 @!p0 $0x108  }
0x21: {  	s3 =	sadd.s32 s3, s9;
	s6 =	sadd.s32 @!p0 $0x88, s6;
	s7 =	simm.s32 @p2 $0x1082  }
0x22: {  	[simem:s7], [sflag:s8] =	dma.local @!p0 [hbm:s6], $0xF7A  }
0x23: {  	s9 =	sor.u32 $0xD0000000, s2;
	s6 =	simm.s32 $0x108;
	_ =	swait.ge @!p0 [sflag:s8], $0x0  }
0x24: {  	s3 =	sadd.s32 $0x88, s3;
	s6 =	simm.s32 @!p1 $0x1082;
	[sflag:s4] =	ssyncset.s32 $0xFFFFF086  }
0x25: {  	[simem:s6], [sflag:s4] =	dma.local [hbm:s3], $0xF7A  }
0x26: {  	[smem:$0x3F97] =	sst s1;
	(tag) =	ssettag s2;
	_ =	strace s9  }
0x27: {  	s1 =	sld [smem:$0x3FA7]  }
0x28: {  	s2 =	sld [smem:$0x3FA8]  }
0x29: {  	s4 =	sld [smem:$0x3FAA]  }
0x2a: {  	p0 =	seq.s32 s5, $0x0;
	s5 =	sld [smem:$0x3FAB]  }
0x2b: {  	s6 =	sld [smem:$0x3FAC]  }
0x2c: {  	s7 =	sld [smem:$0x3FAD]  }
0x2d: {  	s3 =	simm.s32 $0x108;
	s8 =	sld [smem:$0x3FAE]  }
0x2e: {  	s3 =	simm.s32 @!p0 $0x1082;
	s9 =	sld [smem:$0x3FAF]  }
0x2f: {  	lr =	sadd.s32 s0, s3;
	s0 =	sld [smem:$0x3FA6]  }
0x30: {  	s3 =	sld [smem:$0x3FA9]  }
0x31: {  	[smem:$0x3FB2] =	sst s10  }
0x32: {  	s10 =	sld [smem:$0x3FB0];
	_ =	sdelay $0x3  }
0x33: {  	p0 =	seq.s32 s10, $0x1;
	s10 =	sld [smem:$0x3FB2];
	_ =	sdelay $0x3  }
0x34: {  	[smem:$0x3FB2] =	sst s10  }
0x35: {  	s10 =	sld [smem:$0x3FB1];
	_ =	sdelay $0x3  }
0x36: {  	p1 =	seq.s32 s10, $0x1;
	s10 =	sld [smem:$0x3FB2];
	_ =	sdelay $0x3  }
0x37: {  	[smem:$0x3FB2] =	sst s10  }
0x38: {  	s10 =	sld [smem:$0x3FB3]  }
0x39: {  	_ = 	snop;
	(pc) =	sbr.ind lr, $3  }
0x3a: {  	_ = 	snop  }
0x3b: {  	_ = 	snop  }
0x3c: {  	p2 =	seq.s32 s10, $0x1;
	s10 =	sld [smem:$0x3FB2]  }
0x3d: {  	_ =	shalt  }
0x3e: {  	_ =	shalt  }
0x3f: {  	_ =	shalt  }
0x40: {  	_ =	shalt  }
0x41: {  	_ =	shalt  }
0x42: {  	_ =	shalt  }
0x43: {  	_ =	shalt  }
0x44: {  	_ =	shalt  }
0x45: {  	_ =	shalt  }
0x46: {  	_ =	shalt  }
0x47: {  	_ =	shalt  }
0x48: {  	_ =	shalt  }
0x49: {  	_ =	shalt  }
0x4a: {  	_ =	shalt  }
0x4b: {  	_ =	shalt  }
0x4c: {  	_ =	shalt  }
0x4d: {  	_ =	shalt  }
0x4e: {  	_ =	shalt  }
0x4f: {  	_ =	shalt  }
0x50: {  	_ =	shalt  }
0x51: {  	_ =	shalt  }
0x52: {  	_ =	shalt  }
0x53: {  	_ =	shalt  }
0x54: {  	_ =	shalt  }
0x55: {  	_ =	shalt  }
0x56: {  	_ =	shalt  }
0x57: {  	_ =	shalt  }
0x58: {  	_ =	shalt  }
0x59: {  	_ =	shalt  }
0x5a: {  	_ =	shalt  }
0x5b: {  	_ =	shalt  }
0x5c: {  	_ =	shalt  }
0x5d: {  	_ =	shalt  }
0x5e: {  	_ =	shalt  }
0x5f: {  	_ =	shalt  }
0x60: {  	_ =	shalt  }
0x61: {  	_ =	shalt  }
0x62: {  	_ =	shalt  }
0x63: {  	_ =	shalt  }
0x64: {  	_ =	shalt  }
0x65: {  	_ =	shalt  }
0x66: {  	_ =	shalt  }
0x67: {  	_ =	shalt  }
0x68: {  	_ =	shalt  }
0x69: {  	_ =	shalt  }
0x6a: {  	_ =	shalt  }
0x6b: {  	_ =	shalt  }
0x6c: {  	_ =	shalt  }
0x6d: {  	_ =	shalt  }
0x6e: {  	_ =	shalt  }
0x6f: {  	_ =	shalt  }
0x70: {  	_ =	shalt  }
0x71: {  	_ =	shalt  }
0x72: {  	_ =	shalt  }
0x73: {  	_ =	shalt  }
0x74: {  	_ =	shalt  }
0x75: {  	_ =	shalt  }
0x76: {  	_ =	shalt  }
0x77: {  	_ =	shalt  }
0x78: {  	_ =	shalt  }
0x79: {  	_ =	shalt  }
0x7a: {  	_ =	shalt  }
0x7b: {  	_ =	shalt  }
0x7c: {  	_ =	shalt  }
0x7d: {  	_ =	shalt  }
0x7e: {  	_ =	shalt  }
0x7f: {  	_ =	shalt  }
0x80: {  	_ =	shalt  }
0x81: {  	_ =	shalt  }
0x82: {  	_ =	shalt  }
0x83: {  	_ =	shalt  }
0x84: {  	_ =	shalt  }
0x85: {  	_ =	shalt  }
0x86: {  	_ =	shalt  }
0x87: {  	_ =	shalt  }
.Lfunc_end0:
.L_simem_size_0:
called_computation_lowered:
.L_overlay_start_0:
0x88: {  	s2 =	sld [smem:$0x3FD9]  }
0x89: {  	s3 =	sld [smem:$0x3FFE];
	_ =	sdelay $0x1  }
0x8a: {  	s1 =	srdreg.scid  }
0x8b: {  	s0 =	sand.u32 $0x1, s1  }
0x8c: {  	s17 =	sshll.u32 s0, $0xA;
	s2 =	sadd.s32 s3, s2  }
0x8d: {  	s2 =	sadd.s32 s2, s17  }
0x8e: {  	[smem:$0x3FBE] =	sst s2  }
0x8f: {  	_ = 	snop  }
0x90: {  	s2 =	sld [smem:$0x3FC9]  }
0x91: {  	s18 =	sld [smem:$0x3FC8]  }
0x92: {  	s4 =	sld [smem:$0x3FC7]  }
0x93: {  	s5 =	sld [smem:$0x3FC6];
	(tm) =	ssettm $0x1  }
0x94: {  	s6 =	sld [smem:$0x3FFB];
	_ =	sdelay $0x3  }
0x95: {  	_ =	strace s6  }
0x96: {  	s6 =	sld [smem:$0x3FFC];
	_ =	sdelay $0x3  }
0x97: {  	_ =	strace s6  }
0x98: {  	s6 =	sld [smem:$0x3FFD];
	_ =	sdelay $0x3  }
0x99: {  	_ =	strace s6  }
0x9a: {  	_ =	strace $0x8FFFFFFF  }
0x9b: {  	s19 =	sld [smem:$0x3FDB];
	_ =	sdelay $0x1  }
0x9c: {  	s7 =	simm.s32 $_scs_section_size  }
0x9d: {  	s8 =	simm.s32 $_size__tile_overlayer_lowered;
	s9 =	simm.s32 $_tile_overlayer_lowered  }
0x9e: {  	s22 =	simm.s32 $0x1BFF;
	s21 =	sshll.u32 s9, $0x1;
	s6 =	sadd.s32 s7, s19  }
0x9f: {  	s10 =	simm.s32 $0x0;
	s20 =	sshll.u32 s8, $0x1;
	s8 =	sadd.s32 s21, s6  }
0xa0: {  	[timem:s10], [sflag:s22] =	dma.local [hbm:s8], s20  }
0xa1: {  	_ =	swait.ge [sflag:s22], s20  }
0xa2: {  	s7 =	ssub.s32 $0x0, s20;
	[sflag:s22] =	ssyncset.done $0x0  }
0xa3: {  	[sflag:s22] =	ssyncadd.s32 s7;
	_ =	sdelay $0x1  }
0xa4: {  	s23 =	simm.s32 $0x1B8B  }
0xa5: {  	_ =	swait.ge [sflag:s23], $0x1  }
0xa6: {  	[sflag:s23] =	ssyncset.done $0x0  }
0xa7: {  	s25 =	simm.s32 $0x1B8E;
	s24 =	sld [smem:$0x3FFE];
	[sflag:s23] =	ssyncadd.s32 $0xFFFFFFFF  }
0xa8: {  	s26 =	simm.s32 $execute0_lowered;
	[smem:$0x3FD2] =	sst s25  }
0xa9: {  	s8 =	sshll.u32 s26, $0x1;
	_ =	strace $0x80000046;
	[dreg:$0x1] =	wrdreg $0xFFFFFFFF  }
0xaa: {  	s28 =	simm.s32 $_size_execute0_lowered;
	s6 =	sadd.s32 s6, s8;
	[dreg:$0x0] =	wrdreg $0x0  }
0xab: {  	s8 =	sshll.u32 s28, $0x1;
	[dreg:$0x2] =	wrdreg s6  }
0xac: {  	[dreg:$0x3] =	wrdreg s8  }
0xad: {  	[dreg:$0x4] =	wrdreg $0xC0  }
0xae: {  	_ =	task [dreg:s10], $0x5FFFF  }
0xaf: {  	[dreg:$0x1] =	wrdreg $0xFFFFFFFF  }
0xb0: {  	[dreg:$0x0] =	wrdreg $0x60  }
0xb1: {  	[dreg:$0x2] =	wrdreg s2  }
0xb2: {  	[dreg:$0x3] =	wrdreg s18  }
0xb3: {  	[dreg:$0x4] =	wrdreg s4  }
0xb4: {  	[dreg:$0x5] =	wrdreg s5  }
0xb5: {  	[dreg:$0x6] =	wrdreg s24  }
0xb6: {  	[dreg:$0x7] =	wrdreg $0x9  }
0xb7: {  	_ =	task.clear_ibuf [dreg:s10], $0x8FFFF;
	_ =	strace $0x90000046  }
0xb8: {  	s29 =	simm.s32 $0x9;
	_ =	strace $0x80000048  }
0xb9: {  	_ =	swait.ge [sflag:s29], $0x1  }
0xba: {  	[sflag:s29] =	ssyncadd.s32 $0xFFFFFFFF  }
0xbb: {  	_ =	strace $0x90000048  }
0xbc: {  	_ =	sfence  }
0xbd: {  	s30 =	sld [smem:$0x0];
	_ =	sdelay $0x2  }
0xbe: {  	s31 =	sshll.u32 s1, $0xD;
	s1 =	sshrl.u32 s1, $0x2  }
0xbf: {  	s3 =	sand.u32 $0x4000, s31;
	s1 =	sadd.s32 s1, s30  }
0xc0: {  	s0 =	sor.u32 s3, s0;
	s1 =	sshll.u32 s1, $0x11  }
0xc1: {  	s0 =	sor.u32 s1, s0  }
0xc2: {  	s0 =	sadd.s32 $0x8F2B, s0  }
0xc3: {  	[sflag:s0] =	ssyncadd.remote.s32 $0x1  }
0xc4: {  	_ =	sfence.sel $0xFFFF  }
0xc5: {  	[dreg:$0x0] =	wrdreg $0xFFFFFFFF;
	(pc) =	sbr.abs _section_cstart, $3  }
0xc6: {  	[dreg:$0x1] =	wrdreg $0xFFFFFFFF  }
0xc7: {  	_ =	task.clear_ibuf [dreg:s10], $0x2FFFF;
	_ =	strace $0x9FFFFFFF  }
0xc8: {  	(tm) =	ssettm $0x7FFFFFFF  }
0xc9: {  	_ =	shalt  }
tec
execute0_lowered:
.L_overlay_start_1:
0x0: {  	(tag) =	ssettag $0x1  }
0x1: {  	s0 =	rddreg [dreg:$0x0]  }
0x2: {  	s3 =	rddreg [dreg:$0x1]  }
0x3: {  	s25 =	rddreg [dreg:$0x2]  }
0x4: {  	s2 =	rddreg [dreg:$0x3];
	v0 =	vlaneseq.u32;
	v1 =	vimm.s32 $0x1380  }
0x5: {  	s4 =	rddreg [dreg:$0x4];
	vm0 =	vcmask $0x300;
	v2 =	vimm.s32 $0x3380;
	vm1 =	vcmask $0x704  }
0x6: {  	s5 =	srdreg.scid;
	s7 =	simm.s32 $0x0;
	vm15 =	vcmask $0xB08;
	s12 =	simm.s32 $0x7A1400;
	v1 =	vsel vm0, $0x0, v1;
	v2 =	vsel vm0, $0x2000, v2  }
0x7: {  	s6 =	stileid.u32;
	vm4 =	vcmask $0xF0C;
	s19 =	simm.s32 $0x400;
	s17 =	simm.s32 $0x9400;
	v1 =	vsel vm1, $0x80, v1;
	v2 =	vsel vm1, $0x2080, v2  }
0x8: {  	vm5 =	vcmask $0x1310;
	s15 =	simm.s32 $0x2400;
	s16 =	simm.s32 $0xA400;
	s14 =	simm.s32 $0x3400;
	v1 =	vsel vm15, $0x100, v1;
	v2 =	vsel vm15, $0x2100, v2  }
0x9: {  	vm6 =	vcmask $0x1714;
	s13 =	simm.s32 $0xB400;
	s18 =	simm.s32 $0x4400;
	s11 =	simm.s32 $0xD400;
	v1 =	vsel vm4, $0x180, v1;
	v2 =	vsel vm4, $0x2180, v2  }
0xa: {  	vm7 =	vcmask $0x1B18;
	s8 =	simm.s32 $0x6400;
	s9 =	simm.s32 $0x7400;
	s1 =	simm.s32 $0xF400;
	v1 =	vsel vm5, $0x200, v1;
	v2 =	vsel vm5, $0x2200, v2  }
0xb: {  	vm8 =	vcmask $0x1F1C;
	s31 =	simm.s32 $0x10400;
	s21 =	simm.s32 $0x6;
	s5 =	sand.u32 $0x1, s5;
	v1 =	vsel vm6, $0x280, v1;
	v2 =	vsel vm6, $0x2280, v2  }
0xc: {  	vm9 =	vcmask $0x2320;
	[smem:$0x7FF] =	sst s7;
	s6 =	sshll.u32 s6, $0xA;
	s23 =	sshll.u32 s5, $0x9;
	v1 =	vsel vm7, $0x300, v1;
	v2 =	vsel vm7, $0x2300, v2  }
0xd: {  	vm10 =	vcmask $0x2724;
	s7 =	simm.s32 $0x5400;
	_ =	strace $0x80000047;
	s6 =	sor.u32 s23, s6;
	v1 =	vsel vm8, $0x380, v1;
	v2 =	vsel vm8, $0x2380, v2  }
0xe: {  	vm11 =	vcmask $0x2B28;
	s5 =	ssub.s32 $0x2, s5;
	s4 =	sadd.s32 s6, s4;
	s6 =	sshrl.u32 s6, $0x3;
	v1 =	vsel vm9, $0x1000, v1;
	v2 =	vsel vm9, $0x3000, v2  }
0xf: {  	vm12 =	vcmask $0x2F2C;
	s24 =	sshrl.u32 s5, $0x1;
	s23 =	simm.s32 $0xC400;
	s0 =	sadd.s32 s0, s6;
	v1 =	vsel vm10, $0x1080, v1;
	v2 =	vsel vm10, $0x3080, v2  }
.Ltmp0:
0x10: {  	vm13 =	vcmask $0x3330;
	s26 =	sadd.s32 s3, s6;
	[dreg:$0x6] =	wrdreg s0;
	v1 =	vsel vm11, $0x1100, v1;
	v2 =	vsel vm11, $0x3100, v2;
	(pc) =	sbr.rel .LBB2_1-.Ltmp0, $4  }
0x11: {  	vm14 =	vcmask $0x3734;
	s5 =	ssub.s32 s5, s24;
	s28 =	sadd.s32 $0x1800, s4;
	[dreg:$0x7] =	wrdreg s26;
	v1 =	vsel vm12, $0x1180, v1;
	v2 =	vsel vm12, $0x3180, v2  }
0x12: {  	v0 =	vmul.u32 $0x80, v0;
	s24 =	simm.s32 $0xE400;
	s29 =	sadd.s32 $0x11800, s4;
	[dreg:$0x8] =	wrdreg s28;
	v1 =	vsel vm13, $0x1200, v1;
	v2 =	vsel vm13, $0x3200, v2  }
0x13: {  	vm15 =	vcmask $0x3B38;
	s30 =	smax.u32 s5, $0x1;
	s5 =	simm.s32 $0x11;
	[dreg:$0x9] =	wrdreg s29;
	v1 =	vsel vm14, $0x1280, v1;
	v3 =	vsel vm14, $0x3280, v2  }
0x14: {  	s4 =	simm.s32 $0x0;
	[dreg:$0xa] =	wrdreg s30;
	s0 =	simm.s32 $0x14400;
	v2 =	vor.u32 $0x800, v0;
	v1 =	vsel vm15, $0x1300, v1;
	v3 =	vsel vm15, $0x3300, v3  }
.LBB2_4:
0x15: {  	s3 =	rddreg [dreg:$0x8]  }
0x16: {  	s4 =	simm.s32 $0x1000;
	s6 =	simm.s32 $0x20000;
	s5 =	simm.s32 $0x11  }
0x17: {  	[hbm4b:s3+s4] =	stream.strided.scatter [tilespmem:s31], [sflag:$0x11], $0x4000, s6, s4, $0x38;
	[tilespmem:$0x18400] =	vst v63  }
0x18: {  	_ =	swait.ge [sflag:s5], $0x4000  }
0x19: {  	[sflag:s5] =	ssyncset.done $0x0  }
0x1a: {  	s28 =	rddreg [dreg:$0x9];
	[sflag:s5] =	ssyncadd.s32 $0xFFFFC000  }
0x1b: {  	[hbm4b:s28+s4] =	stream.strided.scatter [tilespmem:s0], [sflag:$0x11], $0x4000, s6, s4, $0x38;
	[tilespmem:$0x18400] =	vst v63  }
0x1c: {  	_ =	swait.ge [sflag:s5], $0x4000  }
0x1d: {  	s29 =	rddreg [dreg:$0xb]  }
0x1e: {  	s30 =	rddreg [dreg:$0xa];
	s4 =	sadd.s32 $0x1, s29  }
0x1f: {  	p0 =	sne.s32 s4, s30  }
.Ltmp1:
0x20: {  	_ = 	snop;
	(pc) =	sbr.rel @!p0 .LBB2_5-.Ltmp1, $3  }
0x21: {  	_ =	sdelay $0x1  }
0x22: {  	[sflag:s5] =	ssyncset.done $0x0  }
0x23: {  	s12 =	simm.s32 $0x7A1400;
	[sflag:s5] =	ssyncadd.s32 $0xFFFFC000  }
.LBB2_1:
0x24: {  	[dreg:$0xb] =	wrdreg s4  }
0x25: {  	s3 =	simm.s32 $0x0;
	s30 =	rddreg [dreg:$0x6]  }
0x26: {  	[tilespmem:s3], [sflag:$0x11] =	stream.linear.gather [hbm4b:s30+s3], $0x200, $0x38;
	[tilespmem:$0x18400] =	vst v63  }
0x27: {  	_ =	swait.ge [sflag:s5], $0x200  }
0x28: {  	[sflag:s5] =	ssyncset.done $0x0  }
0x29: {  	s10 =	simm.s32 $0x200;
	s6 =	rddreg [dreg:$0x7];
	[sflag:s5] =	ssyncadd.s32 $0xFFFFFE00  }
0x2a: {  	[tilespmem:s10], [sflag:$0x11] =	stream.linear.gather [hbm4b:s6+s3], $0x200, $0x38;
	[tilespmem:$0x18400] =	vst v63  }
0x2b: {  	_ =	swait.ge [sflag:s5], $0x200  }
0x2c: {  	[sflag:s5] =	ssyncset.done $0x0  }
0x2d: {  	[sflag:s5] =	ssyncadd.s32 $0xFFFFFE00  }
0x2e: {  	v5 =	vld [tilespmem:$0x200];
	_ =	sdelay $0x4  }
0x2f: {  	(v2sf) =	vpush v5, $0x0  }
0x30: {  	v4 =	vld [tilespmem:$0x0];
	_ =	sdelay $0x4  }
0x31: {  	(v2sf) =	vpush v4, $0x0;
	_ =	sdelay $0x7  }
0x32: {  	(v2sf) =	vpush v5, $0x1  }
0x33: {  	s20 =	spop (v2sf);
	(v2sf) =	vpush v4, $0x1;
	_ =	sdelay $0x4  }
0x34: {  	s5 =	simm.s32 $0x1  }
0x35: {  	s22 =	sand.u32 $0x7F, s20;
	s26 =	spop (v2sf);
	s6 =	sshra.s32 s20, $0x1F  }
0x36: {  	p6 =	slt.s32 s20, $0x1;
	p0 =	sne.s32 s22, $0x0;
	s28 =	sand.u32 $0x7F, s26  }
0x37: {  	s29 =	sshra.s32 s26, $0x1F;
	p2 =	slt.s32 s26, $0x1;
	p1 =	sne.s32 s28, $0x0  }
0x38: {  	s6 =	sshrl.u32 s6, $0x19;
	s4 =	sshrl.u32 s29, $0x19;
	p1 =	por !p2, !p1  }
0x39: {  	s3 =	sadd.s32 s6, s20;
	s4 =	sadd.s32 s4, s26;
	p1 =	por !p1, !p1  }
0x3a: {  	p0 =	por !p6, !p0;
	s4 =	sshrl.u32 s4, $0x7;
	s5 =	simm.s32 @!p1 $0x0  }
0x3b: {  	p0 =	por !p0, !p0;
	s4 =	ssub.s32 s4, s5;
	s5 =	simm.s32 $0x1  }
0x3c: {  	(v2sf) =	vpush v5, $0x2;
	s3 =	sshrl.u32 s3, $0x7;
	s4 =	sshll.u32 s4, $0x7;
	s5 =	simm.s32 @!p0 $0x0  }
0x3d: {  	s30 =	spop (v2sf);
	s4 =	sand.u32 $0x1FFFFF80, s4;
	s3 =	ssub.s32 s3, s5  }
0x3e: {  	s4 =	sadd.s32 s25, s4;
	s3 =	sshll.u32 s3, $0x7;
	s22 =	spop (v2sf);
	(v2sf) =	vpush v4, $0x2  }
0x3f: {  	[tilespmem:s19], [sflag:$0x1] =	stream.strided.gather [hbm4b:s4+s19], $0x1000, s12, s19, $0x38;
	[tilespmem:$0x18400] =	vst v63  }
0x40: {  	s6 =	simm.s32 $0x8400;
	s20 =	sand.u32 $0x7F, s30;
	s3 =	sand.u32 $0x1FFFFF80, s3  }
0x41: {  	p6 =	slt.s32 s30, $0x1;
	p3 =	sne.s32 s20, $0x0;
	s3 =	sadd.s32 s2, s3  }
0x42: {  	[tilespmem:s6], [sflag:$0x9] =	stream.strided.gather [hbm4b:s3+s19], $0x1000, s12, s19, $0x38;
	[tilespmem:$0x18400] =	vst v63  }
0x43: {  	s26 =	sshra.s32 s30, $0x1F;
	p0 =	por !p6, !p3;
	s28 =	sand.u32 $0x7F, s22  }
0x44: {  	s29 =	sshra.s32 s22, $0x1F;
	p5 =	slt.s32 s22, $0x1;
	p4 =	sne.s32 s28, $0x0  }
0x45: {  	s5 =	simm.s32 $0x1;
	s3 =	sshrl.u32 s29, $0x19;
	p1 =	por !p5, !p4  }
0x46: {  	p0 =	por !p0, !p0;
	s3 =	sadd.s32 s3, s22;
	p1 =	por !p1, !p1  }
0x47: {  	s6 =	sshrl.u32 s26, $0x19;
	s3 =	sshrl.u32 s3, $0x7;
	s5 =	simm.s32 @!p1 $0x0  }
0x48: {  	s4 =	sadd.s32 s6, s30;
	s3 =	ssub.s32 s3, s5;
	s5 =	simm.s32 $0x1  }
0x49: {  	s4 =	sshrl.u32 s4, $0x7;
	s3 =	sshll.u32 s3, $0x7;
	s5 =	simm.s32 @!p0 $0x0  }
0x4a: {  	s30 =	simm.s32 $0x1400;
	s3 =	sand.u32 $0x1FFFFF80, s3;
	s4 =	ssub.s32 s4, s5  }
0x4b: {  	s20 =	spop (v2sf);
	(v2sf) =	vpush v5, $0x3;
	s3 =	sadd.s32 s25, s3;
	s6 =	sshll.u32 s4, $0x7  }
0x4c: {  	[tilespmem:s30], [sflag:$0x2] =	stream.strided.gather [hbm4b:s3+s19], $0x1000, s12, s19, $0x38;
	[tilespmem:$0x18400] =	vst v63  }
0x4d: {  	s3 =	sand.u32 $0x1FFFFF80, s6;
	s26 =	spop (v2sf);
	(v2sf) =	vpush v4, $0x3  }
0x4e: {  	s3 =	sadd.s32 s2, s3  }
0x4f: {  	[tilespmem:s17], [sflag:$0xA] =	stream.strided.gather [hbm4b:s3+s19], $0x1000, s12, s19, $0x38;
	[tilespmem:$0x18400] =	vst v63  }
0x50: {  	s29 =	sand.u32 $0x7F, s26  }
0x51: {  	s30 =	sshra.s32 s26, $0x1F;
	p5 =	slt.s32 s26, $0x1;
	p4 =	sne.s32 s29, $0x0  }
0x52: {  	s3 =	sshrl.u32 s30, $0x19;
	p1 =	por !p5, !p4  }
0x53: {  	s5 =	simm.s32 $0x1;
	s3 =	sadd.s32 s3, s26;
	p1 =	por !p1, !p1  }
0x54: {  	s3 =	sshrl.u32 s3, $0x7;
	s5 =	simm.s32 @!p1 $0x0  }
0x55: {  	s22 =	sand.u32 $0x7F, s20;
	s3 =	ssub.s32 s3, s5  }
0x56: {  	p6 =	slt.s32 s20, $0x1;
	p3 =	sne.s32 s22, $0x0;
	s3 =	sshll.u32 s3, $0x7  }
0x57: {  	s28 =	sshra.s32 s20, $0x1F;
	p0 =	por !p6, !p3;
	s3 =	sand.u32 $0x1FFFFF80, s3  }
0x58: {  	p0 =	por !p0, !p0;
	s6 =	sshrl.u32 s28, $0x19;
	s3 =	sadd.s32 s25, s3  }
0x59: {  	[tilespmem:s15], [sflag:$0x3] =	stream.strided.gather [hbm4b:s3+s19], $0x1000, s12, s19, $0x38;
	[tilespmem:$0x18400] =	vst v63  }
0x5a: {  	s4 =	sadd.s32 s6, s20;
	s5 =	simm.s32 $0x1;
	s15 =	spop (v2sf);
	(v2sf) =	vpush v5, $0x4  }
0x5b: {  	s4 =	sshrl.u32 s4, $0x7;
	s5 =	simm.s32 @!p0 $0x0  }
0x5c: {  	s4 =	ssub.s32 s4, s5;
	s20 =	spop (v2sf);
	(v2sf) =	vpush v4, $0x4  }
0x5d: {  	s6 =	sshll.u32 s4, $0x7  }
0x5e: {  	s3 =	sand.u32 $0x1FFFFF80, s6  }
0x5f: {  	s3 =	sadd.s32 s2, s3  }
0x60: {  	[tilespmem:s16], [sflag:$0xB] =	stream.strided.gather [hbm4b:s3+s19], $0x1000, s12, s19, $0x38;
	[tilespmem:$0x18400] =	vst v63  }
0x61: {  	s5 =	simm.s32 $0x1;
	s17 =	sand.u32 $0x7F, s15;
	s26 =	sand.u32 $0x7F, s20  }
0x62: {  	s28 =	sshra.s32 s20, $0x1F;
	p5 =	slt.s32 s20, $0x1;
	p4 =	sne.s32 s26, $0x0  }
0x63: {  	s22 =	sshra.s32 s15, $0x1F;
	s3 =	sshrl.u32 s28, $0x19;
	p1 =	por !p5, !p4  }
0x64: {  	p6 =	slt.s32 s15, $0x1;
	s3 =	sadd.s32 s3, s20;
	p1 =	por !p1, !p1  }
0x65: {  	p3 =	sne.s32 s17, $0x0;
	s3 =	sshrl.u32 s3, $0x7;
	s5 =	simm.s32 @!p1 $0x0  }
0x66: {  	s6 =	sshrl.u32 s22, $0x19;
	p0 =	por !p6, !p3;
	s3 =	ssub.s32 s3, s5  }
0x67: {  	s4 =	sadd.s32 s6, s15;
	p0 =	por !p0, !p0;
	s3 =	sshll.u32 s3, $0x7  }
0x68: {  	s4 =	sshrl.u32 s4, $0x7;
	s5 =	simm.s32 $0x1;
	s3 =	sand.u32 $0x1FFFFF80, s3  }
0x69: {  	s5 =	simm.s32 @!p0 $0x0;
	s3 =	sadd.s32 s25, s3;
	s30 =	spop (v2sf);
	(v2sf) =	vpush v5, $0x5  }
0x6a: {  	[tilespmem:s14], [sflag:$0x4] =	stream.strided.gather [hbm4b:s3+s19], $0x1000, s12, s19, $0x38;
	[tilespmem:$0x18400] =	vst v63  }
0x6b: {  	s4 =	ssub.s32 s4, s5;
	s14 =	spop (v2sf);
	(v2sf) =	vpush v4, $0x5  }
0x6c: {  	s29 =	sshll.u32 s4, $0x7  }
0x6d: {  	s5 =	simm.s32 $0x1;
	s3 =	sand.u32 $0x1FFFFF80, s29  }
0x6e: {  	s3 =	sadd.s32 s2, s3;
	s15 =	sshra.s32 s30, $0x1F;
	p6 =	slt.s32 s30, $0x1  }
0x6f: {  	[tilespmem:s13], [sflag:$0xC] =	stream.strided.gather [hbm4b:s3+s19], $0x1000, s12, s19, $0x38;
	[tilespmem:$0x18400] =	vst v63  }
0x70: {  	s13 =	sand.u32 $0x7F, s30;
	s6 =	sshrl.u32 s15, $0x19;
	s16 =	sand.u32 $0x7F, s14  }
0x71: {  	s17 =	sshra.s32 s14, $0x1F;
	p5 =	slt.s32 s14, $0x1;
	p4 =	sne.s32 s16, $0x0  }
0x72: {  	p3 =	sne.s32 s13, $0x0;
	s3 =	sshrl.u32 s17, $0x19;
	p1 =	por !p5, !p4  }
0x73: {  	s4 =	sadd.s32 s6, s30;
	s3 =	sadd.s32 s3, s14;
	p1 =	por !p1, !p1  }
0x74: {  	p0 =	por !p6, !p3;
	s3 =	sshrl.u32 s3, $0x7;
	s5 =	simm.s32 @!p1 $0x0  }
0x75: {  	p0 =	por !p0, !p0;
	s3 =	ssub.s32 s3, s5;
	s5 =	simm.s32 $0x1  }
0x76: {  	s4 =	sshrl.u32 s4, $0x7;
	s3 =	sshll.u32 s3, $0x7;
	s5 =	simm.s32 @!p0 $0x0  }
0x77: {  	s3 =	sand.u32 $0x1FFFFF80, s3;
	s4 =	ssub.s32 s4, s5  }
0x78: {  	s3 =	sadd.s32 s25, s3;
	s20 =	sshll.u32 s4, $0x7;
	s22 =	spop (v2sf);
	(v2sf) =	vpush v5, $0x6  }
0x79: {  	[tilespmem:s18], [sflag:$0x5] =	stream.strided.gather [hbm4b:s3+s19], $0x1000, s12, s19, $0x38;
	[tilespmem:$0x18400] =	vst v63  }
0x7a: {  	s3 =	sand.u32 $0x1FFFFF80, s20;
	s26 =	spop (v2sf);
	(v2sf) =	vpush v4, $0x6  }
0x7b: {  	s5 =	simm.s32 $0x1;
	s3 =	sadd.s32 s2, s3  }
0x7c: {  	[tilespmem:s23], [sflag:$0xD] =	stream.strided.gather [hbm4b:s3+s19], $0x1000, s12, s19, $0x38;
	[tilespmem:$0x18400] =	vst v63  }
0x7d: {  	s28 =	sshra.s32 s22, $0x1F;
	p6 =	slt.s32 s22, $0x1;
	s29 =	sand.u32 $0x7F, s26  }
0x7e: {  	s30 =	sshra.s32 s26, $0x1F;
	p5 =	slt.s32 s26, $0x1;
	p4 =	sne.s32 s29, $0x0  }
0x7f: {  	s23 =	sand.u32 $0x7F, s22;
	s3 =	sshrl.u32 s30, $0x19;
	p1 =	por !p5, !p4  }
0x80: {  	s6 =	sshrl.u32 s28, $0x19;
	s3 =	sadd.s32 s3, s26;
	p1 =	por !p1, !p1  }
0x81: {  	p3 =	sne.s32 s23, $0x0;
	s3 =	sshrl.u32 s3, $0x7;
	s5 =	simm.s32 @!p1 $0x0  }
0x82: {  	s4 =	sadd.s32 s6, s22;
	p0 =	por !p6, !p3;
	s3 =	ssub.s32 s3, s5  }
0x83: {  	p0 =	por !p0, !p0;
	s5 =	simm.s32 $0x1;
	s3 =	sshll.u32 s3, $0x7  }
0x84: {  	s4 =	sshrl.u32 s4, $0x7;
	s5 =	simm.s32 @!p0 $0x0;
	s3 =	sand.u32 $0x1FFFFF80, s3  }
0x85: {  	s4 =	ssub.s32 s4, s5;
	s3 =	sadd.s32 s25, s3  }
0x86: {  	[tilespmem:s7], [sflag:$0x6] =	stream.strided.gather [hbm4b:s3+s19], $0x1000, s12, s19, $0x38;
	[tilespmem:$0x18400] =	vst v63  }
0x87: {  	s7 =	sshll.u32 s4, $0x7;
	s13 =	spop (v2sf);
	(v2sf) =	vpush v5, $0x7  }
0x88: {  	s5 =	simm.s32 $0x1;
	s3 =	sand.u32 $0x1FFFFF80, s7;
	s14 =	sand.u32 $0x7F, s13  }
0x89: {  	s16 =	sshra.s32 s13, $0x1F;
	s3 =	sadd.s32 s2, s3;
	s15 =	spop (v2sf);
	(v2sf) =	vpush v4, $0x7  }
0x8a: {  	[tilespmem:s11], [sflag:$0xE] =	stream.strided.gather [hbm4b:s3+s19], $0x1000, s12, s19, $0x38;
	[tilespmem:$0x18400] =	vst v63  }
0x8b: {  	p6 =	slt.s32 s13, $0x1;
	p3 =	sne.s32 s14, $0x0;
	s17 =	sand.u32 $0x7F, s15  }
0x8c: {  	s18 =	sshra.s32 s15, $0x1F;
	p5 =	slt.s32 s15, $0x1;
	p4 =	sne.s32 s17, $0x0  }
0x8d: {  	s6 =	sshrl.u32 s16, $0x19;
	s3 =	sshrl.u32 s18, $0x19;
	p1 =	por !p5, !p4  }
0x8e: {  	s4 =	sadd.s32 s6, s13;
	s3 =	sadd.s32 s3, s15;
	p1 =	por !p1, !p1  }
0x8f: {  	p0 =	por !p6, !p3;
	s3 =	sshrl.u32 s3, $0x7;
	s5 =	simm.s32 @!p1 $0x0  }
0x90: {  	p0 =	por !p0, !p0;
	s3 =	ssub.s32 s3, s5;
	s5 =	simm.s32 $0x1  }
0x91: {  	s4 =	sshrl.u32 s4, $0x7;
	s3 =	sshll.u32 s3, $0x7;
	s5 =	simm.s32 @!p0 $0x0  }
0x92: {  	s3 =	sand.u32 $0x1FFFFF80, s3;
	s4 =	ssub.s32 s4, s5  }
0x93: {  	s3 =	sadd.s32 s25, s3;
	s20 =	sshll.u32 s4, $0x7  }
0x94: {  	[tilespmem:s8], [sflag:$0x7] =	stream.strided.gather [hbm4b:s3+s19], $0x1000, s12, s19, $0x38;
	[tilespmem:$0x18400] =	vst v63  }
0x95: {  	s3 =	sand.u32 $0x1FFFFF80, s20  }
0x96: {  	s5 =	simm.s32 $0x1;
	s22 =	spop (v2sf);
	s3 =	sadd.s32 s2, s3  }
0x97: {  	[tilespmem:s24], [sflag:$0xF] =	stream.strided.gather [hbm4b:s3+s19], $0x1000, s12, s19, $0x38;
	[tilespmem:$0x18400] =	vst v63  }
0x98: {  	s23 =	sand.u32 $0x7F, s22;
	s26 =	sshra.s32 s22, $0x1F;
	s24 =	spop (v2sf)  }
0x99: {  	p6 =	slt.s32 s22, $0x1;
	p3 =	sne.s32 s23, $0x0;
	s28 =	sand.u32 $0x7F, s24  }
0x9a: {  	s29 =	sshra.s32 s24, $0x1F;
	p5 =	slt.s32 s24, $0x1;
	p4 =	sne.s32 s28, $0x0  }
0x9b: {  	s6 =	sshrl.u32 s26, $0x19;
	s3 =	sshrl.u32 s29, $0x19;
	p1 =	por !p5, !p4  }
0x9c: {  	s4 =	sadd.s32 s6, s22;
	s3 =	sadd.s32 s3, s24;
	p1 =	por !p1, !p1  }
0x9d: {  	p0 =	por !p6, !p3;
	s3 =	sshrl.u32 s3, $0x7;
	s5 =	simm.s32 @!p1 $0x0  }
0x9e: {  	p0 =	por !p0, !p0;
	s3 =	ssub.s32 s3, s5;
	s5 =	simm.s32 $0x1  }
0x9f: {  	s4 =	sshrl.u32 s4, $0x7;
	s3 =	sshll.u32 s3, $0x7;
	s5 =	simm.s32 @!p0 $0x0  }
0xa0: {  	s3 =	sand.u32 $0x1FFFFF80, s3;
	s4 =	ssub.s32 s4, s5  }
0xa1: {  	s3 =	sadd.s32 s25, s3;
	s30 =	sshll.u32 s4, $0x7  }
0xa2: {  	[tilespmem:s9], [sflag:$0x8] =	stream.strided.gather [hbm4b:s3+s19], $0x1000, s12, s19, $0x38;
	[tilespmem:$0x18400] =	vst v63  }
0xa3: {  	s3 =	sand.u32 $0x1FFFFF80, s30  }
0xa4: {  	s3 =	sadd.s32 s2, s3  }
0xa5: {  	[tilespmem:s1], [sflag:$0x10] =	stream.strided.gather [hbm4b:s3+s19], $0x1000, s12, s19, $0x38;
	[tilespmem:$0x18400] =	vst v63  }
0xa6: {  	s22 =	simm.s32 $0x0;
	s1 =	simm.s32 $0x0  }
.LBB2_2:
0xa7: {  	v7 =	vld [tilespmem:s1+$0x0]  }
0xa8: {  	[dreg:$0xd] =	wrdreg s1;
	v6 =	vld [tilespmem:s10+$0x0];
	s3 =	smin.u32 s22, $0x1E0  }
0xa9: {  	[dreg:$0xc] =	wrdreg s10;
	s17 =	simm.s32 $0x1;
	v4 =	vld [tilespmem:s3+$0x10]  }
0xaa: {  	v5 =	vld [tilespmem:s3+$0x210];
	_ =	swait.ge [sflag:s17], $0x1000  }
0xab: {  	[sflag:s17] =	ssyncset.done $0x0  }
0xac: {  	s10 =	simm.s32 $0x9;
	[sflag:s17] =	ssyncadd.s32 $0xFFFFF000  }
0xad: {  	_ =	swait.ge [sflag:s10], $0x1000  }
0xae: {  	(v2sf) =	vpush v7, $0x0;
	_ =	sdelay $0xb  }
0xaf: {  	(v2sf) =	vpush v6, $0x0;
	_ =	sdelay $0x2  }
0xb0: {  	s11 =	spop (v2sf)  }
0xb1: {  	s3 =	sand.u32 $0x7F, s11  }
0xb2: {  	v8 =	vor.u32 s3, v0  }
0xb3: {  	v9 =	vmov s22;
	(v2sf) =	vpush v7, $0x8  }
0xb4: {  	v10 =	vshll.u32 v9, $0x3  }
0xb5: {  	v9 =	vand.u32 $0x70, v9;
	v10 =	vand.u32 $0xC00, v10;
	[sflag:s10] =	ssyncset.done $0x0;
	(v2sf) =	vpush v6, $0x8  }
0xb6: {  	v9 =	vor.u32 v9, v10;
	[sflag:s10] =	ssyncadd.s32 $0xFFFFF000  }
0xb7: {  	v10 =	vor.u32 v1, v9;
	v8 =	vld.idx.msk [tilespmem:v8+s19+$0x0], $0xffff  }
0xb8: {  	v11 =	vor.u32 s3, v2;
	_ =	sdelay $0x3  }
0xb9: {  	s13 =	spop (v2sf);
	[tilespmem:v10+s31+$0x0] =	vst.idx.msk $0xffff, v8  }
0xba: {  	v9 =	vor.u32 v3, v9;
	s3 =	sand.u32 $0x7F, s13;
	v8 =	vld.idx.msk [tilespmem:v11+s19+$0x0], $0xffff  }
0xbb: {  	v40 =	vor.u32 s3, v0;
	_ =	sdelay $0x3  }
0xbc: {  	s14 =	simm.s32 $0x8400;
	s10 =	spop (v2sf);
	[tilespmem:v9+s31+$0x0] =	vst.idx.msk $0xffff, v8  }
0xbd: {  	s4 =	sshra.s32 s10, $0x1F;
	v8 =	vld.idx.msk [tilespmem:v40+s14+$0x0], $0xffff  }
0xbe: {  	v41 =	vor.u32 s3, v2;
	s30 =	spop (v2sf);
	s16 =	sshrl.u32 s4, $0x19  }
0xbf: {  	s5 =	sshra.s32 s30, $0x1F;
	s3 =	sadd.s32 s16, s10  }
0xc0: {  	s15 =	simm.s32 $0x8400;
	s5 =	sshrl.u32 s5, $0x19;
	s18 =	sand.u32 $0xFFFFFF80, s3  }
0xc1: {  	p0 =	slt.s32 s10, $0x1;
	s20 =	sadd.s32 s5, s30;
	p1 =	sne.s32 s10, s18  }
0xc2: {  	s6 =	simm.s32 $0x1;
	s5 =	sand.u32 $0xFFFFFF80, s20;
	p0 =	por !p0, !p1;
	[tilespmem:v10+s0+$0x0] =	vst.idx.msk $0xffff, v8  }
0xc3: {  	p6 =	slt.s32 s30, $0x1;
	p2 =	sne.s32 s30, s5;
	p0 =	por !p0, !p0;
	v8 =	vld.idx.msk [tilespmem:v41+s15+$0x0], $0xffff  }
0xc4: {  	s3 =	sshrl.u32 s3, $0x7;
	p2 =	por !p6, !p2;
	s6 =	simm.s32 @!p0 $0x0  }
0xc5: {  	s5 =	simm.s32 $0x1;
	p0 =	por !p2, !p2;
	s3 =	ssub.s32 s3, s6  }
0xc6: {  	s4 =	sshrl.u32 s20, $0x7;
	s5 =	simm.s32 @!p0 $0x0;
	s3 =	sshll.u32 s3, $0x7  }
0xc7: {  	s4 =	ssub.s32 s4, s5;
	s3 =	sand.u32 $0x1FFFFF80, s3  }
0xc8: {  	s24 =	sshll.u32 s4, $0x7;
	s3 =	sadd.s32 s25, s3;
	[tilespmem:v9+s0+$0x0] =	vst.idx.msk $0xffff, v8  }
0xc9: {  	[tilespmem:s19], [sflag:$0x1] =	stream.strided.gather [hbm4b:s3+s19], $0x1000, s12, s19, $0x38;
	[tilespmem:$0x18400] =	vst v63  }
0xca: {  	s3 =	sand.u32 $0x1FFFFF80, s24  }
0xcb: {  	s23 =	simm.s32 $0x8400;
	s20 =	simm.s32 $0x2;
	s3 =	sadd.s32 s2, s3  }
0xcc: {  	[tilespmem:s23], [sflag:$0x9] =	stream.strided.gather [hbm4b:s3+s19], $0x1000, s12, s19, $0x38;
	[tilespmem:$0x18400] =	vst v63  }
0xcd: {  	_ =	swait.ge [sflag:s20], $0x1000  }
0xce: {  	[sflag:s20] =	ssyncset.done $0x0  }
0xcf: {  	s26 =	simm.s32 $0xA;
	[sflag:s20] =	ssyncadd.s32 $0xFFFFF000  }
0xd0: {  	_ =	swait.ge [sflag:s26], $0x1000  }
0xd1: {  	(v2sf) =	vpush v7, $0x1;
	_ =	sdelay $0xb  }
0xd2: {  	(v2sf) =	vpush v6, $0x1;
	_ =	sdelay $0x2  }
0xd3: {  	s28 =	spop (v2sf)  }
0xd4: {  	s3 =	sand.u32 $0x7F, s28  }
0xd5: {  	s29 =	sadd.s32 $0x1, s22;
	v42 =	vor.u32 s3, v0  }
0xd6: {  	v43 =	vmov s29;
	(v2sf) =	vpush v7, $0x9  }
0xd7: {  	v44 =	vshll.u32 v43, $0x3  }
0xd8: {  	v10 =	vand.u32 $0xC00, v44;
	v9 =	vand.u32 $0x71, v43;
	[sflag:s26] =	ssyncset.done $0x0;
	(v2sf) =	vpush v6, $0x9  }
0xd9: {  	s4 =	simm.s32 $0x1400;
	v9 =	vor.u32 v9, v10;
	[sflag:s26] =	ssyncadd.s32 $0xFFFFF000  }
0xda: {  	v10 =	vor.u32 v1, v9;
	v8 =	vld.idx.msk [tilespmem:v42+s4+$0x0], $0xffff  }
0xdb: {  	v45 =	vor.u32 s3, v2;
	_ =	sdelay $0x3  }
0xdc: {  	s5 =	spop (v2sf);
	[tilespmem:v10+s31+$0x0] =	vst.idx.msk $0xffff, v8  }
0xdd: {  	v9 =	vor.u32 v3, v9;
	s6 =	sand.u32 $0x7F, s5;
	v8 =	vld.idx.msk [tilespmem:v45+s4+$0x0], $0xffff  }
0xde: {  	v46 =	vor.u32 s6, v0;
	_ =	sdelay $0x3  }
0xdf: {  	s7 =	simm.s32 $0x9400;
	s3 =	spop (v2sf);
	[tilespmem:v9+s31+$0x0] =	vst.idx.msk $0xffff, v8  }
0xe0: {  	s11 =	sshra.s32 s3, $0x1F;
	v8 =	vld.idx.msk [tilespmem:v46+s7+$0x0], $0xffff  }
0xe1: {  	v47 =	vor.u32 s6, v2;
	s13 =	sshrl.u32 s11, $0x19;
	s23 =	spop (v2sf)  }
0xe2: {  	s4 =	sadd.s32 s13, s3;
	s15 =	sshra.s32 s23, $0x1F  }
0xe3: {  	s9 =	simm.s32 $0x9400;
	s14 =	sand.u32 $0xFFFFFF80, s4;
	s6 =	sshrl.u32 s15, $0x19  }
0xe4: {  	p3 =	slt.s32 s3, $0x1;
	p4 =	sne.s32 s3, s14;
	s16 =	sadd.s32 s6, s23  }
0xe5: {  	p0 =	por !p3, !p4;
	p5 =	slt.s32 s23, $0x1;
	s6 =	sand.u32 $0xFFFFFF80, s16;
	[tilespmem:v10+s0+$0x0] =	vst.idx.msk $0xffff, v8  }
0xe6: {  	p0 =	por !p0, !p0;
	s7 =	simm.s32 $0x1;
	p6 =	sne.s32 s23, s6;
	v8 =	vld.idx.msk [tilespmem:v47+s9+$0x0], $0xffff  }
0xe7: {  	s4 =	sshrl.u32 s4, $0x7;
	s7 =	simm.s32 @!p0 $0x0;
	p2 =	por !p5, !p6  }
0xe8: {  	s6 =	simm.s32 $0x1;
	s4 =	ssub.s32 s4, s7;
	p0 =	por !p2, !p2  }
0xe9: {  	s5 =	sshrl.u32 s16, $0x7;
	s4 =	sshll.u32 s4, $0x7;
	s6 =	simm.s32 @!p0 $0x0  }
0xea: {  	s4 =	sand.u32 $0x1FFFFF80, s4;
	s5 =	ssub.s32 s5, s6  }
0xeb: {  	s8 =	simm.s32 $0x1400;
	s4 =	sadd.s32 s25, s4;
	s18 =	sshll.u32 s5, $0x7;
	[tilespmem:v9+s0+$0x0] =	vst.idx.msk $0xffff, v8  }
0xec: {  	[tilespmem:s8], [sflag:$0x2] =	stream.strided.gather [hbm4b:s4+s19], $0x1000, s12, s19, $0x38;
	[tilespmem:$0x18400] =	vst v63  }
0xed: {  	s4 =	sand.u32 $0x1FFFFF80, s18  }
0xee: {  	s24 =	simm.s32 $0x3;
	s4 =	sadd.s32 s2, s4  }
0xef: {  	[tilespmem:s9], [sflag:$0xA] =	stream.strided.gather [hbm4b:s4+s19], $0x1000, s12, s19, $0x38;
	[tilespmem:$0x18400] =	vst v63  }
0xf0: {  	_ =	swait.ge [sflag:s24], $0x1000  }
0xf1: {  	[sflag:s24] =	ssyncset.done $0x0  }
0xf2: {  	s26 =	simm.s32 $0xB;
	[sflag:s24] =	ssyncadd.s32 $0xFFFFF000  }
0xf3: {  	_ =	swait.ge [sflag:s26], $0x1000  }
0xf4: {  	(v2sf) =	vpush v7, $0x2;
	_ =	sdelay $0xb  }
0xf5: {  	(v2sf) =	vpush v6, $0x2;
	_ =	sdelay $0x2  }
0xf6: {  	s28 =	spop (v2sf)  }
0xf7: {  	s4 =	sand.u32 $0x7F, s28  }
0xf8: {  	s29 =	sadd.s32 $0x2, s22;
	v48 =	vor.u32 s4, v0  }
0xf9: {  	v49 =	vmov s29;
	(v2sf) =	vpush v7, $0xA  }
0xfa: {  	v50 =	vshll.u32 v49, $0x3  }
0xfb: {  	v10 =	vand.u32 $0xC00, v50;
	v9 =	vand.u32 $0x72, v49;
	[sflag:s26] =	ssyncset.done $0x0;
	(v2sf) =	vpush v6, $0xA  }
0xfc: {  	s5 =	simm.s32 $0x2400;
	v9 =	vor.u32 v9, v10;
	[sflag:s26] =	ssyncadd.s32 $0xFFFFF000  }
0xfd: {  	v10 =	vor.u32 v1, v9;
	v8 =	vld.idx.msk [tilespmem:v48+s5+$0x0], $0xffff  }
0xfe: {  	v51 =	vor.u32 s4, v2;
	_ =	sdelay $0x3  }
0xff: {  	s6 =	spop (v2sf);
	[tilespmem:v10+s31+$0x0] =	vst.idx.msk $0xffff, v8  }
0x100: {  	v9 =	vor.u32 v3, v9;
	s7 =	sand.u32 $0x7F, s6;
	v8 =	vld.idx.msk [tilespmem:v51+s5+$0x0], $0xffff  }
0x101: {  	v52 =	vor.u32 s7, v0;
	_ =	sdelay $0x3  }
0x102: {  	s8 =	simm.s32 $0xA400;
	s4 =	spop (v2sf);
	[tilespmem:v9+s31+$0x0] =	vst.idx.msk $0xffff, v8  }
0x103: {  	s13 =	sshra.s32 s4, $0x1F;
	v8 =	vld.idx.msk [tilespmem:v52+s8+$0x0], $0xffff  }
0x104: {  	v53 =	vor.u32 s7, v2;
	s14 =	sshrl.u32 s13, $0x19;
	s24 =	spop (v2sf)  }
0x105: {  	s5 =	sadd.s32 s14, s4;
	s16 =	sshra.s32 s24, $0x1F  }
0x106: {  	s11 =	simm.s32 $0xA400;
	s15 =	sand.u32 $0xFFFFFF80, s5;
	s7 =	sshrl.u32 s16, $0x19  }
0x107: {  	p3 =	slt.s32 s4, $0x1;
	p4 =	sne.s32 s4, s15;
	s18 =	sadd.s32 s7, s24  }
0x108: {  	p0 =	por !p3, !p4;
	p5 =	slt.s32 s24, $0x1;
	s7 =	sand.u32 $0xFFFFFF80, s18;
	[tilespmem:v10+s0+$0x0] =	vst.idx.msk $0xffff, v8  }
0x109: {  	p0 =	por !p0, !p0;
	s8 =	simm.s32 $0x1;
	p6 =	sne.s32 s24, s7;
	v8 =	vld.idx.msk [tilespmem:v53+s11+$0x0], $0xffff  }
0x10a: {  	s5 =	sshrl.u32 s5, $0x7;
	s8 =	simm.s32 @!p0 $0x0;
	p2 =	por !p5, !p6  }
0x10b: {  	s7 =	simm.s32 $0x1;
	s5 =	ssub.s32 s5, s8;
	p0 =	por !p2, !p2  }
0x10c: {  	s6 =	sshrl.u32 s18, $0x7;
	s5 =	sshll.u32 s5, $0x7;
	s7 =	simm.s32 @!p0 $0x0  }
0x10d: {  	s5 =	sand.u32 $0x1FFFFF80, s5;
	s6 =	ssub.s32 s6, s7  }
0x10e: {  	s9 =	simm.s32 $0x2400;
	s5 =	sadd.s32 s25, s5;
	s26 =	sshll.u32 s6, $0x7;
	[tilespmem:v9+s0+$0x0] =	vst.idx.msk $0xffff, v8  }
0x10f: {  	[tilespmem:s9], [sflag:$0x3] =	stream.strided.gather [hbm4b:s5+s19], $0x1000, s12, s19, $0x38;
	[tilespmem:$0x18400] =	vst v63  }
0x110: {  	s5 =	sand.u32 $0x1FFFFF80, s26  }
0x111: {  	s28 =	simm.s32 $0x4;
	s5 =	sadd.s32 s2, s5  }
0x112: {  	[tilespmem:s11], [sflag:$0xB] =	stream.strided.gather [hbm4b:s5+s19], $0x1000, s12, s19, $0x38;
	[tilespmem:$0x18400] =	vst v63  }
0x113: {  	_ =	swait.ge [sflag:s28], $0x1000  }
0x114: {  	[sflag:s28] =	ssyncset.done $0x0  }
0x115: {  	s29 =	simm.s32 $0xC;
	[sflag:s28] =	ssyncadd.s32 $0xFFFFF000  }
0x116: {  	_ =	swait.ge [sflag:s29], $0x1000  }
0x117: {  	(v2sf) =	vpush v7, $0x3;
	_ =	sdelay $0xb  }
0x118: {  	(v2sf) =	vpush v6, $0x3;
	_ =	sdelay $0x2  }
0x119: {  	s7 =	spop (v2sf)  }
0x11a: {  	s5 =	sand.u32 $0x7F, s7  }
0x11b: {  	s8 =	sadd.s32 $0x3, s22;
	(v2sf) =	vpush v7, $0xB;
	v54 =	vor.u32 s5, v0  }
0x11c: {  	v55 =	vmov s8  }
0x11d: {  	v56 =	vshll.u32 v55, $0x3  }
0x11e: {  	v10 =	vand.u32 $0xC00, v56;
	v9 =	vand.u32 $0x73, v55;
	[sflag:s29] =	ssyncset.done $0x0;
	(v2sf) =	vpush v6, $0xB  }
0x11f: {  	v9 =	vor.u32 v9, v10;
	s9 =	simm.s32 $0x3400;
	[sflag:s29] =	ssyncadd.s32 $0xFFFFF000  }
0x120: {  	v10 =	vor.u32 v1, v9;
	v8 =	vld.idx.msk [tilespmem:v54+s9+$0x0], $0xffff  }
0x121: {  	v57 =	vor.u32 s5, v2;
	_ =	sdelay $0x3  }
0x122: {  	s11 =	spop (v2sf);
	[tilespmem:v10+s31+$0x0] =	vst.idx.msk $0xffff, v8  }
0x123: {  	v9 =	vor.u32 v3, v9;
	s13 =	sand.u32 $0x7F, s11;
	v8 =	vld.idx.msk [tilespmem:v57+s9+$0x0], $0xffff  }
0x124: {  	v58 =	vor.u32 s13, v0;
	_ =	sdelay $0x2  }
0x125: {  	s5 =	spop (v2sf)  }
0x126: {  	s15 =	simm.s32 $0xB400;
	s16 =	sshra.s32 s5, $0x1F;
	[tilespmem:v9+s31+$0x0] =	vst.idx.msk $0xffff, v8  }
0x127: {  	s18 =	sshrl.u32 s16, $0x19;
	v8 =	vld.idx.msk [tilespmem:v58+s15+$0x0], $0xffff  }
0x128: {  	v59 =	vor.u32 s13, v2;
	s6 =	sadd.s32 s18, s5;
	s1 =	spop (v2sf)  }
0x129: {  	s26 =	sand.u32 $0xFFFFFF80, s6;
	s28 =	sshra.s32 s1, $0x1F  }
0x12a: {  	p3 =	slt.s32 s5, $0x1;
	p4 =	sne.s32 s5, s26;
	s8 =	sshrl.u32 s28, $0x19  }
0x12b: {  	p0 =	por !p3, !p4;
	s29 =	sadd.s32 s8, s1  }
0x12c: {  	s11 =	simm.s32 $0xB400;
	p0 =	por !p0, !p0;
	s8 =	sand.u32 $0xFFFFFF80, s29;
	[tilespmem:v10+s0+$0x0] =	vst.idx.msk $0xffff, v8  }
0x12d: {  	s9 =	simm.s32 $0x1;
	p5 =	slt.s32 s1, $0x1;
	p6 =	sne.s32 s1, s8;
	v8 =	vld.idx.msk [tilespmem:v59+s11+$0x0], $0xffff  }
0x12e: {  	s6 =	sshrl.u32 s6, $0x7;
	s9 =	simm.s32 @!p0 $0x0;
	p2 =	por !p5, !p6  }
0x12f: {  	s6 =	ssub.s32 s6, s9;
	s8 =	simm.s32 $0x1;
	p0 =	por !p2, !p2  }
0x130: {  	s6 =	sshll.u32 s6, $0x7;
	s7 =	sshrl.u32 s29, $0x7;
	s8 =	simm.s32 @!p0 $0x0  }
0x131: {  	s6 =	sand.u32 $0x1FFFFF80, s6;
	s7 =	ssub.s32 s7, s8  }
0x132: {  	s14 =	simm.s32 $0x3400;
	s6 =	sadd.s32 s25, s6;
	s9 =	sshll.u32 s7, $0x7;
	[tilespmem:v9+s0+$0x0] =	vst.idx.msk $0xffff, v8  }
0x133: {  	[tilespmem:s14], [sflag:$0x4] =	stream.strided.gather [hbm4b:s6+s19], $0x1000, s12, s19, $0x38;
	[tilespmem:$0x18400] =	vst v63  }
0x134: {  	s6 =	sand.u32 $0x1FFFFF80, s9  }
0x135: {  	s6 =	sadd.s32 s2, s6  }
0x136: {  	[tilespmem:s11], [sflag:$0xC] =	stream.strided.gather [hbm4b:s6+s19], $0x1000, s12, s19, $0x38;
	[tilespmem:$0x18400] =	vst v63  }
0x137: {  	s11 =	simm.s32 $0x5  }
0x138: {  	_ =	swait.ge [sflag:s11], $0x1000  }
0x139: {  	[sflag:s11] =	ssyncset.done $0x0  }
0x13a: {  	s13 =	simm.s32 $0xD;
	[sflag:s11] =	ssyncadd.s32 $0xFFFFF000  }
0x13b: {  	_ =	swait.ge [sflag:s13], $0x1000  }
0x13c: {  	(v2sf) =	vpush v7, $0x4;
	_ =	sdelay $0xb  }
0x13d: {  	(v2sf) =	vpush v6, $0x4;
	_ =	sdelay $0x2  }
0x13e: {  	s14 =	spop (v2sf)  }
0x13f: {  	s6 =	sand.u32 $0x7F, s14  }
0x140: {  	s15 =	sadd.s32 $0x4, s22;
	v60 =	vor.u32 s6, v0  }
0x141: {  	v61 =	vmov s15;
	(v2sf) =	vpush v7, $0xC  }
0x142: {  	v62 =	vshll.u32 v61, $0x3  }
0x143: {  	v10 =	vand.u32 $0xC00, v62;
	v9 =	vand.u32 $0x74, v61;
	[sflag:s13] =	ssyncset.done $0x0;
	(v2sf) =	vpush v6, $0xC  }
0x144: {  	s16 =	simm.s32 $0x4400;
	v9 =	vor.u32 v9, v10;
	[sflag:s13] =	ssyncadd.s32 $0xFFFFF000  }
0x145: {  	v10 =	vor.u32 v1, v9;
	v8 =	vld.idx.msk [tilespmem:v60+s16+$0x0], $0xffff  }
0x146: {  	v63 =	vor.u32 s6, v2;
	_ =	sdelay $0x3  }
0x147: {  	s18 =	spop (v2sf);
	[tilespmem:v10+s31+$0x0] =	vst.idx.msk $0xffff, v8  }
0x148: {  	v9 =	vor.u32 v3, v9;
	s26 =	sand.u32 $0x7F, s18;
	v8 =	vld.idx.msk [tilespmem:v63+s16+$0x0], $0xffff  }
0x149: {  	v12 =	vor.u32 s26, v0;
	_ =	sdelay $0x3  }
0x14a: {  	s28 =	simm.s32 $0xC400;
	s6 =	spop (v2sf);
	[tilespmem:v9+s31+$0x0] =	vst.idx.msk $0xffff, v8  }
0x14b: {  	s9 =	sshra.s32 s6, $0x1F;
	v8 =	vld.idx.msk [tilespmem:v12+s28+$0x0], $0xffff  }
0x14c: {  	v13 =	vor.u32 s26, v2;
	s11 =	sshrl.u32 s9, $0x19;
	s26 =	spop (v2sf)  }
0x14d: {  	s7 =	sadd.s32 s11, s6;
	s16 =	sshra.s32 s26, $0x1F  }
0x14e: {  	s29 =	simm.s32 $0xC400;
	s13 =	sand.u32 $0xFFFFFF80, s7;
	s9 =	sshrl.u32 s16, $0x19  }
0x14f: {  	p3 =	slt.s32 s6, $0x1;
	p4 =	sne.s32 s6, s13;
	s18 =	sadd.s32 s9, s26  }
0x150: {  	s11 =	simm.s32 $0x1;
	p0 =	por !p3, !p4;
	s9 =	sand.u32 $0xFFFFFF80, s18;
	[tilespmem:v10+s0+$0x0] =	vst.idx.msk $0xffff, v8  }
0x151: {  	p0 =	por !p0, !p0;
	p5 =	slt.s32 s26, $0x1;
	p6 =	sne.s32 s26, s9;
	v8 =	vld.idx.msk [tilespmem:v13+s29+$0x0], $0xffff  }
0x152: {  	s7 =	sshrl.u32 s7, $0x7;
	s11 =	simm.s32 @!p0 $0x0;
	p2 =	por !p5, !p6  }
0x153: {  	s7 =	ssub.s32 s7, s11;
	s9 =	simm.s32 $0x1;
	p0 =	por !p2, !p2  }
0x154: {  	s7 =	sshll.u32 s7, $0x7;
	s8 =	sshrl.u32 s18, $0x7;
	s9 =	simm.s32 @!p0 $0x0  }
0x155: {  	s15 =	simm.s32 $0x4400;
	s7 =	sand.u32 $0x1FFFFF80, s7;
	s8 =	ssub.s32 s8, s9  }
0x156: {  	s12 =	simm.s32 $0x7A1400;
	s7 =	sadd.s32 s25, s7;
	s28 =	sshll.u32 s8, $0x7;
	[tilespmem:v9+s0+$0x0] =	vst.idx.msk $0xffff, v8  }
0x157: {  	[tilespmem:s15], [sflag:$0x5] =	stream.strided.gather [hbm4b:s7+s19], $0x1000, s12, s19, $0x38;
	[tilespmem:$0x18400] =	vst v63  }
0x158: {  	s7 =	sand.u32 $0x1FFFFF80, s28  }
0x159: {  	s7 =	sadd.s32 s2, s7  }
0x15a: {  	[tilespmem:s29], [sflag:$0xD] =	stream.strided.gather [hbm4b:s7+s19], $0x1000, s12, s19, $0x38;
	[tilespmem:$0x18400] =	vst v63  }
0x15b: {  	_ =	swait.ge [sflag:s21], $0x1000  }
0x15c: {  	[sflag:s21] =	ssyncset.done $0x0  }
0x15d: {  	s29 =	simm.s32 $0xE;
	[sflag:s21] =	ssyncadd.s32 $0xFFFFF000  }
0x15e: {  	_ =	swait.ge [sflag:s29], $0x1000  }
0x15f: {  	(v2sf) =	vpush v7, $0x5;
	_ =	sdelay $0xb  }
0x160: {  	(v2sf) =	vpush v6, $0x5;
	_ =	sdelay $0x2  }
0x161: {  	s11 =	spop (v2sf)  }
0x162: {  	s7 =	sand.u32 $0x7F, s11  }
0x163: {  	s13 =	sadd.s32 $0x5, s22;
	v14 =	vor.u32 s7, v0  }
0x164: {  	v15 =	vmov s13;
	(v2sf) =	vpush v7, $0xD  }
0x165: {  	v16 =	vshll.u32 v15, $0x3  }
0x166: {  	v10 =	vand.u32 $0xC00, v16;
	v9 =	vand.u32 $0x75, v15;
	[sflag:s29] =	ssyncset.done $0x0  }
0x167: {  	s14 =	simm.s32 $0x5400;
	v9 =	vor.u32 v9, v10;
	[sflag:s29] =	ssyncadd.s32 $0xFFFFF000;
	(v2sf) =	vpush v6, $0xD  }
0x168: {  	v10 =	vor.u32 v1, v9;
	v8 =	vld.idx.msk [tilespmem:v14+s14+$0x0], $0xffff  }
0x169: {  	v17 =	vor.u32 s7, v2;
	_ =	sdelay $0x3  }
0x16a: {  	s15 =	spop (v2sf);
	[tilespmem:v10+s31+$0x0] =	vst.idx.msk $0xffff, v8  }
0x16b: {  	v9 =	vor.u32 v3, v9;
	s16 =	sand.u32 $0x7F, s15;
	v8 =	vld.idx.msk [tilespmem:v17+s14+$0x0], $0xffff  }
0x16c: {  	v18 =	vor.u32 s16, v0;
	_ =	sdelay $0x3  }
0x16d: {  	s28 =	simm.s32 $0xD400;
	s7 =	spop (v2sf);
	[tilespmem:v9+s31+$0x0] =	vst.idx.msk $0xffff, v8  }
0x16e: {  	s29 =	sshra.s32 s7, $0x1F;
	v8 =	vld.idx.msk [tilespmem:v18+s28+$0x0], $0xffff  }
0x16f: {  	v19 =	vor.u32 s16, v2;
	s9 =	sshrl.u32 s29, $0x19  }
0x170: {  	s8 =	sadd.s32 s9, s7;
	s11 =	spop (v2sf)  }
0x171: {  	p3 =	slt.s32 s7, $0x1;
	s13 =	sand.u32 $0xFFFFFF80, s8;
	s28 =	sshra.s32 s11, $0x1F  }
0x172: {  	s29 =	simm.s32 $0x1;
	p4 =	sne.s32 s7, s13;
	s28 =	sshrl.u32 s28, $0x19  }
0x173: {  	p0 =	por !p3, !p4;
	s14 =	simm.s32 $0xD400;
	s16 =	sadd.s32 s28, s11;
	[tilespmem:v10+s0+$0x0] =	vst.idx.msk $0xffff, v8  }
0x174: {  	s8 =	sshrl.u32 s8, $0x7;
	p0 =	por !p0, !p0;
	s28 =	sand.u32 $0xFFFFFF80, s16;
	v8 =	vld.idx.msk [tilespmem:v19+s14+$0x0], $0xffff  }
0x175: {  	s29 =	simm.s32 @!p0 $0x0;
	p5 =	slt.s32 s11, $0x1;
	p6 =	sne.s32 s11, s28  }
0x176: {  	s8 =	ssub.s32 s8, s29;
	p2 =	por !p5, !p6  }
0x177: {  	s8 =	sshll.u32 s8, $0x7;
	s28 =	simm.s32 $0x1;
	p0 =	por !p2, !p2  }
0x178: {  	s8 =	sand.u32 $0x1FFFFF80, s8;
	s9 =	sshrl.u32 s16, $0x7;
	s28 =	simm.s32 @!p0 $0x0  }
0x179: {  	s18 =	simm.s32 $0x5400;
	s8 =	sadd.s32 s25, s8;
	s9 =	ssub.s32 s9, s28;
	[tilespmem:v9+s0+$0x0] =	vst.idx.msk $0xffff, v8  }
0x17a: {  	[tilespmem:s18], [sflag:$0x6] =	stream.strided.gather [hbm4b:s8+s19], $0x1000, s12, s19, $0x38;
	[tilespmem:$0x18400] =	vst v63  }
0x17b: {  	s18 =	sshll.u32 s9, $0x7  }
0x17c: {  	s8 =	sand.u32 $0x1FFFFF80, s18  }
0x17d: {  	s28 =	simm.s32 $0x7;
	s8 =	sadd.s32 s2, s8  }
0x17e: {  	[tilespmem:s14], [sflag:$0xE] =	stream.strided.gather [hbm4b:s8+s19], $0x1000, s12, s19, $0x38;
	[tilespmem:$0x18400] =	vst v63  }
0x17f: {  	_ =	swait.ge [sflag:s28], $0x1000  }
0x180: {  	[sflag:s28] =	ssyncset.done $0x0  }
0x181: {  	s29 =	simm.s32 $0xF;
	[sflag:s28] =	ssyncadd.s32 $0xFFFFF000  }
0x182: {  	_ =	swait.ge [sflag:s29], $0x1000  }
0x183: {  	(v2sf) =	vpush v7, $0x6;
	_ =	sdelay $0xb  }
0x184: {  	(v2sf) =	vpush v6, $0x6;
	_ =	sdelay $0x2  }
0x185: {  	s9 =	spop (v2sf)  }
0x186: {  	s8 =	sand.u32 $0x7F, s9  }
0x187: {  	s13 =	sadd.s32 $0x6, s22;
	v20 =	vor.u32 s8, v0  }
0x188: {  	v21 =	vmov s13;
	(v2sf) =	vpush v7, $0xE  }
0x189: {  	v22 =	vshll.u32 v21, $0x3  }
0x18a: {  	v10 =	vand.u32 $0xC00, v22;
	v9 =	vand.u32 $0x76, v21;
	[sflag:s29] =	ssyncset.done $0x0;
	(v2sf) =	vpush v6, $0xE  }
0x18b: {  	s15 =	simm.s32 $0x6400;
	v9 =	vor.u32 v9, v10;
	[sflag:s29] =	ssyncadd.s32 $0xFFFFF000  }
0x18c: {  	v10 =	vor.u32 v1, v9;
	v8 =	vld.idx.msk [tilespmem:v20+s15+$0x0], $0xffff  }
0x18d: {  	v23 =	vor.u32 s8, v2;
	_ =	sdelay $0x3  }
0x18e: {  	s16 =	spop (v2sf);
	[tilespmem:v10+s31+$0x0] =	vst.idx.msk $0xffff, v8  }
0x18f: {  	v9 =	vor.u32 v3, v9;
	s18 =	sand.u32 $0x7F, s16;
	v8 =	vld.idx.msk [tilespmem:v23+s15+$0x0], $0xffff  }
0x190: {  	v24 =	vor.u32 s18, v0;
	_ =	sdelay $0x3  }
0x191: {  	s29 =	simm.s32 $0xE400;
	s8 =	spop (v2sf);
	[tilespmem:v9+s31+$0x0] =	vst.idx.msk $0xffff, v8  }
0x192: {  	s14 =	sshra.s32 s8, $0x1F;
	v8 =	vld.idx.msk [tilespmem:v24+s29+$0x0], $0xffff  }
0x193: {  	v25 =	vor.u32 s18, v2;
	s15 =	sshrl.u32 s14, $0x19;
	s28 =	spop (v2sf)  }
0x194: {  	s9 =	sadd.s32 s15, s8;
	s15 =	sshra.s32 s28, $0x1F  }
0x195: {  	s16 =	simm.s32 $0xE400;
	s18 =	sand.u32 $0xFFFFFF80, s9;
	s14 =	sshrl.u32 s15, $0x19  }
0x196: {  	p3 =	slt.s32 s8, $0x1;
	p4 =	sne.s32 s8, s18;
	s14 =	sadd.s32 s14, s28  }
0x197: {  	p5 =	slt.s32 s28, $0x1;
	p0 =	por !p3, !p4;
	s18 =	sand.u32 $0xFFFFFF80, s14;
	[tilespmem:v10+s0+$0x0] =	vst.idx.msk $0xffff, v8  }
0x198: {  	s15 =	simm.s32 $0x1;
	p0 =	por !p0, !p0;
	p6 =	sne.s32 s28, s18;
	v8 =	vld.idx.msk [tilespmem:v25+s16+$0x0], $0xffff  }
0x199: {  	s9 =	sshrl.u32 s9, $0x7;
	s15 =	simm.s32 @!p0 $0x0;
	p1 =	por !p5, !p6  }
0x19a: {  	s9 =	ssub.s32 s9, s15;
	s15 =	simm.s32 $0x1;
	p0 =	por !p1, !p1  }
0x19b: {  	s14 =	sshrl.u32 s14, $0x7;
	s9 =	sshll.u32 s9, $0x7;
	s15 =	simm.s32 @!p0 $0x0  }
0x19c: {  	s9 =	sand.u32 $0x1FFFFF80, s9;
	s14 =	ssub.s32 s14, s15  }
0x19d: {  	s13 =	simm.s32 $0x6400;
	s9 =	sadd.s32 s25, s9;
	s15 =	sshll.u32 s14, $0x7;
	[tilespmem:v9+s0+$0x0] =	vst.idx.msk $0xffff, v8  }
0x19e: {  	[tilespmem:s13], [sflag:$0x7] =	stream.strided.gather [hbm4b:s9+s19], $0x1000, s12, s19, $0x38;
	[tilespmem:$0x18400] =	vst v63  }
0x19f: {  	s9 =	sand.u32 $0x1FFFFF80, s15  }
0x1a0: {  	s9 =	sadd.s32 s2, s9  }
0x1a1: {  	[tilespmem:s16], [sflag:$0xF] =	stream.strided.gather [hbm4b:s9+s19], $0x1000, s12, s19, $0x38;
	[tilespmem:$0x18400] =	vst v63  }
0x1a2: {  	s16 =	simm.s32 $0x8  }
0x1a3: {  	_ =	swait.ge [sflag:s16], $0x1000  }
0x1a4: {  	[sflag:s16] =	ssyncset.done $0x0  }
0x1a5: {  	s18 =	simm.s32 $0x10;
	[sflag:s16] =	ssyncadd.s32 $0xFFFFF000  }
0x1a6: {  	_ =	swait.ge [sflag:s18], $0x1000  }
0x1a7: {  	(v2sf) =	vpush v7, $0x7;
	_ =	sdelay $0xb  }
0x1a8: {  	(v2sf) =	vpush v6, $0x7;
	_ =	sdelay $0x2  }
0x1a9: {  	s29 =	spop (v2sf)  }
0x1aa: {  	s9 =	sand.u32 $0x7F, s29  }
0x1ab: {  	s13 =	sadd.s32 $0x7, s22;
	v26 =	vor.u32 s9, v0  }
0x1ac: {  	v27 =	vmov s13;
	(v2sf) =	vpush v7, $0xF  }
0x1ad: {  	v7 =	vshll.u32 v27, $0x3  }
0x1ae: {  	v9 =	vand.u32 $0x77, v27;
	[sflag:s18] =	ssyncset.done $0x0;
	v7 =	vand.u32 $0xC00, v7;
	(v2sf) =	vpush v6, $0xF  }
0x1af: {  	s16 =	simm.s32 $0x7400;
	[sflag:s18] =	ssyncadd.s32 $0xFFFFF000;
	v6 =	vor.u32 v9, v7  }
0x1b0: {  	v28 =	vor.u32 v1, v6;
	v7 =	vld.idx.msk [tilespmem:v26+s16+$0x0], $0xffff  }
0x1b1: {  	v29 =	vor.u32 s9, v2;
	_ =	sdelay $0x3  }
0x1b2: {  	s18 =	spop (v2sf);
	[tilespmem:v28+s31+$0x0] =	vst.idx.msk $0xffff, v7  }
0x1b3: {  	v6 =	vor.u32 v3, v6;
	s29 =	sand.u32 $0x7F, s18;
	v7 =	vld.idx.msk [tilespmem:v29+s16+$0x0], $0xffff  }
0x1b4: {  	v30 =	vor.u32 s29, v0;
	_ =	sdelay $0x3  }
0x1b5: {  	s9 =	spop (v2sf);
	s16 =	simm.s32 $0xF400;
	[tilespmem:v6+s31+$0x0] =	vst.idx.msk $0xffff, v7  }
0x1b6: {  	s18 =	sshra.s32 s9, $0x1F;
	v7 =	vld.idx.msk [tilespmem:v30+s16+$0x0], $0xffff  }
0x1b7: {  	v31 =	vor.u32 s29, v2;
	s15 =	sshrl.u32 s18, $0x19;
	s29 =	spop (v2sf)  }
0x1b8: {  	s14 =	sadd.s32 s15, s9;
	s15 =	sshra.s32 s29, $0x1F  }
0x1b9: {  	p2 =	slt.s32 s9, $0x1;
	s15 =	sshrl.u32 s15, $0x19;
	s16 =	sand.u32 $0xFFFFFF80, s14  }
0x1ba: {  	s18 =	simm.s32 $0xF400;
	s15 =	sadd.s32 s15, s29;
	p3 =	sne.s32 s9, s16  }
0x1bb: {  	p5 =	slt.s32 s29, $0x1;
	s16 =	sand.u32 $0xFFFFFF80, s15;
	p0 =	por !p2, !p3;
	[tilespmem:v28+s0+$0x0] =	vst.idx.msk $0xffff, v7  }
0x1bc: {  	p4 =	sne.s32 s29, s16;
	s16 =	simm.s32 $0x1;
	p0 =	por !p0, !p0;
	v7 =	vld.idx.msk [tilespmem:v31+s18+$0x0], $0xffff  }
0x1bd: {  	s14 =	sshrl.u32 s14, $0x7;
	p6 =	por !p5, !p4;
	s16 =	simm.s32 @!p0 $0x0  }
0x1be: {  	p0 =	por !p6, !p6;
	s14 =	ssub.s32 s14, s16;
	s16 =	simm.s32 $0x1  }
0x1bf: {  	s15 =	sshrl.u32 s15, $0x7;
	s14 =	sshll.u32 s14, $0x7;
	s16 =	simm.s32 @!p0 $0x0  }
0x1c0: {  	s14 =	sand.u32 $0x1FFFFF80, s14;
	s15 =	ssub.s32 s15, s16  }
0x1c1: {  	s13 =	simm.s32 $0x7400;
	s14 =	sadd.s32 s25, s14;
	s16 =	sshll.u32 s15, $0x7;
	[tilespmem:v6+s0+$0x0] =	vst.idx.msk $0xffff, v7  }
0x1c2: {  	[tilespmem:s13], [sflag:$0x8] =	stream.strided.gather [hbm4b:s14+s19], $0x1000, s12, s19, $0x38;
	[tilespmem:$0x18400] =	vst v63  }
0x1c3: {  	s14 =	sand.u32 $0x1FFFFF80, s16  }
0x1c4: {  	s14 =	sadd.s32 s2, s14  }
0x1c5: {  	[tilespmem:s18], [sflag:$0x10] =	stream.strided.gather [hbm4b:s14+s19], $0x1000, s12, s19, $0x38;
	[tilespmem:$0x18400] =	vst v63  }
0x1c6: {  	_ =	swait.ge [sflag:s17], $0x1000  }
0x1c7: {  	s10 =	sand.u32 $0x7F, s10;
	[sflag:s17] =	ssyncset.done $0x0  }
0x1c8: {  	v6 =	vor.u32 s10, v0;
	s13 =	simm.s32 $0x9;
	s18 =	sadd.s32 $0x8, s22;
	[sflag:s17] =	ssyncadd.s32 $0xFFFFF000  }
0x1c9: {  	p0 =	seq.s32 s22, $0x1F0;
	v7 =	vmov s18;
	_ =	swait.ge [sflag:s13], $0x1000  }
0x1ca: {  	v32 =	vshll.u32 v7, $0x3;
	(v2sf) =	vpush @!p0 v5, $0x0  }
0x1cb: {  	s16 =	simm.s32 $0x9;
	v7 =	vand.u32 $0x78, v7;
	v8 =	vand.u32 $0xC00, v32;
	[sflag:s13] =	ssyncset.done $0x0;
	(v2sf) =	vpush @!p0 v4, $0x0  }
0x1cc: {  	v7 =	vor.u32 v7, v8;
	[sflag:s16] =	ssyncadd.s32 $0xFFFFF000  }
0x1cd: {  	v8 =	vor.u32 v1, v7;
	v6 =	vld.idx.msk [tilespmem:v6+s19+$0x0], $0xffff  }
0x1ce: {  	v33 =	vor.u32 s10, v2;
	_ =	sdelay $0x3  }
0x1cf: {  	[tilespmem:v8+s31+$0x0] =	vst.idx.msk $0xffff, v6  }
0x1d0: {  	s17 =	sand.u32 $0x7F, s30;
	v7 =	vor.u32 v3, v7;
	v6 =	vld.idx.msk [tilespmem:v33+s19+$0x0], $0xffff  }
0x1d1: {  	v34 =	vor.u32 s17, v0;
	_ =	sdelay $0x3  }
0x1d2: {  	s18 =	simm.s32 $0x8400;
	[tilespmem:v7+s31+$0x0] =	vst.idx.msk $0xffff, v6  }
0x1d3: {  	v6 =	vld.idx.msk [tilespmem:v34+s18+$0x0], $0xffff;
	s14 =	spop @!p0 (v2sf)  }
0x1d4: {  	v35 =	vor.u32 s17, v2;
	s10 =	sshra.s32 @!p0 s14, $0x1F;
	s15 =	sand.u32 @!p0 $0x7F, s14;
	s16 =	spop @!p0 (v2sf)  }
0x1d5: {  	p1 =	slt.s32 @!p0 s14, $0x1;
	p2 =	sne.s32 @!p0 s15, $0x0;
	s15 =	sand.u32 @!p0 $0x7F, s16  }
0x1d6: {  	p1 =	por @!p0 !p1, !p2;
	p2 =	slt.s32 @!p0 s16, $0x1;
	p3 =	sne.s32 @!p0 s15, $0x0  }
0x1d7: {  	s10 =	sshrl.u32 @!p0 s10, $0x19;
	s15 =	sshra.s32 @!p0 s16, $0x1F;
	p2 =	por @!p0 !p2, !p3  }
0x1d8: {  	s10 =	sadd.s32 @!p0 s10, s14;
	[tilespmem:v8+s0+$0x0] =	vst.idx.msk $0xffff, v6;
	s14 =	sshrl.u32 @!p0 s15, $0x19;
	p2 =	por @!p0 !p2, !p2  }
0x1d9: {  	s15 =	simm.s32 @!p0 $0x1;
	v6 =	vld.idx.msk [tilespmem:v35+s18+$0x0], $0xffff;
	s14 =	sadd.s32 @!p0 s14, s16;
	p2 =	por !p2, p0  }
0x1da: {  	p1 =	por @!p0 !p1, !p1;
	s14 =	sshrl.u32 @!p0 s14, $0x7;
	s15 =	simm.s32 @p2 $0x0  }
0x1db: {  	p1 =	por !p1, p0;
	s16 =	simm.s32 @!p0 $0x1;
	s14 =	ssub.s32 @!p0 s14, s15  }
0x1dc: {  	s10 =	sshrl.u32 @!p0 s10, $0x7;
	s16 =	simm.s32 @p1 $0x0;
	s14 =	sshll.u32 @!p0 s14, $0x7  }
0x1dd: {  	s15 =	ssub.s32 @!p0 s10, s16;
	s10 =	sand.u32 @!p0 $0x1FFFFF80, s14  }
0x1de: {  	s30 =	simm.s32 @!p0 $0x400;
	[tilespmem:v7+s0+$0x0] =	vst.idx.msk $0xffff, v6;
	s14 =	sadd.s32 @!p0 s25, s10;
	s10 =	simm.s32 @!p0 $0x7A1400  }
0x1df: {  	[tilespmem:s30], [sflag:$0x1] =	stream.strided.gather @!p0 [hbm4b:s14+s30], $0x1000, s10, s30, $0x38;
	[tilespmem:$0x18400] =	vst v63  }
0x1e0: {  	s14 =	sshll.u32 @!p0 s15, $0x7  }
0x1e1: {  	s14 =	sand.u32 @!p0 $0x1FFFFF80, s14  }
0x1e2: {  	s15 =	simm.s32 @!p0 $0x8400;
	s14 =	sadd.s32 @!p0 s2, s14  }
0x1e3: {  	[tilespmem:s15], [sflag:$0x9] =	stream.strided.gather @!p0 [hbm4b:s14+s30], $0x1000, s10, s30, $0x38;
	[tilespmem:$0x18400] =	vst v63  }
0x1e4: {  	_ =	swait.ge [sflag:s20], $0x1000  }
0x1e5: {  	s3 =	sand.u32 $0x7F, s3;
	[sflag:s20] =	ssyncset.done $0x0  }
0x1e6: {  	s13 =	simm.s32 $0xA;
	v6 =	vor.u32 s3, v0;
	[sflag:s20] =	ssyncadd.s32 $0xFFFFF000;
	s20 =	sadd.s32 $0x9, s22  }
0x1e7: {  	_ =	swait.ge [sflag:s13], $0x1000;
	v7 =	vmov s20  }
0x1e8: {  	v36 =	vshll.u32 v7, $0x3;
	(v2sf) =	vpush @!p0 v5, $0x1  }
0x1e9: {  	s16 =	simm.s32 $0xA;
	[sflag:s13] =	ssyncset.done $0x0;
	v7 =	vand.u32 $0x79, v7;
	v8 =	vand.u32 $0xC00, v36;
	(v2sf) =	vpush @!p0 v4, $0x1  }
0x1ea: {  	s17 =	simm.s32 $0x1400;
	[sflag:s16] =	ssyncadd.s32 $0xFFFFF000;
	v7 =	vor.u32 v7, v8  }
0x1eb: {  	v6 =	vld.idx.msk [tilespmem:v6+s17+$0x0], $0xffff;
	v8 =	vor.u32 v1, v7  }
0x1ec: {  	v37 =	vor.u32 s3, v2;
	_ =	sdelay $0x3  }
0x1ed: {  	[tilespmem:v8+s31+$0x0] =	vst.idx.msk $0xffff, v6  }
0x1ee: {  	s18 =	sand.u32 $0x7F, s23;
	v7 =	vor.u32 v3, v7;
	v6 =	vld.idx.msk [tilespmem:v37+s17+$0x0], $0xffff  }
0x1ef: {  	v38 =	vor.u32 s18, v0;
	_ =	sdelay $0x3  }
0x1f0: {  	s20 =	simm.s32 $0x9400;
	[tilespmem:v7+s31+$0x0] =	vst.idx.msk $0xffff, v6  }
0x1f1: {  	v6 =	vld.idx.msk [tilespmem:v38+s20+$0x0], $0xffff;
	s14 =	spop @!p0 (v2sf)  }
0x1f2: {  	v39 =	vor.u32 s18, v2;
	s3 =	spop @!p0 (v2sf)  }
0x1f3: {  	s15 =	sand.u32 @!p0 $0x7F, s3  }
0x1f4: {  	p1 =	slt.s32 @!p0 s3, $0x1;
	p2 =	sne.s32 @!p0 s15, $0x0  }
0x1f5: {  	s15 =	sshra.s32 @!p0 s3, $0x1F;
	p1 =	por @!p0 !p1, !p2  }
0x1f6: {  	s15 =	sshrl.u32 @!p0 s15, $0x19;
	[tilespmem:v8+s0+$0x0] =	vst.idx.msk $0xffff, v6;
	p1 =	por @!p0 !p1, !p1  }
0x1f7: {  	s3 =	sadd.s32 @!p0 s15, s3;
	s15 =	simm.s32 @!p0 $0x1;
	v6 =	vld.idx.msk [tilespmem:v39+s20+$0x0], $0xffff;
	p1 =	por !p1, p0  }
0x1f8: {  	s3 =	sshrl.u32 @!p0 s3, $0x7;
	s15 =	simm.s32 @p1 $0x0  }
0x1f9: {  	s3 =	ssub.s32 @!p0 s3, s15  }
0x1fa: {  	s3 =	sshll.u32 @!p0 s3, $0x7  }
0x1fb: {  	s3 =	sand.u32 @!p0 $0x1FFFFF80, s3  }
0x1fc: {  	s15 =	simm.s32 @!p0 $0x1400;
	[tilespmem:v7+s0+$0x0] =	vst.idx.msk $0xffff, v6;
	s3 =	sadd.s32 @!p0 s25, s3  }
0x1fd: {  	[tilespmem:s15], [sflag:$0x2] =	stream.strided.gather @!p0 [hbm4b:s3+s30], $0x1000, s10, s30, $0x38;
	[tilespmem:$0x18400] =	vst v63  }
0x1fe: {  	s3 =	sand.u32 @!p0 $0x7F, s14  }
0x1ff: {  	p1 =	slt.s32 @!p0 s14, $0x1;
	p2 =	sne.s32 @!p0 s3, $0x0  }
0x200: {  	s3 =	sshra.s32 @!p0 s14, $0x1F;
	p1 =	por @!p0 !p1, !p2  }
0x201: {  	s3 =	sshrl.u32 @!p0 s3, $0x19;
	p1 =	por @!p0 !p1, !p1  }
0x202: {  	s3 =	sadd.s32 @!p0 s3, s14;
	s14 =	simm.s32 @!p0 $0x1;
	p1 =	por !p1, p0  }
0x203: {  	s3 =	sshrl.u32 @!p0 s3, $0x7;
	s14 =	simm.s32 @p1 $0x0  }
0x204: {  	s3 =	ssub.s32 @!p0 s3, s14  }
0x205: {  	s3 =	sshll.u32 @!p0 s3, $0x7  }
0x206: {  	s3 =	sand.u32 @!p0 $0x1FFFFF80, s3  }
0x207: {  	s23 =	simm.s32 $0x3;
	s14 =	simm.s32 @!p0 $0x9400;
	s3 =	sadd.s32 @!p0 s2, s3  }
0x208: {  	[tilespmem:s14], [sflag:$0xA] =	stream.strided.gather @!p0 [hbm4b:s3+s30], $0x1000, s10, s30, $0x38;
	[tilespmem:$0x18400] =	vst v63  }
0x209: {  	_ =	swait.ge [sflag:s23], $0x1000  }
0x20a: {  	s13 =	sand.u32 $0x7F, s4;
	s3 =	simm.s32 $0x3;
	[sflag:s23] =	ssyncset.done $0x0  }
0x20b: {  	s16 =	simm.s32 $0xB;
	v6 =	vor.u32 s13, v0;
	s15 =	sadd.s32 $0xA, s22;
	[sflag:s3] =	ssyncadd.s32 $0xFFFFF000  }
0x20c: {  	v7 =	vmov s15;
	_ =	swait.ge [sflag:s16], $0x1000  }
0x20d: {  	v40 =	vshll.u32 v7, $0x3;
	(v2sf) =	vpush @!p0 v5, $0x2  }
0x20e: {  	s18 =	simm.s32 $0xB;
	v7 =	vand.u32 $0x7A, v7;
	v8 =	vand.u32 $0xC00, v40;
	[sflag:s16] =	ssyncset.done $0x0;
	(v2sf) =	vpush @!p0 v4, $0x2  }
0x20f: {  	s20 =	simm.s32 $0x2400;
	v7 =	vor.u32 v7, v8;
	[sflag:s18] =	ssyncadd.s32 $0xFFFFF000  }
0x210: {  	v8 =	vor.u32 v1, v7;
	v6 =	vld.idx.msk [tilespmem:v6+s20+$0x0], $0xffff  }
0x211: {  	v41 =	vor.u32 s13, v2;
	_ =	sdelay $0x3  }
0x212: {  	[tilespmem:v8+s31+$0x0] =	vst.idx.msk $0xffff, v6  }
0x213: {  	v7 =	vor.u32 v3, v7;
	s23 =	sand.u32 $0x7F, s24;
	v6 =	vld.idx.msk [tilespmem:v41+s20+$0x0], $0xffff  }
0x214: {  	v42 =	vor.u32 s23, v0;
	_ =	sdelay $0x3  }
0x215: {  	s24 =	simm.s32 $0xA400;
	[tilespmem:v7+s31+$0x0] =	vst.idx.msk $0xffff, v6  }
0x216: {  	v6 =	vld.idx.msk [tilespmem:v42+s24+$0x0], $0xffff;
	s4 =	spop @!p0 (v2sf)  }
0x217: {  	v43 =	vor.u32 s23, v2;
	s3 =	spop @!p0 (v2sf)  }
0x218: {  	s14 =	sand.u32 @!p0 $0x7F, s3  }
0x219: {  	p1 =	slt.s32 @!p0 s3, $0x1;
	p2 =	sne.s32 @!p0 s14, $0x0  }
0x21a: {  	s14 =	sshra.s32 @!p0 s3, $0x1F;
	p1 =	por @!p0 !p1, !p2  }
0x21b: {  	[tilespmem:v8+s0+$0x0] =	vst.idx.msk $0xffff, v6;
	s14 =	sshrl.u32 @!p0 s14, $0x19;
	p1 =	por @!p0 !p1, !p1  }
0x21c: {  	v6 =	vld.idx.msk [tilespmem:v43+s24+$0x0], $0xffff;
	s3 =	sadd.s32 @!p0 s14, s3;
	s14 =	simm.s32 @!p0 $0x1;
	p1 =	por !p1, p0  }
0x21d: {  	s3 =	sshrl.u32 @!p0 s3, $0x7;
	s14 =	simm.s32 @p1 $0x0  }
0x21e: {  	s3 =	ssub.s32 @!p0 s3, s14  }
0x21f: {  	s3 =	sshll.u32 @!p0 s3, $0x7  }
0x220: {  	s3 =	sand.u32 @!p0 $0x1FFFFF80, s3  }
0x221: {  	s14 =	simm.s32 @!p0 $0x2400;
	[tilespmem:v7+s0+$0x0] =	vst.idx.msk $0xffff, v6;
	s3 =	sadd.s32 @!p0 s25, s3  }
0x222: {  	[tilespmem:s14], [sflag:$0x3] =	stream.strided.gather @!p0 [hbm4b:s3+s30], $0x1000, s10, s30, $0x38;
	[tilespmem:$0x18400] =	vst v63  }
0x223: {  	s3 =	sand.u32 @!p0 $0x7F, s4  }
0x224: {  	p1 =	slt.s32 @!p0 s4, $0x1;
	p2 =	sne.s32 @!p0 s3, $0x0  }
0x225: {  	s3 =	sshra.s32 @!p0 s4, $0x1F;
	p1 =	por @!p0 !p1, !p2  }
0x226: {  	s3 =	sshrl.u32 @!p0 s3, $0x19;
	p1 =	por @!p0 !p1, !p1  }
0x227: {  	s3 =	sadd.s32 @!p0 s3, s4;
	s4 =	simm.s32 @!p0 $0x1;
	p1 =	por !p1, p0  }
0x228: {  	s3 =	sshrl.u32 @!p0 s3, $0x7;
	s4 =	simm.s32 @p1 $0x0  }
0x229: {  	s3 =	ssub.s32 @!p0 s3, s4  }
0x22a: {  	s3 =	sshll.u32 @!p0 s3, $0x7  }
0x22b: {  	s3 =	sand.u32 @!p0 $0x1FFFFF80, s3  }
0x22c: {  	s13 =	simm.s32 $0x4;
	s4 =	simm.s32 @!p0 $0xA400;
	s3 =	sadd.s32 @!p0 s2, s3  }
0x22d: {  	[tilespmem:s4], [sflag:$0xB] =	stream.strided.gather @!p0 [hbm4b:s3+s30], $0x1000, s10, s30, $0x38;
	[tilespmem:$0x18400] =	vst v63  }
0x22e: {  	_ =	swait.ge [sflag:s13], $0x1000  }
0x22f: {  	s18 =	sand.u32 $0x7F, s5;
	s14 =	simm.s32 $0x4;
	[sflag:s13] =	ssyncset.done $0x0  }
0x230: {  	s23 =	simm.s32 $0xC;
	s20 =	sadd.s32 $0xB, s22;
	v6 =	vor.u32 s18, v0;
	[sflag:s14] =	ssyncadd.s32 $0xFFFFF000  }
0x231: {  	v7 =	vmov s20;
	_ =	swait.ge [sflag:s23], $0x1000  }
0x232: {  	v44 =	vshll.u32 v7, $0x3;
	(v2sf) =	vpush @!p0 v5, $0x3  }
0x233: {  	s24 =	simm.s32 $0xC;
	v7 =	vand.u32 $0x7B, v7;
	v8 =	vand.u32 $0xC00, v44;
	[sflag:s23] =	ssyncset.done $0x0;
	(v2sf) =	vpush @!p0 v4, $0x3  }
0x234: {  	s5 =	simm.s32 $0x3400;
	v7 =	vor.u32 v7, v8;
	[sflag:s24] =	ssyncadd.s32 $0xFFFFF000  }
0x235: {  	v8 =	vor.u32 v1, v7;
	v6 =	vld.idx.msk [tilespmem:v6+s5+$0x0], $0xffff  }
0x236: {  	v45 =	vor.u32 s18, v2;
	_ =	sdelay $0x3  }
0x237: {  	[tilespmem:v8+s31+$0x0] =	vst.idx.msk $0xffff, v6  }
0x238: {  	v7 =	vor.u32 v3, v7;
	s13 =	sand.u32 $0x7F, s1;
	v6 =	vld.idx.msk [tilespmem:v45+s5+$0x0], $0xffff  }
0x239: {  	v46 =	vor.u32 s13, v0;
	_ =	sdelay $0x3  }
0x23a: {  	s18 =	simm.s32 $0xB400;
	[tilespmem:v7+s31+$0x0] =	vst.idx.msk $0xffff, v6  }
0x23b: {  	v6 =	vld.idx.msk [tilespmem:v46+s18+$0x0], $0xffff;
	s4 =	spop @!p0 (v2sf)  }
0x23c: {  	v47 =	vor.u32 s13, v2;
	s3 =	spop @!p0 (v2sf)  }
0x23d: {  	s5 =	sand.u32 @!p0 $0x7F, s3  }
0x23e: {  	p1 =	slt.s32 @!p0 s3, $0x1;
	p2 =	sne.s32 @!p0 s5, $0x0  }
0x23f: {  	s5 =	sshra.s32 @!p0 s3, $0x1F;
	p1 =	por @!p0 !p1, !p2  }
0x240: {  	[tilespmem:v8+s0+$0x0] =	vst.idx.msk $0xffff, v6;
	s5 =	sshrl.u32 @!p0 s5, $0x19;
	p1 =	por @!p0 !p1, !p1  }
0x241: {  	v6 =	vld.idx.msk [tilespmem:v47+s18+$0x0], $0xffff;
	s3 =	sadd.s32 @!p0 s5, s3;
	s5 =	simm.s32 @!p0 $0x1;
	p1 =	por !p1, p0  }
0x242: {  	s3 =	sshrl.u32 @!p0 s3, $0x7;
	s5 =	simm.s32 @p1 $0x0  }
0x243: {  	s3 =	ssub.s32 @!p0 s3, s5  }
0x244: {  	s3 =	sshll.u32 @!p0 s3, $0x7  }
0x245: {  	s3 =	sand.u32 @!p0 $0x1FFFFF80, s3  }
0x246: {  	s5 =	simm.s32 @!p0 $0x3400;
	[tilespmem:v7+s0+$0x0] =	vst.idx.msk $0xffff, v6;
	s3 =	sadd.s32 @!p0 s25, s3  }
0x247: {  	[tilespmem:s5], [sflag:$0x4] =	stream.strided.gather @!p0 [hbm4b:s3+s30], $0x1000, s10, s30, $0x38;
	[tilespmem:$0x18400] =	vst v63  }
0x248: {  	s3 =	sand.u32 @!p0 $0x7F, s4  }
0x249: {  	p1 =	slt.s32 @!p0 s4, $0x1;
	p2 =	sne.s32 @!p0 s3, $0x0  }
0x24a: {  	s3 =	sshra.s32 @!p0 s4, $0x1F;
	p1 =	por @!p0 !p1, !p2  }
0x24b: {  	s3 =	sshrl.u32 @!p0 s3, $0x19;
	p1 =	por @!p0 !p1, !p1  }
0x24c: {  	s3 =	sadd.s32 @!p0 s3, s4;
	s4 =	simm.s32 @!p0 $0x1;
	p1 =	por !p1, p0  }
0x24d: {  	s3 =	sshrl.u32 @!p0 s3, $0x7;
	s4 =	simm.s32 @p1 $0x0  }
0x24e: {  	s3 =	ssub.s32 @!p0 s3, s4  }
0x24f: {  	s3 =	sshll.u32 @!p0 s3, $0x7  }
0x250: {  	s3 =	sand.u32 @!p0 $0x1FFFFF80, s3  }
0x251: {  	s20 =	simm.s32 $0x5;
	s4 =	simm.s32 @!p0 $0xB400;
	s3 =	sadd.s32 @!p0 s2, s3  }
0x252: {  	[tilespmem:s4], [sflag:$0xC] =	stream.strided.gather @!p0 [hbm4b:s3+s30], $0x1000, s10, s30, $0x38;
	[tilespmem:$0x18400] =	vst v63  }
0x253: {  	_ =	swait.ge [sflag:s20], $0x1000  }
0x254: {  	s23 =	simm.s32 $0x5;
	s24 =	sand.u32 $0x7F, s6;
	[sflag:s20] =	ssyncset.done $0x0  }
0x255: {  	s6 =	simm.s32 $0xD;
	v6 =	vor.u32 s24, v0;
	s5 =	sadd.s32 $0xC, s22;
	[sflag:s23] =	ssyncadd.s32 $0xFFFFF000  }
0x256: {  	v7 =	vmov s5;
	_ =	swait.ge [sflag:s6], $0x1000  }
0x257: {  	v48 =	vshll.u32 v7, $0x3;
	(v2sf) =	vpush @!p0 v5, $0x4  }
0x258: {  	s18 =	simm.s32 $0xD;
	v7 =	vand.u32 $0x7C, v7;
	v8 =	vand.u32 $0xC00, v48;
	[sflag:s6] =	ssyncset.done $0x0;
	(v2sf) =	vpush @!p0 v4, $0x4  }
0x259: {  	v7 =	vor.u32 v7, v8;
	s20 =	simm.s32 $0x4400;
	[sflag:s18] =	ssyncadd.s32 $0xFFFFF000  }
0x25a: {  	v8 =	vor.u32 v1, v7;
	v6 =	vld.idx.msk [tilespmem:v6+s20+$0x0], $0xffff  }
0x25b: {  	v49 =	vor.u32 s24, v2;
	_ =	sdelay $0x3  }
0x25c: {  	[tilespmem:v8+s31+$0x0] =	vst.idx.msk $0xffff, v6  }
0x25d: {  	v7 =	vor.u32 v3, v7;
	s23 =	sand.u32 $0x7F, s26;
	v6 =	vld.idx.msk [tilespmem:v49+s20+$0x0], $0xffff  }
0x25e: {  	v50 =	vor.u32 s23, v0;
	_ =	sdelay $0x3  }
0x25f: {  	s24 =	simm.s32 $0xC400;
	[tilespmem:v7+s31+$0x0] =	vst.idx.msk $0xffff, v6  }
0x260: {  	v6 =	vld.idx.msk [tilespmem:v50+s24+$0x0], $0xffff;
	s4 =	spop @!p0 (v2sf)  }
0x261: {  	v51 =	vor.u32 s23, v2;
	s3 =	spop @!p0 (v2sf)  }
0x262: {  	s5 =	sand.u32 @!p0 $0x7F, s3  }
0x263: {  	p1 =	slt.s32 @!p0 s3, $0x1;
	p2 =	sne.s32 @!p0 s5, $0x0  }
0x264: {  	s5 =	sshra.s32 @!p0 s3, $0x1F;
	p1 =	por @!p0 !p1, !p2  }
0x265: {  	[tilespmem:v8+s0+$0x0] =	vst.idx.msk $0xffff, v6;
	s5 =	sshrl.u32 @!p0 s5, $0x19;
	p1 =	por @!p0 !p1, !p1  }
0x266: {  	v6 =	vld.idx.msk [tilespmem:v51+s24+$0x0], $0xffff;
	s3 =	sadd.s32 @!p0 s5, s3;
	s5 =	simm.s32 @!p0 $0x1;
	p1 =	por !p1, p0  }
0x267: {  	s3 =	sshrl.u32 @!p0 s3, $0x7;
	s5 =	simm.s32 @p1 $0x0  }
0x268: {  	s3 =	ssub.s32 @!p0 s3, s5  }
0x269: {  	s3 =	sshll.u32 @!p0 s3, $0x7  }
0x26a: {  	s3 =	sand.u32 @!p0 $0x1FFFFF80, s3  }
0x26b: {  	s5 =	simm.s32 @!p0 $0x4400;
	[tilespmem:v7+s0+$0x0] =	vst.idx.msk $0xffff, v6;
	s3 =	sadd.s32 @!p0 s25, s3  }
0x26c: {  	[tilespmem:s5], [sflag:$0x5] =	stream.strided.gather @!p0 [hbm4b:s3+s30], $0x1000, s10, s30, $0x38;
	[tilespmem:$0x18400] =	vst v63  }
0x26d: {  	s3 =	sand.u32 @!p0 $0x7F, s4  }
0x26e: {  	p1 =	slt.s32 @!p0 s4, $0x1;
	p2 =	sne.s32 @!p0 s3, $0x0  }
0x26f: {  	s3 =	sshra.s32 @!p0 s4, $0x1F;
	p1 =	por @!p0 !p1, !p2  }
0x270: {  	s3 =	sshrl.u32 @!p0 s3, $0x19;
	p1 =	por @!p0 !p1, !p1  }
0x271: {  	s3 =	sadd.s32 @!p0 s3, s4;
	s4 =	simm.s32 @!p0 $0x1;
	p1 =	por !p1, p0  }
0x272: {  	s3 =	sshrl.u32 @!p0 s3, $0x7;
	s4 =	simm.s32 @p1 $0x0  }
0x273: {  	s3 =	ssub.s32 @!p0 s3, s4  }
0x274: {  	s3 =	sshll.u32 @!p0 s3, $0x7  }
0x275: {  	s3 =	sand.u32 @!p0 $0x1FFFFF80, s3  }
0x276: {  	s4 =	simm.s32 @!p0 $0xC400;
	s3 =	sadd.s32 @!p0 s2, s3  }
0x277: {  	[tilespmem:s4], [sflag:$0xD] =	stream.strided.gather @!p0 [hbm4b:s3+s30], $0x1000, s10, s30, $0x38;
	[tilespmem:$0x18400] =	vst v63  }
0x278: {  	_ =	swait.ge [sflag:s21], $0x1000  }
0x279: {  	s26 =	sand.u32 $0x7F, s7;
	[sflag:s21] =	ssyncset.done $0x0  }
0x27a: {  	s6 =	simm.s32 $0xE;
	v6 =	vor.u32 s26, v0;
	s5 =	sadd.s32 $0xD, s22;
	[sflag:s21] =	ssyncadd.s32 $0xFFFFF000  }
0x27b: {  	v7 =	vmov s5;
	_ =	swait.ge [sflag:s6], $0x1000  }
0x27c: {  	v52 =	vshll.u32 v7, $0x3;
	(v2sf) =	vpush @!p0 v5, $0x5  }
0x27d: {  	s7 =	simm.s32 $0xE;
	v7 =	vand.u32 $0x7D, v7;
	v8 =	vand.u32 $0xC00, v52;
	[sflag:s6] =	ssyncset.done $0x0;
	(v2sf) =	vpush @!p0 v4, $0x5  }
0x27e: {  	s20 =	simm.s32 $0x5400;
	v7 =	vor.u32 v7, v8;
	[sflag:s7] =	ssyncadd.s32 $0xFFFFF000  }
0x27f: {  	v8 =	vor.u32 v1, v7;
	v6 =	vld.idx.msk [tilespmem:v6+s20+$0x0], $0xffff  }
0x280: {  	v53 =	vor.u32 s26, v2;
	_ =	sdelay $0x3  }
0x281: {  	[tilespmem:v8+s31+$0x0] =	vst.idx.msk $0xffff, v6  }
0x282: {  	s24 =	sand.u32 $0x7F, s11;
	v7 =	vor.u32 v3, v7;
	v6 =	vld.idx.msk [tilespmem:v53+s20+$0x0], $0xffff  }
0x283: {  	v54 =	vor.u32 s24, v0;
	_ =	sdelay $0x3  }
0x284: {  	s26 =	simm.s32 $0xD400;
	[tilespmem:v7+s31+$0x0] =	vst.idx.msk $0xffff, v6  }
0x285: {  	v6 =	vld.idx.msk [tilespmem:v54+s26+$0x0], $0xffff;
	s4 =	spop @!p0 (v2sf)  }
0x286: {  	v55 =	vor.u32 s24, v2;
	s3 =	spop @!p0 (v2sf)  }
0x287: {  	s5 =	sand.u32 @!p0 $0x7F, s3  }
0x288: {  	p1 =	slt.s32 @!p0 s3, $0x1;
	p2 =	sne.s32 @!p0 s5, $0x0  }
0x289: {  	s5 =	sshra.s32 @!p0 s3, $0x1F;
	p1 =	por @!p0 !p1, !p2  }
0x28a: {  	[tilespmem:v8+s0+$0x0] =	vst.idx.msk $0xffff, v6;
	s5 =	sshrl.u32 @!p0 s5, $0x19;
	p1 =	por @!p0 !p1, !p1  }
0x28b: {  	v6 =	vld.idx.msk [tilespmem:v55+s26+$0x0], $0xffff;
	s3 =	sadd.s32 @!p0 s5, s3;
	s5 =	simm.s32 @!p0 $0x1;
	p1 =	por !p1, p0  }
0x28c: {  	s3 =	sshrl.u32 @!p0 s3, $0x7;
	s5 =	simm.s32 @p1 $0x0  }
0x28d: {  	s3 =	ssub.s32 @!p0 s3, s5  }
0x28e: {  	s3 =	sshll.u32 @!p0 s3, $0x7  }
0x28f: {  	s3 =	sand.u32 @!p0 $0x1FFFFF80, s3  }
0x290: {  	s5 =	simm.s32 @!p0 $0x5400;
	[tilespmem:v7+s0+$0x0] =	vst.idx.msk $0xffff, v6;
	s3 =	sadd.s32 @!p0 s25, s3  }
0x291: {  	[tilespmem:s5], [sflag:$0x6] =	stream.strided.gather @!p0 [hbm4b:s3+s30], $0x1000, s10, s30, $0x38;
	[tilespmem:$0x18400] =	vst v63  }
0x292: {  	s3 =	sand.u32 @!p0 $0x7F, s4  }
0x293: {  	p1 =	slt.s32 @!p0 s4, $0x1;
	p2 =	sne.s32 @!p0 s3, $0x0  }
0x294: {  	s3 =	sshra.s32 @!p0 s4, $0x1F;
	p1 =	por @!p0 !p1, !p2  }
0x295: {  	s3 =	sshrl.u32 @!p0 s3, $0x19;
	p1 =	por @!p0 !p1, !p1  }
0x296: {  	s3 =	sadd.s32 @!p0 s3, s4;
	s4 =	simm.s32 @!p0 $0x1;
	p1 =	por !p1, p0  }
0x297: {  	s3 =	sshrl.u32 @!p0 s3, $0x7;
	s4 =	simm.s32 @p1 $0x0  }
0x298: {  	s3 =	ssub.s32 @!p0 s3, s4  }
0x299: {  	s3 =	sshll.u32 @!p0 s3, $0x7  }
0x29a: {  	s3 =	sand.u32 @!p0 $0x1FFFFF80, s3  }
0x29b: {  	s4 =	simm.s32 @!p0 $0xD400;
	s3 =	sadd.s32 @!p0 s2, s3  }
0x29c: {  	[tilespmem:s4], [sflag:$0xE] =	stream.strided.gather @!p0 [hbm4b:s3+s30], $0x1000, s10, s30, $0x38;
	[tilespmem:$0x18400] =	vst v63  }
0x29d: {  	s3 =	simm.s32 $0x7  }
0x29e: {  	_ =	swait.ge [sflag:s3], $0x1000  }
0x29f: {  	s5 =	sand.u32 $0x7F, s8;
	s4 =	simm.s32 $0x7;
	[sflag:s3] =	ssyncset.done $0x0  }
0x2a0: {  	s6 =	sadd.s32 $0xE, s22;
	s8 =	simm.s32 $0xF;
	v6 =	vor.u32 s5, v0;
	[sflag:s4] =	ssyncadd.s32 $0xFFFFF000  }
0x2a1: {  	v7 =	vmov s6;
	_ =	swait.ge [sflag:s8], $0x1000  }
0x2a2: {  	v56 =	vshll.u32 v7, $0x3;
	(v2sf) =	vpush @!p0 v5, $0x6  }
0x2a3: {  	s20 =	simm.s32 $0xF;
	v7 =	vand.u32 $0x7E, v7;
	v8 =	vand.u32 $0xC00, v56;
	[sflag:s8] =	ssyncset.done $0x0;
	(v2sf) =	vpush @!p0 v4, $0x6  }
0x2a4: {  	s24 =	simm.s32 $0x6400;
	v7 =	vor.u32 v7, v8;
	[sflag:s20] =	ssyncadd.s32 $0xFFFFF000  }
0x2a5: {  	v8 =	vor.u32 v1, v7;
	v6 =	vld.idx.msk [tilespmem:v6+s24+$0x0], $0xffff  }
0x2a6: {  	v57 =	vor.u32 s5, v2;
	_ =	sdelay $0x3  }
0x2a7: {  	[tilespmem:v8+s31+$0x0] =	vst.idx.msk $0xffff, v6  }
0x2a8: {  	s26 =	sand.u32 $0x7F, s28;
	v7 =	vor.u32 v3, v7;
	v6 =	vld.idx.msk [tilespmem:v57+s24+$0x0], $0xffff  }
0x2a9: {  	v58 =	vor.u32 s26, v0;
	_ =	sdelay $0x3  }
0x2aa: {  	s28 =	simm.s32 $0xE400;
	[tilespmem:v7+s31+$0x0] =	vst.idx.msk $0xffff, v6  }
0x2ab: {  	v6 =	vld.idx.msk [tilespmem:v58+s28+$0x0], $0xffff;
	s4 =	spop @!p0 (v2sf)  }
0x2ac: {  	v59 =	vor.u32 s26, v2;
	s3 =	spop @!p0 (v2sf)  }
0x2ad: {  	s5 =	sand.u32 @!p0 $0x7F, s3  }
0x2ae: {  	p1 =	slt.s32 @!p0 s3, $0x1;
	p2 =	sne.s32 @!p0 s5, $0x0  }
0x2af: {  	s5 =	sshra.s32 @!p0 s3, $0x1F;
	p1 =	por @!p0 !p1, !p2  }
0x2b0: {  	[tilespmem:v8+s0+$0x0] =	vst.idx.msk $0xffff, v6;
	s5 =	sshrl.u32 @!p0 s5, $0x19;
	p1 =	por @!p0 !p1, !p1  }
0x2b1: {  	s3 =	sadd.s32 @!p0 s5, s3;
	s5 =	simm.s32 @!p0 $0x1;
	v6 =	vld.idx.msk [tilespmem:v59+s28+$0x0], $0xffff;
	p1 =	por !p1, p0  }
0x2b2: {  	s3 =	sshrl.u32 @!p0 s3, $0x7;
	s5 =	simm.s32 @p1 $0x0  }
0x2b3: {  	s3 =	ssub.s32 @!p0 s3, s5  }
0x2b4: {  	s3 =	sshll.u32 @!p0 s3, $0x7  }
0x2b5: {  	s3 =	sand.u32 @!p0 $0x1FFFFF80, s3  }
0x2b6: {  	s5 =	simm.s32 @!p0 $0x6400;
	[tilespmem:v7+s0+$0x0] =	vst.idx.msk $0xffff, v6;
	s3 =	sadd.s32 @!p0 s25, s3  }
0x2b7: {  	[tilespmem:s5], [sflag:$0x7] =	stream.strided.gather @!p0 [hbm4b:s3+s30], $0x1000, s10, s30, $0x38;
	[tilespmem:$0x18400] =	vst v63  }
0x2b8: {  	s3 =	sand.u32 @!p0 $0x7F, s4  }
0x2b9: {  	p1 =	slt.s32 @!p0 s4, $0x1;
	p2 =	sne.s32 @!p0 s3, $0x0  }
0x2ba: {  	s3 =	sshra.s32 @!p0 s4, $0x1F;
	p1 =	por @!p0 !p1, !p2  }
0x2bb: {  	s3 =	sshrl.u32 @!p0 s3, $0x19;
	p1 =	por @!p0 !p1, !p1  }
0x2bc: {  	s3 =	sadd.s32 @!p0 s3, s4;
	s4 =	simm.s32 @!p0 $0x1;
	p1 =	por !p1, p0  }
0x2bd: {  	s3 =	sshrl.u32 @!p0 s3, $0x7;
	s4 =	simm.s32 @p1 $0x0  }
0x2be: {  	s3 =	ssub.s32 @!p0 s3, s4  }
0x2bf: {  	s3 =	sshll.u32 @!p0 s3, $0x7  }
0x2c0: {  	s3 =	sand.u32 @!p0 $0x1FFFFF80, s3  }
0x2c1: {  	s5 =	simm.s32 $0x8;
	s4 =	simm.s32 @!p0 $0xE400;
	s3 =	sadd.s32 @!p0 s2, s3  }
0x2c2: {  	[tilespmem:s4], [sflag:$0xF] =	stream.strided.gather @!p0 [hbm4b:s3+s30], $0x1000, s10, s30, $0x38;
	[tilespmem:$0x18400] =	vst v63  }
0x2c3: {  	s6 =	sand.u32 $0x7F, s9;
	_ =	swait.ge [sflag:s5], $0x1000  }
0x2c4: {  	s9 =	simm.s32 $0x8;
	v6 =	vor.u32 s6, v0;
	s10 =	sadd.s32 $0xF, s22;
	[sflag:s5] =	ssyncset.done $0x0  }
0x2c5: {  	s20 =	simm.s32 $0x10;
	v7 =	vmov s10;
	[sflag:s9] =	ssyncadd.s32 $0xFFFFF000  }
0x2c6: {  	v60 =	vshll.u32 v7, $0x3;
	_ =	swait.ge [sflag:s20], $0x1000  }
0x2c7: {  	s26 =	simm.s32 $0x10;
	v7 =	vand.u32 $0x7F, v7;
	v8 =	vand.u32 $0xC00, v60;
	[sflag:s20] =	ssyncset.done $0x0  }
0x2c8: {  	s28 =	simm.s32 $0x7400;
	v7 =	vor.u32 v7, v8;
	[sflag:s26] =	ssyncadd.s32 $0xFFFFF000  }
0x2c9: {  	v8 =	vor.u32 v1, v7;
	v6 =	vld.idx.msk [tilespmem:v6+s28+$0x0], $0xffff  }
0x2ca: {  	v61 =	vor.u32 s6, v2;
	_ =	sdelay $0x3  }
0x2cb: {  	[tilespmem:v8+s31+$0x0] =	vst.idx.msk $0xffff, v6  }
0x2cc: {  	s29 =	sand.u32 $0x7F, s29;
	v7 =	vor.u32 v3, v7;
	v6 =	vld.idx.msk [tilespmem:v61+s28+$0x0], $0xffff  }
0x2cd: {  	v62 =	vor.u32 s29, v0;
	_ =	sdelay $0x3  }
0x2ce: {  	s30 =	simm.s32 $0xF400;
	[tilespmem:v7+s31+$0x0] =	vst.idx.msk $0xffff, v6  }
0x2cf: {  	v6 =	vld.idx.msk [tilespmem:v62+s30+$0x0], $0xffff  }
0x2d0: {  	v63 =	vor.u32 s29, v2;
	_ =	sdelay $0x3  }
0x2d1: {  	[tilespmem:v8+s0+$0x0] =	vst.idx.msk $0xffff, v6  }
0x2d2: {  	v6 =	vld.idx.msk [tilespmem:v63+s30+$0x0], $0xffff  }
.Ltmp2:
0x2d3: {  	s17 =	simm.s32 $0x9400;
	(pc) =	sbr.rel @p0 .LBB2_4-.Ltmp2, $4  }
0x2d4: {  	s15 =	simm.s32 $0x2400;
	s16 =	simm.s32 $0xA400;
	s1 =	simm.s32 $0xF400  }
0x2d5: {  	s14 =	simm.s32 $0x3400;
	s13 =	simm.s32 $0xB400;
	s23 =	simm.s32 $0xC400  }
0x2d6: {  	s18 =	simm.s32 $0x4400;
	s11 =	simm.s32 $0xD400;
	s7 =	simm.s32 $0x5400  }
0x2d7: {  	s8 =	simm.s32 $0x6400;
	s24 =	simm.s32 $0xE400;
	s9 =	simm.s32 $0x7400;
	[tilespmem:v7+s0+$0x0] =	vst.idx.msk $0xffff, v6  }
0x2d8: {  	(v2sf) =	vpush v5, $0x7  }
0x2d9: {  	(v2sf) =	vpush v4, $0x7;
	_ =	sdelay $0xd  }
0x2da: {  	s3 =	spop (v2sf)  }
0x2db: {  	s4 =	sand.u32 $0x7F, s3;
	s5 =	spop (v2sf)  }
0x2dc: {  	s6 =	sshra.s32 s3, $0x1F;
	p6 =	slt.s32 s3, $0x1;
	s28 =	sand.u32 $0x7F, s5  }
0x2dd: {  	s29 =	sshra.s32 s5, $0x1F;
	p2 =	slt.s32 s5, $0x1;
	p1 =	sne.s32 s28, $0x0  }
0x2de: {  	p0 =	sne.s32 s4, $0x0;
	s4 =	sshrl.u32 s29, $0x19;
	p1 =	por !p2, !p1  }
0x2df: {  	s4 =	sadd.s32 s4, s5;
	s5 =	simm.s32 $0x1;
	p1 =	por !p1, !p1  }
0x2e0: {  	s6 =	sshrl.u32 s6, $0x19;
	s4 =	sshrl.u32 s4, $0x7;
	s5 =	simm.s32 @!p1 $0x0  }
0x2e1: {  	s3 =	sadd.s32 s6, s3;
	p0 =	por !p6, !p0;
	s4 =	ssub.s32 s4, s5  }
0x2e2: {  	p0 =	por !p0, !p0;
	s5 =	simm.s32 $0x1;
	s4 =	sshll.u32 s4, $0x7  }
0x2e3: {  	s3 =	sshrl.u32 s3, $0x7;
	s5 =	simm.s32 @!p0 $0x0;
	s4 =	sand.u32 $0x1FFFFF80, s4  }
0x2e4: {  	s3 =	ssub.s32 s3, s5;
	s4 =	sadd.s32 s25, s4  }
0x2e5: {  	[tilespmem:s9], [sflag:$0x8] =	stream.strided.gather [hbm4b:s4+s19], $0x1000, s12, s19, $0x38;
	[tilespmem:$0x18400] =	vst v63  }
.Ltmp3:
0x2e6: {  	s3 =	sshll.u32 s3, $0x7;
	(pc) =	sbr.rel .LBB2_2-.Ltmp3, $4  }
0x2e7: {  	s30 =	rddreg [dreg:$0xd];
	s3 =	sand.u32 $0x1FFFFF80, s3  }
0x2e8: {  	s22 =	sadd.s32 $0x10, s22;
	s10 =	rddreg [dreg:$0xc];
	s3 =	sadd.s32 s2, s3  }
0x2e9: {  	[tilespmem:s1], [sflag:$0x10] =	stream.strided.gather [hbm4b:s3+s19], $0x1000, s12, s19, $0x38;
	[tilespmem:$0x18400] =	vst v63  }
0x2ea: {  	s10 =	sadd.s32 $0x10, s10;
	s1 =	sadd.s32 $0x10, s30;
	s12 =	simm.s32 $0x7A1400  }
.LBB2_5:
0x2eb: {  	_ =	sfence.sel $0x180000  }
0x2ec: {  	[bflag:$0x0] =	sbarrier.arrive $0xFFFF  }
0x2ed: {  	_ =	strace $0x90000047  }
0x2ee: {  	s0 =	stileid.u32;
	[bflag:$0x2] =	sbarrier.arrive $0xFFFF  }
0x2ef: {  	p0 =	sne.s32 s0, $0x0;
	s0 =	rddreg [dreg:$0x5]  }
0x2f0: {  	s0 =	sadd.s32 @!p0 $0x100000, s0  }
0x2f1: {  	[sflag:s0] =	ssyncadd.tile.s32 @!p0 $0x1;
	_ =	shalt  }
.Lfunc_end2:
_tile_overlayer_lowered:
.L_overlay_start_2:
0x2f2: {  	(tag) =	ssettag $0x2  }
0x2f3: {  	s0 =	rddreg [dreg:$0x0];
	s2 =	stileid.u32  }
0x2f4: {  	s1 =	rddreg [dreg:$0x1];
	p0 =	sne.s32 s2, $0x0  }
0x2f5: {  	s3 =	rddreg [dreg:$0x2];
	[bflag:$0x3] =	sbarrier.arrive $0xFFFF;
	s2 =	simm.s32 @!p0 $0x1C11  }
0x2f6: {  	[timem:s3], [sflag:s2] =	dma.local @!p0 [hbm:s0], s1  }
0x2f7: {  	s0 =	simm.s32 @!p0 $0x11  }
0x2f8: {  	_ =	swait.ge @!p0 [sflag:s0], s1  }
0x2f9: {  	s1 =	ssub.s32 @!p0 $0x0, s1;
	[sflag:s0] =	ssyncset.done @!p0 $0x0  }
0x2fa: {  	[sflag:s0] =	ssyncadd.s32 @!p0 s1  }
0x2fb: {  	[bflag:$0x3] =	sbarrier.arrive $0xFFFF  }
0x2fc: {  	_ =	shalt  }

</sc_bundles>
